<compile_context>
chip_gen: v7x
topology: tpu7x:2x2x1
jax: 0.10.2.dev20260603
libtpu: 0.0.44.dev20260713+nightly
codegen_flags: <defaults>
</compile_context>

<pallas_src>
import functools

import jax
import jax.numpy as jnp
from jax import lax
from jax.experimental import pallas as pl
from jax.experimental.pallas import tpu as pltpu
from jax.experimental.pallas import tpu_sc as plsc

N = 10000
E = 320000
D = 128
H = 128
OUT = 128

NC = 2
NS = 16
NW = NC * NS
CH = 128
NCHUNK = 80
HALF = NCHUNK // 2
PAIRS = HALF // 2
EPAD = NW * NCHUNK * CH
NPAD = 10240
RPT = NPAD // NS
CW = 16

BM = 2560
GRID = NPAD // BM

_mesh = plsc.VectorSubcoreMesh(core_axis_name="c", subcore_axis_name="s")




@functools.partial(
    pl.kernel,
    out_type=(jax.ShapeDtypeStruct((NC, NPAD, D), jnp.float32),
              jax.ShapeDtypeStruct((NC, NPAD, D), jnp.float32)),
    mesh=_mesh,
    scratch_types=[
        pltpu.VMEM((HALF, CH), jnp.int32),
        pltpu.VMEM((HALF, CH), jnp.int32),
        pltpu.VMEM((CH, D), jnp.float32),
        pltpu.VMEM((CH, D), jnp.float32),
        pltpu.VMEM_SHARED((NPAD, D), jnp.float32),
        pltpu.SemaphoreType.DMA,
        pltpu.SemaphoreType.DMA,
        pltpu.SemaphoreType.DMA,
        pltpu.SemaphoreType.DMA,
    ],
)
def _agg_count(h, src3, dst3, zh, ones, p_out, c_out, src_v, dst_v, rows0,
               rows1, acc, gsem0, gsem1, ssem0, ssem1):
    cid = lax.axis_index("c")
    sid = lax.axis_index("s")
    wid = sid * NC + cid
    r0 = sid * RPT
    pltpu.sync_copy(zh.at[pl.ds(r0, RPT)], acc.at[pl.ds(r0, RPT)])
    plsc.subcore_barrier()

    for half in range(2):
        pltpu.sync_copy(src3.at[wid, pl.ds(half * HALF, HALF)], src_v)
        pltpu.sync_copy(dst3.at[wid, pl.ds(half * HALF, HALF)], dst_v)
        pltpu.async_copy(h.at[src_v.at[0]], rows0, gsem0)
        pltpu.async_copy(h.at[src_v.at[1]], rows1, gsem1)

        def pair(g, carry):
            j0 = 2 * g
            jn0 = jnp.minimum(j0 + 2, HALF - 1)
            jn1 = jnp.minimum(j0 + 3, HALF - 1)
            pltpu.make_async_copy(zh.at[pl.ds(0, CH)], rows0, gsem0).wait()
            s0 = pltpu.async_copy(rows0, acc.at[dst_v.at[j0]], ssem0,
                                  add=True)
            pltpu.make_async_copy(zh.at[pl.ds(0, CH)], rows1, gsem1).wait()
            s1 = pltpu.async_copy(rows1, acc.at[dst_v.at[j0 + 1]], ssem1,
                                  add=True)
            s0.wait()
            pltpu.async_copy(h.at[src_v.at[jn0]], rows0, gsem0)
            s1.wait()
            pltpu.async_copy(h.at[src_v.at[jn1]], rows1, gsem1)
            return carry

        lax.fori_loop(0, PAIRS, pair, 0)
        pltpu.make_async_copy(zh.at[pl.ds(0, CH)], rows0, gsem0).wait()
        pltpu.make_async_copy(zh.at[pl.ds(0, CH)], rows1, gsem1).wait()

    plsc.subcore_barrier()
    pltpu.sync_copy(acc.at[pl.ds(r0, RPT)], p_out.at[cid, pl.ds(r0, RPT)])
    pltpu.sync_copy(zh.at[pl.ds(r0, RPT)], acc.at[pl.ds(r0, RPT)])
    pltpu.sync_copy(ones, rows0)
    plsc.subcore_barrier()

    for half in range(2):
        pltpu.sync_copy(dst3.at[wid, pl.ds(half * HALF, HALF)], dst_v)

        def cstep(g, carry):
            j0 = 2 * g
            d0 = pltpu.async_copy(rows0, acc.at[dst_v.at[j0]], ssem0,
                                  add=True)
            d1 = pltpu.async_copy(rows0, acc.at[dst_v.at[j0 + 1]], ssem1,
                                  add=True)
            d0.wait()
            d1.wait()
            return carry

        lax.fori_loop(0, PAIRS, cstep, 0)

    plsc.subcore_barrier()
    pltpu.sync_copy(acc.at[pl.ds(r0, RPT)], c_out.at[cid, pl.ds(r0, RPT)])


@functools.partial(
    pl.kernel,
    out_type=jax.ShapeDtypeStruct((NC, NPAD, D), jnp.float32),
    mesh=_mesh,
    scratch_types=[
        pltpu.VMEM((HALF, CH), jnp.int32),
        pltpu.VMEM((HALF, CH), jnp.int32),
        pltpu.VMEM((CH, D), jnp.float32),
        pltpu.VMEM((CH, D), jnp.float32),
        pltpu.VMEM_SHARED((NPAD, D), jnp.float32),
        pltpu.SemaphoreType.DMA,
        pltpu.SemaphoreType.DMA,
        pltpu.SemaphoreType.DMA,
        pltpu.SemaphoreType.DMA,
    ],
)
def _agg(h, src3, dst3, zh, p_out, src_v, dst_v, rows0, rows1, acc,
         gsem0, gsem1, ssem0, ssem1):
    cid = lax.axis_index("c")
    sid = lax.axis_index("s")
    wid = sid * NC + cid
    r0 = sid * RPT
    pltpu.sync_copy(zh.at[pl.ds(r0, RPT)], acc.at[pl.ds(r0, RPT)])
    plsc.subcore_barrier()

    for half in range(2):
        pltpu.sync_copy(src3.at[wid, pl.ds(half * HALF, HALF)], src_v)
        pltpu.sync_copy(dst3.at[wid, pl.ds(half * HALF, HALF)], dst_v)
        pltpu.async_copy(h.at[src_v.at[0]], rows0, gsem0)
        pltpu.async_copy(h.at[src_v.at[1]], rows1, gsem1)

        def pair(g, carry):
            j0 = 2 * g
            jn0 = jnp.minimum(j0 + 2, HALF - 1)
            jn1 = jnp.minimum(j0 + 3, HALF - 1)
            pltpu.make_async_copy(zh.at[pl.ds(0, CH)], rows0, gsem0).wait()
            s0 = pltpu.async_copy(rows0, acc.at[dst_v.at[j0]], ssem0,
                                  add=True)
            pltpu.make_async_copy(zh.at[pl.ds(0, CH)], rows1, gsem1).wait()
            s1 = pltpu.async_copy(rows1, acc.at[dst_v.at[j0 + 1]], ssem1,
                                  add=True)
            s0.wait()
            pltpu.async_copy(h.at[src_v.at[jn0]], rows0, gsem0)
            s1.wait()
            pltpu.async_copy(h.at[src_v.at[jn1]], rows1, gsem1)
            return carry

        lax.fori_loop(0, PAIRS, pair, 0)
        pltpu.make_async_copy(zh.at[pl.ds(0, CH)], rows0, gsem0).wait()
        pltpu.make_async_copy(zh.at[pl.ds(0, CH)], rows1, gsem1).wait()

    plsc.subcore_barrier()
    pltpu.sync_copy(acc.at[pl.ds(r0, RPT)], p_out.at[cid, pl.ds(r0, RPT)])




def _in_proj_k(x_ref, w_ref, b_ref, o_ref):
    o_ref[...] = jnp.maximum(
        jnp.dot(x_ref[...], w_ref[...], preferred_element_type=jnp.float32)
        + b_ref[...], 0.0)


def _comb_first_k(p_ref, c_ref, h_ref, r_ref):
    cnt = c_ref[0] + c_ref[1]
    r = 1.0 / jnp.maximum(cnt, 1.0)
    r_ref[...] = r[:, 0:CW]
    h_ref[...] = (p_ref[0] + p_ref[1]) * r[:, 0:1]


def _comb_k(p_ref, r_ref, h_ref):
    h_ref[...] = (p_ref[0] + p_ref[1]) * r_ref[:, 0:1]


def _mix_relu_k(h1_ref, p_ref, r_ref, wa_ref, wb_ref, b_ref, o_ref):
    h2 = (p_ref[0] + p_ref[1]) * r_ref[:, 0:1]
    acc = (jnp.dot(h1_ref[...], wa_ref[...], preferred_element_type=jnp.float32)
           + jnp.dot(h2, wb_ref[...], preferred_element_type=jnp.float32)
           + b_ref[...])
    o_ref[...] = jnp.maximum(acc, 0.0)


def _mix_out_k(h1_ref, p_ref, r_ref, wa_ref, wb_ref, b_ref, wo_ref, bo_ref,
               o_ref):
    h2 = (p_ref[0] + p_ref[1]) * r_ref[:, 0:1]
    t = (jnp.dot(h1_ref[...], wa_ref[...], preferred_element_type=jnp.float32)
         + jnp.dot(h2, wb_ref[...], preferred_element_type=jnp.float32)
         + b_ref[...])
    o_ref[...] = (jnp.dot(t, wo_ref[...], preferred_element_type=jnp.float32)
                  + bo_ref[...])


def _rows(i):
    return (i, 0)


def _full2(i):
    return (0, 0)


def _part3(i):
    return (0, i, 0)


_ROWS_D = pl.BlockSpec((BM, D), _rows)
_ROWS_CW = pl.BlockSpec((BM, CW), _rows)
_PART_D = pl.BlockSpec((NC, BM, D), _part3)
_PART_CW = pl.BlockSpec((NC, BM, CW), _part3)
_W_SPEC = pl.BlockSpec((D, H), _full2)
_B_SPEC = pl.BlockSpec((1, H), _full2)


def _in_proj(xp, W, b):
    return pl.pallas_call(
        _in_proj_k,
        grid=(GRID,),
        in_specs=[_ROWS_D, _W_SPEC, _B_SPEC],
        out_specs=_ROWS_D,
        out_shape=jax.ShapeDtypeStruct((NPAD, H), jnp.float32),
    )(xp, W, b.reshape(1, H))


def _comb_first(p, c):
    return pl.pallas_call(
        _comb_first_k,
        grid=(GRID,),
        in_specs=[_PART_D, _PART_D],
        out_specs=[_ROWS_D, _ROWS_CW],
        out_shape=[jax.ShapeDtypeStruct((NPAD, D), jnp.float32),
                   jax.ShapeDtypeStruct((NPAD, CW), jnp.float32)],
    )(p, c)


def _comb(p, recip):
    return pl.pallas_call(
        _comb_k,
        grid=(GRID,),
        in_specs=[_PART_D, _ROWS_CW],
        out_specs=_ROWS_D,
        out_shape=jax.ShapeDtypeStruct((NPAD, D), jnp.float32),
    )(p, recip)


def _mix_relu(h1, p, recip, Wa, Wb, b):
    return pl.pallas_call(
        _mix_relu_k,
        grid=(GRID,),
        in_specs=[_ROWS_D, _PART_D, _ROWS_CW, _W_SPEC, _W_SPEC, _B_SPEC],
        out_specs=_ROWS_D,
        out_shape=jax.ShapeDtypeStruct((NPAD, H), jnp.float32),
    )(h1, p, recip, Wa, Wb, b.reshape(1, H))


def _mix_out(h1, p, recip, Wa, Wb, b, Wo, bo):
    return pl.pallas_call(
        _mix_out_k,
        grid=(GRID,),
        in_specs=[_ROWS_D, _PART_D, _ROWS_CW, _W_SPEC, _W_SPEC, _B_SPEC,
                  _W_SPEC, _B_SPEC],
        out_specs=_ROWS_D,
        out_shape=jax.ShapeDtypeStruct((NPAD, OUT), jnp.float32),
    )(h1, p, recip, Wa, Wb, b.reshape(1, H), Wo, bo.reshape(1, OUT))




def kernel(x, edge_index, W_in, b_in, W_mix0, b_mix0, W_mix1, b_mix1, W_out,
           b_out):
    src = edge_index[0]
    dst = edge_index[1]
    pad = EPAD - E
    srcp = jnp.concatenate([src, jnp.arange(pad, dtype=jnp.int32) % N])
    trash = N + jnp.arange(pad, dtype=jnp.int32) % (NPAD - N)
    dstp = jnp.concatenate([dst, trash])
    src3 = srcp.reshape(NW, NCHUNK, CH)
    dst3 = dstp.reshape(NW, NCHUNK, CH)
    xp = jnp.pad(x, ((0, NPAD - N), (0, 0)))
    zh = jnp.zeros((NPAD, D), jnp.float32)
    ones = jnp.ones((CH, D), jnp.float32)

    h0 = _in_proj(xp, W_in, b_in)
    p1, c1 = _agg_count(h0, src3, dst3, zh, ones)
    h1, recip = _comb_first(p1, c1)
    p2 = _agg(h1, src3, dst3, zh)
    h = _mix_relu(h1, p2, recip, W_mix0[:H], W_mix0[H:], b_mix0)
    p3 = _agg(h, src3, dst3, zh)
    h1b = _comb(p3, recip)
    p4 = _agg(h1b, src3, dst3, zh)
    out = _mix_out(h1b, p4, recip, W_mix1[:H], W_mix1[H:], b_mix1, W_out,
                   b_out)
    return out[:N]

# --- scband reference (transcript-rebuilt; emitter-appended) ---
"""Pipeline reference for scband-h2-gcnencoder-38517266710885 (READ-ONLY COPY).

The authoritative reference and input builder live on the scoring server;
editing this copy changes nothing except your own understanding.
"""

import jax, jax.numpy as jnp
import numpy as np

N = 10000
E = 320000
D = 128
H = 128
OUT = 128


def setup_inputs(seed: int = 0) -> dict:
    key = jax.random.key(seed)
    ks = jax.random.split(key, 12)
    x = jax.random.normal(ks[0], (N, D), dtype=jnp.float32)
    edge_index = jax.random.randint(ks[1], (2, E), 0, N, dtype=jnp.int32)
    W_in = jax.random.normal(ks[2], (D, H), dtype=jnp.float32) * 0.05
    b_in = jnp.zeros((H,), dtype=jnp.float32)
    W_mix0 = jax.random.normal(ks[3], (2 * H, H), dtype=jnp.float32) * 0.05
    b_mix0 = jnp.zeros((H,), dtype=jnp.float32)
    W_mix1 = jax.random.normal(ks[4], (2 * H, H), dtype=jnp.float32) * 0.05
    b_mix1 = jnp.zeros((H,), dtype=jnp.float32)
    W_out = jax.random.normal(ks[5], (H, OUT), dtype=jnp.float32) * 0.05
    b_out = jnp.zeros((OUT,), dtype=jnp.float32)
    return {
        "x": x,
        "edge_index": edge_index,
        "W_in": W_in,
        "b_in": b_in,
        "W_mix0": W_mix0,
        "b_mix0": b_mix0,
        "W_mix1": W_mix1,
        "b_mix1": b_mix1,
        "W_out": W_out,
        "b_out": b_out,
    }


def _mean_agg(h, src, dst):
    # SimpleConv(aggr='mean'): out[dst] = mean over incoming edges of h[src]
    s = jax.ops.segment_sum(h[src], dst, num_segments=N)
    cnt = jax.ops.segment_sum(jnp.ones((dst.shape[0],), dtype=h.dtype), dst, num_segments=N)
    return s / jnp.maximum(cnt, 1.0)[:, None]


def reference(x, edge_index, W_in, b_in, W_mix0, b_mix0, W_mix1, b_mix1, W_out, b_out):
    # eval mode: dropout is identity
    src = edge_index[0]
    dst = edge_index[1]
    h = jax.nn.relu(x @ W_in + b_in)
    mix = [(W_mix0, b_mix0), (W_mix1, b_mix1)]
    num_layers = len(mix)
    for layer_idx, (Wm, bm) in enumerate(mix):
        h_1 = _mean_agg(h, src, dst)
        h_2 = _mean_agg(h_1, src, dst)
        h = jnp.concatenate([h_1, h_2], axis=-1)
        h = h @ Wm + bm
        if layer_idx != num_layers - 1:
            h = jax.nn.relu(h)
    out = h @ W_out + b_out
    return out

if __name__ == "__main__":
    import jax
    _d = setup_inputs()
    print(jax.jit(kernel)(*tuple(_d.values())))

</pallas_src>

<mosaic_0001>
#map = affine_map<(d0, d1) -> (0, 0)>
#map1 = affine_map<(d0, d1) -> (0, 0, 0)>
module attributes {stable_mosaic.version = 14 : i64} {
  func.func @_agg_count(%arg0: i32, %arg1: i32, %arg2: memref<10240x128xf32, #tpu.memory_space<hbm>>, %arg3: memref<32x80x128xi32, #tpu.memory_space<hbm>>, %arg4: memref<32x80x128xi32, #tpu.memory_space<hbm>>, %arg5: memref<10240x128xf32, #tpu.memory_space<hbm>>, %arg6: memref<128x128xf32, #tpu.memory_space<hbm>>, %arg7: memref<2x10240x128xf32, #tpu.memory_space<hbm>>, %arg8: memref<2x10240x128xf32, #tpu.memory_space<hbm>>, %arg9: memref<40x128xi32, #tpu.memory_space<vmem>>, %arg10: memref<40x128xi32, #tpu.memory_space<vmem>>, %arg11: memref<128x128xf32, #tpu.memory_space<vmem>>, %arg12: memref<128x128xf32, #tpu.memory_space<vmem>>, %arg13: memref<10240x128xf32, #tpu.memory_space<vmem_shared>>, %arg14: memref<!tpu.dma_semaphore, #tpu.memory_space<semaphore_mem>>, %arg15: memref<!tpu.dma_semaphore, #tpu.memory_space<semaphore_mem>>, %arg16: memref<!tpu.dma_semaphore, #tpu.memory_space<semaphore_mem>>, %arg17: memref<!tpu.dma_semaphore, #tpu.memory_space<semaphore_mem>>) attributes {dimension_semantics = [#tpu.dimension_semantics<core_parallel>, #tpu.dimension_semantics<subcore_parallel>], iteration_bounds = array<i64: 2, 16>, scalar_prefetch = 0 : i64, scratch_operands = 9 : i64, tpu.core_type = #tpu.core_type<sc_vector_subcore>, window_params = [{transform_indices = #map}, {transform_indices = #map1}, {transform_indices = #map1}, {transform_indices = #map}, {transform_indices = #map}, {transform_indices = #map1}, {transform_indices = #map1}]} {
    %mul3A = arith.constant 2 : i32
    %mul3A_0 = arith.muli %arg1, %mul3A : i32
    %add3A = arith.addi %mul3A_0, %arg0 : i32
    %mul3A_1 = arith.constant 640 : i32
    %mul3A_2 = arith.muli %arg1, %mul3A_1 : i32
    "tpu.region"() ({
      %run_scoped3A = tpu.sem_alloc : memref<!tpu.dma_semaphore, #tpu.memory_space<semaphore_mem>>
      %dma_start3A_79 = arith.constant 0 : i32
      %dma_start3A_80 = tpu.memref_slice %arg13[%mul3A_2, %dma_start3A_79] : memref<10240x128xf32, #tpu.memory_space<vmem_shared>> -> memref<640x128xf32, #tpu.memory_space<vmem_shared>>
      %dma_start3A_81 = arith.constant 0 : i32
      %dma_start3A_82 = tpu.memref_slice %arg5[%mul3A_2, %dma_start3A_81] : memref<10240x128xf32, #tpu.memory_space<hbm>> -> memref<640x128xf32, #tpu.memory_space<hbm>>
      tpu.enqueue_dma source(%dma_start3A_82 : memref<640x128xf32, #tpu.memory_space<hbm>>) target(%dma_start3A_80 : memref<640x128xf32, #tpu.memory_space<vmem_shared>>) target_semaphore(%run_scoped3A : memref<!tpu.dma_semaphore, #tpu.memory_space<semaphore_mem>>)
      %dma_wait3A_83 = arith.constant 0 : i32
      %dma_wait3A_84 = tpu.memref_slice %arg13[%mul3A_2, %dma_wait3A_83] : memref<10240x128xf32, #tpu.memory_space<vmem_shared>> -> memref<640x128xf32, #tpu.memory_space<vmem_shared>>
      %dma_wait3A_85 = arith.constant 0 : i32
      %dma_wait3A_86 = tpu.memref_slice %arg5[%mul3A_2, %dma_wait3A_85] : memref<10240x128xf32, #tpu.memory_space<hbm>> -> memref<640x128xf32, #tpu.memory_space<hbm>>
      tpu.wait_dma2 semaphore(%run_scoped3A : memref<!tpu.dma_semaphore, #tpu.memory_space<semaphore_mem>>) src(%dma_wait3A_86 : memref<640x128xf32, #tpu.memory_space<hbm>>) dst(%dma_wait3A_84 : memref<640x128xf32, #tpu.memory_space<vmem_shared>>)
      tpu.yield
    }) : () -> ()
    %barrier3A = arith.constant 0 : index
    tpu.barrier barrier_id(%barrier3A)
    "tpu.region"() ({
      %run_scoped3A = tpu.sem_alloc : memref<!tpu.dma_semaphore, #tpu.memory_space<semaphore_mem>>
      %dma_start3A_79 = arith.constant 0 : i32
      %dma_start3A_80 = arith.constant 0 : i32
      %dma_start3A_81 = tpu.memref_slice %arg3[%add3A, %dma_start3A_79, %dma_start3A_80] : memref<32x80x128xi32, #tpu.memory_space<hbm>> -> memref<1x40x128xi32, #tpu.memory_space<hbm>>
      %dma_start3A_82 = tpu.memref_squeeze %dma_start3A_81 : memref<1x40x128xi32, #tpu.memory_space<hbm>> -> memref<40x128xi32, #tpu.memory_space<hbm>>
      %dma_start3A_83 = arith.constant 0 : i32
      %dma_start3A_84 = arith.constant 0 : i32
      %dma_start3A_85 = tpu.memref_slice %arg3[%add3A, %dma_start3A_83, %dma_start3A_84] : memref<32x80x128xi32, #tpu.memory_space<hbm>> -> memref<1x40x128xi32, #tpu.memory_space<hbm>>
      %dma_start3A_86 = tpu.memref_squeeze %dma_start3A_85 : memref<1x40x128xi32, #tpu.memory_space<hbm>> -> memref<40x128xi32, #tpu.memory_space<hbm>>
      tpu.enqueue_dma source(%dma_start3A_86 : memref<40x128xi32, #tpu.memory_space<hbm>>) target(%arg9 : memref<40x128xi32, #tpu.memory_space<vmem>>) target_semaphore(%run_scoped3A : memref<!tpu.dma_semaphore, #tpu.memory_space<semaphore_mem>>)
      %dma_wait3A_87 = arith.constant 0 : i32
      %dma_wait3A_88 = arith.constant 0 : i32
      %dma_wait3A_89 = tpu.memref_slice %arg3[%add3A, %dma_wait3A_87, %dma_wait3A_88] : memref<32x80x128xi32, #tpu.memory_space<hbm>> -> memref<1x40x128xi32, #tpu.memory_space<hbm>>
      %dma_wait3A_90 = tpu.memref_squeeze %dma_wait3A_89 : memref<1x40x128xi32, #tpu.memory_space<hbm>> -> memref<40x128xi32, #tpu.memory_space<hbm>>
      %dma_wait3A_91 = arith.constant 0 : i32
      %dma_wait3A_92 = arith.constant 0 : i32
      %dma_wait3A_93 = tpu.memref_slice %arg3[%add3A, %dma_wait3A_91, %dma_wait3A_92] : memref<32x80x128xi32, #tpu.memory_space<hbm>> -> memref<1x40x128xi32, #tpu.memory_space<hbm>>
      %dma_wait3A_94 = tpu.memref_squeeze %dma_wait3A_93 : memref<1x40x128xi32, #tpu.memory_space<hbm>> -> memref<40x128xi32, #tpu.memory_space<hbm>>
      tpu.wait_dma2 semaphore(%run_scoped3A : memref<!tpu.dma_semaphore, #tpu.memory_space<semaphore_mem>>) src(%dma_wait3A_94 : memref<40x128xi32, #tpu.memory_space<hbm>>) dst(%arg9 : memref<40x128xi32, #tpu.memory_space<vmem>>)
      tpu.yield
    }) : () -> ()
    "tpu.region"() ({
      %run_scoped3A = tpu.sem_alloc : memref<!tpu.dma_semaphore, #tpu.memory_space<semaphore_mem>>
      %dma_start3A_79 = arith.constant 0 : i32
      %dma_start3A_80 = arith.constant 0 : i32
      %dma_start3A_81 = tpu.memref_slice %arg4[%add3A, %dma_start3A_79, %dma_start3A_80] : memref<32x80x128xi32, #tpu.memory_space<hbm>> -> memref<1x40x128xi32, #tpu.memory_space<hbm>>
      %dma_start3A_82 = tpu.memref_squeeze %dma_start3A_81 : memref<1x40x128xi32, #tpu.memory_space<hbm>> -> memref<40x128xi32, #tpu.memory_space<hbm>>
      %dma_start3A_83 = arith.constant 0 : i32
      %dma_start3A_84 = arith.constant 0 : i32
      %dma_start3A_85 = tpu.memref_slice %arg4[%add3A, %dma_start3A_83, %dma_start3A_84] : memref<32x80x128xi32, #tpu.memory_space<hbm>> -> memref<1x40x128xi32, #tpu.memory_space<hbm>>
      %dma_start3A_86 = tpu.memref_squeeze %dma_start3A_85 : memref<1x40x128xi32, #tpu.memory_space<hbm>> -> memref<40x128xi32, #tpu.memory_space<hbm>>
      tpu.enqueue_dma source(%dma_start3A_86 : memref<40x128xi32, #tpu.memory_space<hbm>>) target(%arg10 : memref<40x128xi32, #tpu.memory_space<vmem>>) target_semaphore(%run_scoped3A : memref<!tpu.dma_semaphore, #tpu.memory_space<semaphore_mem>>)
      %dma_wait3A_87 = arith.constant 0 : i32
      %dma_wait3A_88 = arith.constant 0 : i32
      %dma_wait3A_89 = tpu.memref_slice %arg4[%add3A, %dma_wait3A_87, %dma_wait3A_88] : memref<32x80x128xi32, #tpu.memory_space<hbm>> -> memref<1x40x128xi32, #tpu.memory_space<hbm>>
      %dma_wait3A_90 = tpu.memref_squeeze %dma_wait3A_89 : memref<1x40x128xi32, #tpu.memory_space<hbm>> -> memref<40x128xi32, #tpu.memory_space<hbm>>
      %dma_wait3A_91 = arith.constant 0 : i32
      %dma_wait3A_92 = arith.constant 0 : i32
      %dma_wait3A_93 = tpu.memref_slice %arg4[%add3A, %dma_wait3A_91, %dma_wait3A_92] : memref<32x80x128xi32, #tpu.memory_space<hbm>> -> memref<1x40x128xi32, #tpu.memory_space<hbm>>
      %dma_wait3A_94 = tpu.memref_squeeze %dma_wait3A_93 : memref<1x40x128xi32, #tpu.memory_space<hbm>> -> memref<40x128xi32, #tpu.memory_space<hbm>>
      tpu.wait_dma2 semaphore(%run_scoped3A : memref<!tpu.dma_semaphore, #tpu.memory_space<semaphore_mem>>) src(%dma_wait3A_94 : memref<40x128xi32, #tpu.memory_space<hbm>>) dst(%arg10 : memref<40x128xi32, #tpu.memory_space<vmem>>)
      tpu.yield
    }) : () -> ()
    %dma_start3A = arith.constant 0 : i32
    %dma_start3A_3 = arith.constant 0 : i32
    %dma_start3A_4 = tpu.memref_slice %arg9[%dma_start3A, %dma_start3A_3] : memref<40x128xi32, #tpu.memory_space<vmem>> -> memref<1x128xi32, #tpu.memory_space<vmem>>
    %dma_start3A_5 = tpu.memref_squeeze %dma_start3A_4 : memref<1x128xi32, #tpu.memory_space<vmem>> -> memref<128xi32, #tpu.memory_space<vmem>>
    %dma_start3A_6 = arith.constant 0 : i32
    %dma_start3A_7 = arith.constant 0 : i32
    %dma_start3A_8 = tpu.memref_slice %arg2[%dma_start3A_6, %dma_start3A_7] : memref<10240x128xf32, #tpu.memory_space<hbm>> -> memref<10240x128xf32, #tpu.memory_space<hbm>>
    tpu.enqueue_indirect_dma source(%dma_start3A_8 : memref<10240x128xf32, #tpu.memory_space<hbm>>) target(%arg11 : memref<128x128xf32, #tpu.memory_space<vmem>>) offsets(%dma_start3A_5 : memref<128xi32, #tpu.memory_space<vmem>>) semaphore(%arg14 : memref<!tpu.dma_semaphore, #tpu.memory_space<semaphore_mem>>)
    %dma_start3A_9 = arith.constant 1 : i32
    %dma_start3A_10 = arith.constant 0 : i32
    %dma_start3A_11 = tpu.memref_slice %arg9[%dma_start3A_9, %dma_start3A_10] : memref<40x128xi32, #tpu.memory_space<vmem>> -> memref<1x128xi32, #tpu.memory_space<vmem>>
    %dma_start3A_12 = tpu.memref_squeeze %dma_start3A_11 : memref<1x128xi32, #tpu.memory_space<vmem>> -> memref<128xi32, #tpu.memory_space<vmem>>
    %dma_start3A_13 = arith.constant 0 : i32
    %dma_start3A_14 = arith.constant 0 : i32
    %dma_start3A_15 = tpu.memref_slice %arg2[%dma_start3A_13, %dma_start3A_14] : memref<10240x128xf32, #tpu.memory_space<hbm>> -> memref<10240x128xf32, #tpu.memory_space<hbm>>
    tpu.enqueue_indirect_dma source(%dma_start3A_15 : memref<10240x128xf32, #tpu.memory_space<hbm>>) target(%arg12 : memref<128x128xf32, #tpu.memory_space<vmem>>) offsets(%dma_start3A_12 : memref<128xi32, #tpu.memory_space<vmem>>) semaphore(%arg15 : memref<!tpu.dma_semaphore, #tpu.memory_space<semaphore_mem>>)
    %scan3A = arith.constant 0 : i32
    %scan3A_16 = arith.constant 0 : i32
    %scan3A_17 = arith.constant 20 : i32
    %scan3A_18 = arith.addi %scan3A_16, %scan3A_17 : i32
    %scan3A_19 = arith.constant 1 : i32
    scf.for %scan3A_79 = %scan3A_16 to %scan3A_18 step %scan3A_19  : i32 {
      %mul3A_80 = arith.constant 2 : i32
      %mul3A_81 = arith.muli %mul3A_80, %scan3A_79 : i32
      %add3A_82 = arith.constant 2 : i32
      %add3A_83 = arith.addi %mul3A_81, %add3A_82 : i32
      %min3A = arith.constant 39 : i32
      %min3A_84 = arith.minsi %add3A_83, %min3A : i32
      %add3A_85 = arith.constant 3 : i32
      %add3A_86 = arith.addi %mul3A_81, %add3A_85 : i32
      %min3A_87 = arith.constant 39 : i32
      %min3A_88 = arith.minsi %add3A_86, %min3A_87 : i32
      %dma_wait3A_89 = arith.constant 0 : i32
      %dma_wait3A_90 = arith.constant 0 : i32
      %dma_wait3A_91 = tpu.memref_slice %arg5[%dma_wait3A_89, %dma_wait3A_90] : memref<10240x128xf32, #tpu.memory_space<hbm>> -> memref<128x128xf32, #tpu.memory_space<hbm>>
      %dma_wait3A_92 = arith.constant 0 : i32
      %dma_wait3A_93 = arith.constant 0 : i32
      %dma_wait3A_94 = tpu.memref_slice %arg5[%dma_wait3A_92, %dma_wait3A_93] : memref<10240x128xf32, #tpu.memory_space<hbm>> -> memref<128x128xf32, #tpu.memory_space<hbm>>
      tpu.wait_dma2 semaphore(%arg14 : memref<!tpu.dma_semaphore, #tpu.memory_space<semaphore_mem>>) src(%dma_wait3A_94 : memref<128x128xf32, #tpu.memory_space<hbm>>) dst(%arg11 : memref<128x128xf32, #tpu.memory_space<vmem>>)
      %dma_start3A_95 = arith.constant 0 : i32
      %dma_start3A_96 = tpu.memref_slice %arg10[%mul3A_81, %dma_start3A_95] : memref<40x128xi32, #tpu.memory_space<vmem>> -> memref<1x128xi32, #tpu.memory_space<vmem>>
      %dma_start3A_97 = tpu.memref_squeeze %dma_start3A_96 : memref<1x128xi32, #tpu.memory_space<vmem>> -> memref<128xi32, #tpu.memory_space<vmem>>
      %dma_start3A_98 = arith.constant 0 : i32
      %dma_start3A_99 = arith.constant 0 : i32
      %dma_start3A_100 = tpu.memref_slice %arg13[%dma_start3A_98, %dma_start3A_99] : memref<10240x128xf32, #tpu.memory_space<vmem_shared>> -> memref<10240x128xf32, #tpu.memory_space<vmem_shared>>
      tpu.enqueue_indirect_dma source(%arg11 : memref<128x128xf32, #tpu.memory_space<vmem>>) target(%dma_start3A_100 : memref<10240x128xf32, #tpu.memory_space<vmem_shared>>) offsets(%dma_start3A_97 : memref<128xi32, #tpu.memory_space<vmem>>) semaphore(%arg16 : memref<!tpu.dma_semaphore, #tpu.memory_space<semaphore_mem>>) {add = true}
      %dma_wait3A_101 = arith.constant 0 : i32
      %dma_wait3A_102 = arith.constant 0 : i32
      %dma_wait3A_103 = tpu.memref_slice %arg5[%dma_wait3A_101, %dma_wait3A_102] : memref<10240x128xf32, #tpu.memory_space<hbm>> -> memref<128x128xf32, #tpu.memory_space<hbm>>
      %dma_wait3A_104 = arith.constant 0 : i32
      %dma_wait3A_105 = arith.constant 0 : i32
      %dma_wait3A_106 = tpu.memref_slice %arg5[%dma_wait3A_104, %dma_wait3A_105] : memref<10240x128xf32, #tpu.memory_space<hbm>> -> memref<128x128xf32, #tpu.memory_space<hbm>>
      tpu.wait_dma2 semaphore(%arg15 : memref<!tpu.dma_semaphore, #tpu.memory_space<semaphore_mem>>) src(%dma_wait3A_106 : memref<128x128xf32, #tpu.memory_space<hbm>>) dst(%arg12 : memref<128x128xf32, #tpu.memory_space<vmem>>)
      %add3A_107 = arith.constant 1 : i32
      %add3A_108 = arith.addi %mul3A_81, %add3A_107 : i32
      %dma_start3A_109 = arith.constant 0 : i32
      %dma_start3A_110 = tpu.memref_slice %arg10[%add3A_108, %dma_start3A_109] : memref<40x128xi32, #tpu.memory_space<vmem>> -> memref<1x128xi32, #tpu.memory_space<vmem>>
      %dma_start3A_111 = tpu.memref_squeeze %dma_start3A_110 : memref<1x128xi32, #tpu.memory_space<vmem>> -> memref<128xi32, #tpu.memory_space<vmem>>
      %dma_start3A_112 = arith.constant 0 : i32
      %dma_start3A_113 = arith.constant 0 : i32
      %dma_start3A_114 = tpu.memref_slice %arg13[%dma_start3A_112, %dma_start3A_113] : memref<10240x128xf32, #tpu.memory_space<vmem_shared>> -> memref<10240x128xf32, #tpu.memory_space<vmem_shared>>
      tpu.enqueue_indirect_dma source(%arg12 : memref<128x128xf32, #tpu.memory_space<vmem>>) target(%dma_start3A_114 : memref<10240x128xf32, #tpu.memory_space<vmem_shared>>) offsets(%dma_start3A_111 : memref<128xi32, #tpu.memory_space<vmem>>) semaphore(%arg17 : memref<!tpu.dma_semaphore, #tpu.memory_space<semaphore_mem>>) {add = true}
      %dma_wait3A_115 = arith.constant 0 : i32
      %dma_wait3A_116 = tpu.memref_slice %arg10[%mul3A_81, %dma_wait3A_115] : memref<40x128xi32, #tpu.memory_space<vmem>> -> memref<1x128xi32, #tpu.memory_space<vmem>>
      %dma_wait3A_117 = tpu.memref_squeeze %dma_wait3A_116 : memref<1x128xi32, #tpu.memory_space<vmem>> -> memref<128xi32, #tpu.memory_space<vmem>>
      %dma_wait3A_118 = arith.constant 0 : i32
      %dma_wait3A_119 = arith.constant 0 : i32
      %dma_wait3A_120 = tpu.memref_slice %arg13[%dma_wait3A_118, %dma_wait3A_119] : memref<10240x128xf32, #tpu.memory_space<vmem_shared>> -> memref<10240x128xf32, #tpu.memory_space<vmem_shared>>
      tpu.wait_indirect_dma semaphore(%arg16 : memref<!tpu.dma_semaphore, #tpu.memory_space<semaphore_mem>>) src(%arg11 : memref<128x128xf32, #tpu.memory_space<vmem>>) dst(%dma_wait3A_120 : memref<10240x128xf32, #tpu.memory_space<vmem_shared>>)
      %dma_start3A_121 = arith.constant 0 : i32
      %dma_start3A_122 = tpu.memref_slice %arg9[%min3A_84, %dma_start3A_121] : memref<40x128xi32, #tpu.memory_space<vmem>> -> memref<1x128xi32, #tpu.memory_space<vmem>>
      %dma_start3A_123 = tpu.memref_squeeze %dma_start3A_122 : memref<1x128xi32, #tpu.memory_space<vmem>> -> memref<128xi32, #tpu.memory_space<vmem>>
      %dma_start3A_124 = arith.constant 0 : i32
      %dma_start3A_125 = arith.constant 0 : i32
      %dma_start3A_126 = tpu.memref_slice %arg2[%dma_start3A_124, %dma_start3A_125] : memref<10240x128xf32, #tpu.memory_space<hbm>> -> memref<10240x128xf32, #tpu.memory_space<hbm>>
      tpu.enqueue_indirect_dma source(%dma_start3A_126 : memref<10240x128xf32, #tpu.memory_space<hbm>>) target(%arg11 : memref<128x128xf32, #tpu.memory_space<vmem>>) offsets(%dma_start3A_123 : memref<128xi32, #tpu.memory_space<vmem>>) semaphore(%arg14 : memref<!tpu.dma_semaphore, #tpu.memory_space<semaphore_mem>>)
      %dma_wait3A_127 = arith.constant 0 : i32
      %dma_wait3A_128 = tpu.memref_slice %arg10[%add3A_108, %dma_wait3A_127] : memref<40x128xi32, #tpu.memory_space<vmem>> -> memref<1x128xi32, #tpu.memory_space<vmem>>
      %dma_wait3A_129 = tpu.memref_squeeze %dma_wait3A_128 : memref<1x128xi32, #tpu.memory_space<vmem>> -> memref<128xi32, #tpu.memory_space<vmem>>
      %dma_wait3A_130 = arith.constant 0 : i32
      %dma_wait3A_131 = arith.constant 0 : i32
      %dma_wait3A_132 = tpu.memref_slice %arg13[%dma_wait3A_130, %dma_wait3A_131] : memref<10240x128xf32, #tpu.memory_space<vmem_shared>> -> memref<10240x128xf32, #tpu.memory_space<vmem_shared>>
      tpu.wait_indirect_dma semaphore(%arg17 : memref<!tpu.dma_semaphore, #tpu.memory_space<semaphore_mem>>) src(%arg12 : memref<128x128xf32, #tpu.memory_space<vmem>>) dst(%dma_wait3A_132 : memref<10240x128xf32, #tpu.memory_space<vmem_shared>>)
      %dma_start3A_133 = arith.constant 0 : i32
      %dma_start3A_134 = tpu.memref_slice %arg9[%min3A_88, %dma_start3A_133] : memref<40x128xi32, #tpu.memory_space<vmem>> -> memref<1x128xi32, #tpu.memory_space<vmem>>
      %dma_start3A_135 = tpu.memref_squeeze %dma_start3A_134 : memref<1x128xi32, #tpu.memory_space<vmem>> -> memref<128xi32, #tpu.memory_space<vmem>>
      %dma_start3A_136 = arith.constant 0 : i32
      %dma_start3A_137 = arith.constant 0 : i32
      %dma_start3A_138 = tpu.memref_slice %arg2[%dma_start3A_136, %dma_start3A_137] : memref<10240x128xf32, #tpu.memory_space<hbm>> -> memref<10240x128xf32, #tpu.memory_space<hbm>>
      tpu.enqueue_indirect_dma source(%dma_start3A_138 : memref<10240x128xf32, #tpu.memory_space<hbm>>) target(%arg12 : memref<128x128xf32, #tpu.memory_space<vmem>>) offsets(%dma_start3A_135 : memref<128xi32, #tpu.memory_space<vmem>>) semaphore(%arg15 : memref<!tpu.dma_semaphore, #tpu.memory_space<semaphore_mem>>)
    }
    %scan3A_20 = arith.constant 20 : i32
    %dma_wait3A = arith.constant 0 : i32
    %dma_wait3A_21 = arith.constant 0 : i32
    %dma_wait3A_22 = tpu.memref_slice %arg5[%dma_wait3A, %dma_wait3A_21] : memref<10240x128xf32, #tpu.memory_space<hbm>> -> memref<128x128xf32, #tpu.memory_space<hbm>>
    %dma_wait3A_23 = arith.constant 0 : i32
    %dma_wait3A_24 = arith.constant 0 : i32
    %dma_wait3A_25 = tpu.memref_slice %arg5[%dma_wait3A_23, %dma_wait3A_24] : memref<10240x128xf32, #tpu.memory_space<hbm>> -> memref<128x128xf32, #tpu.memory_space<hbm>>
    tpu.wait_dma2 semaphore(%arg14 : memref<!tpu.dma_semaphore, #tpu.memory_space<semaphore_mem>>) src(%dma_wait3A_25 : memref<128x128xf32, #tpu.memory_space<hbm>>) dst(%arg11 : memref<128x128xf32, #tpu.memory_space<vmem>>)
    %dma_wait3A_26 = arith.constant 0 : i32
    %dma_wait3A_27 = arith.constant 0 : i32
    %dma_wait3A_28 = tpu.memref_slice %arg5[%dma_wait3A_26, %dma_wait3A_27] : memref<10240x128xf32, #tpu.memory_space<hbm>> -> memref<128x128xf32, #tpu.memory_space<hbm>>
    %dma_wait3A_29 = arith.constant 0 : i32
    %dma_wait3A_30 = arith.constant 0 : i32
    %dma_wait3A_31 = tpu.memref_slice %arg5[%dma_wait3A_29, %dma_wait3A_30] : memref<10240x128xf32, #tpu.memory_space<hbm>> -> memref<128x128xf32, #tpu.memory_space<hbm>>
    tpu.wait_dma2 semaphore(%arg15 : memref<!tpu.dma_semaphore, #tpu.memory_space<semaphore_mem>>) src(%dma_wait3A_31 : memref<128x128xf32, #tpu.memory_space<hbm>>) dst(%arg12 : memref<128x128xf32, #tpu.memory_space<vmem>>)
    "tpu.region"() ({
      %run_scoped3A = tpu.sem_alloc : memref<!tpu.dma_semaphore, #tpu.memory_space<semaphore_mem>>
      %dma_start3A_79 = arith.constant 40 : i32
      %dma_start3A_80 = arith.constant 0 : i32
      %dma_start3A_81 = tpu.memref_slice %arg3[%add3A, %dma_start3A_79, %dma_start3A_80] : memref<32x80x128xi32, #tpu.memory_space<hbm>> -> memref<1x40x128xi32, #tpu.memory_space<hbm>>
      %dma_start3A_82 = tpu.memref_squeeze %dma_start3A_81 : memref<1x40x128xi32, #tpu.memory_space<hbm>> -> memref<40x128xi32, #tpu.memory_space<hbm>>
      %dma_start3A_83 = arith.constant 40 : i32
      %dma_start3A_84 = arith.constant 0 : i32
      %dma_start3A_85 = tpu.memref_slice %arg3[%add3A, %dma_start3A_83, %dma_start3A_84] : memref<32x80x128xi32, #tpu.memory_space<hbm>> -> memref<1x40x128xi32, #tpu.memory_space<hbm>>
      %dma_start3A_86 = tpu.memref_squeeze %dma_start3A_85 : memref<1x40x128xi32, #tpu.memory_space<hbm>> -> memref<40x128xi32, #tpu.memory_space<hbm>>
      tpu.enqueue_dma source(%dma_start3A_86 : memref<40x128xi32, #tpu.memory_space<hbm>>) target(%arg9 : memref<40x128xi32, #tpu.memory_space<vmem>>) target_semaphore(%run_scoped3A : memref<!tpu.dma_semaphore, #tpu.memory_space<semaphore_mem>>)
      %dma_wait3A_87 = arith.constant 40 : i32
      %dma_wait3A_88 = arith.constant 0 : i32
      %dma_wait3A_89 = tpu.memref_slice %arg3[%add3A, %dma_wait3A_87, %dma_wait3A_88] : memref<32x80x128xi32, #tpu.memory_space<hbm>> -> memref<1x40x128xi32, #tpu.memory_space<hbm>>
      %dma_wait3A_90 = tpu.memref_squeeze %dma_wait3A_89 : memref<1x40x128xi32, #tpu.memory_space<hbm>> -> memref<40x128xi32, #tpu.memory_space<hbm>>
      %dma_wait3A_91 = arith.constant 40 : i32
      %dma_wait3A_92 = arith.constant 0 : i32
      %dma_wait3A_93 = tpu.memref_slice %arg3[%add3A, %dma_wait3A_91, %dma_wait3A_92] : memref<32x80x128xi32, #tpu.memory_space<hbm>> -> memref<1x40x128xi32, #tpu.memory_space<hbm>>
      %dma_wait3A_94 = tpu.memref_squeeze %dma_wait3A_93 : memref<1x40x128xi32, #tpu.memory_space<hbm>> -> memref<40x128xi32, #tpu.memory_space<hbm>>
      tpu.wait_dma2 semaphore(%run_scoped3A : memref<!tpu.dma_semaphore, #tpu.memory_space<semaphore_mem>>) src(%dma_wait3A_94 : memref<40x128xi32, #tpu.memory_space<hbm>>) dst(%arg9 : memref<40x128xi32, #tpu.memory_space<vmem>>)
      tpu.yield
    }) : () -> ()
    "tpu.region"() ({
      %run_scoped3A = tpu.sem_alloc : memref<!tpu.dma_semaphore, #tpu.memory_space<semaphore_mem>>
      %dma_start3A_79 = arith.constant 40 : i32
      %dma_start3A_80 = arith.constant 0 : i32
      %dma_start3A_81 = tpu.memref_slice %arg4[%add3A, %dma_start3A_79, %dma_start3A_80] : memref<32x80x128xi32, #tpu.memory_space<hbm>> -> memref<1x40x128xi32, #tpu.memory_space<hbm>>
      %dma_start3A_82 = tpu.memref_squeeze %dma_start3A_81 : memref<1x40x128xi32, #tpu.memory_space<hbm>> -> memref<40x128xi32, #tpu.memory_space<hbm>>
      %dma_start3A_83 = arith.constant 40 : i32
      %dma_start3A_84 = arith.constant 0 : i32
      %dma_start3A_85 = tpu.memref_slice %arg4[%add3A, %dma_start3A_83, %dma_start3A_84] : memref<32x80x128xi32, #tpu.memory_space<hbm>> -> memref<1x40x128xi32, #tpu.memory_space<hbm>>
      %dma_start3A_86 = tpu.memref_squeeze %dma_start3A_85 : memref<1x40x128xi32, #tpu.memory_space<hbm>> -> memref<40x128xi32, #tpu.memory_space<hbm>>
      tpu.enqueue_dma source(%dma_start3A_86 : memref<40x128xi32, #tpu.memory_space<hbm>>) target(%arg10 : memref<40x128xi32, #tpu.memory_space<vmem>>) target_semaphore(%run_scoped3A : memref<!tpu.dma_semaphore, #tpu.memory_space<semaphore_mem>>)
      %dma_wait3A_87 = arith.constant 40 : i32
      %dma_wait3A_88 = arith.constant 0 : i32
      %dma_wait3A_89 = tpu.memref_slice %arg4[%add3A, %dma_wait3A_87, %dma_wait3A_88] : memref<32x80x128xi32, #tpu.memory_space<hbm>> -> memref<1x40x128xi32, #tpu.memory_space<hbm>>
      %dma_wait3A_90 = tpu.memref_squeeze %dma_wait3A_89 : memref<1x40x128xi32, #tpu.memory_space<hbm>> -> memref<40x128xi32, #tpu.memory_space<hbm>>
      %dma_wait3A_91 = arith.constant 40 : i32
      %dma_wait3A_92 = arith.constant 0 : i32
      %dma_wait3A_93 = tpu.memref_slice %arg4[%add3A, %dma_wait3A_91, %dma_wait3A_92] : memref<32x80x128xi32, #tpu.memory_space<hbm>> -> memref<1x40x128xi32, #tpu.memory_space<hbm>>
      %dma_wait3A_94 = tpu.memref_squeeze %dma_wait3A_93 : memref<1x40x128xi32, #tpu.memory_space<hbm>> -> memref<40x128xi32, #tpu.memory_space<hbm>>
      tpu.wait_dma2 semaphore(%run_scoped3A : memref<!tpu.dma_semaphore, #tpu.memory_space<semaphore_mem>>) src(%dma_wait3A_94 : memref<40x128xi32, #tpu.memory_space<hbm>>) dst(%arg10 : memref<40x128xi32, #tpu.memory_space<vmem>>)
      tpu.yield
    }) : () -> ()
    %dma_start3A_32 = arith.constant 0 : i32
    %dma_start3A_33 = arith.constant 0 : i32
    %dma_start3A_34 = tpu.memref_slice %arg9[%dma_start3A_32, %dma_start3A_33] : memref<40x128xi32, #tpu.memory_space<vmem>> -> memref<1x128xi32, #tpu.memory_space<vmem>>
    %dma_start3A_35 = tpu.memref_squeeze %dma_start3A_34 : memref<1x128xi32, #tpu.memory_space<vmem>> -> memref<128xi32, #tpu.memory_space<vmem>>
    %dma_start3A_36 = arith.constant 0 : i32
    %dma_start3A_37 = arith.constant 0 : i32
    %dma_start3A_38 = tpu.memref_slice %arg2[%dma_start3A_36, %dma_start3A_37] : memref<10240x128xf32, #tpu.memory_space<hbm>> -> memref<10240x128xf32, #tpu.memory_space<hbm>>
    tpu.enqueue_indirect_dma source(%dma_start3A_38 : memref<10240x128xf32, #tpu.memory_space<hbm>>) target(%arg11 : memref<128x128xf32, #tpu.memory_space<vmem>>) offsets(%dma_start3A_35 : memref<128xi32, #tpu.memory_space<vmem>>) semaphore(%arg14 : memref<!tpu.dma_semaphore, #tpu.memory_space<semaphore_mem>>)
    %dma_start3A_39 = arith.constant 1 : i32
    %dma_start3A_40 = arith.constant 0 : i32
    %dma_start3A_41 = tpu.memref_slice %arg9[%dma_start3A_39, %dma_start3A_40] : memref<40x128xi32, #tpu.memory_space<vmem>> -> memref<1x128xi32, #tpu.memory_space<vmem>>
    %dma_start3A_42 = tpu.memref_squeeze %dma_start3A_41 : memref<1x128xi32, #tpu.memory_space<vmem>> -> memref<128xi32, #tpu.memory_space<vmem>>
    %dma_start3A_43 = arith.constant 0 : i32
    %dma_start3A_44 = arith.constant 0 : i32
    %dma_start3A_45 = tpu.memref_slice %arg2[%dma_start3A_43, %dma_start3A_44] : memref<10240x128xf32, #tpu.memory_space<hbm>> -> memref<10240x128xf32, #tpu.memory_space<hbm>>
    tpu.enqueue_indirect_dma source(%dma_start3A_45 : memref<10240x128xf32, #tpu.memory_space<hbm>>) target(%arg12 : memref<128x128xf32, #tpu.memory_space<vmem>>) offsets(%dma_start3A_42 : memref<128xi32, #tpu.memory_space<vmem>>) semaphore(%arg15 : memref<!tpu.dma_semaphore, #tpu.memory_space<semaphore_mem>>)
    %scan3A_46 = arith.constant 0 : i32
    %scan3A_47 = arith.constant 0 : i32
    %scan3A_48 = arith.constant 20 : i32
    %scan3A_49 = arith.addi %scan3A_47, %scan3A_48 : i32
    %scan3A_50 = arith.constant 1 : i32
    scf.for %scan3A_79 = %scan3A_47 to %scan3A_49 step %scan3A_50  : i32 {
      %mul3A_80 = arith.constant 2 : i32
      %mul3A_81 = arith.muli %mul3A_80, %scan3A_79 : i32
      %add3A_82 = arith.constant 2 : i32
      %add3A_83 = arith.addi %mul3A_81, %add3A_82 : i32
      %min3A = arith.constant 39 : i32
      %min3A_84 = arith.minsi %add3A_83, %min3A : i32
      %add3A_85 = arith.constant 3 : i32
      %add3A_86 = arith.addi %mul3A_81, %add3A_85 : i32
      %min3A_87 = arith.constant 39 : i32
      %min3A_88 = arith.minsi %add3A_86, %min3A_87 : i32
      %dma_wait3A_89 = arith.constant 0 : i32
      %dma_wait3A_90 = arith.constant 0 : i32
      %dma_wait3A_91 = tpu.memref_slice %arg5[%dma_wait3A_89, %dma_wait3A_90] : memref<10240x128xf32, #tpu.memory_space<hbm>> -> memref<128x128xf32, #tpu.memory_space<hbm>>
      %dma_wait3A_92 = arith.constant 0 : i32
      %dma_wait3A_93 = arith.constant 0 : i32
      %dma_wait3A_94 = tpu.memref_slice %arg5[%dma_wait3A_92, %dma_wait3A_93] : memref<10240x128xf32, #tpu.memory_space<hbm>> -> memref<128x128xf32, #tpu.memory_space<hbm>>
      tpu.wait_dma2 semaphore(%arg14 : memref<!tpu.dma_semaphore, #tpu.memory_space<semaphore_mem>>) src(%dma_wait3A_94 : memref<128x128xf32, #tpu.memory_space<hbm>>) dst(%arg11 : memref<128x128xf32, #tpu.memory_space<vmem>>)
      %dma_start3A_95 = arith.constant 0 : i32
      %dma_start3A_96 = tpu.memref_slice %arg10[%mul3A_81, %dma_start3A_95] : memref<40x128xi32, #tpu.memory_space<vmem>> -> memref<1x128xi32, #tpu.memory_space<vmem>>
      %dma_start3A_97 = tpu.memref_squeeze %dma_start3A_96 : memref<1x128xi32, #tpu.memory_space<vmem>> -> memref<128xi32, #tpu.memory_space<vmem>>
      %dma_start3A_98 = arith.constant 0 : i32
      %dma_start3A_99 = arith.constant 0 : i32
      %dma_start3A_100 = tpu.memref_slice %arg13[%dma_start3A_98, %dma_start3A_99] : memref<10240x128xf32, #tpu.memory_space<vmem_shared>> -> memref<10240x128xf32, #tpu.memory_space<vmem_shared>>
      tpu.enqueue_indirect_dma source(%arg11 : memref<128x128xf32, #tpu.memory_space<vmem>>) target(%dma_start3A_100 : memref<10240x128xf32, #tpu.memory_space<vmem_shared>>) offsets(%dma_start3A_97 : memref<128xi32, #tpu.memory_space<vmem>>) semaphore(%arg16 : memref<!tpu.dma_semaphore, #tpu.memory_space<semaphore_mem>>) {add = true}
      %dma_wait3A_101 = arith.constant 0 : i32
      %dma_wait3A_102 = arith.constant 0 : i32
      %dma_wait3A_103 = tpu.memref_slice %arg5[%dma_wait3A_101, %dma_wait3A_102] : memref<10240x128xf32, #tpu.memory_space<hbm>> -> memref<128x128xf32, #tpu.memory_space<hbm>>
      %dma_wait3A_104 = arith.constant 0 : i32
      %dma_wait3A_105 = arith.constant 0 : i32
      %dma_wait3A_106 = tpu.memref_slice %arg5[%dma_wait3A_104, %dma_wait3A_105] : memref<10240x128xf32, #tpu.memory_space<hbm>> -> memref<128x128xf32, #tpu.memory_space<hbm>>
      tpu.wait_dma2 semaphore(%arg15 : memref<!tpu.dma_semaphore, #tpu.memory_space<semaphore_mem>>) src(%dma_wait3A_106 : memref<128x128xf32, #tpu.memory_space<hbm>>) dst(%arg12 : memref<128x128xf32, #tpu.memory_space<vmem>>)
      %add3A_107 = arith.constant 1 : i32
      %add3A_108 = arith.addi %mul3A_81, %add3A_107 : i32
      %dma_start3A_109 = arith.constant 0 : i32
      %dma_start3A_110 = tpu.memref_slice %arg10[%add3A_108, %dma_start3A_109] : memref<40x128xi32, #tpu.memory_space<vmem>> -> memref<1x128xi32, #tpu.memory_space<vmem>>
      %dma_start3A_111 = tpu.memref_squeeze %dma_start3A_110 : memref<1x128xi32, #tpu.memory_space<vmem>> -> memref<128xi32, #tpu.memory_space<vmem>>
      %dma_start3A_112 = arith.constant 0 : i32
      %dma_start3A_113 = arith.constant 0 : i32
      %dma_start3A_114 = tpu.memref_slice %arg13[%dma_start3A_112, %dma_start3A_113] : memref<10240x128xf32, #tpu.memory_space<vmem_shared>> -> memref<10240x128xf32, #tpu.memory_space<vmem_shared>>
      tpu.enqueue_indirect_dma source(%arg12 : memref<128x128xf32, #tpu.memory_space<vmem>>) target(%dma_start3A_114 : memref<10240x128xf32, #tpu.memory_space<vmem_shared>>) offsets(%dma_start3A_111 : memref<128xi32, #tpu.memory_space<vmem>>) semaphore(%arg17 : memref<!tpu.dma_semaphore, #tpu.memory_space<semaphore_mem>>) {add = true}
      %dma_wait3A_115 = arith.constant 0 : i32
      %dma_wait3A_116 = tpu.memref_slice %arg10[%mul3A_81, %dma_wait3A_115] : memref<40x128xi32, #tpu.memory_space<vmem>> -> memref<1x128xi32, #tpu.memory_space<vmem>>
      %dma_wait3A_117 = tpu.memref_squeeze %dma_wait3A_116 : memref<1x128xi32, #tpu.memory_space<vmem>> -> memref<128xi32, #tpu.memory_space<vmem>>
      %dma_wait3A_118 = arith.constant 0 : i32
      %dma_wait3A_119 = arith.constant 0 : i32
      %dma_wait3A_120 = tpu.memref_slice %arg13[%dma_wait3A_118, %dma_wait3A_119] : memref<10240x128xf32, #tpu.memory_space<vmem_shared>> -> memref<10240x128xf32, #tpu.memory_space<vmem_shared>>
      tpu.wait_indirect_dma semaphore(%arg16 : memref<!tpu.dma_semaphore, #tpu.memory_space<semaphore_mem>>) src(%arg11 : memref<128x128xf32, #tpu.memory_space<vmem>>) dst(%dma_wait3A_120 : memref<10240x128xf32, #tpu.memory_space<vmem_shared>>)
      %dma_start3A_121 = arith.constant 0 : i32
      %dma_start3A_122 = tpu.memref_slice %arg9[%min3A_84, %dma_start3A_121] : memref<40x128xi32, #tpu.memory_space<vmem>> -> memref<1x128xi32, #tpu.memory_space<vmem>>
      %dma_start3A_123 = tpu.memref_squeeze %dma_start3A_122 : memref<1x128xi32, #tpu.memory_space<vmem>> -> memref<128xi32, #tpu.memory_space<vmem>>
      %dma_start3A_124 = arith.constant 0 : i32
      %dma_start3A_125 = arith.constant 0 : i32
      %dma_start3A_126 = tpu.memref_slice %arg2[%dma_start3A_124, %dma_start3A_125] : memref<10240x128xf32, #tpu.memory_space<hbm>> -> memref<10240x128xf32, #tpu.memory_space<hbm>>
      tpu.enqueue_indirect_dma source(%dma_start3A_126 : memref<10240x128xf32, #tpu.memory_space<hbm>>) target(%arg11 : memref<128x128xf32, #tpu.memory_space<vmem>>) offsets(%dma_start3A_123 : memref<128xi32, #tpu.memory_space<vmem>>) semaphore(%arg14 : memref<!tpu.dma_semaphore, #tpu.memory_space<semaphore_mem>>)
      %dma_wait3A_127 = arith.constant 0 : i32
      %dma_wait3A_128 = tpu.memref_slice %arg10[%add3A_108, %dma_wait3A_127] : memref<40x128xi32, #tpu.memory_space<vmem>> -> memref<1x128xi32, #tpu.memory_space<vmem>>
      %dma_wait3A_129 = tpu.memref_squeeze %dma_wait3A_128 : memref<1x128xi32, #tpu.memory_space<vmem>> -> memref<128xi32, #tpu.memory_space<vmem>>
      %dma_wait3A_130 = arith.constant 0 : i32
      %dma_wait3A_131 = arith.constant 0 : i32
      %dma_wait3A_132 = tpu.memref_slice %arg13[%dma_wait3A_130, %dma_wait3A_131] : memref<10240x128xf32, #tpu.memory_space<vmem_shared>> -> memref<10240x128xf32, #tpu.memory_space<vmem_shared>>
      tpu.wait_indirect_dma semaphore(%arg17 : memref<!tpu.dma_semaphore, #tpu.memory_space<semaphore_mem>>) src(%arg12 : memref<128x128xf32, #tpu.memory_space<vmem>>) dst(%dma_wait3A_132 : memref<10240x128xf32, #tpu.memory_space<vmem_shared>>)
      %dma_start3A_133 = arith.constant 0 : i32
      %dma_start3A_134 = tpu.memref_slice %arg9[%min3A_88, %dma_start3A_133] : memref<40x128xi32, #tpu.memory_space<vmem>> -> memref<1x128xi32, #tpu.memory_space<vmem>>
      %dma_start3A_135 = tpu.memref_squeeze %dma_start3A_134 : memref<1x128xi32, #tpu.memory_space<vmem>> -> memref<128xi32, #tpu.memory_space<vmem>>
      %dma_start3A_136 = arith.constant 0 : i32
      %dma_start3A_137 = arith.constant 0 : i32
      %dma_start3A_138 = tpu.memref_slice %arg2[%dma_start3A_136, %dma_start3A_137] : memref<10240x128xf32, #tpu.memory_space<hbm>> -> memref<10240x128xf32, #tpu.memory_space<hbm>>
      tpu.enqueue_indirect_dma source(%dma_start3A_138 : memref<10240x128xf32, #tpu.memory_space<hbm>>) target(%arg12 : memref<128x128xf32, #tpu.memory_space<vmem>>) offsets(%dma_start3A_135 : memref<128xi32, #tpu.memory_space<vmem>>) semaphore(%arg15 : memref<!tpu.dma_semaphore, #tpu.memory_space<semaphore_mem>>)
    }
    %scan3A_51 = arith.constant 20 : i32
    %dma_wait3A_52 = arith.constant 0 : i32
    %dma_wait3A_53 = arith.constant 0 : i32
    %dma_wait3A_54 = tpu.memref_slice %arg5[%dma_wait3A_52, %dma_wait3A_53] : memref<10240x128xf32, #tpu.memory_space<hbm>> -> memref<128x128xf32, #tpu.memory_space<hbm>>
    %dma_wait3A_55 = arith.constant 0 : i32
    %dma_wait3A_56 = arith.constant 0 : i32
    %dma_wait3A_57 = tpu.memref_slice %arg5[%dma_wait3A_55, %dma_wait3A_56] : memref<10240x128xf32, #tpu.memory_space<hbm>> -> memref<128x128xf32, #tpu.memory_space<hbm>>
    tpu.wait_dma2 semaphore(%arg14 : memref<!tpu.dma_semaphore, #tpu.memory_space<semaphore_mem>>) src(%dma_wait3A_57 : memref<128x128xf32, #tpu.memory_space<hbm>>) dst(%arg11 : memref<128x128xf32, #tpu.memory_space<vmem>>)
    %dma_wait3A_58 = arith.constant 0 : i32
    %dma_wait3A_59 = arith.constant 0 : i32
    %dma_wait3A_60 = tpu.memref_slice %arg5[%dma_wait3A_58, %dma_wait3A_59] : memref<10240x128xf32, #tpu.memory_space<hbm>> -> memref<128x128xf32, #tpu.memory_space<hbm>>
    %dma_wait3A_61 = arith.constant 0 : i32
    %dma_wait3A_62 = arith.constant 0 : i32
    %dma_wait3A_63 = tpu.memref_slice %arg5[%dma_wait3A_61, %dma_wait3A_62] : memref<10240x128xf32, #tpu.memory_space<hbm>> -> memref<128x128xf32, #tpu.memory_space<hbm>>
    tpu.wait_dma2 semaphore(%arg15 : memref<!tpu.dma_semaphore, #tpu.memory_space<semaphore_mem>>) src(%dma_wait3A_63 : memref<128x128xf32, #tpu.memory_space<hbm>>) dst(%arg12 : memref<128x128xf32, #tpu.memory_space<vmem>>)
    %barrier3A_64 = arith.constant 0 : index
    tpu.barrier barrier_id(%barrier3A_64)
    "tpu.region"() ({
      %run_scoped3A = tpu.sem_alloc : memref<!tpu.dma_semaphore, #tpu.memory_space<semaphore_mem>>
      %dma_start3A_79 = arith.constant 0 : i32
      %dma_start3A_80 = tpu.memref_slice %arg7[%arg0, %mul3A_2, %dma_start3A_79] : memref<2x10240x128xf32, #tpu.memory_space<hbm>> -> memref<1x640x128xf32, #tpu.memory_space<hbm>>
      %dma_start3A_81 = tpu.memref_squeeze %dma_start3A_80 : memref<1x640x128xf32, #tpu.memory_space<hbm>> -> memref<640x128xf32, #tpu.memory_space<hbm>>
      %dma_start3A_82 = arith.constant 0 : i32
      %dma_start3A_83 = tpu.memref_slice %arg13[%mul3A_2, %dma_start3A_82] : memref<10240x128xf32, #tpu.memory_space<vmem_shared>> -> memref<640x128xf32, #tpu.memory_space<vmem_shared>>
      tpu.enqueue_dma source(%dma_start3A_83 : memref<640x128xf32, #tpu.memory_space<vmem_shared>>) target(%dma_start3A_81 : memref<640x128xf32, #tpu.memory_space<hbm>>) target_semaphore(%run_scoped3A : memref<!tpu.dma_semaphore, #tpu.memory_space<semaphore_mem>>)
      %dma_wait3A_84 = arith.constant 0 : i32
      %dma_wait3A_85 = tpu.memref_slice %arg7[%arg0, %mul3A_2, %dma_wait3A_84] : memref<2x10240x128xf32, #tpu.memory_space<hbm>> -> memref<1x640x128xf32, #tpu.memory_space<hbm>>
      %dma_wait3A_86 = tpu.memref_squeeze %dma_wait3A_85 : memref<1x640x128xf32, #tpu.memory_space<hbm>> -> memref<640x128xf32, #tpu.memory_space<hbm>>
      %dma_wait3A_87 = arith.constant 0 : i32
      %dma_wait3A_88 = tpu.memref_slice %arg13[%mul3A_2, %dma_wait3A_87] : memref<10240x128xf32, #tpu.memory_space<vmem_shared>> -> memref<640x128xf32, #tpu.memory_space<vmem_shared>>
      tpu.wait_dma2 semaphore(%run_scoped3A : memref<!tpu.dma_semaphore, #tpu.memory_space<semaphore_mem>>) src(%dma_wait3A_88 : memref<640x128xf32, #tpu.memory_space<vmem_shared>>) dst(%dma_wait3A_86 : memref<640x128xf32, #tpu.memory_space<hbm>>)
      tpu.yield
    }) : () -> ()
    "tpu.region"() ({
      %run_scoped3A = tpu.sem_alloc : memref<!tpu.dma_semaphore, #tpu.memory_space<semaphore_mem>>
      %dma_start3A_79 = arith.constant 0 : i32
      %dma_start3A_80 = tpu.memref_slice %arg13[%mul3A_2, %dma_start3A_79] : memref<10240x128xf32, #tpu.memory_space<vmem_shared>> -> memref<640x128xf32, #tpu.memory_space<vmem_shared>>
      %dma_start3A_81 = arith.constant 0 : i32
      %dma_start3A_82 = tpu.memref_slice %arg5[%mul3A_2, %dma_start3A_81] : memref<10240x128xf32, #tpu.memory_space<hbm>> -> memref<640x128xf32, #tpu.memory_space<hbm>>
      tpu.enqueue_dma source(%dma_start3A_82 : memref<640x128xf32, #tpu.memory_space<hbm>>) target(%dma_start3A_80 : memref<640x128xf32, #tpu.memory_space<vmem_shared>>) target_semaphore(%run_scoped3A : memref<!tpu.dma_semaphore, #tpu.memory_space<semaphore_mem>>)
      %dma_wait3A_83 = arith.constant 0 : i32
      %dma_wait3A_84 = tpu.memref_slice %arg13[%mul3A_2, %dma_wait3A_83] : memref<10240x128xf32, #tpu.memory_space<vmem_shared>> -> memref<640x128xf32, #tpu.memory_space<vmem_shared>>
      %dma_wait3A_85 = arith.constant 0 : i32
      %dma_wait3A_86 = tpu.memref_slice %arg5[%mul3A_2, %dma_wait3A_85] : memref<10240x128xf32, #tpu.memory_space<hbm>> -> memref<640x128xf32, #tpu.memory_space<hbm>>
      tpu.wait_dma2 semaphore(%run_scoped3A : memref<!tpu.dma_semaphore, #tpu.memory_space<semaphore_mem>>) src(%dma_wait3A_86 : memref<640x128xf32, #tpu.memory_space<hbm>>) dst(%dma_wait3A_84 : memref<640x128xf32, #tpu.memory_space<vmem_shared>>)
      tpu.yield
    }) : () -> ()
    "tpu.region"() ({
      %run_scoped3A = tpu.sem_alloc : memref<!tpu.dma_semaphore, #tpu.memory_space<semaphore_mem>>
      tpu.enqueue_dma source(%arg6 : memref<128x128xf32, #tpu.memory_space<hbm>>) target(%arg11 : memref<128x128xf32, #tpu.memory_space<vmem>>) target_semaphore(%run_scoped3A : memref<!tpu.dma_semaphore, #tpu.memory_space<semaphore_mem>>)
      tpu.wait_dma2 semaphore(%run_scoped3A : memref<!tpu.dma_semaphore, #tpu.memory_space<semaphore_mem>>) src(%arg6 : memref<128x128xf32, #tpu.memory_space<hbm>>) dst(%arg11 : memref<128x128xf32, #tpu.memory_space<vmem>>)
      tpu.yield
    }) : () -> ()
    %barrier3A_65 = arith.constant 0 : index
    tpu.barrier barrier_id(%barrier3A_65)
    "tpu.region"() ({
      %run_scoped3A = tpu.sem_alloc : memref<!tpu.dma_semaphore, #tpu.memory_space<semaphore_mem>>
      %dma_start3A_79 = arith.constant 0 : i32
      %dma_start3A_80 = arith.constant 0 : i32
      %dma_start3A_81 = tpu.memref_slice %arg4[%add3A, %dma_start3A_79, %dma_start3A_80] : memref<32x80x128xi32, #tpu.memory_space<hbm>> -> memref<1x40x128xi32, #tpu.memory_space<hbm>>
      %dma_start3A_82 = tpu.memref_squeeze %dma_start3A_81 : memref<1x40x128xi32, #tpu.memory_space<hbm>> -> memref<40x128xi32, #tpu.memory_space<hbm>>
      %dma_start3A_83 = arith.constant 0 : i32
      %dma_start3A_84 = arith.constant 0 : i32
      %dma_start3A_85 = tpu.memref_slice %arg4[%add3A, %dma_start3A_83, %dma_start3A_84] : memref<32x80x128xi32, #tpu.memory_space<hbm>> -> memref<1x40x128xi32, #tpu.memory_space<hbm>>
      %dma_start3A_86 = tpu.memref_squeeze %dma_start3A_85 : memref<1x40x128xi32, #tpu.memory_space<hbm>> -> memref<40x128xi32, #tpu.memory_space<hbm>>
      tpu.enqueue_dma source(%dma_start3A_86 : memref<40x128xi32, #tpu.memory_space<hbm>>) target(%arg10 : memref<40x128xi32, #tpu.memory_space<vmem>>) target_semaphore(%run_scoped3A : memref<!tpu.dma_semaphore, #tpu.memory_space<semaphore_mem>>)
      %dma_wait3A_87 = arith.constant 0 : i32
      %dma_wait3A_88 = arith.constant 0 : i32
      %dma_wait3A_89 = tpu.memref_slice %arg4[%add3A, %dma_wait3A_87, %dma_wait3A_88] : memref<32x80x128xi32, #tpu.memory_space<hbm>> -> memref<1x40x128xi32, #tpu.memory_space<hbm>>
      %dma_wait3A_90 = tpu.memref_squeeze %dma_wait3A_89 : memref<1x40x128xi32, #tpu.memory_space<hbm>> -> memref<40x128xi32, #tpu.memory_space<hbm>>
      %dma_wait3A_91 = arith.constant 0 : i32
      %dma_wait3A_92 = arith.constant 0 : i32
      %dma_wait3A_93 = tpu.memref_slice %arg4[%add3A, %dma_wait3A_91, %dma_wait3A_92] : memref<32x80x128xi32, #tpu.memory_space<hbm>> -> memref<1x40x128xi32, #tpu.memory_space<hbm>>
      %dma_wait3A_94 = tpu.memref_squeeze %dma_wait3A_93 : memref<1x40x128xi32, #tpu.memory_space<hbm>> -> memref<40x128xi32, #tpu.memory_space<hbm>>
      tpu.wait_dma2 semaphore(%run_scoped3A : memref<!tpu.dma_semaphore, #tpu.memory_space<semaphore_mem>>) src(%dma_wait3A_94 : memref<40x128xi32, #tpu.memory_space<hbm>>) dst(%arg10 : memref<40x128xi32, #tpu.memory_space<vmem>>)
      tpu.yield
    }) : () -> ()
    %scan3A_66 = arith.constant 0 : i32
    %scan3A_67 = arith.constant 0 : i32
    %scan3A_68 = arith.constant 20 : i32
    %scan3A_69 = arith.addi %scan3A_67, %scan3A_68 : i32
    %scan3A_70 = arith.constant 1 : i32
    scf.for %scan3A_79 = %scan3A_67 to %scan3A_69 step %scan3A_70  : i32 {
      %mul3A_80 = arith.constant 2 : i32
      %mul3A_81 = arith.muli %mul3A_80, %scan3A_79 : i32
      %dma_start3A_82 = arith.constant 0 : i32
      %dma_start3A_83 = tpu.memref_slice %arg10[%mul3A_81, %dma_start3A_82] : memref<40x128xi32, #tpu.memory_space<vmem>> -> memref<1x128xi32, #tpu.memory_space<vmem>>
      %dma_start3A_84 = tpu.memref_squeeze %dma_start3A_83 : memref<1x128xi32, #tpu.memory_space<vmem>> -> memref<128xi32, #tpu.memory_space<vmem>>
      %dma_start3A_85 = arith.constant 0 : i32
      %dma_start3A_86 = arith.constant 0 : i32
      %dma_start3A_87 = tpu.memref_slice %arg13[%dma_start3A_85, %dma_start3A_86] : memref<10240x128xf32, #tpu.memory_space<vmem_shared>> -> memref<10240x128xf32, #tpu.memory_space<vmem_shared>>
      tpu.enqueue_indirect_dma source(%arg11 : memref<128x128xf32, #tpu.memory_space<vmem>>) target(%dma_start3A_87 : memref<10240x128xf32, #tpu.memory_space<vmem_shared>>) offsets(%dma_start3A_84 : memref<128xi32, #tpu.memory_space<vmem>>) semaphore(%arg16 : memref<!tpu.dma_semaphore, #tpu.memory_space<semaphore_mem>>) {add = true}
      %add3A_88 = arith.constant 1 : i32
      %add3A_89 = arith.addi %mul3A_81, %add3A_88 : i32
      %dma_start3A_90 = arith.constant 0 : i32
      %dma_start3A_91 = tpu.memref_slice %arg10[%add3A_89, %dma_start3A_90] : memref<40x128xi32, #tpu.memory_space<vmem>> -> memref<1x128xi32, #tpu.memory_space<vmem>>
      %dma_start3A_92 = tpu.memref_squeeze %dma_start3A_91 : memref<1x128xi32, #tpu.memory_space<vmem>> -> memref<128xi32, #tpu.memory_space<vmem>>
      %dma_start3A_93 = arith.constant 0 : i32
      %dma_start3A_94 = arith.constant 0 : i32
      %dma_start3A_95 = tpu.memref_slice %arg13[%dma_start3A_93, %dma_start3A_94] : memref<10240x128xf32, #tpu.memory_space<vmem_shared>> -> memref<10240x128xf32, #tpu.memory_space<vmem_shared>>
      tpu.enqueue_indirect_dma source(%arg11 : memref<128x128xf32, #tpu.memory_space<vmem>>) target(%dma_start3A_95 : memref<10240x128xf32, #tpu.memory_space<vmem_shared>>) offsets(%dma_start3A_92 : memref<128xi32, #tpu.memory_space<vmem>>) semaphore(%arg17 : memref<!tpu.dma_semaphore, #tpu.memory_space<semaphore_mem>>) {add = true}
      %dma_wait3A_96 = arith.constant 0 : i32
      %dma_wait3A_97 = tpu.memref_slice %arg10[%mul3A_81, %dma_wait3A_96] : memref<40x128xi32, #tpu.memory_space<vmem>> -> memref<1x128xi32, #tpu.memory_space<vmem>>
      %dma_wait3A_98 = tpu.memref_squeeze %dma_wait3A_97 : memref<1x128xi32, #tpu.memory_space<vmem>> -> memref<128xi32, #tpu.memory_space<vmem>>
      %dma_wait3A_99 = arith.constant 0 : i32
      %dma_wait3A_100 = arith.constant 0 : i32
      %dma_wait3A_101 = tpu.memref_slice %arg13[%dma_wait3A_99, %dma_wait3A_100] : memref<10240x128xf32, #tpu.memory_space<vmem_shared>> -> memref<10240x128xf32, #tpu.memory_space<vmem_shared>>
      tpu.wait_indirect_dma semaphore(%arg16 : memref<!tpu.dma_semaphore, #tpu.memory_space<semaphore_mem>>) src(%arg11 : memref<128x128xf32, #tpu.memory_space<vmem>>) dst(%dma_wait3A_101 : memref<10240x128xf32, #tpu.memory_space<vmem_shared>>)
      %dma_wait3A_102 = arith.constant 0 : i32
      %dma_wait3A_103 = tpu.memref_slice %arg10[%add3A_89, %dma_wait3A_102] : memref<40x128xi32, #tpu.memory_space<vmem>> -> memref<1x128xi32, #tpu.memory_space<vmem>>
      %dma_wait3A_104 = tpu.memref_squeeze %dma_wait3A_103 : memref<1x128xi32, #tpu.memory_space<vmem>> -> memref<128xi32, #tpu.memory_space<vmem>>
      %dma_wait3A_105 = arith.constant 0 : i32
      %dma_wait3A_106 = arith.constant 0 : i32
      %dma_wait3A_107 = tpu.memref_slice %arg13[%dma_wait3A_105, %dma_wait3A_106] : memref<10240x128xf32, #tpu.memory_space<vmem_shared>> -> memref<10240x128xf32, #tpu.memory_space<vmem_shared>>
      tpu.wait_indirect_dma semaphore(%arg17 : memref<!tpu.dma_semaphore, #tpu.memory_space<semaphore_mem>>) src(%arg11 : memref<128x128xf32, #tpu.memory_space<vmem>>) dst(%dma_wait3A_107 : memref<10240x128xf32, #tpu.memory_space<vmem_shared>>)
    }
    %scan3A_71 = arith.constant 20 : i32
    "tpu.region"() ({
      %run_scoped3A = tpu.sem_alloc : memref<!tpu.dma_semaphore, #tpu.memory_space<semaphore_mem>>
      %dma_start3A_79 = arith.constant 40 : i32
      %dma_start3A_80 = arith.constant 0 : i32
      %dma_start3A_81 = tpu.memref_slice %arg4[%add3A, %dma_start3A_79, %dma_start3A_80] : memref<32x80x128xi32, #tpu.memory_space<hbm>> -> memref<1x40x128xi32, #tpu.memory_space<hbm>>
      %dma_start3A_82 = tpu.memref_squeeze %dma_start3A_81 : memref<1x40x128xi32, #tpu.memory_space<hbm>> -> memref<40x128xi32, #tpu.memory_space<hbm>>
      %dma_start3A_83 = arith.constant 40 : i32
      %dma_start3A_84 = arith.constant 0 : i32
      %dma_start3A_85 = tpu.memref_slice %arg4[%add3A, %dma_start3A_83, %dma_start3A_84] : memref<32x80x128xi32, #tpu.memory_space<hbm>> -> memref<1x40x128xi32, #tpu.memory_space<hbm>>
      %dma_start3A_86 = tpu.memref_squeeze %dma_start3A_85 : memref<1x40x128xi32, #tpu.memory_space<hbm>> -> memref<40x128xi32, #tpu.memory_space<hbm>>
      tpu.enqueue_dma source(%dma_start3A_86 : memref<40x128xi32, #tpu.memory_space<hbm>>) target(%arg10 : memref<40x128xi32, #tpu.memory_space<vmem>>) target_semaphore(%run_scoped3A : memref<!tpu.dma_semaphore, #tpu.memory_space<semaphore_mem>>)
      %dma_wait3A_87 = arith.constant 40 : i32
      %dma_wait3A_88 = arith.constant 0 : i32
      %dma_wait3A_89 = tpu.memref_slice %arg4[%add3A, %dma_wait3A_87, %dma_wait3A_88] : memref<32x80x128xi32, #tpu.memory_space<hbm>> -> memref<1x40x128xi32, #tpu.memory_space<hbm>>
      %dma_wait3A_90 = tpu.memref_squeeze %dma_wait3A_89 : memref<1x40x128xi32, #tpu.memory_space<hbm>> -> memref<40x128xi32, #tpu.memory_space<hbm>>
      %dma_wait3A_91 = arith.constant 40 : i32
      %dma_wait3A_92 = arith.constant 0 : i32
      %dma_wait3A_93 = tpu.memref_slice %arg4[%add3A, %dma_wait3A_91, %dma_wait3A_92] : memref<32x80x128xi32, #tpu.memory_space<hbm>> -> memref<1x40x128xi32, #tpu.memory_space<hbm>>
      %dma_wait3A_94 = tpu.memref_squeeze %dma_wait3A_93 : memref<1x40x128xi32, #tpu.memory_space<hbm>> -> memref<40x128xi32, #tpu.memory_space<hbm>>
      tpu.wait_dma2 semaphore(%run_scoped3A : memref<!tpu.dma_semaphore, #tpu.memory_space<semaphore_mem>>) src(%dma_wait3A_94 : memref<40x128xi32, #tpu.memory_space<hbm>>) dst(%arg10 : memref<40x128xi32, #tpu.memory_space<vmem>>)
      tpu.yield
    }) : () -> ()
    %scan3A_72 = arith.constant 0 : i32
    %scan3A_73 = arith.constant 0 : i32
    %scan3A_74 = arith.constant 20 : i32
    %scan3A_75 = arith.addi %scan3A_73, %scan3A_74 : i32
    %scan3A_76 = arith.constant 1 : i32
    scf.for %scan3A_79 = %scan3A_73 to %scan3A_75 step %scan3A_76  : i32 {
      %mul3A_80 = arith.constant 2 : i32
      %mul3A_81 = arith.muli %mul3A_80, %scan3A_79 : i32
      %dma_start3A_82 = arith.constant 0 : i32
      %dma_start3A_83 = tpu.memref_slice %arg10[%mul3A_81, %dma_start3A_82] : memref<40x128xi32, #tpu.memory_space<vmem>> -> memref<1x128xi32, #tpu.memory_space<vmem>>
      %dma_start3A_84 = tpu.memref_squeeze %dma_start3A_83 : memref<1x128xi32, #tpu.memory_space<vmem>> -> memref<128xi32, #tpu.memory_space<vmem>>
      %dma_start3A_85 = arith.constant 0 : i32
      %dma_start3A_86 = arith.constant 0 : i32
      %dma_start3A_87 = tpu.memref_slice %arg13[%dma_start3A_85, %dma_start3A_86] : memref<10240x128xf32, #tpu.memory_space<vmem_shared>> -> memref<10240x128xf32, #tpu.memory_space<vmem_shared>>
      tpu.enqueue_indirect_dma source(%arg11 : memref<128x128xf32, #tpu.memory_space<vmem>>) target(%dma_start3A_87 : memref<10240x128xf32, #tpu.memory_space<vmem_shared>>) offsets(%dma_start3A_84 : memref<128xi32, #tpu.memory_space<vmem>>) semaphore(%arg16 : memref<!tpu.dma_semaphore, #tpu.memory_space<semaphore_mem>>) {add = true}
      %add3A_88 = arith.constant 1 : i32
      %add3A_89 = arith.addi %mul3A_81, %add3A_88 : i32
      %dma_start3A_90 = arith.constant 0 : i32
      %dma_start3A_91 = tpu.memref_slice %arg10[%add3A_89, %dma_start3A_90] : memref<40x128xi32, #tpu.memory_space<vmem>> -> memref<1x128xi32, #tpu.memory_space<vmem>>
      %dma_start3A_92 = tpu.memref_squeeze %dma_start3A_91 : memref<1x128xi32, #tpu.memory_space<vmem>> -> memref<128xi32, #tpu.memory_space<vmem>>
      %dma_start3A_93 = arith.constant 0 : i32
      %dma_start3A_94 = arith.constant 0 : i32
      %dma_start3A_95 = tpu.memref_slice %arg13[%dma_start3A_93, %dma_start3A_94] : memref<10240x128xf32, #tpu.memory_space<vmem_shared>> -> memref<10240x128xf32, #tpu.memory_space<vmem_shared>>
      tpu.enqueue_indirect_dma source(%arg11 : memref<128x128xf32, #tpu.memory_space<vmem>>) target(%dma_start3A_95 : memref<10240x128xf32, #tpu.memory_space<vmem_shared>>) offsets(%dma_start3A_92 : memref<128xi32, #tpu.memory_space<vmem>>) semaphore(%arg17 : memref<!tpu.dma_semaphore, #tpu.memory_space<semaphore_mem>>) {add = true}
      %dma_wait3A_96 = arith.constant 0 : i32
      %dma_wait3A_97 = tpu.memref_slice %arg10[%mul3A_81, %dma_wait3A_96] : memref<40x128xi32, #tpu.memory_space<vmem>> -> memref<1x128xi32, #tpu.memory_space<vmem>>
      %dma_wait3A_98 = tpu.memref_squeeze %dma_wait3A_97 : memref<1x128xi32, #tpu.memory_space<vmem>> -> memref<128xi32, #tpu.memory_space<vmem>>
      %dma_wait3A_99 = arith.constant 0 : i32
      %dma_wait3A_100 = arith.constant 0 : i32
      %dma_wait3A_101 = tpu.memref_slice %arg13[%dma_wait3A_99, %dma_wait3A_100] : memref<10240x128xf32, #tpu.memory_space<vmem_shared>> -> memref<10240x128xf32, #tpu.memory_space<vmem_shared>>
      tpu.wait_indirect_dma semaphore(%arg16 : memref<!tpu.dma_semaphore, #tpu.memory_space<semaphore_mem>>) src(%arg11 : memref<128x128xf32, #tpu.memory_space<vmem>>) dst(%dma_wait3A_101 : memref<10240x128xf32, #tpu.memory_space<vmem_shared>>)
      %dma_wait3A_102 = arith.constant 0 : i32
      %dma_wait3A_103 = tpu.memref_slice %arg10[%add3A_89, %dma_wait3A_102] : memref<40x128xi32, #tpu.memory_space<vmem>> -> memref<1x128xi32, #tpu.memory_space<vmem>>
      %dma_wait3A_104 = tpu.memref_squeeze %dma_wait3A_103 : memref<1x128xi32, #tpu.memory_space<vmem>> -> memref<128xi32, #tpu.memory_space<vmem>>
      %dma_wait3A_105 = arith.constant 0 : i32
      %dma_wait3A_106 = arith.constant 0 : i32
      %dma_wait3A_107 = tpu.memref_slice %arg13[%dma_wait3A_105, %dma_wait3A_106] : memref<10240x128xf32, #tpu.memory_space<vmem_shared>> -> memref<10240x128xf32, #tpu.memory_space<vmem_shared>>
      tpu.wait_indirect_dma semaphore(%arg17 : memref<!tpu.dma_semaphore, #tpu.memory_space<semaphore_mem>>) src(%arg11 : memref<128x128xf32, #tpu.memory_space<vmem>>) dst(%dma_wait3A_107 : memref<10240x128xf32, #tpu.memory_space<vmem_shared>>)
    }
    %scan3A_77 = arith.constant 20 : i32
    %barrier3A_78 = arith.constant 0 : index
    tpu.barrier barrier_id(%barrier3A_78)
    "tpu.region"() ({
      %run_scoped3A = tpu.sem_alloc : memref<!tpu.dma_semaphore, #tpu.memory_space<semaphore_mem>>
      %dma_start3A_79 = arith.constant 0 : i32
      %dma_start3A_80 = tpu.memref_slice %arg8[%arg0, %mul3A_2, %dma_start3A_79] : memref<2x10240x128xf32, #tpu.memory_space<hbm>> -> memref<1x640x128xf32, #tpu.memory_space<hbm>>
      %dma_start3A_81 = tpu.memref_squeeze %dma_start3A_80 : memref<1x640x128xf32, #tpu.memory_space<hbm>> -> memref<640x128xf32, #tpu.memory_space<hbm>>
      %dma_start3A_82 = arith.constant 0 : i32
      %dma_start3A_83 = tpu.memref_slice %arg13[%mul3A_2, %dma_start3A_82] : memref<10240x128xf32, #tpu.memory_space<vmem_shared>> -> memref<640x128xf32, #tpu.memory_space<vmem_shared>>
      tpu.enqueue_dma source(%dma_start3A_83 : memref<640x128xf32, #tpu.memory_space<vmem_shared>>) target(%dma_start3A_81 : memref<640x128xf32, #tpu.memory_space<hbm>>) target_semaphore(%run_scoped3A : memref<!tpu.dma_semaphore, #tpu.memory_space<semaphore_mem>>)
      %dma_wait3A_84 = arith.constant 0 : i32
      %dma_wait3A_85 = tpu.memref_slice %arg8[%arg0, %mul3A_2, %dma_wait3A_84] : memref<2x10240x128xf32, #tpu.memory_space<hbm>> -> memref<1x640x128xf32, #tpu.memory_space<hbm>>
      %dma_wait3A_86 = tpu.memref_squeeze %dma_wait3A_85 : memref<1x640x128xf32, #tpu.memory_space<hbm>> -> memref<640x128xf32, #tpu.memory_space<hbm>>
      %dma_wait3A_87 = arith.constant 0 : i32
      %dma_wait3A_88 = tpu.memref_slice %arg13[%mul3A_2, %dma_wait3A_87] : memref<10240x128xf32, #tpu.memory_space<vmem_shared>> -> memref<640x128xf32, #tpu.memory_space<vmem_shared>>
      tpu.wait_dma2 semaphore(%run_scoped3A : memref<!tpu.dma_semaphore, #tpu.memory_space<semaphore_mem>>) src(%dma_wait3A_88 : memref<640x128xf32, #tpu.memory_space<vmem_shared>>) dst(%dma_wait3A_86 : memref<640x128xf32, #tpu.memory_space<hbm>>)
      tpu.yield
    }) : () -> ()
    return
  }
}

#map = affine_map<(d0, d1) -> (0, 0)>
#map1 = affine_map<(d0, d1) -> (0, 0, 0)>
module attributes {stable_mosaic.version = 14 : i64} {
  func.func @_agg(%arg0: i32, %arg1: i32, %arg2: memref<10240x128xf32, #tpu.memory_space<hbm>>, %arg3: memref<32x80x128xi32, #tpu.memory_space<hbm>>, %arg4: memref<32x80x128xi32, #tpu.memory_space<hbm>>, %arg5: memref<10240x128xf32, #tpu.memory_space<hbm>>, %arg6: memref<2x10240x128xf32, #tpu.memory_space<hbm>>, %arg7: memref<40x128xi32, #tpu.memory_space<vmem>>, %arg8: memref<40x128xi32, #tpu.memory_space<vmem>>, %arg9: memref<128x128xf32, #tpu.memory_space<vmem>>, %arg10: memref<128x128xf32, #tpu.memory_space<vmem>>, %arg11: memref<10240x128xf32, #tpu.memory_space<vmem_shared>>, %arg12: memref<!tpu.dma_semaphore, #tpu.memory_space<semaphore_mem>>, %arg13: memref<!tpu.dma_semaphore, #tpu.memory_space<semaphore_mem>>, %arg14: memref<!tpu.dma_semaphore, #tpu.memory_space<semaphore_mem>>, %arg15: memref<!tpu.dma_semaphore, #tpu.memory_space<semaphore_mem>>) attributes {dimension_semantics = [#tpu.dimension_semantics<core_parallel>, #tpu.dimension_semantics<subcore_parallel>], iteration_bounds = array<i64: 2, 16>, scalar_prefetch = 0 : i64, scratch_operands = 9 : i64, tpu.core_type = #tpu.core_type<sc_vector_subcore>, window_params = [{transform_indices = #map}, {transform_indices = #map1}, {transform_indices = #map1}, {transform_indices = #map}, {transform_indices = #map1}]} {
    %mul3A = arith.constant 2 : i32
    %mul3A_0 = arith.muli %arg1, %mul3A : i32
    %add3A = arith.addi %mul3A_0, %arg0 : i32
    %mul3A_1 = arith.constant 640 : i32
    %mul3A_2 = arith.muli %arg1, %mul3A_1 : i32
    "tpu.region"() ({
      %run_scoped3A = tpu.sem_alloc : memref<!tpu.dma_semaphore, #tpu.memory_space<semaphore_mem>>
      %dma_start3A_65 = arith.constant 0 : i32
      %dma_start3A_66 = tpu.memref_slice %arg11[%mul3A_2, %dma_start3A_65] : memref<10240x128xf32, #tpu.memory_space<vmem_shared>> -> memref<640x128xf32, #tpu.memory_space<vmem_shared>>
      %dma_start3A_67 = arith.constant 0 : i32
      %dma_start3A_68 = tpu.memref_slice %arg5[%mul3A_2, %dma_start3A_67] : memref<10240x128xf32, #tpu.memory_space<hbm>> -> memref<640x128xf32, #tpu.memory_space<hbm>>
      tpu.enqueue_dma source(%dma_start3A_68 : memref<640x128xf32, #tpu.memory_space<hbm>>) target(%dma_start3A_66 : memref<640x128xf32, #tpu.memory_space<vmem_shared>>) target_semaphore(%run_scoped3A : memref<!tpu.dma_semaphore, #tpu.memory_space<semaphore_mem>>)
      %dma_wait3A_69 = arith.constant 0 : i32
      %dma_wait3A_70 = tpu.memref_slice %arg11[%mul3A_2, %dma_wait3A_69] : memref<10240x128xf32, #tpu.memory_space<vmem_shared>> -> memref<640x128xf32, #tpu.memory_space<vmem_shared>>
      %dma_wait3A_71 = arith.constant 0 : i32
      %dma_wait3A_72 = tpu.memref_slice %arg5[%mul3A_2, %dma_wait3A_71] : memref<10240x128xf32, #tpu.memory_space<hbm>> -> memref<640x128xf32, #tpu.memory_space<hbm>>
      tpu.wait_dma2 semaphore(%run_scoped3A : memref<!tpu.dma_semaphore, #tpu.memory_space<semaphore_mem>>) src(%dma_wait3A_72 : memref<640x128xf32, #tpu.memory_space<hbm>>) dst(%dma_wait3A_70 : memref<640x128xf32, #tpu.memory_space<vmem_shared>>)
      tpu.yield
    }) : () -> ()
    %barrier3A = arith.constant 0 : index
    tpu.barrier barrier_id(%barrier3A)
    "tpu.region"() ({
      %run_scoped3A = tpu.sem_alloc : memref<!tpu.dma_semaphore, #tpu.memory_space<semaphore_mem>>
      %dma_start3A_65 = arith.constant 0 : i32
      %dma_start3A_66 = arith.constant 0 : i32
      %dma_start3A_67 = tpu.memref_slice %arg3[%add3A, %dma_start3A_65, %dma_start3A_66] : memref<32x80x128xi32, #tpu.memory_space<hbm>> -> memref<1x40x128xi32, #tpu.memory_space<hbm>>
      %dma_start3A_68 = tpu.memref_squeeze %dma_start3A_67 : memref<1x40x128xi32, #tpu.memory_space<hbm>> -> memref<40x128xi32, #tpu.memory_space<hbm>>
      %dma_start3A_69 = arith.constant 0 : i32
      %dma_start3A_70 = arith.constant 0 : i32
      %dma_start3A_71 = tpu.memref_slice %arg3[%add3A, %dma_start3A_69, %dma_start3A_70] : memref<32x80x128xi32, #tpu.memory_space<hbm>> -> memref<1x40x128xi32, #tpu.memory_space<hbm>>
      %dma_start3A_72 = tpu.memref_squeeze %dma_start3A_71 : memref<1x40x128xi32, #tpu.memory_space<hbm>> -> memref<40x128xi32, #tpu.memory_space<hbm>>
      tpu.enqueue_dma source(%dma_start3A_72 : memref<40x128xi32, #tpu.memory_space<hbm>>) target(%arg7 : memref<40x128xi32, #tpu.memory_space<vmem>>) target_semaphore(%run_scoped3A : memref<!tpu.dma_semaphore, #tpu.memory_space<semaphore_mem>>)
      %dma_wait3A_73 = arith.constant 0 : i32
      %dma_wait3A_74 = arith.constant 0 : i32
      %dma_wait3A_75 = tpu.memref_slice %arg3[%add3A, %dma_wait3A_73, %dma_wait3A_74] : memref<32x80x128xi32, #tpu.memory_space<hbm>> -> memref<1x40x128xi32, #tpu.memory_space<hbm>>
      %dma_wait3A_76 = tpu.memref_squeeze %dma_wait3A_75 : memref<1x40x128xi32, #tpu.memory_space<hbm>> -> memref<40x128xi32, #tpu.memory_space<hbm>>
      %dma_wait3A_77 = arith.constant 0 : i32
      %dma_wait3A_78 = arith.constant 0 : i32
      %dma_wait3A_79 = tpu.memref_slice %arg3[%add3A, %dma_wait3A_77, %dma_wait3A_78] : memref<32x80x128xi32, #tpu.memory_space<hbm>> -> memref<1x40x128xi32, #tpu.memory_space<hbm>>
      %dma_wait3A_80 = tpu.memref_squeeze %dma_wait3A_79 : memref<1x40x128xi32, #tpu.memory_space<hbm>> -> memref<40x128xi32, #tpu.memory_space<hbm>>
      tpu.wait_dma2 semaphore(%run_scoped3A : memref<!tpu.dma_semaphore, #tpu.memory_space<semaphore_mem>>) src(%dma_wait3A_80 : memref<40x128xi32, #tpu.memory_space<hbm>>) dst(%arg7 : memref<40x128xi32, #tpu.memory_space<vmem>>)
      tpu.yield
    }) : () -> ()
    "tpu.region"() ({
      %run_scoped3A = tpu.sem_alloc : memref<!tpu.dma_semaphore, #tpu.memory_space<semaphore_mem>>
      %dma_start3A_65 = arith.constant 0 : i32
      %dma_start3A_66 = arith.constant 0 : i32
      %dma_start3A_67 = tpu.memref_slice %arg4[%add3A, %dma_start3A_65, %dma_start3A_66] : memref<32x80x128xi32, #tpu.memory_space<hbm>> -> memref<1x40x128xi32, #tpu.memory_space<hbm>>
      %dma_start3A_68 = tpu.memref_squeeze %dma_start3A_67 : memref<1x40x128xi32, #tpu.memory_space<hbm>> -> memref<40x128xi32, #tpu.memory_space<hbm>>
      %dma_start3A_69 = arith.constant 0 : i32
      %dma_start3A_70 = arith.constant 0 : i32
      %dma_start3A_71 = tpu.memref_slice %arg4[%add3A, %dma_start3A_69, %dma_start3A_70] : memref<32x80x128xi32, #tpu.memory_space<hbm>> -> memref<1x40x128xi32, #tpu.memory_space<hbm>>
      %dma_start3A_72 = tpu.memref_squeeze %dma_start3A_71 : memref<1x40x128xi32, #tpu.memory_space<hbm>> -> memref<40x128xi32, #tpu.memory_space<hbm>>
      tpu.enqueue_dma source(%dma_start3A_72 : memref<40x128xi32, #tpu.memory_space<hbm>>) target(%arg8 : memref<40x128xi32, #tpu.memory_space<vmem>>) target_semaphore(%run_scoped3A : memref<!tpu.dma_semaphore, #tpu.memory_space<semaphore_mem>>)
      %dma_wait3A_73 = arith.constant 0 : i32
      %dma_wait3A_74 = arith.constant 0 : i32
      %dma_wait3A_75 = tpu.memref_slice %arg4[%add3A, %dma_wait3A_73, %dma_wait3A_74] : memref<32x80x128xi32, #tpu.memory_space<hbm>> -> memref<1x40x128xi32, #tpu.memory_space<hbm>>
      %dma_wait3A_76 = tpu.memref_squeeze %dma_wait3A_75 : memref<1x40x128xi32, #tpu.memory_space<hbm>> -> memref<40x128xi32, #tpu.memory_space<hbm>>
      %dma_wait3A_77 = arith.constant 0 : i32
      %dma_wait3A_78 = arith.constant 0 : i32
      %dma_wait3A_79 = tpu.memref_slice %arg4[%add3A, %dma_wait3A_77, %dma_wait3A_78] : memref<32x80x128xi32, #tpu.memory_space<hbm>> -> memref<1x40x128xi32, #tpu.memory_space<hbm>>
      %dma_wait3A_80 = tpu.memref_squeeze %dma_wait3A_79 : memref<1x40x128xi32, #tpu.memory_space<hbm>> -> memref<40x128xi32, #tpu.memory_space<hbm>>
      tpu.wait_dma2 semaphore(%run_scoped3A : memref<!tpu.dma_semaphore, #tpu.memory_space<semaphore_mem>>) src(%dma_wait3A_80 : memref<40x128xi32, #tpu.memory_space<hbm>>) dst(%arg8 : memref<40x128xi32, #tpu.memory_space<vmem>>)
      tpu.yield
    }) : () -> ()
    %dma_start3A = arith.constant 0 : i32
    %dma_start3A_3 = arith.constant 0 : i32
    %dma_start3A_4 = tpu.memref_slice %arg7[%dma_start3A, %dma_start3A_3] : memref<40x128xi32, #tpu.memory_space<vmem>> -> memref<1x128xi32, #tpu.memory_space<vmem>>
    %dma_start3A_5 = tpu.memref_squeeze %dma_start3A_4 : memref<1x128xi32, #tpu.memory_space<vmem>> -> memref<128xi32, #tpu.memory_space<vmem>>
    %dma_start3A_6 = arith.constant 0 : i32
    %dma_start3A_7 = arith.constant 0 : i32
    %dma_start3A_8 = tpu.memref_slice %arg2[%dma_start3A_6, %dma_start3A_7] : memref<10240x128xf32, #tpu.memory_space<hbm>> -> memref<10240x128xf32, #tpu.memory_space<hbm>>
    tpu.enqueue_indirect_dma source(%dma_start3A_8 : memref<10240x128xf32, #tpu.memory_space<hbm>>) target(%arg9 : memref<128x128xf32, #tpu.memory_space<vmem>>) offsets(%dma_start3A_5 : memref<128xi32, #tpu.memory_space<vmem>>) semaphore(%arg12 : memref<!tpu.dma_semaphore, #tpu.memory_space<semaphore_mem>>)
    %dma_start3A_9 = arith.constant 1 : i32
    %dma_start3A_10 = arith.constant 0 : i32
    %dma_start3A_11 = tpu.memref_slice %arg7[%dma_start3A_9, %dma_start3A_10] : memref<40x128xi32, #tpu.memory_space<vmem>> -> memref<1x128xi32, #tpu.memory_space<vmem>>
    %dma_start3A_12 = tpu.memref_squeeze %dma_start3A_11 : memref<1x128xi32, #tpu.memory_space<vmem>> -> memref<128xi32, #tpu.memory_space<vmem>>
    %dma_start3A_13 = arith.constant 0 : i32
    %dma_start3A_14 = arith.constant 0 : i32
    %dma_start3A_15 = tpu.memref_slice %arg2[%dma_start3A_13, %dma_start3A_14] : memref<10240x128xf32, #tpu.memory_space<hbm>> -> memref<10240x128xf32, #tpu.memory_space<hbm>>
    tpu.enqueue_indirect_dma source(%dma_start3A_15 : memref<10240x128xf32, #tpu.memory_space<hbm>>) target(%arg10 : memref<128x128xf32, #tpu.memory_space<vmem>>) offsets(%dma_start3A_12 : memref<128xi32, #tpu.memory_space<vmem>>) semaphore(%arg13 : memref<!tpu.dma_semaphore, #tpu.memory_space<semaphore_mem>>)
    %scan3A = arith.constant 0 : i32
    %scan3A_16 = arith.constant 0 : i32
    %scan3A_17 = arith.constant 20 : i32
    %scan3A_18 = arith.addi %scan3A_16, %scan3A_17 : i32
    %scan3A_19 = arith.constant 1 : i32
    scf.for %scan3A_65 = %scan3A_16 to %scan3A_18 step %scan3A_19  : i32 {
      %mul3A_66 = arith.constant 2 : i32
      %mul3A_67 = arith.muli %mul3A_66, %scan3A_65 : i32
      %add3A_68 = arith.constant 2 : i32
      %add3A_69 = arith.addi %mul3A_67, %add3A_68 : i32
      %min3A = arith.constant 39 : i32
      %min3A_70 = arith.minsi %add3A_69, %min3A : i32
      %add3A_71 = arith.constant 3 : i32
      %add3A_72 = arith.addi %mul3A_67, %add3A_71 : i32
      %min3A_73 = arith.constant 39 : i32
      %min3A_74 = arith.minsi %add3A_72, %min3A_73 : i32
      %dma_wait3A_75 = arith.constant 0 : i32
      %dma_wait3A_76 = arith.constant 0 : i32
      %dma_wait3A_77 = tpu.memref_slice %arg5[%dma_wait3A_75, %dma_wait3A_76] : memref<10240x128xf32, #tpu.memory_space<hbm>> -> memref<128x128xf32, #tpu.memory_space<hbm>>
      %dma_wait3A_78 = arith.constant 0 : i32
      %dma_wait3A_79 = arith.constant 0 : i32
      %dma_wait3A_80 = tpu.memref_slice %arg5[%dma_wait3A_78, %dma_wait3A_79] : memref<10240x128xf32, #tpu.memory_space<hbm>> -> memref<128x128xf32, #tpu.memory_space<hbm>>
      tpu.wait_dma2 semaphore(%arg12 : memref<!tpu.dma_semaphore, #tpu.memory_space<semaphore_mem>>) src(%dma_wait3A_80 : memref<128x128xf32, #tpu.memory_space<hbm>>) dst(%arg9 : memref<128x128xf32, #tpu.memory_space<vmem>>)
      %dma_start3A_81 = arith.constant 0 : i32
      %dma_start3A_82 = tpu.memref_slice %arg8[%mul3A_67, %dma_start3A_81] : memref<40x128xi32, #tpu.memory_space<vmem>> -> memref<1x128xi32, #tpu.memory_space<vmem>>
      %dma_start3A_83 = tpu.memref_squeeze %dma_start3A_82 : memref<1x128xi32, #tpu.memory_space<vmem>> -> memref<128xi32, #tpu.memory_space<vmem>>
      %dma_start3A_84 = arith.constant 0 : i32
      %dma_start3A_85 = arith.constant 0 : i32
      %dma_start3A_86 = tpu.memref_slice %arg11[%dma_start3A_84, %dma_start3A_85] : memref<10240x128xf32, #tpu.memory_space<vmem_shared>> -> memref<10240x128xf32, #tpu.memory_space<vmem_shared>>
      tpu.enqueue_indirect_dma source(%arg9 : memref<128x128xf32, #tpu.memory_space<vmem>>) target(%dma_start3A_86 : memref<10240x128xf32, #tpu.memory_space<vmem_shared>>) offsets(%dma_start3A_83 : memref<128xi32, #tpu.memory_space<vmem>>) semaphore(%arg14 : memref<!tpu.dma_semaphore, #tpu.memory_space<semaphore_mem>>) {add = true}
      %dma_wait3A_87 = arith.constant 0 : i32
      %dma_wait3A_88 = arith.constant 0 : i32
      %dma_wait3A_89 = tpu.memref_slice %arg5[%dma_wait3A_87, %dma_wait3A_88] : memref<10240x128xf32, #tpu.memory_space<hbm>> -> memref<128x128xf32, #tpu.memory_space<hbm>>
      %dma_wait3A_90 = arith.constant 0 : i32
      %dma_wait3A_91 = arith.constant 0 : i32
      %dma_wait3A_92 = tpu.memref_slice %arg5[%dma_wait3A_90, %dma_wait3A_91] : memref<10240x128xf32, #tpu.memory_space<hbm>> -> memref<128x128xf32, #tpu.memory_space<hbm>>
      tpu.wait_dma2 semaphore(%arg13 : memref<!tpu.dma_semaphore, #tpu.memory_space<semaphore_mem>>) src(%dma_wait3A_92 : memref<128x128xf32, #tpu.memory_space<hbm>>) dst(%arg10 : memref<128x128xf32, #tpu.memory_space<vmem>>)
      %add3A_93 = arith.constant 1 : i32
      %add3A_94 = arith.addi %mul3A_67, %add3A_93 : i32
      %dma_start3A_95 = arith.constant 0 : i32
      %dma_start3A_96 = tpu.memref_slice %arg8[%add3A_94, %dma_start3A_95] : memref<40x128xi32, #tpu.memory_space<vmem>> -> memref<1x128xi32, #tpu.memory_space<vmem>>
      %dma_start3A_97 = tpu.memref_squeeze %dma_start3A_96 : memref<1x128xi32, #tpu.memory_space<vmem>> -> memref<128xi32, #tpu.memory_space<vmem>>
      %dma_start3A_98 = arith.constant 0 : i32
      %dma_start3A_99 = arith.constant 0 : i32
      %dma_start3A_100 = tpu.memref_slice %arg11[%dma_start3A_98, %dma_start3A_99] : memref<10240x128xf32, #tpu.memory_space<vmem_shared>> -> memref<10240x128xf32, #tpu.memory_space<vmem_shared>>
      tpu.enqueue_indirect_dma source(%arg10 : memref<128x128xf32, #tpu.memory_space<vmem>>) target(%dma_start3A_100 : memref<10240x128xf32, #tpu.memory_space<vmem_shared>>) offsets(%dma_start3A_97 : memref<128xi32, #tpu.memory_space<vmem>>) semaphore(%arg15 : memref<!tpu.dma_semaphore, #tpu.memory_space<semaphore_mem>>) {add = true}
      %dma_wait3A_101 = arith.constant 0 : i32
      %dma_wait3A_102 = tpu.memref_slice %arg8[%mul3A_67, %dma_wait3A_101] : memref<40x128xi32, #tpu.memory_space<vmem>> -> memref<1x128xi32, #tpu.memory_space<vmem>>
      %dma_wait3A_103 = tpu.memref_squeeze %dma_wait3A_102 : memref<1x128xi32, #tpu.memory_space<vmem>> -> memref<128xi32, #tpu.memory_space<vmem>>
      %dma_wait3A_104 = arith.constant 0 : i32
      %dma_wait3A_105 = arith.constant 0 : i32
      %dma_wait3A_106 = tpu.memref_slice %arg11[%dma_wait3A_104, %dma_wait3A_105] : memref<10240x128xf32, #tpu.memory_space<vmem_shared>> -> memref<10240x128xf32, #tpu.memory_space<vmem_shared>>
      tpu.wait_indirect_dma semaphore(%arg14 : memref<!tpu.dma_semaphore, #tpu.memory_space<semaphore_mem>>) src(%arg9 : memref<128x128xf32, #tpu.memory_space<vmem>>) dst(%dma_wait3A_106 : memref<10240x128xf32, #tpu.memory_space<vmem_shared>>)
      %dma_start3A_107 = arith.constant 0 : i32
      %dma_start3A_108 = tpu.memref_slice %arg7[%min3A_70, %dma_start3A_107] : memref<40x128xi32, #tpu.memory_space<vmem>> -> memref<1x128xi32, #tpu.memory_space<vmem>>
      %dma_start3A_109 = tpu.memref_squeeze %dma_start3A_108 : memref<1x128xi32, #tpu.memory_space<vmem>> -> memref<128xi32, #tpu.memory_space<vmem>>
      %dma_start3A_110 = arith.constant 0 : i32
      %dma_start3A_111 = arith.constant 0 : i32
      %dma_start3A_112 = tpu.memref_slice %arg2[%dma_start3A_110, %dma_start3A_111] : memref<10240x128xf32, #tpu.memory_space<hbm>> -> memref<10240x128xf32, #tpu.memory_space<hbm>>
      tpu.enqueue_indirect_dma source(%dma_start3A_112 : memref<10240x128xf32, #tpu.memory_space<hbm>>) target(%arg9 : memref<128x128xf32, #tpu.memory_space<vmem>>) offsets(%dma_start3A_109 : memref<128xi32, #tpu.memory_space<vmem>>) semaphore(%arg12 : memref<!tpu.dma_semaphore, #tpu.memory_space<semaphore_mem>>)
      %dma_wait3A_113 = arith.constant 0 : i32
      %dma_wait3A_114 = tpu.memref_slice %arg8[%add3A_94, %dma_wait3A_113] : memref<40x128xi32, #tpu.memory_space<vmem>> -> memref<1x128xi32, #tpu.memory_space<vmem>>
      %dma_wait3A_115 = tpu.memref_squeeze %dma_wait3A_114 : memref<1x128xi32, #tpu.memory_space<vmem>> -> memref<128xi32, #tpu.memory_space<vmem>>
      %dma_wait3A_116 = arith.constant 0 : i32
      %dma_wait3A_117 = arith.constant 0 : i32
      %dma_wait3A_118 = tpu.memref_slice %arg11[%dma_wait3A_116, %dma_wait3A_117] : memref<10240x128xf32, #tpu.memory_space<vmem_shared>> -> memref<10240x128xf32, #tpu.memory_space<vmem_shared>>
      tpu.wait_indirect_dma semaphore(%arg15 : memref<!tpu.dma_semaphore, #tpu.memory_space<semaphore_mem>>) src(%arg10 : memref<128x128xf32, #tpu.memory_space<vmem>>) dst(%dma_wait3A_118 : memref<10240x128xf32, #tpu.memory_space<vmem_shared>>)
      %dma_start3A_119 = arith.constant 0 : i32
      %dma_start3A_120 = tpu.memref_slice %arg7[%min3A_74, %dma_start3A_119] : memref<40x128xi32, #tpu.memory_space<vmem>> -> memref<1x128xi32, #tpu.memory_space<vmem>>
      %dma_start3A_121 = tpu.memref_squeeze %dma_start3A_120 : memref<1x128xi32, #tpu.memory_space<vmem>> -> memref<128xi32, #tpu.memory_space<vmem>>
      %dma_start3A_122 = arith.constant 0 : i32
      %dma_start3A_123 = arith.constant 0 : i32
      %dma_start3A_124 = tpu.memref_slice %arg2[%dma_start3A_122, %dma_start3A_123] : memref<10240x128xf32, #tpu.memory_space<hbm>> -> memref<10240x128xf32, #tpu.memory_space<hbm>>
      tpu.enqueue_indirect_dma source(%dma_start3A_124 : memref<10240x128xf32, #tpu.memory_space<hbm>>) target(%arg10 : memref<128x128xf32, #tpu.memory_space<vmem>>) offsets(%dma_start3A_121 : memref<128xi32, #tpu.memory_space<vmem>>) semaphore(%arg13 : memref<!tpu.dma_semaphore, #tpu.memory_space<semaphore_mem>>)
    }
    %scan3A_20 = arith.constant 20 : i32
    %dma_wait3A = arith.constant 0 : i32
    %dma_wait3A_21 = arith.constant 0 : i32
    %dma_wait3A_22 = tpu.memref_slice %arg5[%dma_wait3A, %dma_wait3A_21] : memref<10240x128xf32, #tpu.memory_space<hbm>> -> memref<128x128xf32, #tpu.memory_space<hbm>>
    %dma_wait3A_23 = arith.constant 0 : i32
    %dma_wait3A_24 = arith.constant 0 : i32
    %dma_wait3A_25 = tpu.memref_slice %arg5[%dma_wait3A_23, %dma_wait3A_24] : memref<10240x128xf32, #tpu.memory_space<hbm>> -> memref<128x128xf32, #tpu.memory_space<hbm>>
    tpu.wait_dma2 semaphore(%arg12 : memref<!tpu.dma_semaphore, #tpu.memory_space<semaphore_mem>>) src(%dma_wait3A_25 : memref<128x128xf32, #tpu.memory_space<hbm>>) dst(%arg9 : memref<128x128xf32, #tpu.memory_space<vmem>>)
    %dma_wait3A_26 = arith.constant 0 : i32
    %dma_wait3A_27 = arith.constant 0 : i32
    %dma_wait3A_28 = tpu.memref_slice %arg5[%dma_wait3A_26, %dma_wait3A_27] : memref<10240x128xf32, #tpu.memory_space<hbm>> -> memref<128x128xf32, #tpu.memory_space<hbm>>
    %dma_wait3A_29 = arith.constant 0 : i32
    %dma_wait3A_30 = arith.constant 0 : i32
    %dma_wait3A_31 = tpu.memref_slice %arg5[%dma_wait3A_29, %dma_wait3A_30] : memref<10240x128xf32, #tpu.memory_space<hbm>> -> memref<128x128xf32, #tpu.memory_space<hbm>>
    tpu.wait_dma2 semaphore(%arg13 : memref<!tpu.dma_semaphore, #tpu.memory_space<semaphore_mem>>) src(%dma_wait3A_31 : memref<128x128xf32, #tpu.memory_space<hbm>>) dst(%arg10 : memref<128x128xf32, #tpu.memory_space<vmem>>)
    "tpu.region"() ({
      %run_scoped3A = tpu.sem_alloc : memref<!tpu.dma_semaphore, #tpu.memory_space<semaphore_mem>>
      %dma_start3A_65 = arith.constant 40 : i32
      %dma_start3A_66 = arith.constant 0 : i32
      %dma_start3A_67 = tpu.memref_slice %arg3[%add3A, %dma_start3A_65, %dma_start3A_66] : memref<32x80x128xi32, #tpu.memory_space<hbm>> -> memref<1x40x128xi32, #tpu.memory_space<hbm>>
      %dma_start3A_68 = tpu.memref_squeeze %dma_start3A_67 : memref<1x40x128xi32, #tpu.memory_space<hbm>> -> memref<40x128xi32, #tpu.memory_space<hbm>>
      %dma_start3A_69 = arith.constant 40 : i32
      %dma_start3A_70 = arith.constant 0 : i32
      %dma_start3A_71 = tpu.memref_slice %arg3[%add3A, %dma_start3A_69, %dma_start3A_70] : memref<32x80x128xi32, #tpu.memory_space<hbm>> -> memref<1x40x128xi32, #tpu.memory_space<hbm>>
      %dma_start3A_72 = tpu.memref_squeeze %dma_start3A_71 : memref<1x40x128xi32, #tpu.memory_space<hbm>> -> memref<40x128xi32, #tpu.memory_space<hbm>>
      tpu.enqueue_dma source(%dma_start3A_72 : memref<40x128xi32, #tpu.memory_space<hbm>>) target(%arg7 : memref<40x128xi32, #tpu.memory_space<vmem>>) target_semaphore(%run_scoped3A : memref<!tpu.dma_semaphore, #tpu.memory_space<semaphore_mem>>)
      %dma_wait3A_73 = arith.constant 40 : i32
      %dma_wait3A_74 = arith.constant 0 : i32
      %dma_wait3A_75 = tpu.memref_slice %arg3[%add3A, %dma_wait3A_73, %dma_wait3A_74] : memref<32x80x128xi32, #tpu.memory_space<hbm>> -> memref<1x40x128xi32, #tpu.memory_space<hbm>>
      %dma_wait3A_76 = tpu.memref_squeeze %dma_wait3A_75 : memref<1x40x128xi32, #tpu.memory_space<hbm>> -> memref<40x128xi32, #tpu.memory_space<hbm>>
      %dma_wait3A_77 = arith.constant 40 : i32
      %dma_wait3A_78 = arith.constant 0 : i32
      %dma_wait3A_79 = tpu.memref_slice %arg3[%add3A, %dma_wait3A_77, %dma_wait3A_78] : memref<32x80x128xi32, #tpu.memory_space<hbm>> -> memref<1x40x128xi32, #tpu.memory_space<hbm>>
      %dma_wait3A_80 = tpu.memref_squeeze %dma_wait3A_79 : memref<1x40x128xi32, #tpu.memory_space<hbm>> -> memref<40x128xi32, #tpu.memory_space<hbm>>
      tpu.wait_dma2 semaphore(%run_scoped3A : memref<!tpu.dma_semaphore, #tpu.memory_space<semaphore_mem>>) src(%dma_wait3A_80 : memref<40x128xi32, #tpu.memory_space<hbm>>) dst(%arg7 : memref<40x128xi32, #tpu.memory_space<vmem>>)
      tpu.yield
    }) : () -> ()
    "tpu.region"() ({
      %run_scoped3A = tpu.sem_alloc : memref<!tpu.dma_semaphore, #tpu.memory_space<semaphore_mem>>
      %dma_start3A_65 = arith.constant 40 : i32
      %dma_start3A_66 = arith.constant 0 : i32
      %dma_start3A_67 = tpu.memref_slice %arg4[%add3A, %dma_start3A_65, %dma_start3A_66] : memref<32x80x128xi32, #tpu.memory_space<hbm>> -> memref<1x40x128xi32, #tpu.memory_space<hbm>>
      %dma_start3A_68 = tpu.memref_squeeze %dma_start3A_67 : memref<1x40x128xi32, #tpu.memory_space<hbm>> -> memref<40x128xi32, #tpu.memory_space<hbm>>
      %dma_start3A_69 = arith.constant 40 : i32
      %dma_start3A_70 = arith.constant 0 : i32
      %dma_start3A_71 = tpu.memref_slice %arg4[%add3A, %dma_start3A_69, %dma_start3A_70] : memref<32x80x128xi32, #tpu.memory_space<hbm>> -> memref<1x40x128xi32, #tpu.memory_space<hbm>>
      %dma_start3A_72 = tpu.memref_squeeze %dma_start3A_71 : memref<1x40x128xi32, #tpu.memory_space<hbm>> -> memref<40x128xi32, #tpu.memory_space<hbm>>
      tpu.enqueue_dma source(%dma_start3A_72 : memref<40x128xi32, #tpu.memory_space<hbm>>) target(%arg8 : memref<40x128xi32, #tpu.memory_space<vmem>>) target_semaphore(%run_scoped3A : memref<!tpu.dma_semaphore, #tpu.memory_space<semaphore_mem>>)
      %dma_wait3A_73 = arith.constant 40 : i32
      %dma_wait3A_74 = arith.constant 0 : i32
      %dma_wait3A_75 = tpu.memref_slice %arg4[%add3A, %dma_wait3A_73, %dma_wait3A_74] : memref<32x80x128xi32, #tpu.memory_space<hbm>> -> memref<1x40x128xi32, #tpu.memory_space<hbm>>
      %dma_wait3A_76 = tpu.memref_squeeze %dma_wait3A_75 : memref<1x40x128xi32, #tpu.memory_space<hbm>> -> memref<40x128xi32, #tpu.memory_space<hbm>>
      %dma_wait3A_77 = arith.constant 40 : i32
      %dma_wait3A_78 = arith.constant 0 : i32
      %dma_wait3A_79 = tpu.memref_slice %arg4[%add3A, %dma_wait3A_77, %dma_wait3A_78] : memref<32x80x128xi32, #tpu.memory_space<hbm>> -> memref<1x40x128xi32, #tpu.memory_space<hbm>>
      %dma_wait3A_80 = tpu.memref_squeeze %dma_wait3A_79 : memref<1x40x128xi32, #tpu.memory_space<hbm>> -> memref<40x128xi32, #tpu.memory_space<hbm>>
      tpu.wait_dma2 semaphore(%run_scoped3A : memref<!tpu.dma_semaphore, #tpu.memory_space<semaphore_mem>>) src(%dma_wait3A_80 : memref<40x128xi32, #tpu.memory_space<hbm>>) dst(%arg8 : memref<40x128xi32, #tpu.memory_space<vmem>>)
      tpu.yield
    }) : () -> ()
    %dma_start3A_32 = arith.constant 0 : i32
    %dma_start3A_33 = arith.constant 0 : i32
    %dma_start3A_34 = tpu.memref_slice %arg7[%dma_start3A_32, %dma_start3A_33] : memref<40x128xi32, #tpu.memory_space<vmem>> -> memref<1x128xi32, #tpu.memory_space<vmem>>
    %dma_start3A_35 = tpu.memref_squeeze %dma_start3A_34 : memref<1x128xi32, #tpu.memory_space<vmem>> -> memref<128xi32, #tpu.memory_space<vmem>>
    %dma_start3A_36 = arith.constant 0 : i32
    %dma_start3A_37 = arith.constant 0 : i32
    %dma_start3A_38 = tpu.memref_slice %arg2[%dma_start3A_36, %dma_start3A_37] : memref<10240x128xf32, #tpu.memory_space<hbm>> -> memref<10240x128xf32, #tpu.memory_space<hbm>>
    tpu.enqueue_indirect_dma source(%dma_start3A_38 : memref<10240x128xf32, #tpu.memory_space<hbm>>) target(%arg9 : memref<128x128xf32, #tpu.memory_space<vmem>>) offsets(%dma_start3A_35 : memref<128xi32, #tpu.memory_space<vmem>>) semaphore(%arg12 : memref<!tpu.dma_semaphore, #tpu.memory_space<semaphore_mem>>)
    %dma_start3A_39 = arith.constant 1 : i32
    %dma_start3A_40 = arith.constant 0 : i32
    %dma_start3A_41 = tpu.memref_slice %arg7[%dma_start3A_39, %dma_start3A_40] : memref<40x128xi32, #tpu.memory_space<vmem>> -> memref<1x128xi32, #tpu.memory_space<vmem>>
    %dma_start3A_42 = tpu.memref_squeeze %dma_start3A_41 : memref<1x128xi32, #tpu.memory_space<vmem>> -> memref<128xi32, #tpu.memory_space<vmem>>
    %dma_start3A_43 = arith.constant 0 : i32
    %dma_start3A_44 = arith.constant 0 : i32
    %dma_start3A_45 = tpu.memref_slice %arg2[%dma_start3A_43, %dma_start3A_44] : memref<10240x128xf32, #tpu.memory_space<hbm>> -> memref<10240x128xf32, #tpu.memory_space<hbm>>
    tpu.enqueue_indirect_dma source(%dma_start3A_45 : memref<10240x128xf32, #tpu.memory_space<hbm>>) target(%arg10 : memref<128x128xf32, #tpu.memory_space<vmem>>) offsets(%dma_start3A_42 : memref<128xi32, #tpu.memory_space<vmem>>) semaphore(%arg13 : memref<!tpu.dma_semaphore, #tpu.memory_space<semaphore_mem>>)
    %scan3A_46 = arith.constant 0 : i32
    %scan3A_47 = arith.constant 0 : i32
    %scan3A_48 = arith.constant 20 : i32
    %scan3A_49 = arith.addi %scan3A_47, %scan3A_48 : i32
    %scan3A_50 = arith.constant 1 : i32
    scf.for %scan3A_65 = %scan3A_47 to %scan3A_49 step %scan3A_50  : i32 {
      %mul3A_66 = arith.constant 2 : i32
      %mul3A_67 = arith.muli %mul3A_66, %scan3A_65 : i32
      %add3A_68 = arith.constant 2 : i32
      %add3A_69 = arith.addi %mul3A_67, %add3A_68 : i32
      %min3A = arith.constant 39 : i32
      %min3A_70 = arith.minsi %add3A_69, %min3A : i32
      %add3A_71 = arith.constant 3 : i32
      %add3A_72 = arith.addi %mul3A_67, %add3A_71 : i32
      %min3A_73 = arith.constant 39 : i32
      %min3A_74 = arith.minsi %add3A_72, %min3A_73 : i32
      %dma_wait3A_75 = arith.constant 0 : i32
      %dma_wait3A_76 = arith.constant 0 : i32
      %dma_wait3A_77 = tpu.memref_slice %arg5[%dma_wait3A_75, %dma_wait3A_76] : memref<10240x128xf32, #tpu.memory_space<hbm>> -> memref<128x128xf32, #tpu.memory_space<hbm>>
      %dma_wait3A_78 = arith.constant 0 : i32
      %dma_wait3A_79 = arith.constant 0 : i32
      %dma_wait3A_80 = tpu.memref_slice %arg5[%dma_wait3A_78, %dma_wait3A_79] : memref<10240x128xf32, #tpu.memory_space<hbm>> -> memref<128x128xf32, #tpu.memory_space<hbm>>
      tpu.wait_dma2 semaphore(%arg12 : memref<!tpu.dma_semaphore, #tpu.memory_space<semaphore_mem>>) src(%dma_wait3A_80 : memref<128x128xf32, #tpu.memory_space<hbm>>) dst(%arg9 : memref<128x128xf32, #tpu.memory_space<vmem>>)
      %dma_start3A_81 = arith.constant 0 : i32
      %dma_start3A_82 = tpu.memref_slice %arg8[%mul3A_67, %dma_start3A_81] : memref<40x128xi32, #tpu.memory_space<vmem>> -> memref<1x128xi32, #tpu.memory_space<vmem>>
      %dma_start3A_83 = tpu.memref_squeeze %dma_start3A_82 : memref<1x128xi32, #tpu.memory_space<vmem>> -> memref<128xi32, #tpu.memory_space<vmem>>
      %dma_start3A_84 = arith.constant 0 : i32
      %dma_start3A_85 = arith.constant 0 : i32
      %dma_start3A_86 = tpu.memref_slice %arg11[%dma_start3A_84, %dma_start3A_85] : memref<10240x128xf32, #tpu.memory_space<vmem_shared>> -> memref<10240x128xf32, #tpu.memory_space<vmem_shared>>
      tpu.enqueue_indirect_dma source(%arg9 : memref<128x128xf32, #tpu.memory_space<vmem>>) target(%dma_start3A_86 : memref<10240x128xf32, #tpu.memory_space<vmem_shared>>) offsets(%dma_start3A_83 : memref<128xi32, #tpu.memory_space<vmem>>) semaphore(%arg14 : memref<!tpu.dma_semaphore, #tpu.memory_space<semaphore_mem>>) {add = true}
      %dma_wait3A_87 = arith.constant 0 : i32
      %dma_wait3A_88 = arith.constant 0 : i32
      %dma_wait3A_89 = tpu.memref_slice %arg5[%dma_wait3A_87, %dma_wait3A_88] : memref<10240x128xf32, #tpu.memory_space<hbm>> -> memref<128x128xf32, #tpu.memory_space<hbm>>
      %dma_wait3A_90 = arith.constant 0 : i32
      %dma_wait3A_91 = arith.constant 0 : i32
      %dma_wait3A_92 = tpu.memref_slice %arg5[%dma_wait3A_90, %dma_wait3A_91] : memref<10240x128xf32, #tpu.memory_space<hbm>> -> memref<128x128xf32, #tpu.memory_space<hbm>>
      tpu.wait_dma2 semaphore(%arg13 : memref<!tpu.dma_semaphore, #tpu.memory_space<semaphore_mem>>) src(%dma_wait3A_92 : memref<128x128xf32, #tpu.memory_space<hbm>>) dst(%arg10 : memref<128x128xf32, #tpu.memory_space<vmem>>)
      %add3A_93 = arith.constant 1 : i32
      %add3A_94 = arith.addi %mul3A_67, %add3A_93 : i32
      %dma_start3A_95 = arith.constant 0 : i32
      %dma_start3A_96 = tpu.memref_slice %arg8[%add3A_94, %dma_start3A_95] : memref<40x128xi32, #tpu.memory_space<vmem>> -> memref<1x128xi32, #tpu.memory_space<vmem>>
      %dma_start3A_97 = tpu.memref_squeeze %dma_start3A_96 : memref<1x128xi32, #tpu.memory_space<vmem>> -> memref<128xi32, #tpu.memory_space<vmem>>
      %dma_start3A_98 = arith.constant 0 : i32
      %dma_start3A_99 = arith.constant 0 : i32
      %dma_start3A_100 = tpu.memref_slice %arg11[%dma_start3A_98, %dma_start3A_99] : memref<10240x128xf32, #tpu.memory_space<vmem_shared>> -> memref<10240x128xf32, #tpu.memory_space<vmem_shared>>
      tpu.enqueue_indirect_dma source(%arg10 : memref<128x128xf32, #tpu.memory_space<vmem>>) target(%dma_start3A_100 : memref<10240x128xf32, #tpu.memory_space<vmem_shared>>) offsets(%dma_start3A_97 : memref<128xi32, #tpu.memory_space<vmem>>) semaphore(%arg15 : memref<!tpu.dma_semaphore, #tpu.memory_space<semaphore_mem>>) {add = true}
      %dma_wait3A_101 = arith.constant 0 : i32
      %dma_wait3A_102 = tpu.memref_slice %arg8[%mul3A_67, %dma_wait3A_101] : memref<40x128xi32, #tpu.memory_space<vmem>> -> memref<1x128xi32, #tpu.memory_space<vmem>>
      %dma_wait3A_103 = tpu.memref_squeeze %dma_wait3A_102 : memref<1x128xi32, #tpu.memory_space<vmem>> -> memref<128xi32, #tpu.memory_space<vmem>>
      %dma_wait3A_104 = arith.constant 0 : i32
      %dma_wait3A_105 = arith.constant 0 : i32
      %dma_wait3A_106 = tpu.memref_slice %arg11[%dma_wait3A_104, %dma_wait3A_105] : memref<10240x128xf32, #tpu.memory_space<vmem_shared>> -> memref<10240x128xf32, #tpu.memory_space<vmem_shared>>
      tpu.wait_indirect_dma semaphore(%arg14 : memref<!tpu.dma_semaphore, #tpu.memory_space<semaphore_mem>>) src(%arg9 : memref<128x128xf32, #tpu.memory_space<vmem>>) dst(%dma_wait3A_106 : memref<10240x128xf32, #tpu.memory_space<vmem_shared>>)
      %dma_start3A_107 = arith.constant 0 : i32
      %dma_start3A_108 = tpu.memref_slice %arg7[%min3A_70, %dma_start3A_107] : memref<40x128xi32, #tpu.memory_space<vmem>> -> memref<1x128xi32, #tpu.memory_space<vmem>>
      %dma_start3A_109 = tpu.memref_squeeze %dma_start3A_108 : memref<1x128xi32, #tpu.memory_space<vmem>> -> memref<128xi32, #tpu.memory_space<vmem>>
      %dma_start3A_110 = arith.constant 0 : i32
      %dma_start3A_111 = arith.constant 0 : i32
      %dma_start3A_112 = tpu.memref_slice %arg2[%dma_start3A_110, %dma_start3A_111] : memref<10240x128xf32, #tpu.memory_space<hbm>> -> memref<10240x128xf32, #tpu.memory_space<hbm>>
      tpu.enqueue_indirect_dma source(%dma_start3A_112 : memref<10240x128xf32, #tpu.memory_space<hbm>>) target(%arg9 : memref<128x128xf32, #tpu.memory_space<vmem>>) offsets(%dma_start3A_109 : memref<128xi32, #tpu.memory_space<vmem>>) semaphore(%arg12 : memref<!tpu.dma_semaphore, #tpu.memory_space<semaphore_mem>>)
      %dma_wait3A_113 = arith.constant 0 : i32
      %dma_wait3A_114 = tpu.memref_slice %arg8[%add3A_94, %dma_wait3A_113] : memref<40x128xi32, #tpu.memory_space<vmem>> -> memref<1x128xi32, #tpu.memory_space<vmem>>
      %dma_wait3A_115 = tpu.memref_squeeze %dma_wait3A_114 : memref<1x128xi32, #tpu.memory_space<vmem>> -> memref<128xi32, #tpu.memory_space<vmem>>
      %dma_wait3A_116 = arith.constant 0 : i32
      %dma_wait3A_117 = arith.constant 0 : i32
      %dma_wait3A_118 = tpu.memref_slice %arg11[%dma_wait3A_116, %dma_wait3A_117] : memref<10240x128xf32, #tpu.memory_space<vmem_shared>> -> memref<10240x128xf32, #tpu.memory_space<vmem_shared>>
      tpu.wait_indirect_dma semaphore(%arg15 : memref<!tpu.dma_semaphore, #tpu.memory_space<semaphore_mem>>) src(%arg10 : memref<128x128xf32, #tpu.memory_space<vmem>>) dst(%dma_wait3A_118 : memref<10240x128xf32, #tpu.memory_space<vmem_shared>>)
      %dma_start3A_119 = arith.constant 0 : i32
      %dma_start3A_120 = tpu.memref_slice %arg7[%min3A_74, %dma_start3A_119] : memref<40x128xi32, #tpu.memory_space<vmem>> -> memref<1x128xi32, #tpu.memory_space<vmem>>
      %dma_start3A_121 = tpu.memref_squeeze %dma_start3A_120 : memref<1x128xi32, #tpu.memory_space<vmem>> -> memref<128xi32, #tpu.memory_space<vmem>>
      %dma_start3A_122 = arith.constant 0 : i32
      %dma_start3A_123 = arith.constant 0 : i32
      %dma_start3A_124 = tpu.memref_slice %arg2[%dma_start3A_122, %dma_start3A_123] : memref<10240x128xf32, #tpu.memory_space<hbm>> -> memref<10240x128xf32, #tpu.memory_space<hbm>>
      tpu.enqueue_indirect_dma source(%dma_start3A_124 : memref<10240x128xf32, #tpu.memory_space<hbm>>) target(%arg10 : memref<128x128xf32, #tpu.memory_space<vmem>>) offsets(%dma_start3A_121 : memref<128xi32, #tpu.memory_space<vmem>>) semaphore(%arg13 : memref<!tpu.dma_semaphore, #tpu.memory_space<semaphore_mem>>)
    }
    %scan3A_51 = arith.constant 20 : i32
    %dma_wait3A_52 = arith.constant 0 : i32
    %dma_wait3A_53 = arith.constant 0 : i32
    %dma_wait3A_54 = tpu.memref_slice %arg5[%dma_wait3A_52, %dma_wait3A_53] : memref<10240x128xf32, #tpu.memory_space<hbm>> -> memref<128x128xf32, #tpu.memory_space<hbm>>
    %dma_wait3A_55 = arith.constant 0 : i32
    %dma_wait3A_56 = arith.constant 0 : i32
    %dma_wait3A_57 = tpu.memref_slice %arg5[%dma_wait3A_55, %dma_wait3A_56] : memref<10240x128xf32, #tpu.memory_space<hbm>> -> memref<128x128xf32, #tpu.memory_space<hbm>>
    tpu.wait_dma2 semaphore(%arg12 : memref<!tpu.dma_semaphore, #tpu.memory_space<semaphore_mem>>) src(%dma_wait3A_57 : memref<128x128xf32, #tpu.memory_space<hbm>>) dst(%arg9 : memref<128x128xf32, #tpu.memory_space<vmem>>)
    %dma_wait3A_58 = arith.constant 0 : i32
    %dma_wait3A_59 = arith.constant 0 : i32
    %dma_wait3A_60 = tpu.memref_slice %arg5[%dma_wait3A_58, %dma_wait3A_59] : memref<10240x128xf32, #tpu.memory_space<hbm>> -> memref<128x128xf32, #tpu.memory_space<hbm>>
    %dma_wait3A_61 = arith.constant 0 : i32
    %dma_wait3A_62 = arith.constant 0 : i32
    %dma_wait3A_63 = tpu.memref_slice %arg5[%dma_wait3A_61, %dma_wait3A_62] : memref<10240x128xf32, #tpu.memory_space<hbm>> -> memref<128x128xf32, #tpu.memory_space<hbm>>
    tpu.wait_dma2 semaphore(%arg13 : memref<!tpu.dma_semaphore, #tpu.memory_space<semaphore_mem>>) src(%dma_wait3A_63 : memref<128x128xf32, #tpu.memory_space<hbm>>) dst(%arg10 : memref<128x128xf32, #tpu.memory_space<vmem>>)
    %barrier3A_64 = arith.constant 0 : index
    tpu.barrier barrier_id(%barrier3A_64)
    "tpu.region"() ({
      %run_scoped3A = tpu.sem_alloc : memref<!tpu.dma_semaphore, #tpu.memory_space<semaphore_mem>>
      %dma_start3A_65 = arith.constant 0 : i32
      %dma_start3A_66 = tpu.memref_slice %arg6[%arg0, %mul3A_2, %dma_start3A_65] : memref<2x10240x128xf32, #tpu.memory_space<hbm>> -> memref<1x640x128xf32, #tpu.memory_space<hbm>>
      %dma_start3A_67 = tpu.memref_squeeze %dma_start3A_66 : memref<1x640x128xf32, #tpu.memory_space<hbm>> -> memref<640x128xf32, #tpu.memory_space<hbm>>
      %dma_start3A_68 = arith.constant 0 : i32
      %dma_start3A_69 = tpu.memref_slice %arg11[%mul3A_2, %dma_start3A_68] : memref<10240x128xf32, #tpu.memory_space<vmem_shared>> -> memref<640x128xf32, #tpu.memory_space<vmem_shared>>
      tpu.enqueue_dma source(%dma_start3A_69 : memref<640x128xf32, #tpu.memory_space<vmem_shared>>) target(%dma_start3A_67 : memref<640x128xf32, #tpu.memory_space<hbm>>) target_semaphore(%run_scoped3A : memref<!tpu.dma_semaphore, #tpu.memory_space<semaphore_mem>>)
      %dma_wait3A_70 = arith.constant 0 : i32
      %dma_wait3A_71 = tpu.memref_slice %arg6[%arg0, %mul3A_2, %dma_wait3A_70] : memref<2x10240x128xf32, #tpu.memory_space<hbm>> -> memref<1x640x128xf32, #tpu.memory_space<hbm>>
      %dma_wait3A_72 = tpu.memref_squeeze %dma_wait3A_71 : memref<1x640x128xf32, #tpu.memory_space<hbm>> -> memref<640x128xf32, #tpu.memory_space<hbm>>
      %dma_wait3A_73 = arith.constant 0 : i32
      %dma_wait3A_74 = tpu.memref_slice %arg11[%mul3A_2, %dma_wait3A_73] : memref<10240x128xf32, #tpu.memory_space<vmem_shared>> -> memref<640x128xf32, #tpu.memory_space<vmem_shared>>
      tpu.wait_dma2 semaphore(%run_scoped3A : memref<!tpu.dma_semaphore, #tpu.memory_space<semaphore_mem>>) src(%dma_wait3A_74 : memref<640x128xf32, #tpu.memory_space<vmem_shared>>) dst(%dma_wait3A_72 : memref<640x128xf32, #tpu.memory_space<hbm>>)
      tpu.yield
    }) : () -> ()
    return
  }
}

#map = affine_map<(d0, d1) -> (0, 0)>
#map1 = affine_map<(d0, d1) -> (0, 0, 0)>
module attributes {stable_mosaic.version = 14 : i64} {
  func.func @_agg(%arg0: i32, %arg1: i32, %arg2: memref<10240x128xf32, #tpu.memory_space<hbm>>, %arg3: memref<32x80x128xi32, #tpu.memory_space<hbm>>, %arg4: memref<32x80x128xi32, #tpu.memory_space<hbm>>, %arg5: memref<10240x128xf32, #tpu.memory_space<hbm>>, %arg6: memref<2x10240x128xf32, #tpu.memory_space<hbm>>, %arg7: memref<40x128xi32, #tpu.memory_space<vmem>>, %arg8: memref<40x128xi32, #tpu.memory_space<vmem>>, %arg9: memref<128x128xf32, #tpu.memory_space<vmem>>, %arg10: memref<128x128xf32, #tpu.memory_space<vmem>>, %arg11: memref<10240x128xf32, #tpu.memory_space<vmem_shared>>, %arg12: memref<!tpu.dma_semaphore, #tpu.memory_space<semaphore_mem>>, %arg13: memref<!tpu.dma_semaphore, #tpu.memory_space<semaphore_mem>>, %arg14: memref<!tpu.dma_semaphore, #tpu.memory_space<semaphore_mem>>, %arg15: memref<!tpu.dma_semaphore, #tpu.memory_space<semaphore_mem>>) attributes {dimension_semantics = [#tpu.dimension_semantics<core_parallel>, #tpu.dimension_semantics<subcore_parallel>], iteration_bounds = array<i64: 2, 16>, scalar_prefetch = 0 : i64, scratch_operands = 9 : i64, tpu.core_type = #tpu.core_type<sc_vector_subcore>, window_params = [{transform_indices = #map}, {transform_indices = #map1}, {transform_indices = #map1}, {transform_indices = #map}, {transform_indices = #map1}]} {
    %mul3A = arith.constant 2 : i32
    %mul3A_0 = arith.muli %arg1, %mul3A : i32
    %add3A = arith.addi %mul3A_0, %arg0 : i32
    %mul3A_1 = arith.constant 640 : i32
    %mul3A_2 = arith.muli %arg1, %mul3A_1 : i32
    "tpu.region"() ({
      %run_scoped3A = tpu.sem_alloc : memref<!tpu.dma_semaphore, #tpu.memory_space<semaphore_mem>>
      %dma_start3A_65 = arith.constant 0 : i32
      %dma_start3A_66 = tpu.memref_slice %arg11[%mul3A_2, %dma_start3A_65] : memref<10240x128xf32, #tpu.memory_space<vmem_shared>> -> memref<640x128xf32, #tpu.memory_space<vmem_shared>>
      %dma_start3A_67 = arith.constant 0 : i32
      %dma_start3A_68 = tpu.memref_slice %arg5[%mul3A_2, %dma_start3A_67] : memref<10240x128xf32, #tpu.memory_space<hbm>> -> memref<640x128xf32, #tpu.memory_space<hbm>>
      tpu.enqueue_dma source(%dma_start3A_68 : memref<640x128xf32, #tpu.memory_space<hbm>>) target(%dma_start3A_66 : memref<640x128xf32, #tpu.memory_space<vmem_shared>>) target_semaphore(%run_scoped3A : memref<!tpu.dma_semaphore, #tpu.memory_space<semaphore_mem>>)
      %dma_wait3A_69 = arith.constant 0 : i32
      %dma_wait3A_70 = tpu.memref_slice %arg11[%mul3A_2, %dma_wait3A_69] : memref<10240x128xf32, #tpu.memory_space<vmem_shared>> -> memref<640x128xf32, #tpu.memory_space<vmem_shared>>
      %dma_wait3A_71 = arith.constant 0 : i32
      %dma_wait3A_72 = tpu.memref_slice %arg5[%mul3A_2, %dma_wait3A_71] : memref<10240x128xf32, #tpu.memory_space<hbm>> -> memref<640x128xf32, #tpu.memory_space<hbm>>
      tpu.wait_dma2 semaphore(%run_scoped3A : memref<!tpu.dma_semaphore, #tpu.memory_space<semaphore_mem>>) src(%dma_wait3A_72 : memref<640x128xf32, #tpu.memory_space<hbm>>) dst(%dma_wait3A_70 : memref<640x128xf32, #tpu.memory_space<vmem_shared>>)
      tpu.yield
    }) : () -> ()
    %barrier3A = arith.constant 0 : index
    tpu.barrier barrier_id(%barrier3A)
    "tpu.region"() ({
      %run_scoped3A = tpu.sem_alloc : memref<!tpu.dma_semaphore, #tpu.memory_space<semaphore_mem>>
      %dma_start3A_65 = arith.constant 0 : i32
      %dma_start3A_66 = arith.constant 0 : i32
      %dma_start3A_67 = tpu.memref_slice %arg3[%add3A, %dma_start3A_65, %dma_start3A_66] : memref<32x80x128xi32, #tpu.memory_space<hbm>> -> memref<1x40x128xi32, #tpu.memory_space<hbm>>
      %dma_start3A_68 = tpu.memref_squeeze %dma_start3A_67 : memref<1x40x128xi32, #tpu.memory_space<hbm>> -> memref<40x128xi32, #tpu.memory_space<hbm>>
      %dma_start3A_69 = arith.constant 0 : i32
      %dma_start3A_70 = arith.constant 0 : i32
      %dma_start3A_71 = tpu.memref_slice %arg3[%add3A, %dma_start3A_69, %dma_start3A_70] : memref<32x80x128xi32, #tpu.memory_space<hbm>> -> memref<1x40x128xi32, #tpu.memory_space<hbm>>
      %dma_start3A_72 = tpu.memref_squeeze %dma_start3A_71 : memref<1x40x128xi32, #tpu.memory_space<hbm>> -> memref<40x128xi32, #tpu.memory_space<hbm>>
      tpu.enqueue_dma source(%dma_start3A_72 : memref<40x128xi32, #tpu.memory_space<hbm>>) target(%arg7 : memref<40x128xi32, #tpu.memory_space<vmem>>) target_semaphore(%run_scoped3A : memref<!tpu.dma_semaphore, #tpu.memory_space<semaphore_mem>>)
      %dma_wait3A_73 = arith.constant 0 : i32
      %dma_wait3A_74 = arith.constant 0 : i32
      %dma_wait3A_75 = tpu.memref_slice %arg3[%add3A, %dma_wait3A_73, %dma_wait3A_74] : memref<32x80x128xi32, #tpu.memory_space<hbm>> -> memref<1x40x128xi32, #tpu.memory_space<hbm>>
      %dma_wait3A_76 = tpu.memref_squeeze %dma_wait3A_75 : memref<1x40x128xi32, #tpu.memory_space<hbm>> -> memref<40x128xi32, #tpu.memory_space<hbm>>
      %dma_wait3A_77 = arith.constant 0 : i32
      %dma_wait3A_78 = arith.constant 0 : i32
      %dma_wait3A_79 = tpu.memref_slice %arg3[%add3A, %dma_wait3A_77, %dma_wait3A_78] : memref<32x80x128xi32, #tpu.memory_space<hbm>> -> memref<1x40x128xi32, #tpu.memory_space<hbm>>
      %dma_wait3A_80 = tpu.memref_squeeze %dma_wait3A_79 : memref<1x40x128xi32, #tpu.memory_space<hbm>> -> memref<40x128xi32, #tpu.memory_space<hbm>>
      tpu.wait_dma2 semaphore(%run_scoped3A : memref<!tpu.dma_semaphore, #tpu.memory_space<semaphore_mem>>) src(%dma_wait3A_80 : memref<40x128xi32, #tpu.memory_space<hbm>>) dst(%arg7 : memref<40x128xi32, #tpu.memory_space<vmem>>)
      tpu.yield
    }) : () -> ()
    "tpu.region"() ({
      %run_scoped3A = tpu.sem_alloc : memref<!tpu.dma_semaphore, #tpu.memory_space<semaphore_mem>>
      %dma_start3A_65 = arith.constant 0 : i32
      %dma_start3A_66 = arith.constant 0 : i32
      %dma_start3A_67 = tpu.memref_slice %arg4[%add3A, %dma_start3A_65, %dma_start3A_66] : memref<32x80x128xi32, #tpu.memory_space<hbm>> -> memref<1x40x128xi32, #tpu.memory_space<hbm>>
      %dma_start3A_68 = tpu.memref_squeeze %dma_start3A_67 : memref<1x40x128xi32, #tpu.memory_space<hbm>> -> memref<40x128xi32, #tpu.memory_space<hbm>>
      %dma_start3A_69 = arith.constant 0 : i32
      %dma_start3A_70 = arith.constant 0 : i32
      %dma_start3A_71 = tpu.memref_slice %arg4[%add3A, %dma_start3A_69, %dma_start3A_70] : memref<32x80x128xi32, #tpu.memory_space<hbm>> -> memref<1x40x128xi32, #tpu.memory_space<hbm>>
      %dma_start3A_72 = tpu.memref_squeeze %dma_start3A_71 : memref<1x40x128xi32, #tpu.memory_space<hbm>> -> memref<40x128xi32, #tpu.memory_space<hbm>>
      tpu.enqueue_dma source(%dma_start3A_72 : memref<40x128xi32, #tpu.memory_space<hbm>>) target(%arg8 : memref<40x128xi32, #tpu.memory_space<vmem>>) target_semaphore(%run_scoped3A : memref<!tpu.dma_semaphore, #tpu.memory_space<semaphore_mem>>)
      %dma_wait3A_73 = arith.constant 0 : i32
      %dma_wait3A_74 = arith.constant 0 : i32
      %dma_wait3A_75 = tpu.memref_slice %arg4[%add3A, %dma_wait3A_73, %dma_wait3A_74] : memref<32x80x128xi32, #tpu.memory_space<hbm>> -> memref<1x40x128xi32, #tpu.memory_space<hbm>>
      %dma_wait3A_76 = tpu.memref_squeeze %dma_wait3A_75 : memref<1x40x128xi32, #tpu.memory_space<hbm>> -> memref<40x128xi32, #tpu.memory_space<hbm>>
      %dma_wait3A_77 = arith.constant 0 : i32
      %dma_wait3A_78 = arith.constant 0 : i32
      %dma_wait3A_79 = tpu.memref_slice %arg4[%add3A, %dma_wait3A_77, %dma_wait3A_78] : memref<32x80x128xi32, #tpu.memory_space<hbm>> -> memref<1x40x128xi32, #tpu.memory_space<hbm>>
      %dma_wait3A_80 = tpu.memref_squeeze %dma_wait3A_79 : memref<1x40x128xi32, #tpu.memory_space<hbm>> -> memref<40x128xi32, #tpu.memory_space<hbm>>
      tpu.wait_dma2 semaphore(%run_scoped3A : memref<!tpu.dma_semaphore, #tpu.memory_space<semaphore_mem>>) src(%dma_wait3A_80 : memref<40x128xi32, #tpu.memory_space<hbm>>) dst(%arg8 : memref<40x128xi32, #tpu.memory_space<vmem>>)
      tpu.yield
    }) : () -> ()
    %dma_start3A = arith.constant 0 : i32
    %dma_start3A_3 = arith.constant 0 : i32
    %dma_start3A_4 = tpu.memref_slice %arg7[%dma_start3A, %dma_start3A_3] : memref<40x128xi32, #tpu.memory_space<vmem>> -> memref<1x128xi32, #tpu.memory_space<vmem>>
    %dma_start3A_5 = tpu.memref_squeeze %dma_start3A_4 : memref<1x128xi32, #tpu.memory_space<vmem>> -> memref<128xi32, #tpu.memory_space<vmem>>
    %dma_start3A_6 = arith.constant 0 : i32
    %dma_start3A_7 = arith.constant 0 : i32
    %dma_start3A_8 = tpu.memref_slice %arg2[%dma_start3A_6, %dma_start3A_7] : memref<10240x128xf32, #tpu.memory_space<hbm>> -> memref<10240x128xf32, #tpu.memory_space<hbm>>
    tpu.enqueue_indirect_dma source(%dma_start3A_8 : memref<10240x128xf32, #tpu.memory_space<hbm>>) target(%arg9 : memref<128x128xf32, #tpu.memory_space<vmem>>) offsets(%dma_start3A_5 : memref<128xi32, #tpu.memory_space<vmem>>) semaphore(%arg12 : memref<!tpu.dma_semaphore, #tpu.memory_space<semaphore_mem>>)
    %dma_start3A_9 = arith.constant 1 : i32
    %dma_start3A_10 = arith.constant 0 : i32
    %dma_start3A_11 = tpu.memref_slice %arg7[%dma_start3A_9, %dma_start3A_10] : memref<40x128xi32, #tpu.memory_space<vmem>> -> memref<1x128xi32, #tpu.memory_space<vmem>>
    %dma_start3A_12 = tpu.memref_squeeze %dma_start3A_11 : memref<1x128xi32, #tpu.memory_space<vmem>> -> memref<128xi32, #tpu.memory_space<vmem>>
    %dma_start3A_13 = arith.constant 0 : i32
    %dma_start3A_14 = arith.constant 0 : i32
    %dma_start3A_15 = tpu.memref_slice %arg2[%dma_start3A_13, %dma_start3A_14] : memref<10240x128xf32, #tpu.memory_space<hbm>> -> memref<10240x128xf32, #tpu.memory_space<hbm>>
    tpu.enqueue_indirect_dma source(%dma_start3A_15 : memref<10240x128xf32, #tpu.memory_space<hbm>>) target(%arg10 : memref<128x128xf32, #tpu.memory_space<vmem>>) offsets(%dma_start3A_12 : memref<128xi32, #tpu.memory_space<vmem>>) semaphore(%arg13 : memref<!tpu.dma_semaphore, #tpu.memory_space<semaphore_mem>>)
    %scan3A = arith.constant 0 : i32
    %scan3A_16 = arith.constant 0 : i32
    %scan3A_17 = arith.constant 20 : i32
    %scan3A_18 = arith.addi %scan3A_16, %scan3A_17 : i32
    %scan3A_19 = arith.constant 1 : i32
    scf.for %scan3A_65 = %scan3A_16 to %scan3A_18 step %scan3A_19  : i32 {
      %mul3A_66 = arith.constant 2 : i32
      %mul3A_67 = arith.muli %mul3A_66, %scan3A_65 : i32
      %add3A_68 = arith.constant 2 : i32
      %add3A_69 = arith.addi %mul3A_67, %add3A_68 : i32
      %min3A = arith.constant 39 : i32
      %min3A_70 = arith.minsi %add3A_69, %min3A : i32
      %add3A_71 = arith.constant 3 : i32
      %add3A_72 = arith.addi %mul3A_67, %add3A_71 : i32
      %min3A_73 = arith.constant 39 : i32
      %min3A_74 = arith.minsi %add3A_72, %min3A_73 : i32
      %dma_wait3A_75 = arith.constant 0 : i32
      %dma_wait3A_76 = arith.constant 0 : i32
      %dma_wait3A_77 = tpu.memref_slice %arg5[%dma_wait3A_75, %dma_wait3A_76] : memref<10240x128xf32, #tpu.memory_space<hbm>> -> memref<128x128xf32, #tpu.memory_space<hbm>>
      %dma_wait3A_78 = arith.constant 0 : i32
      %dma_wait3A_79 = arith.constant 0 : i32
      %dma_wait3A_80 = tpu.memref_slice %arg5[%dma_wait3A_78, %dma_wait3A_79] : memref<10240x128xf32, #tpu.memory_space<hbm>> -> memref<128x128xf32, #tpu.memory_space<hbm>>
      tpu.wait_dma2 semaphore(%arg12 : memref<!tpu.dma_semaphore, #tpu.memory_space<semaphore_mem>>) src(%dma_wait3A_80 : memref<128x128xf32, #tpu.memory_space<hbm>>) dst(%arg9 : memref<128x128xf32, #tpu.memory_space<vmem>>)
      %dma_start3A_81 = arith.constant 0 : i32
      %dma_start3A_82 = tpu.memref_slice %arg8[%mul3A_67, %dma_start3A_81] : memref<40x128xi32, #tpu.memory_space<vmem>> -> memref<1x128xi32, #tpu.memory_space<vmem>>
      %dma_start3A_83 = tpu.memref_squeeze %dma_start3A_82 : memref<1x128xi32, #tpu.memory_space<vmem>> -> memref<128xi32, #tpu.memory_space<vmem>>
      %dma_start3A_84 = arith.constant 0 : i32
      %dma_start3A_85 = arith.constant 0 : i32
      %dma_start3A_86 = tpu.memref_slice %arg11[%dma_start3A_84, %dma_start3A_85] : memref<10240x128xf32, #tpu.memory_space<vmem_shared>> -> memref<10240x128xf32, #tpu.memory_space<vmem_shared>>
      tpu.enqueue_indirect_dma source(%arg9 : memref<128x128xf32, #tpu.memory_space<vmem>>) target(%dma_start3A_86 : memref<10240x128xf32, #tpu.memory_space<vmem_shared>>) offsets(%dma_start3A_83 : memref<128xi32, #tpu.memory_space<vmem>>) semaphore(%arg14 : memref<!tpu.dma_semaphore, #tpu.memory_space<semaphore_mem>>) {add = true}
      %dma_wait3A_87 = arith.constant 0 : i32
      %dma_wait3A_88 = arith.constant 0 : i32
      %dma_wait3A_89 = tpu.memref_slice %arg5[%dma_wait3A_87, %dma_wait3A_88] : memref<10240x128xf32, #tpu.memory_space<hbm>> -> memref<128x128xf32, #tpu.memory_space<hbm>>
      %dma_wait3A_90 = arith.constant 0 : i32
      %dma_wait3A_91 = arith.constant 0 : i32
      %dma_wait3A_92 = tpu.memref_slice %arg5[%dma_wait3A_90, %dma_wait3A_91] : memref<10240x128xf32, #tpu.memory_space<hbm>> -> memref<128x128xf32, #tpu.memory_space<hbm>>
      tpu.wait_dma2 semaphore(%arg13 : memref<!tpu.dma_semaphore, #tpu.memory_space<semaphore_mem>>) src(%dma_wait3A_92 : memref<128x128xf32, #tpu.memory_space<hbm>>) dst(%arg10 : memref<128x128xf32, #tpu.memory_space<vmem>>)
      %add3A_93 = arith.constant 1 : i32
      %add3A_94 = arith.addi %mul3A_67, %add3A_93 : i32
      %dma_start3A_95 = arith.constant 0 : i32
      %dma_start3A_96 = tpu.memref_slice %arg8[%add3A_94, %dma_start3A_95] : memref<40x128xi32, #tpu.memory_space<vmem>> -> memref<1x128xi32, #tpu.memory_space<vmem>>
      %dma_start3A_97 = tpu.memref_squeeze %dma_start3A_96 : memref<1x128xi32, #tpu.memory_space<vmem>> -> memref<128xi32, #tpu.memory_space<vmem>>
      %dma_start3A_98 = arith.constant 0 : i32
      %dma_start3A_99 = arith.constant 0 : i32
      %dma_start3A_100 = tpu.memref_slice %arg11[%dma_start3A_98, %dma_start3A_99] : memref<10240x128xf32, #tpu.memory_space<vmem_shared>> -> memref<10240x128xf32, #tpu.memory_space<vmem_shared>>
      tpu.enqueue_indirect_dma source(%arg10 : memref<128x128xf32, #tpu.memory_space<vmem>>) target(%dma_start3A_100 : memref<10240x128xf32, #tpu.memory_space<vmem_shared>>) offsets(%dma_start3A_97 : memref<128xi32, #tpu.memory_space<vmem>>) semaphore(%arg15 : memref<!tpu.dma_semaphore, #tpu.memory_space<semaphore_mem>>) {add = true}
      %dma_wait3A_101 = arith.constant 0 : i32
      %dma_wait3A_102 = tpu.memref_slice %arg8[%mul3A_67, %dma_wait3A_101] : memref<40x128xi32, #tpu.memory_space<vmem>> -> memref<1x128xi32, #tpu.memory_space<vmem>>
      %dma_wait3A_103 = tpu.memref_squeeze %dma_wait3A_102 : memref<1x128xi32, #tpu.memory_space<vmem>> -> memref<128xi32, #tpu.memory_space<vmem>>
      %dma_wait3A_104 = arith.constant 0 : i32
      %dma_wait3A_105 = arith.constant 0 : i32
      %dma_wait3A_106 = tpu.memref_slice %arg11[%dma_wait3A_104, %dma_wait3A_105] : memref<10240x128xf32, #tpu.memory_space<vmem_shared>> -> memref<10240x128xf32, #tpu.memory_space<vmem_shared>>
      tpu.wait_indirect_dma semaphore(%arg14 : memref<!tpu.dma_semaphore, #tpu.memory_space<semaphore_mem>>) src(%arg9 : memref<128x128xf32, #tpu.memory_space<vmem>>) dst(%dma_wait3A_106 : memref<10240x128xf32, #tpu.memory_space<vmem_shared>>)
      %dma_start3A_107 = arith.constant 0 : i32
      %dma_start3A_108 = tpu.memref_slice %arg7[%min3A_70, %dma_start3A_107] : memref<40x128xi32, #tpu.memory_space<vmem>> -> memref<1x128xi32, #tpu.memory_space<vmem>>
      %dma_start3A_109 = tpu.memref_squeeze %dma_start3A_108 : memref<1x128xi32, #tpu.memory_space<vmem>> -> memref<128xi32, #tpu.memory_space<vmem>>
      %dma_start3A_110 = arith.constant 0 : i32
      %dma_start3A_111 = arith.constant 0 : i32
      %dma_start3A_112 = tpu.memref_slice %arg2[%dma_start3A_110, %dma_start3A_111] : memref<10240x128xf32, #tpu.memory_space<hbm>> -> memref<10240x128xf32, #tpu.memory_space<hbm>>
      tpu.enqueue_indirect_dma source(%dma_start3A_112 : memref<10240x128xf32, #tpu.memory_space<hbm>>) target(%arg9 : memref<128x128xf32, #tpu.memory_space<vmem>>) offsets(%dma_start3A_109 : memref<128xi32, #tpu.memory_space<vmem>>) semaphore(%arg12 : memref<!tpu.dma_semaphore, #tpu.memory_space<semaphore_mem>>)
      %dma_wait3A_113 = arith.constant 0 : i32
      %dma_wait3A_114 = tpu.memref_slice %arg8[%add3A_94, %dma_wait3A_113] : memref<40x128xi32, #tpu.memory_space<vmem>> -> memref<1x128xi32, #tpu.memory_space<vmem>>
      %dma_wait3A_115 = tpu.memref_squeeze %dma_wait3A_114 : memref<1x128xi32, #tpu.memory_space<vmem>> -> memref<128xi32, #tpu.memory_space<vmem>>
      %dma_wait3A_116 = arith.constant 0 : i32
      %dma_wait3A_117 = arith.constant 0 : i32
      %dma_wait3A_118 = tpu.memref_slice %arg11[%dma_wait3A_116, %dma_wait3A_117] : memref<10240x128xf32, #tpu.memory_space<vmem_shared>> -> memref<10240x128xf32, #tpu.memory_space<vmem_shared>>
      tpu.wait_indirect_dma semaphore(%arg15 : memref<!tpu.dma_semaphore, #tpu.memory_space<semaphore_mem>>) src(%arg10 : memref<128x128xf32, #tpu.memory_space<vmem>>) dst(%dma_wait3A_118 : memref<10240x128xf32, #tpu.memory_space<vmem_shared>>)
      %dma_start3A_119 = arith.constant 0 : i32
      %dma_start3A_120 = tpu.memref_slice %arg7[%min3A_74, %dma_start3A_119] : memref<40x128xi32, #tpu.memory_space<vmem>> -> memref<1x128xi32, #tpu.memory_space<vmem>>
      %dma_start3A_121 = tpu.memref_squeeze %dma_start3A_120 : memref<1x128xi32, #tpu.memory_space<vmem>> -> memref<128xi32, #tpu.memory_space<vmem>>
      %dma_start3A_122 = arith.constant 0 : i32
      %dma_start3A_123 = arith.constant 0 : i32
      %dma_start3A_124 = tpu.memref_slice %arg2[%dma_start3A_122, %dma_start3A_123] : memref<10240x128xf32, #tpu.memory_space<hbm>> -> memref<10240x128xf32, #tpu.memory_space<hbm>>
      tpu.enqueue_indirect_dma source(%dma_start3A_124 : memref<10240x128xf32, #tpu.memory_space<hbm>>) target(%arg10 : memref<128x128xf32, #tpu.memory_space<vmem>>) offsets(%dma_start3A_121 : memref<128xi32, #tpu.memory_space<vmem>>) semaphore(%arg13 : memref<!tpu.dma_semaphore, #tpu.memory_space<semaphore_mem>>)
    }
    %scan3A_20 = arith.constant 20 : i32
    %dma_wait3A = arith.constant 0 : i32
    %dma_wait3A_21 = arith.constant 0 : i32
    %dma_wait3A_22 = tpu.memref_slice %arg5[%dma_wait3A, %dma_wait3A_21] : memref<10240x128xf32, #tpu.memory_space<hbm>> -> memref<128x128xf32, #tpu.memory_space<hbm>>
    %dma_wait3A_23 = arith.constant 0 : i32
    %dma_wait3A_24 = arith.constant 0 : i32
    %dma_wait3A_25 = tpu.memref_slice %arg5[%dma_wait3A_23, %dma_wait3A_24] : memref<10240x128xf32, #tpu.memory_space<hbm>> -> memref<128x128xf32, #tpu.memory_space<hbm>>
    tpu.wait_dma2 semaphore(%arg12 : memref<!tpu.dma_semaphore, #tpu.memory_space<semaphore_mem>>) src(%dma_wait3A_25 : memref<128x128xf32, #tpu.memory_space<hbm>>) dst(%arg9 : memref<128x128xf32, #tpu.memory_space<vmem>>)
    %dma_wait3A_26 = arith.constant 0 : i32
    %dma_wait3A_27 = arith.constant 0 : i32
    %dma_wait3A_28 = tpu.memref_slice %arg5[%dma_wait3A_26, %dma_wait3A_27] : memref<10240x128xf32, #tpu.memory_space<hbm>> -> memref<128x128xf32, #tpu.memory_space<hbm>>
    %dma_wait3A_29 = arith.constant 0 : i32
    %dma_wait3A_30 = arith.constant 0 : i32
    %dma_wait3A_31 = tpu.memref_slice %arg5[%dma_wait3A_29, %dma_wait3A_30] : memref<10240x128xf32, #tpu.memory_space<hbm>> -> memref<128x128xf32, #tpu.memory_space<hbm>>
    tpu.wait_dma2 semaphore(%arg13 : memref<!tpu.dma_semaphore, #tpu.memory_space<semaphore_mem>>) src(%dma_wait3A_31 : memref<128x128xf32, #tpu.memory_space<hbm>>) dst(%arg10 : memref<128x128xf32, #tpu.memory_space<vmem>>)
    "tpu.region"() ({
      %run_scoped3A = tpu.sem_alloc : memref<!tpu.dma_semaphore, #tpu.memory_space<semaphore_mem>>
      %dma_start3A_65 = arith.constant 40 : i32
      %dma_start3A_66 = arith.constant 0 : i32
      %dma_start3A_67 = tpu.memref_slice %arg3[%add3A, %dma_start3A_65, %dma_start3A_66] : memref<32x80x128xi32, #tpu.memory_space<hbm>> -> memref<1x40x128xi32, #tpu.memory_space<hbm>>
      %dma_start3A_68 = tpu.memref_squeeze %dma_start3A_67 : memref<1x40x128xi32, #tpu.memory_space<hbm>> -> memref<40x128xi32, #tpu.memory_space<hbm>>
      %dma_start3A_69 = arith.constant 40 : i32
      %dma_start3A_70 = arith.constant 0 : i32
      %dma_start3A_71 = tpu.memref_slice %arg3[%add3A, %dma_start3A_69, %dma_start3A_70] : memref<32x80x128xi32, #tpu.memory_space<hbm>> -> memref<1x40x128xi32, #tpu.memory_space<hbm>>
      %dma_start3A_72 = tpu.memref_squeeze %dma_start3A_71 : memref<1x40x128xi32, #tpu.memory_space<hbm>> -> memref<40x128xi32, #tpu.memory_space<hbm>>
      tpu.enqueue_dma source(%dma_start3A_72 : memref<40x128xi32, #tpu.memory_space<hbm>>) target(%arg7 : memref<40x128xi32, #tpu.memory_space<vmem>>) target_semaphore(%run_scoped3A : memref<!tpu.dma_semaphore, #tpu.memory_space<semaphore_mem>>)
      %dma_wait3A_73 = arith.constant 40 : i32
      %dma_wait3A_74 = arith.constant 0 : i32
      %dma_wait3A_75 = tpu.memref_slice %arg3[%add3A, %dma_wait3A_73, %dma_wait3A_74] : memref<32x80x128xi32, #tpu.memory_space<hbm>> -> memref<1x40x128xi32, #tpu.memory_space<hbm>>
      %dma_wait3A_76 = tpu.memref_squeeze %dma_wait3A_75 : memref<1x40x128xi32, #tpu.memory_space<hbm>> -> memref<40x128xi32, #tpu.memory_space<hbm>>
      %dma_wait3A_77 = arith.constant 40 : i32
      %dma_wait3A_78 = arith.constant 0 : i32
      %dma_wait3A_79 = tpu.memref_slice %arg3[%add3A, %dma_wait3A_77, %dma_wait3A_78] : memref<32x80x128xi32, #tpu.memory_space<hbm>> -> memref<1x40x128xi32, #tpu.memory_space<hbm>>
      %dma_wait3A_80 = tpu.memref_squeeze %dma_wait3A_79 : memref<1x40x128xi32, #tpu.memory_space<hbm>> -> memref<40x128xi32, #tpu.memory_space<hbm>>
      tpu.wait_dma2 semaphore(%run_scoped3A : memref<!tpu.dma_semaphore, #tpu.memory_space<semaphore_mem>>) src(%dma_wait3A_80 : memref<40x128xi32, #tpu.memory_space<hbm>>) dst(%arg7 : memref<40x128xi32, #tpu.memory_space<vmem>>)
      tpu.yield
    }) : () -> ()
    "tpu.region"() ({
      %run_scoped3A = tpu.sem_alloc : memref<!tpu.dma_semaphore, #tpu.memory_space<semaphore_mem>>
      %dma_start3A_65 = arith.constant 40 : i32
      %dma_start3A_66 = arith.constant 0 : i32
      %dma_start3A_67 = tpu.memref_slice %arg4[%add3A, %dma_start3A_65, %dma_start3A_66] : memref<32x80x128xi32, #tpu.memory_space<hbm>> -> memref<1x40x128xi32, #tpu.memory_space<hbm>>
      %dma_start3A_68 = tpu.memref_squeeze %dma_start3A_67 : memref<1x40x128xi32, #tpu.memory_space<hbm>> -> memref<40x128xi32, #tpu.memory_space<hbm>>
      %dma_start3A_69 = arith.constant 40 : i32
      %dma_start3A_70 = arith.constant 0 : i32
      %dma_start3A_71 = tpu.memref_slice %arg4[%add3A, %dma_start3A_69, %dma_start3A_70] : memref<32x80x128xi32, #tpu.memory_space<hbm>> -> memref<1x40x128xi32, #tpu.memory_space<hbm>>
      %dma_start3A_72 = tpu.memref_squeeze %dma_start3A_71 : memref<1x40x128xi32, #tpu.memory_space<hbm>> -> memref<40x128xi32, #tpu.memory_space<hbm>>
      tpu.enqueue_dma source(%dma_start3A_72 : memref<40x128xi32, #tpu.memory_space<hbm>>) target(%arg8 : memref<40x128xi32, #tpu.memory_space<vmem>>) target_semaphore(%run_scoped3A : memref<!tpu.dma_semaphore, #tpu.memory_space<semaphore_mem>>)
      %dma_wait3A_73 = arith.constant 40 : i32
      %dma_wait3A_74 = arith.constant 0 : i32
      %dma_wait3A_75 = tpu.memref_slice %arg4[%add3A, %dma_wait3A_73, %dma_wait3A_74] : memref<32x80x128xi32, #tpu.memory_space<hbm>> -> memref<1x40x128xi32, #tpu.memory_space<hbm>>
      %dma_wait3A_76 = tpu.memref_squeeze %dma_wait3A_75 : memref<1x40x128xi32, #tpu.memory_space<hbm>> -> memref<40x128xi32, #tpu.memory_space<hbm>>
      %dma_wait3A_77 = arith.constant 40 : i32
      %dma_wait3A_78 = arith.constant 0 : i32
      %dma_wait3A_79 = tpu.memref_slice %arg4[%add3A, %dma_wait3A_77, %dma_wait3A_78] : memref<32x80x128xi32, #tpu.memory_space<hbm>> -> memref<1x40x128xi32, #tpu.memory_space<hbm>>
      %dma_wait3A_80 = tpu.memref_squeeze %dma_wait3A_79 : memref<1x40x128xi32, #tpu.memory_space<hbm>> -> memref<40x128xi32, #tpu.memory_space<hbm>>
      tpu.wait_dma2 semaphore(%run_scoped3A : memref<!tpu.dma_semaphore, #tpu.memory_space<semaphore_mem>>) src(%dma_wait3A_80 : memref<40x128xi32, #tpu.memory_space<hbm>>) dst(%arg8 : memref<40x128xi32, #tpu.memory_space<vmem>>)
      tpu.yield
    }) : () -> ()
    %dma_start3A_32 = arith.constant 0 : i32
    %dma_start3A_33 = arith.constant 0 : i32
    %dma_start3A_34 = tpu.memref_slice %arg7[%dma_start3A_32, %dma_start3A_33] : memref<40x128xi32, #tpu.memory_space<vmem>> -> memref<1x128xi32, #tpu.memory_space<vmem>>
    %dma_start3A_35 = tpu.memref_squeeze %dma_start3A_34 : memref<1x128xi32, #tpu.memory_space<vmem>> -> memref<128xi32, #tpu.memory_space<vmem>>
    %dma_start3A_36 = arith.constant 0 : i32
    %dma_start3A_37 = arith.constant 0 : i32
    %dma_start3A_38 = tpu.memref_slice %arg2[%dma_start3A_36, %dma_start3A_37] : memref<10240x128xf32, #tpu.memory_space<hbm>> -> memref<10240x128xf32, #tpu.memory_space<hbm>>
    tpu.enqueue_indirect_dma source(%dma_start3A_38 : memref<10240x128xf32, #tpu.memory_space<hbm>>) target(%arg9 : memref<128x128xf32, #tpu.memory_space<vmem>>) offsets(%dma_start3A_35 : memref<128xi32, #tpu.memory_space<vmem>>) semaphore(%arg12 : memref<!tpu.dma_semaphore, #tpu.memory_space<semaphore_mem>>)
    %dma_start3A_39 = arith.constant 1 : i32
    %dma_start3A_40 = arith.constant 0 : i32
    %dma_start3A_41 = tpu.memref_slice %arg7[%dma_start3A_39, %dma_start3A_40] : memref<40x128xi32, #tpu.memory_space<vmem>> -> memref<1x128xi32, #tpu.memory_space<vmem>>
    %dma_start3A_42 = tpu.memref_squeeze %dma_start3A_41 : memref<1x128xi32, #tpu.memory_space<vmem>> -> memref<128xi32, #tpu.memory_space<vmem>>
    %dma_start3A_43 = arith.constant 0 : i32
    %dma_start3A_44 = arith.constant 0 : i32
    %dma_start3A_45 = tpu.memref_slice %arg2[%dma_start3A_43, %dma_start3A_44] : memref<10240x128xf32, #tpu.memory_space<hbm>> -> memref<10240x128xf32, #tpu.memory_space<hbm>>
    tpu.enqueue_indirect_dma source(%dma_start3A_45 : memref<10240x128xf32, #tpu.memory_space<hbm>>) target(%arg10 : memref<128x128xf32, #tpu.memory_space<vmem>>) offsets(%dma_start3A_42 : memref<128xi32, #tpu.memory_space<vmem>>) semaphore(%arg13 : memref<!tpu.dma_semaphore, #tpu.memory_space<semaphore_mem>>)
    %scan3A_46 = arith.constant 0 : i32
    %scan3A_47 = arith.constant 0 : i32
    %scan3A_48 = arith.constant 20 : i32
    %scan3A_49 = arith.addi %scan3A_47, %scan3A_48 : i32
    %scan3A_50 = arith.constant 1 : i32
    scf.for %scan3A_65 = %scan3A_47 to %scan3A_49 step %scan3A_50  : i32 {
      %mul3A_66 = arith.constant 2 : i32
      %mul3A_67 = arith.muli %mul3A_66, %scan3A_65 : i32
      %add3A_68 = arith.constant 2 : i32
      %add3A_69 = arith.addi %mul3A_67, %add3A_68 : i32
      %min3A = arith.constant 39 : i32
      %min3A_70 = arith.minsi %add3A_69, %min3A : i32
      %add3A_71 = arith.constant 3 : i32
      %add3A_72 = arith.addi %mul3A_67, %add3A_71 : i32
      %min3A_73 = arith.constant 39 : i32
      %min3A_74 = arith.minsi %add3A_72, %min3A_73 : i32
      %dma_wait3A_75 = arith.constant 0 : i32
      %dma_wait3A_76 = arith.constant 0 : i32
      %dma_wait3A_77 = tpu.memref_slice %arg5[%dma_wait3A_75, %dma_wait3A_76] : memref<10240x128xf32, #tpu.memory_space<hbm>> -> memref<128x128xf32, #tpu.memory_space<hbm>>
      %dma_wait3A_78 = arith.constant 0 : i32
      %dma_wait3A_79 = arith.constant 0 : i32
      %dma_wait3A_80 = tpu.memref_slice %arg5[%dma_wait3A_78, %dma_wait3A_79] : memref<10240x128xf32, #tpu.memory_space<hbm>> -> memref<128x128xf32, #tpu.memory_space<hbm>>
      tpu.wait_dma2 semaphore(%arg12 : memref<!tpu.dma_semaphore, #tpu.memory_space<semaphore_mem>>) src(%dma_wait3A_80 : memref<128x128xf32, #tpu.memory_space<hbm>>) dst(%arg9 : memref<128x128xf32, #tpu.memory_space<vmem>>)
      %dma_start3A_81 = arith.constant 0 : i32
      %dma_start3A_82 = tpu.memref_slice %arg8[%mul3A_67, %dma_start3A_81] : memref<40x128xi32, #tpu.memory_space<vmem>> -> memref<1x128xi32, #tpu.memory_space<vmem>>
      %dma_start3A_83 = tpu.memref_squeeze %dma_start3A_82 : memref<1x128xi32, #tpu.memory_space<vmem>> -> memref<128xi32, #tpu.memory_space<vmem>>
      %dma_start3A_84 = arith.constant 0 : i32
      %dma_start3A_85 = arith.constant 0 : i32
      %dma_start3A_86 = tpu.memref_slice %arg11[%dma_start3A_84, %dma_start3A_85] : memref<10240x128xf32, #tpu.memory_space<vmem_shared>> -> memref<10240x128xf32, #tpu.memory_space<vmem_shared>>
      tpu.enqueue_indirect_dma source(%arg9 : memref<128x128xf32, #tpu.memory_space<vmem>>) target(%dma_start3A_86 : memref<10240x128xf32, #tpu.memory_space<vmem_shared>>) offsets(%dma_start3A_83 : memref<128xi32, #tpu.memory_space<vmem>>) semaphore(%arg14 : memref<!tpu.dma_semaphore, #tpu.memory_space<semaphore_mem>>) {add = true}
      %dma_wait3A_87 = arith.constant 0 : i32
      %dma_wait3A_88 = arith.constant 0 : i32
      %dma_wait3A_89 = tpu.memref_slice %arg5[%dma_wait3A_87, %dma_wait3A_88] : memref<10240x128xf32, #tpu.memory_space<hbm>> -> memref<128x128xf32, #tpu.memory_space<hbm>>
      %dma_wait3A_90 = arith.constant 0 : i32
      %dma_wait3A_91 = arith.constant 0 : i32
      %dma_wait3A_92 = tpu.memref_slice %arg5[%dma_wait3A_90, %dma_wait3A_91] : memref<10240x128xf32, #tpu.memory_space<hbm>> -> memref<128x128xf32, #tpu.memory_space<hbm>>
      tpu.wait_dma2 semaphore(%arg13 : memref<!tpu.dma_semaphore, #tpu.memory_space<semaphore_mem>>) src(%dma_wait3A_92 : memref<128x128xf32, #tpu.memory_space<hbm>>) dst(%arg10 : memref<128x128xf32, #tpu.memory_space<vmem>>)
      %add3A_93 = arith.constant 1 : i32
      %add3A_94 = arith.addi %mul3A_67, %add3A_93 : i32
      %dma_start3A_95 = arith.constant 0 : i32
      %dma_start3A_96 = tpu.memref_slice %arg8[%add3A_94, %dma_start3A_95] : memref<40x128xi32, #tpu.memory_space<vmem>> -> memref<1x128xi32, #tpu.memory_space<vmem>>
      %dma_start3A_97 = tpu.memref_squeeze %dma_start3A_96 : memref<1x128xi32, #tpu.memory_space<vmem>> -> memref<128xi32, #tpu.memory_space<vmem>>
      %dma_start3A_98 = arith.constant 0 : i32
      %dma_start3A_99 = arith.constant 0 : i32
      %dma_start3A_100 = tpu.memref_slice %arg11[%dma_start3A_98, %dma_start3A_99] : memref<10240x128xf32, #tpu.memory_space<vmem_shared>> -> memref<10240x128xf32, #tpu.memory_space<vmem_shared>>
      tpu.enqueue_indirect_dma source(%arg10 : memref<128x128xf32, #tpu.memory_space<vmem>>) target(%dma_start3A_100 : memref<10240x128xf32, #tpu.memory_space<vmem_shared>>) offsets(%dma_start3A_97 : memref<128xi32, #tpu.memory_space<vmem>>) semaphore(%arg15 : memref<!tpu.dma_semaphore, #tpu.memory_space<semaphore_mem>>) {add = true}
      %dma_wait3A_101 = arith.constant 0 : i32
      %dma_wait3A_102 = tpu.memref_slice %arg8[%mul3A_67, %dma_wait3A_101] : memref<40x128xi32, #tpu.memory_space<vmem>> -> memref<1x128xi32, #tpu.memory_space<vmem>>
      %dma_wait3A_103 = tpu.memref_squeeze %dma_wait3A_102 : memref<1x128xi32, #tpu.memory_space<vmem>> -> memref<128xi32, #tpu.memory_space<vmem>>
      %dma_wait3A_104 = arith.constant 0 : i32
      %dma_wait3A_105 = arith.constant 0 : i32
      %dma_wait3A_106 = tpu.memref_slice %arg11[%dma_wait3A_104, %dma_wait3A_105] : memref<10240x128xf32, #tpu.memory_space<vmem_shared>> -> memref<10240x128xf32, #tpu.memory_space<vmem_shared>>
      tpu.wait_indirect_dma semaphore(%arg14 : memref<!tpu.dma_semaphore, #tpu.memory_space<semaphore_mem>>) src(%arg9 : memref<128x128xf32, #tpu.memory_space<vmem>>) dst(%dma_wait3A_106 : memref<10240x128xf32, #tpu.memory_space<vmem_shared>>)
      %dma_start3A_107 = arith.constant 0 : i32
      %dma_start3A_108 = tpu.memref_slice %arg7[%min3A_70, %dma_start3A_107] : memref<40x128xi32, #tpu.memory_space<vmem>> -> memref<1x128xi32, #tpu.memory_space<vmem>>
      %dma_start3A_109 = tpu.memref_squeeze %dma_start3A_108 : memref<1x128xi32, #tpu.memory_space<vmem>> -> memref<128xi32, #tpu.memory_space<vmem>>
      %dma_start3A_110 = arith.constant 0 : i32
      %dma_start3A_111 = arith.constant 0 : i32
      %dma_start3A_112 = tpu.memref_slice %arg2[%dma_start3A_110, %dma_start3A_111] : memref<10240x128xf32, #tpu.memory_space<hbm>> -> memref<10240x128xf32, #tpu.memory_space<hbm>>
      tpu.enqueue_indirect_dma source(%dma_start3A_112 : memref<10240x128xf32, #tpu.memory_space<hbm>>) target(%arg9 : memref<128x128xf32, #tpu.memory_space<vmem>>) offsets(%dma_start3A_109 : memref<128xi32, #tpu.memory_space<vmem>>) semaphore(%arg12 : memref<!tpu.dma_semaphore, #tpu.memory_space<semaphore_mem>>)
      %dma_wait3A_113 = arith.constant 0 : i32
      %dma_wait3A_114 = tpu.memref_slice %arg8[%add3A_94, %dma_wait3A_113] : memref<40x128xi32, #tpu.memory_space<vmem>> -> memref<1x128xi32, #tpu.memory_space<vmem>>
      %dma_wait3A_115 = tpu.memref_squeeze %dma_wait3A_114 : memref<1x128xi32, #tpu.memory_space<vmem>> -> memref<128xi32, #tpu.memory_space<vmem>>
      %dma_wait3A_116 = arith.constant 0 : i32
      %dma_wait3A_117 = arith.constant 0 : i32
      %dma_wait3A_118 = tpu.memref_slice %arg11[%dma_wait3A_116, %dma_wait3A_117] : memref<10240x128xf32, #tpu.memory_space<vmem_shared>> -> memref<10240x128xf32, #tpu.memory_space<vmem_shared>>
      tpu.wait_indirect_dma semaphore(%arg15 : memref<!tpu.dma_semaphore, #tpu.memory_space<semaphore_mem>>) src(%arg10 : memref<128x128xf32, #tpu.memory_space<vmem>>) dst(%dma_wait3A_118 : memref<10240x128xf32, #tpu.memory_space<vmem_shared>>)
      %dma_start3A_119 = arith.constant 0 : i32
      %dma_start3A_120 = tpu.memref_slice %arg7[%min3A_74, %dma_start3A_119] : memref<40x128xi32, #tpu.memory_space<vmem>> -> memref<1x128xi32, #tpu.memory_space<vmem>>
      %dma_start3A_121 = tpu.memref_squeeze %dma_start3A_120 : memref<1x128xi32, #tpu.memory_space<vmem>> -> memref<128xi32, #tpu.memory_space<vmem>>
      %dma_start3A_122 = arith.constant 0 : i32
      %dma_start3A_123 = arith.constant 0 : i32
      %dma_start3A_124 = tpu.memref_slice %arg2[%dma_start3A_122, %dma_start3A_123] : memref<10240x128xf32, #tpu.memory_space<hbm>> -> memref<10240x128xf32, #tpu.memory_space<hbm>>
      tpu.enqueue_indirect_dma source(%dma_start3A_124 : memref<10240x128xf32, #tpu.memory_space<hbm>>) target(%arg10 : memref<128x128xf32, #tpu.memory_space<vmem>>) offsets(%dma_start3A_121 : memref<128xi32, #tpu.memory_space<vmem>>) semaphore(%arg13 : memref<!tpu.dma_semaphore, #tpu.memory_space<semaphore_mem>>)
    }
    %scan3A_51 = arith.constant 20 : i32
    %dma_wait3A_52 = arith.constant 0 : i32
    %dma_wait3A_53 = arith.constant 0 : i32
    %dma_wait3A_54 = tpu.memref_slice %arg5[%dma_wait3A_52, %dma_wait3A_53] : memref<10240x128xf32, #tpu.memory_space<hbm>> -> memref<128x128xf32, #tpu.memory_space<hbm>>
    %dma_wait3A_55 = arith.constant 0 : i32
    %dma_wait3A_56 = arith.constant 0 : i32
    %dma_wait3A_57 = tpu.memref_slice %arg5[%dma_wait3A_55, %dma_wait3A_56] : memref<10240x128xf32, #tpu.memory_space<hbm>> -> memref<128x128xf32, #tpu.memory_space<hbm>>
    tpu.wait_dma2 semaphore(%arg12 : memref<!tpu.dma_semaphore, #tpu.memory_space<semaphore_mem>>) src(%dma_wait3A_57 : memref<128x128xf32, #tpu.memory_space<hbm>>) dst(%arg9 : memref<128x128xf32, #tpu.memory_space<vmem>>)
    %dma_wait3A_58 = arith.constant 0 : i32
    %dma_wait3A_59 = arith.constant 0 : i32
    %dma_wait3A_60 = tpu.memref_slice %arg5[%dma_wait3A_58, %dma_wait3A_59] : memref<10240x128xf32, #tpu.memory_space<hbm>> -> memref<128x128xf32, #tpu.memory_space<hbm>>
    %dma_wait3A_61 = arith.constant 0 : i32
    %dma_wait3A_62 = arith.constant 0 : i32
    %dma_wait3A_63 = tpu.memref_slice %arg5[%dma_wait3A_61, %dma_wait3A_62] : memref<10240x128xf32, #tpu.memory_space<hbm>> -> memref<128x128xf32, #tpu.memory_space<hbm>>
    tpu.wait_dma2 semaphore(%arg13 : memref<!tpu.dma_semaphore, #tpu.memory_space<semaphore_mem>>) src(%dma_wait3A_63 : memref<128x128xf32, #tpu.memory_space<hbm>>) dst(%arg10 : memref<128x128xf32, #tpu.memory_space<vmem>>)
    %barrier3A_64 = arith.constant 0 : index
    tpu.barrier barrier_id(%barrier3A_64)
    "tpu.region"() ({
      %run_scoped3A = tpu.sem_alloc : memref<!tpu.dma_semaphore, #tpu.memory_space<semaphore_mem>>
      %dma_start3A_65 = arith.constant 0 : i32
      %dma_start3A_66 = tpu.memref_slice %arg6[%arg0, %mul3A_2, %dma_start3A_65] : memref<2x10240x128xf32, #tpu.memory_space<hbm>> -> memref<1x640x128xf32, #tpu.memory_space<hbm>>
      %dma_start3A_67 = tpu.memref_squeeze %dma_start3A_66 : memref<1x640x128xf32, #tpu.memory_space<hbm>> -> memref<640x128xf32, #tpu.memory_space<hbm>>
      %dma_start3A_68 = arith.constant 0 : i32
      %dma_start3A_69 = tpu.memref_slice %arg11[%mul3A_2, %dma_start3A_68] : memref<10240x128xf32, #tpu.memory_space<vmem_shared>> -> memref<640x128xf32, #tpu.memory_space<vmem_shared>>
      tpu.enqueue_dma source(%dma_start3A_69 : memref<640x128xf32, #tpu.memory_space<vmem_shared>>) target(%dma_start3A_67 : memref<640x128xf32, #tpu.memory_space<hbm>>) target_semaphore(%run_scoped3A : memref<!tpu.dma_semaphore, #tpu.memory_space<semaphore_mem>>)
      %dma_wait3A_70 = arith.constant 0 : i32
      %dma_wait3A_71 = tpu.memref_slice %arg6[%arg0, %mul3A_2, %dma_wait3A_70] : memref<2x10240x128xf32, #tpu.memory_space<hbm>> -> memref<1x640x128xf32, #tpu.memory_space<hbm>>
      %dma_wait3A_72 = tpu.memref_squeeze %dma_wait3A_71 : memref<1x640x128xf32, #tpu.memory_space<hbm>> -> memref<640x128xf32, #tpu.memory_space<hbm>>
      %dma_wait3A_73 = arith.constant 0 : i32
      %dma_wait3A_74 = tpu.memref_slice %arg11[%mul3A_2, %dma_wait3A_73] : memref<10240x128xf32, #tpu.memory_space<vmem_shared>> -> memref<640x128xf32, #tpu.memory_space<vmem_shared>>
      tpu.wait_dma2 semaphore(%run_scoped3A : memref<!tpu.dma_semaphore, #tpu.memory_space<semaphore_mem>>) src(%dma_wait3A_74 : memref<640x128xf32, #tpu.memory_space<vmem_shared>>) dst(%dma_wait3A_72 : memref<640x128xf32, #tpu.memory_space<hbm>>)
      tpu.yield
    }) : () -> ()
    return
  }
}

#map = affine_map<(d0, d1) -> (0, 0)>
#map1 = affine_map<(d0, d1) -> (0, 0, 0)>
module attributes {stable_mosaic.version = 14 : i64} {
  func.func @_agg(%arg0: i32, %arg1: i32, %arg2: memref<10240x128xf32, #tpu.memory_space<hbm>>, %arg3: memref<32x80x128xi32, #tpu.memory_space<hbm>>, %arg4: memref<32x80x128xi32, #tpu.memory_space<hbm>>, %arg5: memref<10240x128xf32, #tpu.memory_space<hbm>>, %arg6: memref<2x10240x128xf32, #tpu.memory_space<hbm>>, %arg7: memref<40x128xi32, #tpu.memory_space<vmem>>, %arg8: memref<40x128xi32, #tpu.memory_space<vmem>>, %arg9: memref<128x128xf32, #tpu.memory_space<vmem>>, %arg10: memref<128x128xf32, #tpu.memory_space<vmem>>, %arg11: memref<10240x128xf32, #tpu.memory_space<vmem_shared>>, %arg12: memref<!tpu.dma_semaphore, #tpu.memory_space<semaphore_mem>>, %arg13: memref<!tpu.dma_semaphore, #tpu.memory_space<semaphore_mem>>, %arg14: memref<!tpu.dma_semaphore, #tpu.memory_space<semaphore_mem>>, %arg15: memref<!tpu.dma_semaphore, #tpu.memory_space<semaphore_mem>>) attributes {dimension_semantics = [#tpu.dimension_semantics<core_parallel>, #tpu.dimension_semantics<subcore_parallel>], iteration_bounds = array<i64: 2, 16>, scalar_prefetch = 0 : i64, scratch_operands = 9 : i64, tpu.core_type = #tpu.core_type<sc_vector_subcore>, window_params = [{transform_indices = #map}, {transform_indices = #map1}, {transform_indices = #map1}, {transform_indices = #map}, {transform_indices = #map1}]} {
    %mul3A = arith.constant 2 : i32
    %mul3A_0 = arith.muli %arg1, %mul3A : i32
    %add3A = arith.addi %mul3A_0, %arg0 : i32
    %mul3A_1 = arith.constant 640 : i32
    %mul3A_2 = arith.muli %arg1, %mul3A_1 : i32
    "tpu.region"() ({
      %run_scoped3A = tpu.sem_alloc : memref<!tpu.dma_semaphore, #tpu.memory_space<semaphore_mem>>
      %dma_start3A_65 = arith.constant 0 : i32
      %dma_start3A_66 = tpu.memref_slice %arg11[%mul3A_2, %dma_start3A_65] : memref<10240x128xf32, #tpu.memory_space<vmem_shared>> -> memref<640x128xf32, #tpu.memory_space<vmem_shared>>
      %dma_start3A_67 = arith.constant 0 : i32
      %dma_start3A_68 = tpu.memref_slice %arg5[%mul3A_2, %dma_start3A_67] : memref<10240x128xf32, #tpu.memory_space<hbm>> -> memref<640x128xf32, #tpu.memory_space<hbm>>
      tpu.enqueue_dma source(%dma_start3A_68 : memref<640x128xf32, #tpu.memory_space<hbm>>) target(%dma_start3A_66 : memref<640x128xf32, #tpu.memory_space<vmem_shared>>) target_semaphore(%run_scoped3A : memref<!tpu.dma_semaphore, #tpu.memory_space<semaphore_mem>>)
      %dma_wait3A_69 = arith.constant 0 : i32
      %dma_wait3A_70 = tpu.memref_slice %arg11[%mul3A_2, %dma_wait3A_69] : memref<10240x128xf32, #tpu.memory_space<vmem_shared>> -> memref<640x128xf32, #tpu.memory_space<vmem_shared>>
      %dma_wait3A_71 = arith.constant 0 : i32
      %dma_wait3A_72 = tpu.memref_slice %arg5[%mul3A_2, %dma_wait3A_71] : memref<10240x128xf32, #tpu.memory_space<hbm>> -> memref<640x128xf32, #tpu.memory_space<hbm>>
      tpu.wait_dma2 semaphore(%run_scoped3A : memref<!tpu.dma_semaphore, #tpu.memory_space<semaphore_mem>>) src(%dma_wait3A_72 : memref<640x128xf32, #tpu.memory_space<hbm>>) dst(%dma_wait3A_70 : memref<640x128xf32, #tpu.memory_space<vmem_shared>>)
      tpu.yield
    }) : () -> ()
    %barrier3A = arith.constant 0 : index
    tpu.barrier barrier_id(%barrier3A)
    "tpu.region"() ({
      %run_scoped3A = tpu.sem_alloc : memref<!tpu.dma_semaphore, #tpu.memory_space<semaphore_mem>>
      %dma_start3A_65 = arith.constant 0 : i32
      %dma_start3A_66 = arith.constant 0 : i32
      %dma_start3A_67 = tpu.memref_slice %arg3[%add3A, %dma_start3A_65, %dma_start3A_66] : memref<32x80x128xi32, #tpu.memory_space<hbm>> -> memref<1x40x128xi32, #tpu.memory_space<hbm>>
      %dma_start3A_68 = tpu.memref_squeeze %dma_start3A_67 : memref<1x40x128xi32, #tpu.memory_space<hbm>> -> memref<40x128xi32, #tpu.memory_space<hbm>>
      %dma_start3A_69 = arith.constant 0 : i32
      %dma_start3A_70 = arith.constant 0 : i32
      %dma_start3A_71 = tpu.memref_slice %arg3[%add3A, %dma_start3A_69, %dma_start3A_70] : memref<32x80x128xi32, #tpu.memory_space<hbm>> -> memref<1x40x128xi32, #tpu.memory_space<hbm>>
      %dma_start3A_72 = tpu.memref_squeeze %dma_start3A_71 : memref<1x40x128xi32, #tpu.memory_space<hbm>> -> memref<40x128xi32, #tpu.memory_space<hbm>>
      tpu.enqueue_dma source(%dma_start3A_72 : memref<40x128xi32, #tpu.memory_space<hbm>>) target(%arg7 : memref<40x128xi32, #tpu.memory_space<vmem>>) target_semaphore(%run_scoped3A : memref<!tpu.dma_semaphore, #tpu.memory_space<semaphore_mem>>)
      %dma_wait3A_73 = arith.constant 0 : i32
      %dma_wait3A_74 = arith.constant 0 : i32
      %dma_wait3A_75 = tpu.memref_slice %arg3[%add3A, %dma_wait3A_73, %dma_wait3A_74] : memref<32x80x128xi32, #tpu.memory_space<hbm>> -> memref<1x40x128xi32, #tpu.memory_space<hbm>>
      %dma_wait3A_76 = tpu.memref_squeeze %dma_wait3A_75 : memref<1x40x128xi32, #tpu.memory_space<hbm>> -> memref<40x128xi32, #tpu.memory_space<hbm>>
      %dma_wait3A_77 = arith.constant 0 : i32
      %dma_wait3A_78 = arith.constant 0 : i32
      %dma_wait3A_79 = tpu.memref_slice %arg3[%add3A, %dma_wait3A_77, %dma_wait3A_78] : memref<32x80x128xi32, #tpu.memory_space<hbm>> -> memref<1x40x128xi32, #tpu.memory_space<hbm>>
      %dma_wait3A_80 = tpu.memref_squeeze %dma_wait3A_79 : memref<1x40x128xi32, #tpu.memory_space<hbm>> -> memref<40x128xi32, #tpu.memory_space<hbm>>
      tpu.wait_dma2 semaphore(%run_scoped3A : memref<!tpu.dma_semaphore, #tpu.memory_space<semaphore_mem>>) src(%dma_wait3A_80 : memref<40x128xi32, #tpu.memory_space<hbm>>) dst(%arg7 : memref<40x128xi32, #tpu.memory_space<vmem>>)
      tpu.yield
    }) : () -> ()
    "tpu.region"() ({
      %run_scoped3A = tpu.sem_alloc : memref<!tpu.dma_semaphore, #tpu.memory_space<semaphore_mem>>
      %dma_start3A_65 = arith.constant 0 : i32
      %dma_start3A_66 = arith.constant 0 : i32
      %dma_start3A_67 = tpu.memref_slice %arg4[%add3A, %dma_start3A_65, %dma_start3A_66] : memref<32x80x128xi32, #tpu.memory_space<hbm>> -> memref<1x40x128xi32, #tpu.memory_space<hbm>>
      %dma_start3A_68 = tpu.memref_squeeze %dma_start3A_67 : memref<1x40x128xi32, #tpu.memory_space<hbm>> -> memref<40x128xi32, #tpu.memory_space<hbm>>
      %dma_start3A_69 = arith.constant 0 : i32
      %dma_start3A_70 = arith.constant 0 : i32
      %dma_start3A_71 = tpu.memref_slice %arg4[%add3A, %dma_start3A_69, %dma_start3A_70] : memref<32x80x128xi32, #tpu.memory_space<hbm>> -> memref<1x40x128xi32, #tpu.memory_space<hbm>>
      %dma_start3A_72 = tpu.memref_squeeze %dma_start3A_71 : memref<1x40x128xi32, #tpu.memory_space<hbm>> -> memref<40x128xi32, #tpu.memory_space<hbm>>
      tpu.enqueue_dma source(%dma_start3A_72 : memref<40x128xi32, #tpu.memory_space<hbm>>) target(%arg8 : memref<40x128xi32, #tpu.memory_space<vmem>>) target_semaphore(%run_scoped3A : memref<!tpu.dma_semaphore, #tpu.memory_space<semaphore_mem>>)
      %dma_wait3A_73 = arith.constant 0 : i32
      %dma_wait3A_74 = arith.constant 0 : i32
      %dma_wait3A_75 = tpu.memref_slice %arg4[%add3A, %dma_wait3A_73, %dma_wait3A_74] : memref<32x80x128xi32, #tpu.memory_space<hbm>> -> memref<1x40x128xi32, #tpu.memory_space<hbm>>
      %dma_wait3A_76 = tpu.memref_squeeze %dma_wait3A_75 : memref<1x40x128xi32, #tpu.memory_space<hbm>> -> memref<40x128xi32, #tpu.memory_space<hbm>>
      %dma_wait3A_77 = arith.constant 0 : i32
      %dma_wait3A_78 = arith.constant 0 : i32
      %dma_wait3A_79 = tpu.memref_slice %arg4[%add3A, %dma_wait3A_77, %dma_wait3A_78] : memref<32x80x128xi32, #tpu.memory_space<hbm>> -> memref<1x40x128xi32, #tpu.memory_space<hbm>>
      %dma_wait3A_80 = tpu.memref_squeeze %dma_wait3A_79 : memref<1x40x128xi32, #tpu.memory_space<hbm>> -> memref<40x128xi32, #tpu.memory_space<hbm>>
      tpu.wait_dma2 semaphore(%run_scoped3A : memref<!tpu.dma_semaphore, #tpu.memory_space<semaphore_mem>>) src(%dma_wait3A_80 : memref<40x128xi32, #tpu.memory_space<hbm>>) dst(%arg8 : memref<40x128xi32, #tpu.memory_space<vmem>>)
      tpu.yield
    }) : () -> ()
    %dma_start3A = arith.constant 0 : i32
    %dma_start3A_3 = arith.constant 0 : i32
    %dma_start3A_4 = tpu.memref_slice %arg7[%dma_start3A, %dma_start3A_3] : memref<40x128xi32, #tpu.memory_space<vmem>> -> memref<1x128xi32, #tpu.memory_space<vmem>>
    %dma_start3A_5 = tpu.memref_squeeze %dma_start3A_4 : memref<1x128xi32, #tpu.memory_space<vmem>> -> memref<128xi32, #tpu.memory_space<vmem>>
    %dma_start3A_6 = arith.constant 0 : i32
    %dma_start3A_7 = arith.constant 0 : i32
    %dma_start3A_8 = tpu.memref_slice %arg2[%dma_start3A_6, %dma_start3A_7] : memref<10240x128xf32, #tpu.memory_space<hbm>> -> memref<10240x128xf32, #tpu.memory_space<hbm>>
    tpu.enqueue_indirect_dma source(%dma_start3A_8 : memref<10240x128xf32, #tpu.memory_space<hbm>>) target(%arg9 : memref<128x128xf32, #tpu.memory_space<vmem>>) offsets(%dma_start3A_5 : memref<128xi32, #tpu.memory_space<vmem>>) semaphore(%arg12 : memref<!tpu.dma_semaphore, #tpu.memory_space<semaphore_mem>>)
    %dma_start3A_9 = arith.constant 1 : i32
    %dma_start3A_10 = arith.constant 0 : i32
    %dma_start3A_11 = tpu.memref_slice %arg7[%dma_start3A_9, %dma_start3A_10] : memref<40x128xi32, #tpu.memory_space<vmem>> -> memref<1x128xi32, #tpu.memory_space<vmem>>
    %dma_start3A_12 = tpu.memref_squeeze %dma_start3A_11 : memref<1x128xi32, #tpu.memory_space<vmem>> -> memref<128xi32, #tpu.memory_space<vmem>>
    %dma_start3A_13 = arith.constant 0 : i32
    %dma_start3A_14 = arith.constant 0 : i32
    %dma_start3A_15 = tpu.memref_slice %arg2[%dma_start3A_13, %dma_start3A_14] : memref<10240x128xf32, #tpu.memory_space<hbm>> -> memref<10240x128xf32, #tpu.memory_space<hbm>>
    tpu.enqueue_indirect_dma source(%dma_start3A_15 : memref<10240x128xf32, #tpu.memory_space<hbm>>) target(%arg10 : memref<128x128xf32, #tpu.memory_space<vmem>>) offsets(%dma_start3A_12 : memref<128xi32, #tpu.memory_space<vmem>>) semaphore(%arg13 : memref<!tpu.dma_semaphore, #tpu.memory_space<semaphore_mem>>)
    %scan3A = arith.constant 0 : i32
    %scan3A_16 = arith.constant 0 : i32
    %scan3A_17 = arith.constant 20 : i32
    %scan3A_18 = arith.addi %scan3A_16, %scan3A_17 : i32
    %scan3A_19 = arith.constant 1 : i32
    scf.for %scan3A_65 = %scan3A_16 to %scan3A_18 step %scan3A_19  : i32 {
      %mul3A_66 = arith.constant 2 : i32
      %mul3A_67 = arith.muli %mul3A_66, %scan3A_65 : i32
      %add3A_68 = arith.constant 2 : i32
      %add3A_69 = arith.addi %mul3A_67, %add3A_68 : i32
      %min3A = arith.constant 39 : i32
      %min3A_70 = arith.minsi %add3A_69, %min3A : i32
      %add3A_71 = arith.constant 3 : i32
      %add3A_72 = arith.addi %mul3A_67, %add3A_71 : i32
      %min3A_73 = arith.constant 39 : i32
      %min3A_74 = arith.minsi %add3A_72, %min3A_73 : i32
      %dma_wait3A_75 = arith.constant 0 : i32
      %dma_wait3A_76 = arith.constant 0 : i32
      %dma_wait3A_77 = tpu.memref_slice %arg5[%dma_wait3A_75, %dma_wait3A_76] : memref<10240x128xf32, #tpu.memory_space<hbm>> -> memref<128x128xf32, #tpu.memory_space<hbm>>
      %dma_wait3A_78 = arith.constant 0 : i32
      %dma_wait3A_79 = arith.constant 0 : i32
      %dma_wait3A_80 = tpu.memref_slice %arg5[%dma_wait3A_78, %dma_wait3A_79] : memref<10240x128xf32, #tpu.memory_space<hbm>> -> memref<128x128xf32, #tpu.memory_space<hbm>>
      tpu.wait_dma2 semaphore(%arg12 : memref<!tpu.dma_semaphore, #tpu.memory_space<semaphore_mem>>) src(%dma_wait3A_80 : memref<128x128xf32, #tpu.memory_space<hbm>>) dst(%arg9 : memref<128x128xf32, #tpu.memory_space<vmem>>)
      %dma_start3A_81 = arith.constant 0 : i32
      %dma_start3A_82 = tpu.memref_slice %arg8[%mul3A_67, %dma_start3A_81] : memref<40x128xi32, #tpu.memory_space<vmem>> -> memref<1x128xi32, #tpu.memory_space<vmem>>
      %dma_start3A_83 = tpu.memref_squeeze %dma_start3A_82 : memref<1x128xi32, #tpu.memory_space<vmem>> -> memref<128xi32, #tpu.memory_space<vmem>>
      %dma_start3A_84 = arith.constant 0 : i32
      %dma_start3A_85 = arith.constant 0 : i32
      %dma_start3A_86 = tpu.memref_slice %arg11[%dma_start3A_84, %dma_start3A_85] : memref<10240x128xf32, #tpu.memory_space<vmem_shared>> -> memref<10240x128xf32, #tpu.memory_space<vmem_shared>>
      tpu.enqueue_indirect_dma source(%arg9 : memref<128x128xf32, #tpu.memory_space<vmem>>) target(%dma_start3A_86 : memref<10240x128xf32, #tpu.memory_space<vmem_shared>>) offsets(%dma_start3A_83 : memref<128xi32, #tpu.memory_space<vmem>>) semaphore(%arg14 : memref<!tpu.dma_semaphore, #tpu.memory_space<semaphore_mem>>) {add = true}
      %dma_wait3A_87 = arith.constant 0 : i32
      %dma_wait3A_88 = arith.constant 0 : i32
      %dma_wait3A_89 = tpu.memref_slice %arg5[%dma_wait3A_87, %dma_wait3A_88] : memref<10240x128xf32, #tpu.memory_space<hbm>> -> memref<128x128xf32, #tpu.memory_space<hbm>>
      %dma_wait3A_90 = arith.constant 0 : i32
      %dma_wait3A_91 = arith.constant 0 : i32
      %dma_wait3A_92 = tpu.memref_slice %arg5[%dma_wait3A_90, %dma_wait3A_91] : memref<10240x128xf32, #tpu.memory_space<hbm>> -> memref<128x128xf32, #tpu.memory_space<hbm>>
      tpu.wait_dma2 semaphore(%arg13 : memref<!tpu.dma_semaphore, #tpu.memory_space<semaphore_mem>>) src(%dma_wait3A_92 : memref<128x128xf32, #tpu.memory_space<hbm>>) dst(%arg10 : memref<128x128xf32, #tpu.memory_space<vmem>>)
      %add3A_93 = arith.constant 1 : i32
      %add3A_94 = arith.addi %mul3A_67, %add3A_93 : i32
      %dma_start3A_95 = arith.constant 0 : i32
      %dma_start3A_96 = tpu.memref_slice %arg8[%add3A_94, %dma_start3A_95] : memref<40x128xi32, #tpu.memory_space<vmem>> -> memref<1x128xi32, #tpu.memory_space<vmem>>
      %dma_start3A_97 = tpu.memref_squeeze %dma_start3A_96 : memref<1x128xi32, #tpu.memory_space<vmem>> -> memref<128xi32, #tpu.memory_space<vmem>>
      %dma_start3A_98 = arith.constant 0 : i32
      %dma_start3A_99 = arith.constant 0 : i32
      %dma_start3A_100 = tpu.memref_slice %arg11[%dma_start3A_98, %dma_start3A_99] : memref<10240x128xf32, #tpu.memory_space<vmem_shared>> -> memref<10240x128xf32, #tpu.memory_space<vmem_shared>>
      tpu.enqueue_indirect_dma source(%arg10 : memref<128x128xf32, #tpu.memory_space<vmem>>) target(%dma_start3A_100 : memref<10240x128xf32, #tpu.memory_space<vmem_shared>>) offsets(%dma_start3A_97 : memref<128xi32, #tpu.memory_space<vmem>>) semaphore(%arg15 : memref<!tpu.dma_semaphore, #tpu.memory_space<semaphore_mem>>) {add = true}
      %dma_wait3A_101 = arith.constant 0 : i32
      %dma_wait3A_102 = tpu.memref_slice %arg8[%mul3A_67, %dma_wait3A_101] : memref<40x128xi32, #tpu.memory_space<vmem>> -> memref<1x128xi32, #tpu.memory_space<vmem>>
      %dma_wait3A_103 = tpu.memref_squeeze %dma_wait3A_102 : memref<1x128xi32, #tpu.memory_space<vmem>> -> memref<128xi32, #tpu.memory_space<vmem>>
      %dma_wait3A_104 = arith.constant 0 : i32
      %dma_wait3A_105 = arith.constant 0 : i32
      %dma_wait3A_106 = tpu.memref_slice %arg11[%dma_wait3A_104, %dma_wait3A_105] : memref<10240x128xf32, #tpu.memory_space<vmem_shared>> -> memref<10240x128xf32, #tpu.memory_space<vmem_shared>>
      tpu.wait_indirect_dma semaphore(%arg14 : memref<!tpu.dma_semaphore, #tpu.memory_space<semaphore_mem>>) src(%arg9 : memref<128x128xf32, #tpu.memory_space<vmem>>) dst(%dma_wait3A_106 : memref<10240x128xf32, #tpu.memory_space<vmem_shared>>)
      %dma_start3A_107 = arith.constant 0 : i32
      %dma_start3A_108 = tpu.memref_slice %arg7[%min3A_70, %dma_start3A_107] : memref<40x128xi32, #tpu.memory_space<vmem>> -> memref<1x128xi32, #tpu.memory_space<vmem>>
      %dma_start3A_109 = tpu.memref_squeeze %dma_start3A_108 : memref<1x128xi32, #tpu.memory_space<vmem>> -> memref<128xi32, #tpu.memory_space<vmem>>
      %dma_start3A_110 = arith.constant 0 : i32
      %dma_start3A_111 = arith.constant 0 : i32
      %dma_start3A_112 = tpu.memref_slice %arg2[%dma_start3A_110, %dma_start3A_111] : memref<10240x128xf32, #tpu.memory_space<hbm>> -> memref<10240x128xf32, #tpu.memory_space<hbm>>
      tpu.enqueue_indirect_dma source(%dma_start3A_112 : memref<10240x128xf32, #tpu.memory_space<hbm>>) target(%arg9 : memref<128x128xf32, #tpu.memory_space<vmem>>) offsets(%dma_start3A_109 : memref<128xi32, #tpu.memory_space<vmem>>) semaphore(%arg12 : memref<!tpu.dma_semaphore, #tpu.memory_space<semaphore_mem>>)
      %dma_wait3A_113 = arith.constant 0 : i32
      %dma_wait3A_114 = tpu.memref_slice %arg8[%add3A_94, %dma_wait3A_113] : memref<40x128xi32, #tpu.memory_space<vmem>> -> memref<1x128xi32, #tpu.memory_space<vmem>>
      %dma_wait3A_115 = tpu.memref_squeeze %dma_wait3A_114 : memref<1x128xi32, #tpu.memory_space<vmem>> -> memref<128xi32, #tpu.memory_space<vmem>>
      %dma_wait3A_116 = arith.constant 0 : i32
      %dma_wait3A_117 = arith.constant 0 : i32
      %dma_wait3A_118 = tpu.memref_slice %arg11[%dma_wait3A_116, %dma_wait3A_117] : memref<10240x128xf32, #tpu.memory_space<vmem_shared>> -> memref<10240x128xf32, #tpu.memory_space<vmem_shared>>
      tpu.wait_indirect_dma semaphore(%arg15 : memref<!tpu.dma_semaphore, #tpu.memory_space<semaphore_mem>>) src(%arg10 : memref<128x128xf32, #tpu.memory_space<vmem>>) dst(%dma_wait3A_118 : memref<10240x128xf32, #tpu.memory_space<vmem_shared>>)
      %dma_start3A_119 = arith.constant 0 : i32
      %dma_start3A_120 = tpu.memref_slice %arg7[%min3A_74, %dma_start3A_119] : memref<40x128xi32, #tpu.memory_space<vmem>> -> memref<1x128xi32, #tpu.memory_space<vmem>>
      %dma_start3A_121 = tpu.memref_squeeze %dma_start3A_120 : memref<1x128xi32, #tpu.memory_space<vmem>> -> memref<128xi32, #tpu.memory_space<vmem>>
      %dma_start3A_122 = arith.constant 0 : i32
      %dma_start3A_123 = arith.constant 0 : i32
      %dma_start3A_124 = tpu.memref_slice %arg2[%dma_start3A_122, %dma_start3A_123] : memref<10240x128xf32, #tpu.memory_space<hbm>> -> memref<10240x128xf32, #tpu.memory_space<hbm>>
      tpu.enqueue_indirect_dma source(%dma_start3A_124 : memref<10240x128xf32, #tpu.memory_space<hbm>>) target(%arg10 : memref<128x128xf32, #tpu.memory_space<vmem>>) offsets(%dma_start3A_121 : memref<128xi32, #tpu.memory_space<vmem>>) semaphore(%arg13 : memref<!tpu.dma_semaphore, #tpu.memory_space<semaphore_mem>>)
    }
    %scan3A_20 = arith.constant 20 : i32
    %dma_wait3A = arith.constant 0 : i32
    %dma_wait3A_21 = arith.constant 0 : i32
    %dma_wait3A_22 = tpu.memref_slice %arg5[%dma_wait3A, %dma_wait3A_21] : memref<10240x128xf32, #tpu.memory_space<hbm>> -> memref<128x128xf32, #tpu.memory_space<hbm>>
    %dma_wait3A_23 = arith.constant 0 : i32
    %dma_wait3A_24 = arith.constant 0 : i32
    %dma_wait3A_25 = tpu.memref_slice %arg5[%dma_wait3A_23, %dma_wait3A_24] : memref<10240x128xf32, #tpu.memory_space<hbm>> -> memref<128x128xf32, #tpu.memory_space<hbm>>
    tpu.wait_dma2 semaphore(%arg12 : memref<!tpu.dma_semaphore, #tpu.memory_space<semaphore_mem>>) src(%dma_wait3A_25 : memref<128x128xf32, #tpu.memory_space<hbm>>) dst(%arg9 : memref<128x128xf32, #tpu.memory_space<vmem>>)
    %dma_wait3A_26 = arith.constant 0 : i32
    %dma_wait3A_27 = arith.constant 0 : i32
    %dma_wait3A_28 = tpu.memref_slice %arg5[%dma_wait3A_26, %dma_wait3A_27] : memref<10240x128xf32, #tpu.memory_space<hbm>> -> memref<128x128xf32, #tpu.memory_space<hbm>>
    %dma_wait3A_29 = arith.constant 0 : i32
    %dma_wait3A_30 = arith.constant 0 : i32
    %dma_wait3A_31 = tpu.memref_slice %arg5[%dma_wait3A_29, %dma_wait3A_30] : memref<10240x128xf32, #tpu.memory_space<hbm>> -> memref<128x128xf32, #tpu.memory_space<hbm>>
    tpu.wait_dma2 semaphore(%arg13 : memref<!tpu.dma_semaphore, #tpu.memory_space<semaphore_mem>>) src(%dma_wait3A_31 : memref<128x128xf32, #tpu.memory_space<hbm>>) dst(%arg10 : memref<128x128xf32, #tpu.memory_space<vmem>>)
    "tpu.region"() ({
      %run_scoped3A = tpu.sem_alloc : memref<!tpu.dma_semaphore, #tpu.memory_space<semaphore_mem>>
      %dma_start3A_65 = arith.constant 40 : i32
      %dma_start3A_66 = arith.constant 0 : i32
      %dma_start3A_67 = tpu.memref_slice %arg3[%add3A, %dma_start3A_65, %dma_start3A_66] : memref<32x80x128xi32, #tpu.memory_space<hbm>> -> memref<1x40x128xi32, #tpu.memory_space<hbm>>
      %dma_start3A_68 = tpu.memref_squeeze %dma_start3A_67 : memref<1x40x128xi32, #tpu.memory_space<hbm>> -> memref<40x128xi32, #tpu.memory_space<hbm>>
      %dma_start3A_69 = arith.constant 40 : i32
      %dma_start3A_70 = arith.constant 0 : i32
      %dma_start3A_71 = tpu.memref_slice %arg3[%add3A, %dma_start3A_69, %dma_start3A_70] : memref<32x80x128xi32, #tpu.memory_space<hbm>> -> memref<1x40x128xi32, #tpu.memory_space<hbm>>
      %dma_start3A_72 = tpu.memref_squeeze %dma_start3A_71 : memref<1x40x128xi32, #tpu.memory_space<hbm>> -> memref<40x128xi32, #tpu.memory_space<hbm>>
      tpu.enqueue_dma source(%dma_start3A_72 : memref<40x128xi32, #tpu.memory_space<hbm>>) target(%arg7 : memref<40x128xi32, #tpu.memory_space<vmem>>) target_semaphore(%run_scoped3A : memref<!tpu.dma_semaphore, #tpu.memory_space<semaphore_mem>>)
      %dma_wait3A_73 = arith.constant 40 : i32
      %dma_wait3A_74 = arith.constant 0 : i32
      %dma_wait3A_75 = tpu.memref_slice %arg3[%add3A, %dma_wait3A_73, %dma_wait3A_74] : memref<32x80x128xi32, #tpu.memory_space<hbm>> -> memref<1x40x128xi32, #tpu.memory_space<hbm>>
      %dma_wait3A_76 = tpu.memref_squeeze %dma_wait3A_75 : memref<1x40x128xi32, #tpu.memory_space<hbm>> -> memref<40x128xi32, #tpu.memory_space<hbm>>
      %dma_wait3A_77 = arith.constant 40 : i32
      %dma_wait3A_78 = arith.constant 0 : i32
      %dma_wait3A_79 = tpu.memref_slice %arg3[%add3A, %dma_wait3A_77, %dma_wait3A_78] : memref<32x80x128xi32, #tpu.memory_space<hbm>> -> memref<1x40x128xi32, #tpu.memory_space<hbm>>
      %dma_wait3A_80 = tpu.memref_squeeze %dma_wait3A_79 : memref<1x40x128xi32, #tpu.memory_space<hbm>> -> memref<40x128xi32, #tpu.memory_space<hbm>>
      tpu.wait_dma2 semaphore(%run_scoped3A : memref<!tpu.dma_semaphore, #tpu.memory_space<semaphore_mem>>) src(%dma_wait3A_80 : memref<40x128xi32, #tpu.memory_space<hbm>>) dst(%arg7 : memref<40x128xi32, #tpu.memory_space<vmem>>)
      tpu.yield
    }) : () -> ()
    "tpu.region"() ({
      %run_scoped3A = tpu.sem_alloc : memref<!tpu.dma_semaphore, #tpu.memory_space<semaphore_mem>>
      %dma_start3A_65 = arith.constant 40 : i32
      %dma_start3A_66 = arith.constant 0 : i32
      %dma_start3A_67 = tpu.memref_slice %arg4[%add3A, %dma_start3A_65, %dma_start3A_66] : memref<32x80x128xi32, #tpu.memory_space<hbm>> -> memref<1x40x128xi32, #tpu.memory_space<hbm>>
      %dma_start3A_68 = tpu.memref_squeeze %dma_start3A_67 : memref<1x40x128xi32, #tpu.memory_space<hbm>> -> memref<40x128xi32, #tpu.memory_space<hbm>>
      %dma_start3A_69 = arith.constant 40 : i32
      %dma_start3A_70 = arith.constant 0 : i32
      %dma_start3A_71 = tpu.memref_slice %arg4[%add3A, %dma_start3A_69, %dma_start3A_70] : memref<32x80x128xi32, #tpu.memory_space<hbm>> -> memref<1x40x128xi32, #tpu.memory_space<hbm>>
      %dma_start3A_72 = tpu.memref_squeeze %dma_start3A_71 : memref<1x40x128xi32, #tpu.memory_space<hbm>> -> memref<40x128xi32, #tpu.memory_space<hbm>>
      tpu.enqueue_dma source(%dma_start3A_72 : memref<40x128xi32, #tpu.memory_space<hbm>>) target(%arg8 : memref<40x128xi32, #tpu.memory_space<vmem>>) target_semaphore(%run_scoped3A : memref<!tpu.dma_semaphore, #tpu.memory_space<semaphore_mem>>)
      %dma_wait3A_73 = arith.constant 40 : i32
      %dma_wait3A_74 = arith.constant 0 : i32
      %dma_wait3A_75 = tpu.memref_slice %arg4[%add3A, %dma_wait3A_73, %dma_wait3A_74] : memref<32x80x128xi32, #tpu.memory_space<hbm>> -> memref<1x40x128xi32, #tpu.memory_space<hbm>>
      %dma_wait3A_76 = tpu.memref_squeeze %dma_wait3A_75 : memref<1x40x128xi32, #tpu.memory_space<hbm>> -> memref<40x128xi32, #tpu.memory_space<hbm>>
      %dma_wait3A_77 = arith.constant 40 : i32
      %dma_wait3A_78 = arith.constant 0 : i32
      %dma_wait3A_79 = tpu.memref_slice %arg4[%add3A, %dma_wait3A_77, %dma_wait3A_78] : memref<32x80x128xi32, #tpu.memory_space<hbm>> -> memref<1x40x128xi32, #tpu.memory_space<hbm>>
      %dma_wait3A_80 = tpu.memref_squeeze %dma_wait3A_79 : memref<1x40x128xi32, #tpu.memory_space<hbm>> -> memref<40x128xi32, #tpu.memory_space<hbm>>
      tpu.wait_dma2 semaphore(%run_scoped3A : memref<!tpu.dma_semaphore, #tpu.memory_space<semaphore_mem>>) src(%dma_wait3A_80 : memref<40x128xi32, #tpu.memory_space<hbm>>) dst(%arg8 : memref<40x128xi32, #tpu.memory_space<vmem>>)
      tpu.yield
    }) : () -> ()
    %dma_start3A_32 = arith.constant 0 : i32
    %dma_start3A_33 = arith.constant 0 : i32
    %dma_start3A_34 = tpu.memref_slice %arg7[%dma_start3A_32, %dma_start3A_33] : memref<40x128xi32, #tpu.memory_space<vmem>> -> memref<1x128xi32, #tpu.memory_space<vmem>>
    %dma_start3A_35 = tpu.memref_squeeze %dma_start3A_34 : memref<1x128xi32, #tpu.memory_space<vmem>> -> memref<128xi32, #tpu.memory_space<vmem>>
    %dma_start3A_36 = arith.constant 0 : i32
    %dma_start3A_37 = arith.constant 0 : i32
    %dma_start3A_38 = tpu.memref_slice %arg2[%dma_start3A_36, %dma_start3A_37] : memref<10240x128xf32, #tpu.memory_space<hbm>> -> memref<10240x128xf32, #tpu.memory_space<hbm>>
    tpu.enqueue_indirect_dma source(%dma_start3A_38 : memref<10240x128xf32, #tpu.memory_space<hbm>>) target(%arg9 : memref<128x128xf32, #tpu.memory_space<vmem>>) offsets(%dma_start3A_35 : memref<128xi32, #tpu.memory_space<vmem>>) semaphore(%arg12 : memref<!tpu.dma_semaphore, #tpu.memory_space<semaphore_mem>>)
    %dma_start3A_39 = arith.constant 1 : i32
    %dma_start3A_40 = arith.constant 0 : i32
    %dma_start3A_41 = tpu.memref_slice %arg7[%dma_start3A_39, %dma_start3A_40] : memref<40x128xi32, #tpu.memory_space<vmem>> -> memref<1x128xi32, #tpu.memory_space<vmem>>
    %dma_start3A_42 = tpu.memref_squeeze %dma_start3A_41 : memref<1x128xi32, #tpu.memory_space<vmem>> -> memref<128xi32, #tpu.memory_space<vmem>>
    %dma_start3A_43 = arith.constant 0 : i32
    %dma_start3A_44 = arith.constant 0 : i32
    %dma_start3A_45 = tpu.memref_slice %arg2[%dma_start3A_43, %dma_start3A_44] : memref<10240x128xf32, #tpu.memory_space<hbm>> -> memref<10240x128xf32, #tpu.memory_space<hbm>>
    tpu.enqueue_indirect_dma source(%dma_start3A_45 : memref<10240x128xf32, #tpu.memory_space<hbm>>) target(%arg10 : memref<128x128xf32, #tpu.memory_space<vmem>>) offsets(%dma_start3A_42 : memref<128xi32, #tpu.memory_space<vmem>>) semaphore(%arg13 : memref<!tpu.dma_semaphore, #tpu.memory_space<semaphore_mem>>)
    %scan3A_46 = arith.constant 0 : i32
    %scan3A_47 = arith.constant 0 : i32
    %scan3A_48 = arith.constant 20 : i32
    %scan3A_49 = arith.addi %scan3A_47, %scan3A_48 : i32
    %scan3A_50 = arith.constant 1 : i32
    scf.for %scan3A_65 = %scan3A_47 to %scan3A_49 step %scan3A_50  : i32 {
      %mul3A_66 = arith.constant 2 : i32
      %mul3A_67 = arith.muli %mul3A_66, %scan3A_65 : i32
      %add3A_68 = arith.constant 2 : i32
      %add3A_69 = arith.addi %mul3A_67, %add3A_68 : i32
      %min3A = arith.constant 39 : i32
      %min3A_70 = arith.minsi %add3A_69, %min3A : i32
      %add3A_71 = arith.constant 3 : i32
      %add3A_72 = arith.addi %mul3A_67, %add3A_71 : i32
      %min3A_73 = arith.constant 39 : i32
      %min3A_74 = arith.minsi %add3A_72, %min3A_73 : i32
      %dma_wait3A_75 = arith.constant 0 : i32
      %dma_wait3A_76 = arith.constant 0 : i32
      %dma_wait3A_77 = tpu.memref_slice %arg5[%dma_wait3A_75, %dma_wait3A_76] : memref<10240x128xf32, #tpu.memory_space<hbm>> -> memref<128x128xf32, #tpu.memory_space<hbm>>
      %dma_wait3A_78 = arith.constant 0 : i32
      %dma_wait3A_79 = arith.constant 0 : i32
      %dma_wait3A_80 = tpu.memref_slice %arg5[%dma_wait3A_78, %dma_wait3A_79] : memref<10240x128xf32, #tpu.memory_space<hbm>> -> memref<128x128xf32, #tpu.memory_space<hbm>>
      tpu.wait_dma2 semaphore(%arg12 : memref<!tpu.dma_semaphore, #tpu.memory_space<semaphore_mem>>) src(%dma_wait3A_80 : memref<128x128xf32, #tpu.memory_space<hbm>>) dst(%arg9 : memref<128x128xf32, #tpu.memory_space<vmem>>)
      %dma_start3A_81 = arith.constant 0 : i32
      %dma_start3A_82 = tpu.memref_slice %arg8[%mul3A_67, %dma_start3A_81] : memref<40x128xi32, #tpu.memory_space<vmem>> -> memref<1x128xi32, #tpu.memory_space<vmem>>
      %dma_start3A_83 = tpu.memref_squeeze %dma_start3A_82 : memref<1x128xi32, #tpu.memory_space<vmem>> -> memref<128xi32, #tpu.memory_space<vmem>>
      %dma_start3A_84 = arith.constant 0 : i32
      %dma_start3A_85 = arith.constant 0 : i32
      %dma_start3A_86 = tpu.memref_slice %arg11[%dma_start3A_84, %dma_start3A_85] : memref<10240x128xf32, #tpu.memory_space<vmem_shared>> -> memref<10240x128xf32, #tpu.memory_space<vmem_shared>>
      tpu.enqueue_indirect_dma source(%arg9 : memref<128x128xf32, #tpu.memory_space<vmem>>) target(%dma_start3A_86 : memref<10240x128xf32, #tpu.memory_space<vmem_shared>>) offsets(%dma_start3A_83 : memref<128xi32, #tpu.memory_space<vmem>>) semaphore(%arg14 : memref<!tpu.dma_semaphore, #tpu.memory_space<semaphore_mem>>) {add = true}
      %dma_wait3A_87 = arith.constant 0 : i32
      %dma_wait3A_88 = arith.constant 0 : i32
      %dma_wait3A_89 = tpu.memref_slice %arg5[%dma_wait3A_87, %dma_wait3A_88] : memref<10240x128xf32, #tpu.memory_space<hbm>> -> memref<128x128xf32, #tpu.memory_space<hbm>>
      %dma_wait3A_90 = arith.constant 0 : i32
      %dma_wait3A_91 = arith.constant 0 : i32
      %dma_wait3A_92 = tpu.memref_slice %arg5[%dma_wait3A_90, %dma_wait3A_91] : memref<10240x128xf32, #tpu.memory_space<hbm>> -> memref<128x128xf32, #tpu.memory_space<hbm>>
      tpu.wait_dma2 semaphore(%arg13 : memref<!tpu.dma_semaphore, #tpu.memory_space<semaphore_mem>>) src(%dma_wait3A_92 : memref<128x128xf32, #tpu.memory_space<hbm>>) dst(%arg10 : memref<128x128xf32, #tpu.memory_space<vmem>>)
      %add3A_93 = arith.constant 1 : i32
      %add3A_94 = arith.addi %mul3A_67, %add3A_93 : i32
      %dma_start3A_95 = arith.constant 0 : i32
      %dma_start3A_96 = tpu.memref_slice %arg8[%add3A_94, %dma_start3A_95] : memref<40x128xi32, #tpu.memory_space<vmem>> -> memref<1x128xi32, #tpu.memory_space<vmem>>
      %dma_start3A_97 = tpu.memref_squeeze %dma_start3A_96 : memref<1x128xi32, #tpu.memory_space<vmem>> -> memref<128xi32, #tpu.memory_space<vmem>>
      %dma_start3A_98 = arith.constant 0 : i32
      %dma_start3A_99 = arith.constant 0 : i32
      %dma_start3A_100 = tpu.memref_slice %arg11[%dma_start3A_98, %dma_start3A_99] : memref<10240x128xf32, #tpu.memory_space<vmem_shared>> -> memref<10240x128xf32, #tpu.memory_space<vmem_shared>>
      tpu.enqueue_indirect_dma source(%arg10 : memref<128x128xf32, #tpu.memory_space<vmem>>) target(%dma_start3A_100 : memref<10240x128xf32, #tpu.memory_space<vmem_shared>>) offsets(%dma_start3A_97 : memref<128xi32, #tpu.memory_space<vmem>>) semaphore(%arg15 : memref<!tpu.dma_semaphore, #tpu.memory_space<semaphore_mem>>) {add = true}
      %dma_wait3A_101 = arith.constant 0 : i32
      %dma_wait3A_102 = tpu.memref_slice %arg8[%mul3A_67, %dma_wait3A_101] : memref<40x128xi32, #tpu.memory_space<vmem>> -> memref<1x128xi32, #tpu.memory_space<vmem>>
      %dma_wait3A_103 = tpu.memref_squeeze %dma_wait3A_102 : memref<1x128xi32, #tpu.memory_space<vmem>> -> memref<128xi32, #tpu.memory_space<vmem>>
      %dma_wait3A_104 = arith.constant 0 : i32
      %dma_wait3A_105 = arith.constant 0 : i32
      %dma_wait3A_106 = tpu.memref_slice %arg11[%dma_wait3A_104, %dma_wait3A_105] : memref<10240x128xf32, #tpu.memory_space<vmem_shared>> -> memref<10240x128xf32, #tpu.memory_space<vmem_shared>>
      tpu.wait_indirect_dma semaphore(%arg14 : memref<!tpu.dma_semaphore, #tpu.memory_space<semaphore_mem>>) src(%arg9 : memref<128x128xf32, #tpu.memory_space<vmem>>) dst(%dma_wait3A_106 : memref<10240x128xf32, #tpu.memory_space<vmem_shared>>)
      %dma_start3A_107 = arith.constant 0 : i32
      %dma_start3A_108 = tpu.memref_slice %arg7[%min3A_70, %dma_start3A_107] : memref<40x128xi32, #tpu.memory_space<vmem>> -> memref<1x128xi32, #tpu.memory_space<vmem>>
      %dma_start3A_109 = tpu.memref_squeeze %dma_start3A_108 : memref<1x128xi32, #tpu.memory_space<vmem>> -> memref<128xi32, #tpu.memory_space<vmem>>
      %dma_start3A_110 = arith.constant 0 : i32
      %dma_start3A_111 = arith.constant 0 : i32
      %dma_start3A_112 = tpu.memref_slice %arg2[%dma_start3A_110, %dma_start3A_111] : memref<10240x128xf32, #tpu.memory_space<hbm>> -> memref<10240x128xf32, #tpu.memory_space<hbm>>
      tpu.enqueue_indirect_dma source(%dma_start3A_112 : memref<10240x128xf32, #tpu.memory_space<hbm>>) target(%arg9 : memref<128x128xf32, #tpu.memory_space<vmem>>) offsets(%dma_start3A_109 : memref<128xi32, #tpu.memory_space<vmem>>) semaphore(%arg12 : memref<!tpu.dma_semaphore, #tpu.memory_space<semaphore_mem>>)
      %dma_wait3A_113 = arith.constant 0 : i32
      %dma_wait3A_114 = tpu.memref_slice %arg8[%add3A_94, %dma_wait3A_113] : memref<40x128xi32, #tpu.memory_space<vmem>> -> memref<1x128xi32, #tpu.memory_space<vmem>>
      %dma_wait3A_115 = tpu.memref_squeeze %dma_wait3A_114 : memref<1x128xi32, #tpu.memory_space<vmem>> -> memref<128xi32, #tpu.memory_space<vmem>>
      %dma_wait3A_116 = arith.constant 0 : i32
      %dma_wait3A_117 = arith.constant 0 : i32
      %dma_wait3A_118 = tpu.memref_slice %arg11[%dma_wait3A_116, %dma_wait3A_117] : memref<10240x128xf32, #tpu.memory_space<vmem_shared>> -> memref<10240x128xf32, #tpu.memory_space<vmem_shared>>
      tpu.wait_indirect_dma semaphore(%arg15 : memref<!tpu.dma_semaphore, #tpu.memory_space<semaphore_mem>>) src(%arg10 : memref<128x128xf32, #tpu.memory_space<vmem>>) dst(%dma_wait3A_118 : memref<10240x128xf32, #tpu.memory_space<vmem_shared>>)
      %dma_start3A_119 = arith.constant 0 : i32
      %dma_start3A_120 = tpu.memref_slice %arg7[%min3A_74, %dma_start3A_119] : memref<40x128xi32, #tpu.memory_space<vmem>> -> memref<1x128xi32, #tpu.memory_space<vmem>>
      %dma_start3A_121 = tpu.memref_squeeze %dma_start3A_120 : memref<1x128xi32, #tpu.memory_space<vmem>> -> memref<128xi32, #tpu.memory_space<vmem>>
      %dma_start3A_122 = arith.constant 0 : i32
      %dma_start3A_123 = arith.constant 0 : i32
      %dma_start3A_124 = tpu.memref_slice %arg2[%dma_start3A_122, %dma_start3A_123] : memref<10240x128xf32, #tpu.memory_space<hbm>> -> memref<10240x128xf32, #tpu.memory_space<hbm>>
      tpu.enqueue_indirect_dma source(%dma_start3A_124 : memref<10240x128xf32, #tpu.memory_space<hbm>>) target(%arg10 : memref<128x128xf32, #tpu.memory_space<vmem>>) offsets(%dma_start3A_121 : memref<128xi32, #tpu.memory_space<vmem>>) semaphore(%arg13 : memref<!tpu.dma_semaphore, #tpu.memory_space<semaphore_mem>>)
    }
    %scan3A_51 = arith.constant 20 : i32
    %dma_wait3A_52 = arith.constant 0 : i32
    %dma_wait3A_53 = arith.constant 0 : i32
    %dma_wait3A_54 = tpu.memref_slice %arg5[%dma_wait3A_52, %dma_wait3A_53] : memref<10240x128xf32, #tpu.memory_space<hbm>> -> memref<128x128xf32, #tpu.memory_space<hbm>>
    %dma_wait3A_55 = arith.constant 0 : i32
    %dma_wait3A_56 = arith.constant 0 : i32
    %dma_wait3A_57 = tpu.memref_slice %arg5[%dma_wait3A_55, %dma_wait3A_56] : memref<10240x128xf32, #tpu.memory_space<hbm>> -> memref<128x128xf32, #tpu.memory_space<hbm>>
    tpu.wait_dma2 semaphore(%arg12 : memref<!tpu.dma_semaphore, #tpu.memory_space<semaphore_mem>>) src(%dma_wait3A_57 : memref<128x128xf32, #tpu.memory_space<hbm>>) dst(%arg9 : memref<128x128xf32, #tpu.memory_space<vmem>>)
    %dma_wait3A_58 = arith.constant 0 : i32
    %dma_wait3A_59 = arith.constant 0 : i32
    %dma_wait3A_60 = tpu.memref_slice %arg5[%dma_wait3A_58, %dma_wait3A_59] : memref<10240x128xf32, #tpu.memory_space<hbm>> -> memref<128x128xf32, #tpu.memory_space<hbm>>
    %dma_wait3A_61 = arith.constant 0 : i32
    %dma_wait3A_62 = arith.constant 0 : i32
    %dma_wait3A_63 = tpu.memref_slice %arg5[%dma_wait3A_61, %dma_wait3A_62] : memref<10240x128xf32, #tpu.memory_space<hbm>> -> memref<128x128xf32, #tpu.memory_space<hbm>>
    tpu.wait_dma2 semaphore(%arg13 : memref<!tpu.dma_semaphore, #tpu.memory_space<semaphore_mem>>) src(%dma_wait3A_63 : memref<128x128xf32, #tpu.memory_space<hbm>>) dst(%arg10 : memref<128x128xf32, #tpu.memory_space<vmem>>)
    %barrier3A_64 = arith.constant 0 : index
    tpu.barrier barrier_id(%barrier3A_64)
    "tpu.region"() ({
      %run_scoped3A = tpu.sem_alloc : memref<!tpu.dma_semaphore, #tpu.memory_space<semaphore_mem>>
      %dma_start3A_65 = arith.constant 0 : i32
      %dma_start3A_66 = tpu.memref_slice %arg6[%arg0, %mul3A_2, %dma_start3A_65] : memref<2x10240x128xf32, #tpu.memory_space<hbm>> -> memref<1x640x128xf32, #tpu.memory_space<hbm>>
      %dma_start3A_67 = tpu.memref_squeeze %dma_start3A_66 : memref<1x640x128xf32, #tpu.memory_space<hbm>> -> memref<640x128xf32, #tpu.memory_space<hbm>>
      %dma_start3A_68 = arith.constant 0 : i32
      %dma_start3A_69 = tpu.memref_slice %arg11[%mul3A_2, %dma_start3A_68] : memref<10240x128xf32, #tpu.memory_space<vmem_shared>> -> memref<640x128xf32, #tpu.memory_space<vmem_shared>>
      tpu.enqueue_dma source(%dma_start3A_69 : memref<640x128xf32, #tpu.memory_space<vmem_shared>>) target(%dma_start3A_67 : memref<640x128xf32, #tpu.memory_space<hbm>>) target_semaphore(%run_scoped3A : memref<!tpu.dma_semaphore, #tpu.memory_space<semaphore_mem>>)
      %dma_wait3A_70 = arith.constant 0 : i32
      %dma_wait3A_71 = tpu.memref_slice %arg6[%arg0, %mul3A_2, %dma_wait3A_70] : memref<2x10240x128xf32, #tpu.memory_space<hbm>> -> memref<1x640x128xf32, #tpu.memory_space<hbm>>
      %dma_wait3A_72 = tpu.memref_squeeze %dma_wait3A_71 : memref<1x640x128xf32, #tpu.memory_space<hbm>> -> memref<640x128xf32, #tpu.memory_space<hbm>>
      %dma_wait3A_73 = arith.constant 0 : i32
      %dma_wait3A_74 = tpu.memref_slice %arg11[%mul3A_2, %dma_wait3A_73] : memref<10240x128xf32, #tpu.memory_space<vmem_shared>> -> memref<640x128xf32, #tpu.memory_space<vmem_shared>>
      tpu.wait_dma2 semaphore(%run_scoped3A : memref<!tpu.dma_semaphore, #tpu.memory_space<semaphore_mem>>) src(%dma_wait3A_74 : memref<640x128xf32, #tpu.memory_space<vmem_shared>>) dst(%dma_wait3A_72 : memref<640x128xf32, #tpu.memory_space<hbm>>)
      tpu.yield
    }) : () -> ()
    return
  }
}

module attributes {stable_mosaic.version = 14 : i64} {
  func.func @_in_proj_k(%arg0: i32, %arg1: memref<2560x128xf32, #tpu.memory_space<vmem>>, %arg2: memref<128x128xf32, #tpu.memory_space<vmem>>, %arg3: memref<1x128xf32, #tpu.memory_space<vmem>>, %arg4: memref<2560x128xf32, #tpu.memory_space<vmem>>) attributes {dimension_semantics = [#tpu.dimension_semantics<arbitrary>], iteration_bounds = array<i64: 4>, scalar_prefetch = 0 : i64, scratch_operands = 0 : i64, tpu.core_type = #tpu.core_type<tc>, window_params = [{transform_indices = @transform_0, window_bounds = array<i64: 2560, 128>}, {pipeline_mode = #tpu.pipeline_mode<synchronous>, transform_indices = @transform_1, window_bounds = array<i64: 128, 128>}, {pipeline_mode = #tpu.pipeline_mode<synchronous>, transform_indices = @transform_2, window_bounds = array<i64: 1, 128>}, {transform_indices = @transform_3, window_bounds = array<i64: 2560, 128>}]} {
    %get3A = arith.constant 0 : index
    %get3A_0 = arith.constant 0 : index
    %get3A_1 = vector.load %arg1[%get3A, %get3A_0] : memref<2560x128xf32, #tpu.memory_space<vmem>>, vector<2560x128xf32>
    %get3A_2 = arith.constant 0 : index
    %get3A_3 = arith.constant 0 : index
    %get3A_4 = vector.load %arg2[%get3A_2, %get3A_3] : memref<128x128xf32, #tpu.memory_space<vmem>>, vector<128x128xf32>
    %dot_general3A = arith.constant dense<0.000000e+00> : vector<2560x128xf32>
    %dot_general3A_5 = tpu.matmul %get3A_1, %get3A_4, %dot_general3A {dimension_numbers = #tpu.dot_dimension_numbers<[1], [0], [0], [1], [0, 0, 1, 1], [], []>, transpose_lhs_hint = false} : vector<2560x128xf32>, vector<128x128xf32>, vector<2560x128xf32> -> vector<2560x128xf32>
    %get3A_6 = arith.constant 0 : index
    %get3A_7 = arith.constant 0 : index
    %get3A_8 = vector.load %arg3[%get3A_6, %get3A_7] : memref<1x128xf32, #tpu.memory_space<vmem>>, vector<1x128xf32>
    %add3A = vector.broadcast %get3A_8 : vector<1x128xf32> to vector<2560x128xf32>
    %add3A_9 = arith.addf %dot_general3A_5, %add3A : vector<2560x128xf32>
    %max3A = arith.constant 0.000000e+00 : f32
    %max3A_10 = vector.broadcast %max3A : f32 to vector<2560x128xf32>
    %max3A_11 = arith.maximumf %add3A_9, %max3A_10 : vector<2560x128xf32>
    %swap3A = arith.constant 0 : index
    %swap3A_12 = arith.constant 0 : index
    %swap3A_13 = vector.load %arg4[%swap3A, %swap3A_12] : memref<2560x128xf32, #tpu.memory_space<vmem>>, vector<2560x128xf32>
    tpu.vector_store %arg4[%swap3A, %swap3A_12], %max3A_11 {strides = array<i32>} : memref<2560x128xf32, #tpu.memory_space<vmem>>, vector<2560x128xf32>,
    return
  }
  func.func @transform_0(%arg0: i32) -> (i32, i32) {
    %c0_i32 = arith.constant 0 : i32
    %c0_i32_0 = arith.constant 0 : i32
    return %arg0, %c0_i32 : i32, i32
  }
  func.func @transform_1(%arg0: i32) -> (i32, i32) {
    %c0_i32 = arith.constant 0 : i32
    %c0_i32_0 = arith.constant 0 : i32
    %c0_i32_1 = arith.constant 0 : i32
    return %c0_i32, %c0_i32_0 : i32, i32
  }
  func.func @transform_2(%arg0: i32) -> (i32, i32) {
    %c0_i32 = arith.constant 0 : i32
    %c0_i32_0 = arith.constant 0 : i32
    %c0_i32_1 = arith.constant 0 : i32
    return %c0_i32, %c0_i32_0 : i32, i32
  }
  func.func @transform_3(%arg0: i32) -> (i32, i32) {
    %c0_i32 = arith.constant 0 : i32
    %c0_i32_0 = arith.constant 0 : i32
    return %arg0, %c0_i32 : i32, i32
  }
}

module attributes {stable_mosaic.version = 14 : i64} {
  func.func @_comb_first_k(%arg0: i32, %arg1: memref<2x2560x128xf32, #tpu.memory_space<vmem>>, %arg2: memref<2x2560x128xf32, #tpu.memory_space<vmem>>, %arg3: memref<2560x128xf32, #tpu.memory_space<vmem>>, %arg4: memref<2560x16xf32, #tpu.memory_space<vmem>>) attributes {dimension_semantics = [#tpu.dimension_semantics<arbitrary>], iteration_bounds = array<i64: 4>, scalar_prefetch = 0 : i64, scratch_operands = 0 : i64, tpu.core_type = #tpu.core_type<tc>, window_params = [{transform_indices = @transform_0, window_bounds = array<i64: 2, 2560, 128>}, {transform_indices = @transform_1, window_bounds = array<i64: 2, 2560, 128>}, {transform_indices = @transform_2, window_bounds = array<i64: 2560, 128>}, {transform_indices = @transform_3, window_bounds = array<i64: 2560, 16>}]} {
    %get3A = arith.constant 0 : index
    %get3A_0 = arith.constant 0 : index
    %get3A_1 = arith.constant 0 : index
    %get3A_2 = vector.load %arg2[%get3A, %get3A_0, %get3A_1] : memref<2x2560x128xf32, #tpu.memory_space<vmem>>, vector<1x2560x128xf32>
    %get3A_3 = vector.shape_cast %get3A_2 : vector<1x2560x128xf32> to vector<2560x128xf32>
    %get3A_4 = arith.constant 1 : index
    %get3A_5 = arith.constant 0 : index
    %get3A_6 = arith.constant 0 : index
    %get3A_7 = vector.load %arg2[%get3A_4, %get3A_5, %get3A_6] : memref<2x2560x128xf32, #tpu.memory_space<vmem>>, vector<1x2560x128xf32>
    %get3A_8 = vector.shape_cast %get3A_7 : vector<1x2560x128xf32> to vector<2560x128xf32>
    %add3A = arith.addf %get3A_3, %get3A_8 : vector<2560x128xf32>
    %max3A = arith.constant 1.000000e+00 : f32
    %max3A_9 = vector.broadcast %max3A : f32 to vector<2560x128xf32>
    %max3A_10 = arith.maximumf %add3A, %max3A_9 : vector<2560x128xf32>
    %div3A = arith.constant 1.000000e+00 : f32
    %div3A_11 = vector.broadcast %div3A : f32 to vector<2560x128xf32>
    %div3A_12 = arith.divf %div3A_11, %max3A_10 : vector<2560x128xf32>
    %slice3A = vector.extract_strided_slice %div3A_12 {offsets = [0, 0], sizes = [2560, 16], strides = [1, 1]} : vector<2560x128xf32> to vector<2560x16xf32>
    %swap3A = arith.constant 0 : index
    %swap3A_13 = arith.constant 0 : index
    %swap3A_14 = vector.load %arg4[%swap3A, %swap3A_13] : memref<2560x16xf32, #tpu.memory_space<vmem>>, vector<2560x16xf32>
    tpu.vector_store %arg4[%swap3A, %swap3A_13], %slice3A {strides = array<i32>} : memref<2560x16xf32, #tpu.memory_space<vmem>>, vector<2560x16xf32>,
    %get3A_15 = arith.constant 0 : index
    %get3A_16 = arith.constant 0 : index
    %get3A_17 = arith.constant 0 : index
    %get3A_18 = vector.load %arg1[%get3A_15, %get3A_16, %get3A_17] : memref<2x2560x128xf32, #tpu.memory_space<vmem>>, vector<1x2560x128xf32>
    %get3A_19 = vector.shape_cast %get3A_18 : vector<1x2560x128xf32> to vector<2560x128xf32>
    %get3A_20 = arith.constant 1 : index
    %get3A_21 = arith.constant 0 : index
    %get3A_22 = arith.constant 0 : index
    %get3A_23 = vector.load %arg1[%get3A_20, %get3A_21, %get3A_22] : memref<2x2560x128xf32, #tpu.memory_space<vmem>>, vector<1x2560x128xf32>
    %get3A_24 = vector.shape_cast %get3A_23 : vector<1x2560x128xf32> to vector<2560x128xf32>
    %add3A_25 = arith.addf %get3A_19, %get3A_24 : vector<2560x128xf32>
    %slice3A_26 = vector.extract_strided_slice %div3A_12 {offsets = [0, 0], sizes = [2560, 1], strides = [1, 1]} : vector<2560x128xf32> to vector<2560x1xf32>
    %mul3A = vector.broadcast %slice3A_26 : vector<2560x1xf32> to vector<2560x128xf32>
    %mul3A_27 = arith.mulf %add3A_25, %mul3A : vector<2560x128xf32>
    %swap3A_28 = arith.constant 0 : index
    %swap3A_29 = arith.constant 0 : index
    %swap3A_30 = vector.load %arg3[%swap3A_28, %swap3A_29] : memref<2560x128xf32, #tpu.memory_space<vmem>>, vector<2560x128xf32>
    tpu.vector_store %arg3[%swap3A_28, %swap3A_29], %mul3A_27 {strides = array<i32>} : memref<2560x128xf32, #tpu.memory_space<vmem>>, vector<2560x128xf32>,
    return
  }
  func.func @transform_0(%arg0: i32) -> (i32, i32, i32) {
    %c0_i32 = arith.constant 0 : i32
    %c0_i32_0 = arith.constant 0 : i32
    %c0_i32_1 = arith.constant 0 : i32
    return %c0_i32, %arg0, %c0_i32_0 : i32, i32, i32
  }
  func.func @transform_1(%arg0: i32) -> (i32, i32, i32) {
    %c0_i32 = arith.constant 0 : i32
    %c0_i32_0 = arith.constant 0 : i32
    %c0_i32_1 = arith.constant 0 : i32
    return %c0_i32, %arg0, %c0_i32_0 : i32, i32, i32
  }
  func.func @transform_2(%arg0: i32) -> (i32, i32) {
    %c0_i32 = arith.constant 0 : i32
    %c0_i32_0 = arith.constant 0 : i32
    return %arg0, %c0_i32 : i32, i32
  }
  func.func @transform_3(%arg0: i32) -> (i32, i32) {
    %c0_i32 = arith.constant 0 : i32
    %c0_i32_0 = arith.constant 0 : i32
    return %arg0, %c0_i32 : i32, i32
  }
}

module attributes {stable_mosaic.version = 14 : i64} {
  func.func @_comb_k(%arg0: i32, %arg1: memref<2x2560x128xf32, #tpu.memory_space<vmem>>, %arg2: memref<2560x16xf32, #tpu.memory_space<vmem>>, %arg3: memref<2560x128xf32, #tpu.memory_space<vmem>>) attributes {dimension_semantics = [#tpu.dimension_semantics<arbitrary>], iteration_bounds = array<i64: 4>, scalar_prefetch = 0 : i64, scratch_operands = 0 : i64, tpu.core_type = #tpu.core_type<tc>, window_params = [{transform_indices = @transform_0, window_bounds = array<i64: 2, 2560, 128>}, {transform_indices = @transform_1, window_bounds = array<i64: 2560, 16>}, {transform_indices = @transform_2, window_bounds = array<i64: 2560, 128>}]} {
    %get3A = arith.constant 0 : index
    %get3A_0 = arith.constant 0 : index
    %get3A_1 = arith.constant 0 : index
    %get3A_2 = vector.load %arg1[%get3A, %get3A_0, %get3A_1] : memref<2x2560x128xf32, #tpu.memory_space<vmem>>, vector<1x2560x128xf32>
    %get3A_3 = vector.shape_cast %get3A_2 : vector<1x2560x128xf32> to vector<2560x128xf32>
    %get3A_4 = arith.constant 1 : index
    %get3A_5 = arith.constant 0 : index
    %get3A_6 = arith.constant 0 : index
    %get3A_7 = vector.load %arg1[%get3A_4, %get3A_5, %get3A_6] : memref<2x2560x128xf32, #tpu.memory_space<vmem>>, vector<1x2560x128xf32>
    %get3A_8 = vector.shape_cast %get3A_7 : vector<1x2560x128xf32> to vector<2560x128xf32>
    %add3A = arith.addf %get3A_3, %get3A_8 : vector<2560x128xf32>
    %get3A_9 = arith.constant 0 : index
    %get3A_10 = arith.constant 0 : index
    %get3A_11 = vector.load %arg2[%get3A_9, %get3A_10] : memref<2560x16xf32, #tpu.memory_space<vmem>>, vector<2560x1xf32>
    %mul3A = vector.broadcast %get3A_11 : vector<2560x1xf32> to vector<2560x128xf32>
    %mul3A_12 = arith.mulf %add3A, %mul3A : vector<2560x128xf32>
    %swap3A = arith.constant 0 : index
    %swap3A_13 = arith.constant 0 : index
    %swap3A_14 = vector.load %arg3[%swap3A, %swap3A_13] : memref<2560x128xf32, #tpu.memory_space<vmem>>, vector<2560x128xf32>
    tpu.vector_store %arg3[%swap3A, %swap3A_13], %mul3A_12 {strides = array<i32>} : memref<2560x128xf32, #tpu.memory_space<vmem>>, vector<2560x128xf32>,
    return
  }
  func.func @transform_0(%arg0: i32) -> (i32, i32, i32) {
    %c0_i32 = arith.constant 0 : i32
    %c0_i32_0 = arith.constant 0 : i32
    %c0_i32_1 = arith.constant 0 : i32
    return %c0_i32, %arg0, %c0_i32_0 : i32, i32, i32
  }
  func.func @transform_1(%arg0: i32) -> (i32, i32) {
    %c0_i32 = arith.constant 0 : i32
    %c0_i32_0 = arith.constant 0 : i32
    return %arg0, %c0_i32 : i32, i32
  }
  func.func @transform_2(%arg0: i32) -> (i32, i32) {
    %c0_i32 = arith.constant 0 : i32
    %c0_i32_0 = arith.constant 0 : i32
    return %arg0, %c0_i32 : i32, i32
  }
}

module attributes {stable_mosaic.version = 14 : i64} {
  func.func @_mix_relu_k(%arg0: i32, %arg1: memref<2560x128xf32, #tpu.memory_space<vmem>>, %arg2: memref<2x2560x128xf32, #tpu.memory_space<vmem>>, %arg3: memref<2560x16xf32, #tpu.memory_space<vmem>>, %arg4: memref<128x128xf32, #tpu.memory_space<vmem>>, %arg5: memref<128x128xf32, #tpu.memory_space<vmem>>, %arg6: memref<1x128xf32, #tpu.memory_space<vmem>>, %arg7: memref<2560x128xf32, #tpu.memory_space<vmem>>) attributes {dimension_semantics = [#tpu.dimension_semantics<arbitrary>], iteration_bounds = array<i64: 4>, scalar_prefetch = 0 : i64, scratch_operands = 0 : i64, tpu.core_type = #tpu.core_type<tc>, window_params = [{transform_indices = @transform_0, window_bounds = array<i64: 2560, 128>}, {transform_indices = @transform_1, window_bounds = array<i64: 2, 2560, 128>}, {transform_indices = @transform_2, window_bounds = array<i64: 2560, 16>}, {pipeline_mode = #tpu.pipeline_mode<synchronous>, transform_indices = @transform_3, window_bounds = array<i64: 128, 128>}, {pipeline_mode = #tpu.pipeline_mode<synchronous>, transform_indices = @transform_4, window_bounds = array<i64: 128, 128>}, {pipeline_mode = #tpu.pipeline_mode<synchronous>, transform_indices = @transform_5, window_bounds = array<i64: 1, 128>}, {transform_indices = @transform_6, window_bounds = array<i64: 2560, 128>}]} {
    %get3A = arith.constant 0 : index
    %get3A_0 = arith.constant 0 : index
    %get3A_1 = arith.constant 0 : index
    %get3A_2 = vector.load %arg2[%get3A, %get3A_0, %get3A_1] : memref<2x2560x128xf32, #tpu.memory_space<vmem>>, vector<1x2560x128xf32>
    %get3A_3 = vector.shape_cast %get3A_2 : vector<1x2560x128xf32> to vector<2560x128xf32>
    %get3A_4 = arith.constant 1 : index
    %get3A_5 = arith.constant 0 : index
    %get3A_6 = arith.constant 0 : index
    %get3A_7 = vector.load %arg2[%get3A_4, %get3A_5, %get3A_6] : memref<2x2560x128xf32, #tpu.memory_space<vmem>>, vector<1x2560x128xf32>
    %get3A_8 = vector.shape_cast %get3A_7 : vector<1x2560x128xf32> to vector<2560x128xf32>
    %add3A = arith.addf %get3A_3, %get3A_8 : vector<2560x128xf32>
    %get3A_9 = arith.constant 0 : index
    %get3A_10 = arith.constant 0 : index
    %get3A_11 = vector.load %arg3[%get3A_9, %get3A_10] : memref<2560x16xf32, #tpu.memory_space<vmem>>, vector<2560x1xf32>
    %mul3A = vector.broadcast %get3A_11 : vector<2560x1xf32> to vector<2560x128xf32>
    %mul3A_12 = arith.mulf %add3A, %mul3A : vector<2560x128xf32>
    %get3A_13 = arith.constant 0 : index
    %get3A_14 = arith.constant 0 : index
    %get3A_15 = vector.load %arg1[%get3A_13, %get3A_14] : memref<2560x128xf32, #tpu.memory_space<vmem>>, vector<2560x128xf32>
    %get3A_16 = arith.constant 0 : index
    %get3A_17 = arith.constant 0 : index
    %get3A_18 = vector.load %arg4[%get3A_16, %get3A_17] : memref<128x128xf32, #tpu.memory_space<vmem>>, vector<128x128xf32>
    %dot_general3A = arith.constant dense<0.000000e+00> : vector<2560x128xf32>
    %dot_general3A_19 = tpu.matmul %get3A_15, %get3A_18, %dot_general3A {dimension_numbers = #tpu.dot_dimension_numbers<[1], [0], [0], [1], [0, 0, 1, 1], [], []>, transpose_lhs_hint = false} : vector<2560x128xf32>, vector<128x128xf32>, vector<2560x128xf32> -> vector<2560x128xf32>
    %get3A_20 = arith.constant 0 : index
    %get3A_21 = arith.constant 0 : index
    %get3A_22 = vector.load %arg5[%get3A_20, %get3A_21] : memref<128x128xf32, #tpu.memory_space<vmem>>, vector<128x128xf32>
    %dot_general3A_23 = arith.constant dense<0.000000e+00> : vector<2560x128xf32>
    %dot_general3A_24 = tpu.matmul %mul3A_12, %get3A_22, %dot_general3A_23 {dimension_numbers = #tpu.dot_dimension_numbers<[1], [0], [0], [1], [0, 0, 1, 1], [], []>, transpose_lhs_hint = false} : vector<2560x128xf32>, vector<128x128xf32>, vector<2560x128xf32> -> vector<2560x128xf32>
    %add3A_25 = arith.addf %dot_general3A_19, %dot_general3A_24 : vector<2560x128xf32>
    %get3A_26 = arith.constant 0 : index
    %get3A_27 = arith.constant 0 : index
    %get3A_28 = vector.load %arg6[%get3A_26, %get3A_27] : memref<1x128xf32, #tpu.memory_space<vmem>>, vector<1x128xf32>
    %add3A_29 = vector.broadcast %get3A_28 : vector<1x128xf32> to vector<2560x128xf32>
    %add3A_30 = arith.addf %add3A_25, %add3A_29 : vector<2560x128xf32>
    %max3A = arith.constant 0.000000e+00 : f32
    %max3A_31 = vector.broadcast %max3A : f32 to vector<2560x128xf32>
    %max3A_32 = arith.maximumf %add3A_30, %max3A_31 : vector<2560x128xf32>
    %swap3A = arith.constant 0 : index
    %swap3A_33 = arith.constant 0 : index
    %swap3A_34 = vector.load %arg7[%swap3A, %swap3A_33] : memref<2560x128xf32, #tpu.memory_space<vmem>>, vector<2560x128xf32>
    tpu.vector_store %arg7[%swap3A, %swap3A_33], %max3A_32 {strides = array<i32>} : memref<2560x128xf32, #tpu.memory_space<vmem>>, vector<2560x128xf32>,
    return
  }
  func.func @transform_0(%arg0: i32) -> (i32, i32) {
    %c0_i32 = arith.constant 0 : i32
    %c0_i32_0 = arith.constant 0 : i32
    return %arg0, %c0_i32 : i32, i32
  }
  func.func @transform_1(%arg0: i32) -> (i32, i32, i32) {
    %c0_i32 = arith.constant 0 : i32
    %c0_i32_0 = arith.constant 0 : i32
    %c0_i32_1 = arith.constant 0 : i32
    return %c0_i32, %arg0, %c0_i32_0 : i32, i32, i32
  }
  func.func @transform_2(%arg0: i32) -> (i32, i32) {
    %c0_i32 = arith.constant 0 : i32
    %c0_i32_0 = arith.constant 0 : i32
    return %arg0, %c0_i32 : i32, i32
  }
  func.func @transform_3(%arg0: i32) -> (i32, i32) {
    %c0_i32 = arith.constant 0 : i32
    %c0_i32_0 = arith.constant 0 : i32
    %c0_i32_1 = arith.constant 0 : i32
    return %c0_i32, %c0_i32_0 : i32, i32
  }
  func.func @transform_4(%arg0: i32) -> (i32, i32) {
    %c0_i32 = arith.constant 0 : i32
    %c0_i32_0 = arith.constant 0 : i32
    %c0_i32_1 = arith.constant 0 : i32
    return %c0_i32, %c0_i32_0 : i32, i32
  }
  func.func @transform_5(%arg0: i32) -> (i32, i32) {
    %c0_i32 = arith.constant 0 : i32
    %c0_i32_0 = arith.constant 0 : i32
    %c0_i32_1 = arith.constant 0 : i32
    return %c0_i32, %c0_i32_0 : i32, i32
  }
  func.func @transform_6(%arg0: i32) -> (i32, i32) {
    %c0_i32 = arith.constant 0 : i32
    %c0_i32_0 = arith.constant 0 : i32
    return %arg0, %c0_i32 : i32, i32
  }
}

module attributes {stable_mosaic.version = 14 : i64} {
  func.func @_mix_out_k(%arg0: i32, %arg1: memref<2560x128xf32, #tpu.memory_space<vmem>>, %arg2: memref<2x2560x128xf32, #tpu.memory_space<vmem>>, %arg3: memref<2560x16xf32, #tpu.memory_space<vmem>>, %arg4: memref<128x128xf32, #tpu.memory_space<vmem>>, %arg5: memref<128x128xf32, #tpu.memory_space<vmem>>, %arg6: memref<1x128xf32, #tpu.memory_space<vmem>>, %arg7: memref<128x128xf32, #tpu.memory_space<vmem>>, %arg8: memref<1x128xf32, #tpu.memory_space<vmem>>, %arg9: memref<2560x128xf32, #tpu.memory_space<vmem>>) attributes {dimension_semantics = [#tpu.dimension_semantics<arbitrary>], iteration_bounds = array<i64: 4>, scalar_prefetch = 0 : i64, scratch_operands = 0 : i64, tpu.core_type = #tpu.core_type<tc>, window_params = [{transform_indices = @transform_0, window_bounds = array<i64: 2560, 128>}, {transform_indices = @transform_1, window_bounds = array<i64: 2, 2560, 128>}, {transform_indices = @transform_2, window_bounds = array<i64: 2560, 16>}, {pipeline_mode = #tpu.pipeline_mode<synchronous>, transform_indices = @transform_3, window_bounds = array<i64: 128, 128>}, {pipeline_mode = #tpu.pipeline_mode<synchronous>, transform_indices = @transform_4, window_bounds = array<i64: 128, 128>}, {pipeline_mode = #tpu.pipeline_mode<synchronous>, transform_indices = @transform_5, window_bounds = array<i64: 1, 128>}, {pipeline_mode = #tpu.pipeline_mode<synchronous>, transform_indices = @transform_6, window_bounds = array<i64: 128, 128>}, {pipeline_mode = #tpu.pipeline_mode<synchronous>, transform_indices = @transform_7, window_bounds = array<i64: 1, 128>}, {transform_indices = @transform_8, window_bounds = array<i64: 2560, 128>}]} {
    %get3A = arith.constant 0 : index
    %get3A_0 = arith.constant 0 : index
    %get3A_1 = arith.constant 0 : index
    %get3A_2 = vector.load %arg2[%get3A, %get3A_0, %get3A_1] : memref<2x2560x128xf32, #tpu.memory_space<vmem>>, vector<1x2560x128xf32>
    %get3A_3 = vector.shape_cast %get3A_2 : vector<1x2560x128xf32> to vector<2560x128xf32>
    %get3A_4 = arith.constant 1 : index
    %get3A_5 = arith.constant 0 : index
    %get3A_6 = arith.constant 0 : index
    %get3A_7 = vector.load %arg2[%get3A_4, %get3A_5, %get3A_6] : memref<2x2560x128xf32, #tpu.memory_space<vmem>>, vector<1x2560x128xf32>
    %get3A_8 = vector.shape_cast %get3A_7 : vector<1x2560x128xf32> to vector<2560x128xf32>
    %add3A = arith.addf %get3A_3, %get3A_8 : vector<2560x128xf32>
    %get3A_9 = arith.constant 0 : index
    %get3A_10 = arith.constant 0 : index
    %get3A_11 = vector.load %arg3[%get3A_9, %get3A_10] : memref<2560x16xf32, #tpu.memory_space<vmem>>, vector<2560x1xf32>
    %mul3A = vector.broadcast %get3A_11 : vector<2560x1xf32> to vector<2560x128xf32>
    %mul3A_12 = arith.mulf %add3A, %mul3A : vector<2560x128xf32>
    %get3A_13 = arith.constant 0 : index
    %get3A_14 = arith.constant 0 : index
    %get3A_15 = vector.load %arg1[%get3A_13, %get3A_14] : memref<2560x128xf32, #tpu.memory_space<vmem>>, vector<2560x128xf32>
    %get3A_16 = arith.constant 0 : index
    %get3A_17 = arith.constant 0 : index
    %get3A_18 = vector.load %arg4[%get3A_16, %get3A_17] : memref<128x128xf32, #tpu.memory_space<vmem>>, vector<128x128xf32>
    %dot_general3A = arith.constant dense<0.000000e+00> : vector<2560x128xf32>
    %dot_general3A_19 = tpu.matmul %get3A_15, %get3A_18, %dot_general3A {dimension_numbers = #tpu.dot_dimension_numbers<[1], [0], [0], [1], [0, 0, 1, 1], [], []>, transpose_lhs_hint = false} : vector<2560x128xf32>, vector<128x128xf32>, vector<2560x128xf32> -> vector<2560x128xf32>
    %get3A_20 = arith.constant 0 : index
    %get3A_21 = arith.constant 0 : index
    %get3A_22 = vector.load %arg5[%get3A_20, %get3A_21] : memref<128x128xf32, #tpu.memory_space<vmem>>, vector<128x128xf32>
    %dot_general3A_23 = arith.constant dense<0.000000e+00> : vector<2560x128xf32>
    %dot_general3A_24 = tpu.matmul %mul3A_12, %get3A_22, %dot_general3A_23 {dimension_numbers = #tpu.dot_dimension_numbers<[1], [0], [0], [1], [0, 0, 1, 1], [], []>, transpose_lhs_hint = false} : vector<2560x128xf32>, vector<128x128xf32>, vector<2560x128xf32> -> vector<2560x128xf32>
    %add3A_25 = arith.addf %dot_general3A_19, %dot_general3A_24 : vector<2560x128xf32>
    %get3A_26 = arith.constant 0 : index
    %get3A_27 = arith.constant 0 : index
    %get3A_28 = vector.load %arg6[%get3A_26, %get3A_27] : memref<1x128xf32, #tpu.memory_space<vmem>>, vector<1x128xf32>
    %add3A_29 = vector.broadcast %get3A_28 : vector<1x128xf32> to vector<2560x128xf32>
    %add3A_30 = arith.addf %add3A_25, %add3A_29 : vector<2560x128xf32>
    %get3A_31 = arith.constant 0 : index
    %get3A_32 = arith.constant 0 : index
    %get3A_33 = vector.load %arg7[%get3A_31, %get3A_32] : memref<128x128xf32, #tpu.memory_space<vmem>>, vector<128x128xf32>
    %dot_general3A_34 = arith.constant dense<0.000000e+00> : vector<2560x128xf32>
    %dot_general3A_35 = tpu.matmul %add3A_30, %get3A_33, %dot_general3A_34 {dimension_numbers = #tpu.dot_dimension_numbers<[1], [0], [0], [1], [0, 0, 1, 1], [], []>, transpose_lhs_hint = false} : vector<2560x128xf32>, vector<128x128xf32>, vector<2560x128xf32> -> vector<2560x128xf32>
    %get3A_36 = arith.constant 0 : index
    %get3A_37 = arith.constant 0 : index
    %get3A_38 = vector.load %arg8[%get3A_36, %get3A_37] : memref<1x128xf32, #tpu.memory_space<vmem>>, vector<1x128xf32>
    %add3A_39 = vector.broadcast %get3A_38 : vector<1x128xf32> to vector<2560x128xf32>
    %add3A_40 = arith.addf %dot_general3A_35, %add3A_39 : vector<2560x128xf32>
    %swap3A = arith.constant 0 : index
    %swap3A_41 = arith.constant 0 : index
    %swap3A_42 = vector.load %arg9[%swap3A, %swap3A_41] : memref<2560x128xf32, #tpu.memory_space<vmem>>, vector<2560x128xf32>
    tpu.vector_store %arg9[%swap3A, %swap3A_41], %add3A_40 {strides = array<i32>} : memref<2560x128xf32, #tpu.memory_space<vmem>>, vector<2560x128xf32>,
    return
  }
  func.func @transform_0(%arg0: i32) -> (i32, i32) {
    %c0_i32 = arith.constant 0 : i32
    %c0_i32_0 = arith.constant 0 : i32
    return %arg0, %c0_i32 : i32, i32
  }
  func.func @transform_1(%arg0: i32) -> (i32, i32, i32) {
    %c0_i32 = arith.constant 0 : i32
    %c0_i32_0 = arith.constant 0 : i32
    %c0_i32_1 = arith.constant 0 : i32
    return %c0_i32, %arg0, %c0_i32_0 : i32, i32, i32
  }
  func.func @transform_2(%arg0: i32) -> (i32, i32) {
    %c0_i32 = arith.constant 0 : i32
    %c0_i32_0 = arith.constant 0 : i32
    return %arg0, %c0_i32 : i32, i32
  }
  func.func @transform_3(%arg0: i32) -> (i32, i32) {
    %c0_i32 = arith.constant 0 : i32
    %c0_i32_0 = arith.constant 0 : i32
    %c0_i32_1 = arith.constant 0 : i32
    return %c0_i32, %c0_i32_0 : i32, i32
  }
  func.func @transform_4(%arg0: i32) -> (i32, i32) {
    %c0_i32 = arith.constant 0 : i32
    %c0_i32_0 = arith.constant 0 : i32
    %c0_i32_1 = arith.constant 0 : i32
    return %c0_i32, %c0_i32_0 : i32, i32
  }
  func.func @transform_5(%arg0: i32) -> (i32, i32) {
    %c0_i32 = arith.constant 0 : i32
    %c0_i32_0 = arith.constant 0 : i32
    %c0_i32_1 = arith.constant 0 : i32
    return %c0_i32, %c0_i32_0 : i32, i32
  }
  func.func @transform_6(%arg0: i32) -> (i32, i32) {
    %c0_i32 = arith.constant 0 : i32
    %c0_i32_0 = arith.constant 0 : i32
    %c0_i32_1 = arith.constant 0 : i32
    return %c0_i32, %c0_i32_0 : i32, i32
  }
  func.func @transform_7(%arg0: i32) -> (i32, i32) {
    %c0_i32 = arith.constant 0 : i32
    %c0_i32_0 = arith.constant 0 : i32
    %c0_i32_1 = arith.constant 0 : i32
    return %c0_i32, %c0_i32_0 : i32, i32
  }
  func.func @transform_8(%arg0: i32) -> (i32, i32) {
    %c0_i32 = arith.constant 0 : i32
    %c0_i32_0 = arith.constant 0 : i32
    return %arg0, %c0_i32 : i32, i32
  }
}

</mosaic_0001>

<sc_bundles>
// kernel: kernel.11.cloned.1.call-start
scs
__scs_entry_jumppad:
0x0: {  	(pc) =	sbr.rel $0x88, $3  }
0x1: {  	(tag) =	ssettag $0x0;
	lr =	simm.s32 $0x1  }
0x2: {  	[smem:$0x3F97] =	sst lr;
	_ =	strace $0xD0000000  }
0x3: {  	_ = 	snop  }
0x4: {  	_ = 	snop  }
0x5: {  	_ = 	snop  }
0x6: {  	_ = 	snop  }
0x7: {  	_ = 	snop  }
__scs_overlays_trampoline_lowered:
0x8: {  	[smem:$0x3FA6] =	sst s0  }
0x9: {  	[smem:$0x3FA7] =	sst s1  }
0xa: {  	[smem:$0x3FA8] =	sst s2  }
0xb: {  	[smem:$0x3FA9] =	sst s3  }
0xc: {  	[smem:$0x3FAA] =	sst s4  }
0xd: {  	[smem:$0x3FAB] =	sst s5  }
0xe: {  	[smem:$0x3FAC] =	sst s6  }
0xf: {  	[smem:$0x3FAD] =	sst s7  }
0x10: {  	[smem:$0x3FAE] =	sst s8  }
0x11: {  	[smem:$0x3FAF] =	sst s9;
	s0 =	simm.s32 @!p0 $0x0  }
0x12: {  	s1 =	sld [smem:$0x3F95];
	s0 =	simm.s32 @p0 $0x1  }
0x13: {  	[smem:$0x3FB0] =	sst s0;
	s0 =	simm.s32 @!p1 $0x0  }
0x14: {  	s2 =	sld [smem:$0x3F94];
	s0 =	simm.s32 @p1 $0x1  }
0x15: {  	[smem:$0x3FB1] =	sst s0;
	s0 =	simm.s32 @!p2 $0x0  }
0x16: {  	s3 =	sld [smem:$0x3FDB];
	s0 =	simm.s32 @p2 $0x1  }
0x17: {  	s4 =	simm.s32 $0x1BF5;
	[smem:$0x3FB3] =	sst s0  }
0x18: {  	s0 =	sld [smem:$0x3F96];
	_ =	swait.ge [sflag:s4], $0x0  }
0x19: {  	s7 =	sld [smem:$0x3F97]  }
0x1a: {  	s8 =	sadd.s32 $0xFFFFE003, lr  }
0x1b: {  	s9 =	sadd.s32 $0xFFFFFEF7, lr;
	s5 =	simm.s32 $0xFFFFFFFF;
	p2 =	slt.u32 s8, $0xFFFFF086  }
0x1c: {  	p1 =	slt.u32 s9, $0xF7A;
	s5 =	simm.s32 @!p2 $0x0  }
0x1d: {  	s5 =	simm.s32 @p1 $0x1;
	p0 =	seq.s32 s7, s2  }
0x1e: {  	s7 =	smul.u32 @!p0 $0xF7A, s2;
	p2 =	seq.s32 @!p0 s5, $0x0  }
0x1f: {  	s9 =	smul.u32 $0xF7A, s1;
	s8 =	simm.s32 @!p0 $0x1BF5;
	p2 =	por !p2, p0  }
0x20: {  	[sflag:s8] =	ssyncset.s32 @!p0 $0xFFFFF086;
	s6 =	sadd.s32 @!p0 s3, s7;
	s7 =	simm.s32 @!p0 $0x108  }
0x21: {  	s3 =	sadd.s32 s3, s9;
	s6 =	sadd.s32 @!p0 $0x88, s6;
	s7 =	simm.s32 @p2 $0x1082  }
0x22: {  	[simem:s7], [sflag:s8] =	dma.local @!p0 [hbm:s6], $0xF7A  }
0x23: {  	s9 =	sor.u32 $0xD0000000, s2;
	s6 =	simm.s32 $0x108;
	_ =	swait.ge @!p0 [sflag:s8], $0x0  }
0x24: {  	s3 =	sadd.s32 $0x88, s3;
	s6 =	simm.s32 @!p1 $0x1082;
	[sflag:s4] =	ssyncset.s32 $0xFFFFF086  }
0x25: {  	[simem:s6], [sflag:s4] =	dma.local [hbm:s3], $0xF7A  }
0x26: {  	[smem:$0x3F97] =	sst s1;
	(tag) =	ssettag s2;
	_ =	strace s9  }
0x27: {  	s1 =	sld [smem:$0x3FA7]  }
0x28: {  	s2 =	sld [smem:$0x3FA8]  }
0x29: {  	s4 =	sld [smem:$0x3FAA]  }
0x2a: {  	p0 =	seq.s32 s5, $0x0;
	s5 =	sld [smem:$0x3FAB]  }
0x2b: {  	s6 =	sld [smem:$0x3FAC]  }
0x2c: {  	s7 =	sld [smem:$0x3FAD]  }
0x2d: {  	s3 =	simm.s32 $0x108;
	s8 =	sld [smem:$0x3FAE]  }
0x2e: {  	s3 =	simm.s32 @!p0 $0x1082;
	s9 =	sld [smem:$0x3FAF]  }
0x2f: {  	lr =	sadd.s32 s0, s3;
	s0 =	sld [smem:$0x3FA6]  }
0x30: {  	s3 =	sld [smem:$0x3FA9]  }
0x31: {  	[smem:$0x3FB2] =	sst s10  }
0x32: {  	s10 =	sld [smem:$0x3FB0];
	_ =	sdelay $0x3  }
0x33: {  	p0 =	seq.s32 s10, $0x1;
	s10 =	sld [smem:$0x3FB2];
	_ =	sdelay $0x3  }
0x34: {  	[smem:$0x3FB2] =	sst s10  }
0x35: {  	s10 =	sld [smem:$0x3FB1];
	_ =	sdelay $0x3  }
0x36: {  	p1 =	seq.s32 s10, $0x1;
	s10 =	sld [smem:$0x3FB2];
	_ =	sdelay $0x3  }
0x37: {  	[smem:$0x3FB2] =	sst s10  }
0x38: {  	s10 =	sld [smem:$0x3FB3]  }
0x39: {  	_ = 	snop;
	(pc) =	sbr.ind lr, $3  }
0x3a: {  	_ = 	snop  }
0x3b: {  	_ = 	snop  }
0x3c: {  	p2 =	seq.s32 s10, $0x1;
	s10 =	sld [smem:$0x3FB2]  }
0x3d: {  	_ =	shalt  }
0x3e: {  	_ =	shalt  }
0x3f: {  	_ =	shalt  }
0x40: {  	_ =	shalt  }
0x41: {  	_ =	shalt  }
0x42: {  	_ =	shalt  }
0x43: {  	_ =	shalt  }
0x44: {  	_ =	shalt  }
0x45: {  	_ =	shalt  }
0x46: {  	_ =	shalt  }
0x47: {  	_ =	shalt  }
0x48: {  	_ =	shalt  }
0x49: {  	_ =	shalt  }
0x4a: {  	_ =	shalt  }
0x4b: {  	_ =	shalt  }
0x4c: {  	_ =	shalt  }
0x4d: {  	_ =	shalt  }
0x4e: {  	_ =	shalt  }
0x4f: {  	_ =	shalt  }
0x50: {  	_ =	shalt  }
0x51: {  	_ =	shalt  }
0x52: {  	_ =	shalt  }
0x53: {  	_ =	shalt  }
0x54: {  	_ =	shalt  }
0x55: {  	_ =	shalt  }
0x56: {  	_ =	shalt  }
0x57: {  	_ =	shalt  }
0x58: {  	_ =	shalt  }
0x59: {  	_ =	shalt  }
0x5a: {  	_ =	shalt  }
0x5b: {  	_ =	shalt  }
0x5c: {  	_ =	shalt  }
0x5d: {  	_ =	shalt  }
0x5e: {  	_ =	shalt  }
0x5f: {  	_ =	shalt  }
0x60: {  	_ =	shalt  }
0x61: {  	_ =	shalt  }
0x62: {  	_ =	shalt  }
0x63: {  	_ =	shalt  }
0x64: {  	_ =	shalt  }
0x65: {  	_ =	shalt  }
0x66: {  	_ =	shalt  }
0x67: {  	_ =	shalt  }
0x68: {  	_ =	shalt  }
0x69: {  	_ =	shalt  }
0x6a: {  	_ =	shalt  }
0x6b: {  	_ =	shalt  }
0x6c: {  	_ =	shalt  }
0x6d: {  	_ =	shalt  }
0x6e: {  	_ =	shalt  }
0x6f: {  	_ =	shalt  }
0x70: {  	_ =	shalt  }
0x71: {  	_ =	shalt  }
0x72: {  	_ =	shalt  }
0x73: {  	_ =	shalt  }
0x74: {  	_ =	shalt  }
0x75: {  	_ =	shalt  }
0x76: {  	_ =	shalt  }
0x77: {  	_ =	shalt  }
0x78: {  	_ =	shalt  }
0x79: {  	_ =	shalt  }
0x7a: {  	_ =	shalt  }
0x7b: {  	_ =	shalt  }
0x7c: {  	_ =	shalt  }
0x7d: {  	_ =	shalt  }
0x7e: {  	_ =	shalt  }
0x7f: {  	_ =	shalt  }
0x80: {  	_ =	shalt  }
0x81: {  	_ =	shalt  }
0x82: {  	_ =	shalt  }
0x83: {  	_ =	shalt  }
0x84: {  	_ =	shalt  }
0x85: {  	_ =	shalt  }
0x86: {  	_ =	shalt  }
0x87: {  	_ =	shalt  }
.Lfunc_end0:
.L_simem_size_0:
called_computation_lowered:
.L_overlay_start_0:
0x88: {  	s2 =	sld [smem:$0x3FD9]  }
0x89: {  	s3 =	sld [smem:$0x3FFE];
	_ =	sdelay $0x1  }
0x8a: {  	s1 =	srdreg.scid  }
0x8b: {  	s0 =	sand.u32 $0x1, s1  }
0x8c: {  	s17 =	sshll.u32 s0, $0xA;
	s2 =	sadd.s32 s3, s2  }
0x8d: {  	s2 =	sadd.s32 s2, s17  }
0x8e: {  	[smem:$0x3FBE] =	sst s2  }
0x8f: {  	_ = 	snop  }
0x90: {  	s2 =	sld [smem:$0x3FD0];
	(tm) =	ssettm $0x1  }
0x91: {  	s18 =	sld [smem:$0x3FFB];
	_ =	sdelay $0x3  }
0x92: {  	_ =	strace s18  }
0x93: {  	s3 =	sld [smem:$0x3FFC];
	_ =	sdelay $0x3  }
0x94: {  	_ =	strace s3  }
0x95: {  	s3 =	sld [smem:$0x3FFD];
	_ =	sdelay $0x3  }
0x96: {  	_ =	strace s3  }
0x97: {  	_ =	strace $0x8FFFFFFF  }
0x98: {  	s19 =	sld [smem:$0x3FDB];
	_ =	sdelay $0x1  }
0x99: {  	s4 =	simm.s32 $_scs_section_size  }
0x9a: {  	s5 =	simm.s32 $_size__tile_overlayer_lowered;
	s6 =	simm.s32 $_tile_overlayer_lowered  }
0x9b: {  	s22 =	simm.s32 $0x1BFF;
	s21 =	sshll.u32 s6, $0x1;
	s3 =	sadd.s32 s4, s19  }
0x9c: {  	s7 =	simm.s32 $0x0;
	s20 =	sshll.u32 s5, $0x1;
	s5 =	sadd.s32 s21, s3  }
0x9d: {  	[timem:s7], [sflag:s22] =	dma.local [hbm:s5], s20  }
0x9e: {  	_ =	swait.ge [sflag:s22], s20  }
0x9f: {  	s4 =	ssub.s32 $0x0, s20;
	[sflag:s22] =	ssyncset.done $0x0  }
0xa0: {  	[sflag:s22] =	ssyncadd.s32 s4;
	_ =	sdelay $0x1  }
0xa1: {  	s23 =	simm.s32 $0x1B8B  }
0xa2: {  	_ =	swait.ge [sflag:s23], $0x1  }
0xa3: {  	[sflag:s23] =	ssyncset.done $0x0  }
0xa4: {  	s25 =	simm.s32 $0x1B8E;
	s24 =	sld [smem:$0x3FFE];
	[sflag:s23] =	ssyncadd.s32 $0xFFFFFFFF  }
0xa5: {  	s26 =	simm.s32 $execute0_lowered;
	[smem:$0x3FD2] =	sst s25  }
0xa6: {  	s5 =	sshll.u32 s26, $0x1;
	_ =	strace $0x80000046;
	[dreg:$0x1] =	wrdreg $0xFFFFFFFF  }
0xa7: {  	s28 =	simm.s32 $_size_execute0_lowered;
	s3 =	sadd.s32 s3, s5;
	[dreg:$0x0] =	wrdreg $0x0  }
0xa8: {  	s5 =	sshll.u32 s28, $0x1;
	[dreg:$0x2] =	wrdreg s3  }
0xa9: {  	[dreg:$0x3] =	wrdreg s5  }
0xaa: {  	[dreg:$0x4] =	wrdreg $0xC0  }
0xab: {  	_ =	task [dreg:s7], $0x5FFFF  }
0xac: {  	[dreg:$0x1] =	wrdreg $0xFFFFFFFF  }
0xad: {  	[dreg:$0x0] =	wrdreg $0x60  }
0xae: {  	[dreg:$0x2] =	wrdreg s24  }
0xaf: {  	[dreg:$0x3] =	wrdreg s2  }
0xb0: {  	[dreg:$0x4] =	wrdreg $0xA8000  }
0xb1: {  	[dreg:$0x5] =	wrdreg $0x9  }
0xb2: {  	_ =	task.clear_ibuf [dreg:s7], $0x6FFFF;
	_ =	strace $0x90000046  }
0xb3: {  	s29 =	simm.s32 $0x9;
	_ =	strace $0x80000048  }
0xb4: {  	_ =	swait.ge [sflag:s29], $0x1  }
0xb5: {  	[sflag:s29] =	ssyncadd.s32 $0xFFFFFFFF  }
0xb6: {  	_ =	strace $0x90000048  }
0xb7: {  	_ =	sfence  }
0xb8: {  	s30 =	sld [smem:$0x0];
	_ =	sdelay $0x2  }
0xb9: {  	s31 =	sshll.u32 s1, $0xD;
	s1 =	sshrl.u32 s1, $0x2  }
0xba: {  	s3 =	sand.u32 $0x4000, s31;
	s1 =	sadd.s32 s1, s30  }
0xbb: {  	s0 =	sor.u32 s3, s0;
	s1 =	sshll.u32 s1, $0x11  }
0xbc: {  	s0 =	sor.u32 s1, s0  }
0xbd: {  	s0 =	sadd.s32 $0x8F2B, s0  }
0xbe: {  	[sflag:s0] =	ssyncadd.remote.s32 $0x1  }
0xbf: {  	_ =	sfence.sel $0xFFFF  }
0xc0: {  	[dreg:$0x0] =	wrdreg $0xFFFFFFFF;
	(pc) =	sbr.abs _section_cstart, $3  }
0xc1: {  	[dreg:$0x1] =	wrdreg $0xFFFFFFFF  }
0xc2: {  	_ =	task.clear_ibuf [dreg:s7], $0x2FFFF;
	_ =	strace $0x9FFFFFFF  }
0xc3: {  	(tm) =	ssettm $0x7FFFFFFF  }
tec
execute0_lowered:
.L_overlay_start_1:
0x0: {  	(tag) =	ssettag $0x1  }
0x1: {  	s0 =	rddreg [dreg:$0x0]  }
0x2: {  	s1 =	rddreg [dreg:$0x1]  }
0x3: {  	s2 =	rddreg [dreg:$0x2];
	s12 =	stileid.u32  }
0x4: {  	s3 =	simm.s32 $0x0;
	s4 =	srdreg.scid;
	s16 =	simm.s32 $0x5  }
0x5: {  	s28 =	simm.s32 $0x1300;
	s29 =	simm.s32 $0x1380;
	s30 =	simm.s32 $0x2700  }
0x6: {  	s31 =	simm.s32 $0x2780;
	s5 =	smul.u32 $0x14000, s12;
	[smem:$0x7FF] =	sst s3  }
0x7: {  	s6 =	sand.u32 $0x1, s4;
	s4 =	sadd.s32 $0x3C00, s0;
	s11 =	sadd.s32 $0x2BC00, s0  }
0x8: {  	s9 =	sadd.s32 $0x5DC00, s0;
	s17 =	sshll.u32 s12, $0x1;
	s10 =	smul.u32 $0x50000, s12  }
0x9: {  	s22 =	sshll.u32 s12, $0x6;
	_ =	strace $0x80000047;
	s8 =	smul.u32 $0x140000, s6  }
0xa: {  	[dreg:$0x4] =	wrdreg s9;
	s18 =	ssub.s32 $0x2, s6;
	s6 =	sor.u32 s6, s17  }
0xb: {  	s17 =	simm.s32 $0x1400;
	s7 =	sshrl.u32 s5, $0x3;
	s19 =	sshrl.u32 s18, $0x1  }
0xc: {  	s6 =	smul.u32 $0x2800, s6;
	s21 =	sshrl.u32 s10, $0x2;
	s7 =	sadd.s32 s7, s0  }
0xd: {  	s5 =	sadd.s32 s5, s8;
	s20 =	ssub.s32 s18, s19;
	s15 =	sadd.s32 s21, s2  }
0xe: {  	s18 =	simm.s32 $0x80;
	s19 =	simm.s32 $0x2800;
	s21 =	simm.s32 $0x1  }
0xf: {  	s5 =	sshrl.u32 s5, $0x3;
	s23 =	sshrl.u32 s6, $0x3;
	s6 =	sadd.s32 $0x35C00, s7  }
0x10: {  	s7 =	sor.u32 $0x1C05, s22;
	s14 =	smax.u32 s20, $0x1;
	s15 =	sshrl.u32 s15, $0x3  }
0x11: {  	s20 =	simm.s32 $0x6800;
	s22 =	simm.s32 $0x2;
	s0 =	sadd.s32 s5, s0  }
0x12: {  	s24 =	sadd.s32 $0x280, s23;
	s25 =	sadd.s32 s1, s23;
	s9 =	sadd.s32 s11, s23  }
0x13: {  	s23 =	simm.s32 $0x3;
	[dreg:$0x5] =	wrdreg s25;
	s1 =	sadd.s32 s1, s24  }
0x14: {  	s11 =	sadd.s32 s11, s24;
	s26 =	sadd.s32 $0x5E400, s0;
	s13 =	sadd.s32 $0xAE400, s0  }
0x15: {  	s24 =	simm.s32 $0x4;
	s25 =	simm.s32 $0x2600;
	[dreg:$0x6] =	wrdreg s1  }
0x16: {  	s0 =	simm.s32 $0x0;
	[dreg:$0x7] =	wrdreg s26;
	s26 =	simm.s32 $0x2680  }
.LBB2_1:
0x17: {  	[spmem:s15], [sflag:s7] =	dma.local [hbm:s6], $0x2800  }
0x18: {  	_ =	swait.ge [sflag:s16], $0x2800  }
0x19: {  	[sflag:s16] =	ssyncset.done $0x0  }
0x1a: {  	[sflag:s16] =	ssyncadd.s32 $0xFFFFD800  }
0x1b: {  	[bflag:$0x0] =	sbarrier.arrive $0xFFFF  }
0x1c: {  	s1 =	rddreg [dreg:$0x5]  }
0x1d: {  	[tilespmem:s3], [sflag:$0x5] =	stream.linear.gather [hbm4b:s1+s3], $0x1400, $0x38;
	[tilespmem:$0x1E800] =	vst v63  }
0x1e: {  	_ =	swait.ge [sflag:s16], $0x1400  }
0x1f: {  	[sflag:s16] =	ssyncset.done $0x0  }
0x20: {  	[sflag:s16] =	ssyncadd.s32 $0xFFFFEC00  }
0x21: {  	[tilespmem:s17], [sflag:$0x5] =	stream.linear.gather [hbm4b:s9+s3], $0x1400, $0x38;
	[tilespmem:$0x1E800] =	vst v63  }
0x22: {  	_ =	swait.ge [sflag:s16], $0x1400  }
0x23: {  	[sflag:s16] =	ssyncset.done $0x0  }
0x24: {  	[sflag:s16] =	ssyncadd.s32 $0xFFFFEC00  }
0x25: {  	[tilespmem:s19], [sflag:$0x1] =	stream.indirect.gather [hbm4b:s4+s18], $0x80, s3, s18, $0xb8;
	[tilespmem:$0x1E800] =	vst v63  }
0x26: {  	_ = 	snop  }
0x27: {  	[tilespmem:s20], [sflag:$0x2] =	stream.indirect.gather [hbm4b:s4+s18], $0x80, s18, s18, $0xb8;
	[tilespmem:$0x1E800] =	vst v63  }
0x28: {  	_ =	swait.ge [sflag:s21], $0x4000  }
0x29: {  	[sflag:s21] =	ssyncset.done $0x0  }
0x2a: {  	s8 =	simm.s32 $0x1400;
	[sflag:s21] =	ssyncadd.s32 $0xFFFFC000  }
0x2b: {  	[spmem:s2] =	stream.indirect.scatter.add.f32 [tilespmem:s19], [sflag:$0x3], $0x80, s8, s18, $0xb8;
	[tilespmem:$0x1E800] =	vst v63  }
0x2c: {  	_ =	swait.ge [sflag:s22], $0x4000  }
0x2d: {  	[sflag:s22] =	ssyncset.done $0x0  }
0x2e: {  	s10 =	simm.s32 $0x1480;
	[sflag:s22] =	ssyncadd.s32 $0xFFFFC000  }
0x2f: {  	[spmem:s2] =	stream.indirect.scatter.add.f32 [tilespmem:s20], [sflag:$0x4], $0x80, s10, s18, $0xb8;
	[tilespmem:$0x1E800] =	vst v63  }
0x30: {  	_ =	swait.ge [sflag:s23], $0x4000  }
0x31: {  	[sflag:s23] =	ssyncset.done $0x0  }
0x32: {  	s12 =	simm.s32 $0x100;
	[sflag:s23] =	ssyncadd.s32 $0xFFFFC000  }
0x33: {  	[tilespmem:s19], [sflag:$0x1] =	stream.indirect.gather [hbm4b:s4+s18], $0x80, s12, s18, $0xb8;
	[tilespmem:$0x1E800] =	vst v63  }
0x34: {  	_ =	swait.ge [sflag:s24], $0x4000  }
0x35: {  	[sflag:s24] =	ssyncset.done $0x0  }
0x36: {  	s5 =	simm.s32 $0x180;
	s1 =	simm.s32 $0x400;
	[sflag:s24] =	ssyncadd.s32 $0xFFFFC000  }
.LBB2_2:
0x37: {  	[tilespmem:s20], [sflag:$0x2] =	stream.indirect.gather [hbm4b:s4+s18], $0x80, s5, s18, $0xb8;
	[tilespmem:$0x1E800] =	vst v63  }
0x38: {  	s5 =	smov.u32 s1  }
0x39: {  	p0 =	sne.s32 s1, $0x4400;
	s1 =	sadd.s32 $0x400, s1;
	_ =	swait.ge [sflag:s21], $0x4000  }
0x3a: {  	s5 =	sshra.s32 s5, $0x2;
	[sflag:s21] =	ssyncset.done $0x0  }
0x3b: {  	s8 =	sadd.s32 $0x1400, s5;
	[sflag:s21] =	ssyncadd.s32 $0xFFFFC000  }
0x3c: {  	[spmem:s2] =	stream.indirect.scatter.add.f32 [tilespmem:s19], [sflag:$0x3], $0x80, s8, s18, $0xb8;
	[tilespmem:$0x1E800] =	vst v63  }
0x3d: {  	_ =	swait.ge [sflag:s22], $0x4000  }
0x3e: {  	[sflag:s22] =	ssyncset.done $0x0  }
0x3f: {  	s8 =	sadd.s32 $0x1480, s5;
	[sflag:s22] =	ssyncadd.s32 $0xFFFFC000  }
0x40: {  	[spmem:s2] =	stream.indirect.scatter.add.f32 [tilespmem:s20], [sflag:$0x4], $0x80, s8, s18, $0xb8;
	[tilespmem:$0x1E800] =	vst v63  }
0x41: {  	_ =	swait.ge [sflag:s23], $0x4000  }
0x42: {  	[sflag:s23] =	ssyncset.done $0x0  }
.Ltmp0:
0x43: {  	s8 =	sadd.s32 $0x100, s5;
	[sflag:s23] =	ssyncadd.s32 $0xFFFFC000;
	(pc) =	sbr.rel @p0 .LBB2_2-.Ltmp0, $4  }
0x44: {  	[tilespmem:s19], [sflag:$0x1] =	stream.indirect.gather [hbm4b:s4+s18], $0x80, s8, s18, $0xb8;
	[tilespmem:$0x1E800] =	vst v63  }
0x45: {  	_ =	swait.ge [sflag:s24], $0x4000  }
0x46: {  	[sflag:s24] =	ssyncset.done $0x0  }
0x47: {  	s5 =	sadd.s32 $0x180, s5;
	[sflag:s24] =	ssyncadd.s32 $0xFFFFC000  }
0x48: {  	[tilespmem:s20], [sflag:$0x2] =	stream.indirect.gather [hbm4b:s4+s18], $0x80, s5, s18, $0xb8;
	[tilespmem:$0x1E800] =	vst v63  }
0x49: {  	_ =	swait.ge [sflag:s21], $0x4000  }
0x4a: {  	[sflag:s21] =	ssyncset.done $0x0  }
0x4b: {  	[sflag:s21] =	ssyncadd.s32 $0xFFFFC000  }
0x4c: {  	[spmem:s2] =	stream.indirect.scatter.add.f32 [tilespmem:s19], [sflag:$0x3], $0x80, s25, s18, $0xb8;
	[tilespmem:$0x1E800] =	vst v63  }
0x4d: {  	_ =	swait.ge [sflag:s22], $0x4000  }
0x4e: {  	[sflag:s22] =	ssyncset.done $0x0  }
0x4f: {  	[sflag:s22] =	ssyncadd.s32 $0xFFFFC000  }
0x50: {  	[spmem:s2] =	stream.indirect.scatter.add.f32 [tilespmem:s20], [sflag:$0x4], $0x80, s26, s18, $0xb8;
	[tilespmem:$0x1E800] =	vst v63  }
0x51: {  	_ =	swait.ge [sflag:s23], $0x4000  }
0x52: {  	[sflag:s23] =	ssyncset.done $0x0  }
0x53: {  	[sflag:s23] =	ssyncadd.s32 $0xFFFFC000  }
0x54: {  	[tilespmem:s19], [sflag:$0x1] =	stream.indirect.gather [hbm4b:s4+s18], $0x80, s28, s18, $0xb8;
	[tilespmem:$0x1E800] =	vst v63  }
0x55: {  	_ =	swait.ge [sflag:s24], $0x4000  }
0x56: {  	[sflag:s24] =	ssyncset.done $0x0  }
0x57: {  	[sflag:s24] =	ssyncadd.s32 $0xFFFFC000  }
0x58: {  	[tilespmem:s20], [sflag:$0x2] =	stream.indirect.gather [hbm4b:s4+s18], $0x80, s29, s18, $0xb8;
	[tilespmem:$0x1E800] =	vst v63  }
0x59: {  	_ =	swait.ge [sflag:s21], $0x4000  }
0x5a: {  	[sflag:s21] =	ssyncset.done $0x0  }
0x5b: {  	[sflag:s21] =	ssyncadd.s32 $0xFFFFC000  }
0x5c: {  	[spmem:s2] =	stream.indirect.scatter.add.f32 [tilespmem:s19], [sflag:$0x3], $0x80, s30, s18, $0xb8;
	[tilespmem:$0x1E800] =	vst v63  }
0x5d: {  	_ =	swait.ge [sflag:s22], $0x4000  }
0x5e: {  	[sflag:s22] =	ssyncset.done $0x0  }
0x5f: {  	[sflag:s22] =	ssyncadd.s32 $0xFFFFC000  }
0x60: {  	[spmem:s2] =	stream.indirect.scatter.add.f32 [tilespmem:s20], [sflag:$0x4], $0x80, s31, s18, $0xb8;
	[tilespmem:$0x1E800] =	vst v63  }
0x61: {  	_ =	swait.ge [sflag:s23], $0x4000  }
0x62: {  	[sflag:s23] =	ssyncset.done $0x0  }
0x63: {  	[sflag:s23] =	ssyncadd.s32 $0xFFFFC000  }
0x64: {  	[tilespmem:s19], [sflag:$0x1] =	stream.indirect.gather [hbm4b:s4+s18], $0x80, s29, s18, $0xb8;
	[tilespmem:$0x1E800] =	vst v63  }
0x65: {  	_ =	swait.ge [sflag:s24], $0x4000  }
0x66: {  	[sflag:s24] =	ssyncset.done $0x0  }
0x67: {  	[sflag:s24] =	ssyncadd.s32 $0xFFFFC000  }
0x68: {  	[tilespmem:s20], [sflag:$0x2] =	stream.indirect.gather [hbm4b:s4+s18], $0x80, s29, s18, $0xb8;
	[tilespmem:$0x1E800] =	vst v63  }
0x69: {  	_ =	swait.ge [sflag:s21], $0x4000  }
0x6a: {  	[sflag:s21] =	ssyncset.done $0x0  }
0x6b: {  	[sflag:s21] =	ssyncadd.s32 $0xFFFFC000  }
0x6c: {  	_ =	swait.ge [sflag:s22], $0x4000  }
0x6d: {  	[sflag:s22] =	ssyncset.done $0x0  }
0x6e: {  	s1 =	simm.s32 $0x0;
	s12 =	rddreg [dreg:$0x6];
	[sflag:s22] =	ssyncadd.s32 $0xFFFFC000  }
0x6f: {  	[tilespmem:s1], [sflag:$0x5] =	stream.linear.gather [hbm4b:s12+s1], $0x1400, $0x38;
	[tilespmem:$0x1E800] =	vst v63  }
0x70: {  	_ =	swait.ge [sflag:s16], $0x1400  }
0x71: {  	[sflag:s16] =	ssyncset.done $0x0  }
0x72: {  	[sflag:s16] =	ssyncadd.s32 $0xFFFFEC00  }
0x73: {  	[tilespmem:s17], [sflag:$0x5] =	stream.linear.gather [hbm4b:s11+s1], $0x1400, $0x38;
	[tilespmem:$0x1E800] =	vst v63  }
0x74: {  	_ =	swait.ge [sflag:s16], $0x1400  }
0x75: {  	[sflag:s16] =	ssyncset.done $0x0  }
0x76: {  	[sflag:s16] =	ssyncadd.s32 $0xFFFFEC00  }
0x77: {  	[tilespmem:s19], [sflag:$0x1] =	stream.indirect.gather [hbm4b:s4+s18], $0x80, s1, s18, $0xb8;
	[tilespmem:$0x1E800] =	vst v63  }
0x78: {  	_ = 	snop  }
0x79: {  	[tilespmem:s20], [sflag:$0x2] =	stream.indirect.gather [hbm4b:s4+s18], $0x80, s18, s18, $0xb8;
	[tilespmem:$0x1E800] =	vst v63  }
0x7a: {  	_ =	swait.ge [sflag:s21], $0x4000  }
0x7b: {  	[sflag:s21] =	ssyncset.done $0x0  }
0x7c: {  	s8 =	simm.s32 $0x1400;
	[sflag:s21] =	ssyncadd.s32 $0xFFFFC000  }
0x7d: {  	[spmem:s2] =	stream.indirect.scatter.add.f32 [tilespmem:s19], [sflag:$0x3], $0x80, s8, s18, $0xb8;
	[tilespmem:$0x1E800] =	vst v63  }
0x7e: {  	_ =	swait.ge [sflag:s22], $0x4000  }
0x7f: {  	[sflag:s22] =	ssyncset.done $0x0  }
0x80: {  	s10 =	simm.s32 $0x1480;
	[sflag:s22] =	ssyncadd.s32 $0xFFFFC000  }
0x81: {  	[spmem:s2] =	stream.indirect.scatter.add.f32 [tilespmem:s20], [sflag:$0x4], $0x80, s10, s18, $0xb8;
	[tilespmem:$0x1E800] =	vst v63  }
0x82: {  	_ =	swait.ge [sflag:s23], $0x4000  }
0x83: {  	[sflag:s23] =	ssyncset.done $0x0  }
0x84: {  	s12 =	simm.s32 $0x100;
	[sflag:s23] =	ssyncadd.s32 $0xFFFFC000  }
0x85: {  	[tilespmem:s19], [sflag:$0x1] =	stream.indirect.gather [hbm4b:s4+s18], $0x80, s12, s18, $0xb8;
	[tilespmem:$0x1E800] =	vst v63  }
0x86: {  	_ =	swait.ge [sflag:s24], $0x4000  }
0x87: {  	[sflag:s24] =	ssyncset.done $0x0  }
0x88: {  	s5 =	simm.s32 $0x180;
	s1 =	simm.s32 $0x400;
	[sflag:s24] =	ssyncadd.s32 $0xFFFFC000  }
.LBB2_4:
0x89: {  	[tilespmem:s20], [sflag:$0x2] =	stream.indirect.gather [hbm4b:s4+s18], $0x80, s5, s18, $0xb8;
	[tilespmem:$0x1E800] =	vst v63  }
0x8a: {  	s5 =	smov.u32 s1  }
0x8b: {  	p0 =	sne.s32 s1, $0x4400;
	s1 =	sadd.s32 $0x400, s1;
	_ =	swait.ge [sflag:s21], $0x4000  }
0x8c: {  	s5 =	sshra.s32 s5, $0x2;
	[sflag:s21] =	ssyncset.done $0x0  }
0x8d: {  	s8 =	sadd.s32 $0x1400, s5;
	[sflag:s21] =	ssyncadd.s32 $0xFFFFC000  }
0x8e: {  	[spmem:s2] =	stream.indirect.scatter.add.f32 [tilespmem:s19], [sflag:$0x3], $0x80, s8, s18, $0xb8;
	[tilespmem:$0x1E800] =	vst v63  }
0x8f: {  	_ =	swait.ge [sflag:s22], $0x4000  }
0x90: {  	[sflag:s22] =	ssyncset.done $0x0  }
0x91: {  	s8 =	sadd.s32 $0x1480, s5;
	[sflag:s22] =	ssyncadd.s32 $0xFFFFC000  }
0x92: {  	[spmem:s2] =	stream.indirect.scatter.add.f32 [tilespmem:s20], [sflag:$0x4], $0x80, s8, s18, $0xb8;
	[tilespmem:$0x1E800] =	vst v63  }
0x93: {  	_ =	swait.ge [sflag:s23], $0x4000  }
0x94: {  	[sflag:s23] =	ssyncset.done $0x0  }
.Ltmp1:
0x95: {  	s8 =	sadd.s32 $0x100, s5;
	[sflag:s23] =	ssyncadd.s32 $0xFFFFC000;
	(pc) =	sbr.rel @p0 .LBB2_4-.Ltmp1, $4  }
0x96: {  	[tilespmem:s19], [sflag:$0x1] =	stream.indirect.gather [hbm4b:s4+s18], $0x80, s8, s18, $0xb8;
	[tilespmem:$0x1E800] =	vst v63  }
0x97: {  	_ =	swait.ge [sflag:s24], $0x4000  }
0x98: {  	[sflag:s24] =	ssyncset.done $0x0  }
0x99: {  	s5 =	sadd.s32 $0x180, s5;
	[sflag:s24] =	ssyncadd.s32 $0xFFFFC000  }
0x9a: {  	[tilespmem:s20], [sflag:$0x2] =	stream.indirect.gather [hbm4b:s4+s18], $0x80, s5, s18, $0xb8;
	[tilespmem:$0x1E800] =	vst v63  }
0x9b: {  	_ =	swait.ge [sflag:s21], $0x4000  }
0x9c: {  	[sflag:s21] =	ssyncset.done $0x0  }
0x9d: {  	[sflag:s21] =	ssyncadd.s32 $0xFFFFC000  }
0x9e: {  	[spmem:s2] =	stream.indirect.scatter.add.f32 [tilespmem:s19], [sflag:$0x3], $0x80, s25, s18, $0xb8;
	[tilespmem:$0x1E800] =	vst v63  }
0x9f: {  	_ =	swait.ge [sflag:s22], $0x4000  }
0xa0: {  	[sflag:s22] =	ssyncset.done $0x0  }
0xa1: {  	[sflag:s22] =	ssyncadd.s32 $0xFFFFC000  }
0xa2: {  	[spmem:s2] =	stream.indirect.scatter.add.f32 [tilespmem:s20], [sflag:$0x4], $0x80, s26, s18, $0xb8;
	[tilespmem:$0x1E800] =	vst v63  }
0xa3: {  	_ =	swait.ge [sflag:s23], $0x4000  }
0xa4: {  	[sflag:s23] =	ssyncset.done $0x0  }
0xa5: {  	[sflag:s23] =	ssyncadd.s32 $0xFFFFC000  }
0xa6: {  	[tilespmem:s19], [sflag:$0x1] =	stream.indirect.gather [hbm4b:s4+s18], $0x80, s28, s18, $0xb8;
	[tilespmem:$0x1E800] =	vst v63  }
0xa7: {  	_ =	swait.ge [sflag:s24], $0x4000  }
0xa8: {  	[sflag:s24] =	ssyncset.done $0x0  }
0xa9: {  	[sflag:s24] =	ssyncadd.s32 $0xFFFFC000  }
0xaa: {  	[tilespmem:s20], [sflag:$0x2] =	stream.indirect.gather [hbm4b:s4+s18], $0x80, s29, s18, $0xb8;
	[tilespmem:$0x1E800] =	vst v63  }
0xab: {  	_ =	swait.ge [sflag:s21], $0x4000  }
0xac: {  	[sflag:s21] =	ssyncset.done $0x0  }
0xad: {  	[sflag:s21] =	ssyncadd.s32 $0xFFFFC000  }
0xae: {  	[spmem:s2] =	stream.indirect.scatter.add.f32 [tilespmem:s19], [sflag:$0x3], $0x80, s30, s18, $0xb8;
	[tilespmem:$0x1E800] =	vst v63  }
0xaf: {  	_ =	swait.ge [sflag:s22], $0x4000  }
0xb0: {  	[sflag:s22] =	ssyncset.done $0x0  }
0xb1: {  	[sflag:s22] =	ssyncadd.s32 $0xFFFFC000  }
0xb2: {  	[spmem:s2] =	stream.indirect.scatter.add.f32 [tilespmem:s20], [sflag:$0x4], $0x80, s31, s18, $0xb8;
	[tilespmem:$0x1E800] =	vst v63  }
0xb3: {  	_ =	swait.ge [sflag:s23], $0x4000  }
0xb4: {  	[sflag:s23] =	ssyncset.done $0x0  }
0xb5: {  	[sflag:s23] =	ssyncadd.s32 $0xFFFFC000  }
0xb6: {  	[tilespmem:s19], [sflag:$0x1] =	stream.indirect.gather [hbm4b:s4+s18], $0x80, s29, s18, $0xb8;
	[tilespmem:$0x1E800] =	vst v63  }
0xb7: {  	_ =	swait.ge [sflag:s24], $0x4000  }
0xb8: {  	[sflag:s24] =	ssyncset.done $0x0  }
0xb9: {  	[sflag:s24] =	ssyncadd.s32 $0xFFFFC000  }
0xba: {  	[tilespmem:s20], [sflag:$0x2] =	stream.indirect.gather [hbm4b:s4+s18], $0x80, s29, s18, $0xb8;
	[tilespmem:$0x1E800] =	vst v63  }
0xbb: {  	_ =	swait.ge [sflag:s21], $0x4000  }
0xbc: {  	[sflag:s21] =	ssyncset.done $0x0  }
0xbd: {  	[sflag:s21] =	ssyncadd.s32 $0xFFFFC000  }
0xbe: {  	_ =	swait.ge [sflag:s22], $0x4000  }
0xbf: {  	[sflag:s22] =	ssyncset.done $0x0  }
0xc0: {  	[sflag:s22] =	ssyncadd.s32 $0xFFFFC000  }
0xc1: {  	[bflag:$0x0] =	sbarrier.arrive $0xFFFF  }
0xc2: {  	s1 =	rddreg [dreg:$0x7]  }
0xc3: {  	[hbm:s1], [sflag:s7] =	dma.local [spmem:s15], $0x2800  }
0xc4: {  	_ =	swait.ge [sflag:s16], $0x2800  }
0xc5: {  	[sflag:s16] =	ssyncset.done $0x0  }
0xc6: {  	[sflag:s16] =	ssyncadd.s32 $0xFFFFD800  }
0xc7: {  	[spmem:s15], [sflag:s7] =	dma.local [hbm:s6], $0x2800  }
0xc8: {  	_ =	swait.ge [sflag:s16], $0x2800  }
0xc9: {  	[sflag:s16] =	ssyncset.done $0x0  }
0xca: {  	s12 =	simm.s32 $0x0;
	s8 =	rddreg [dreg:$0x4];
	[sflag:s16] =	ssyncadd.s32 $0xFFFFD800  }
0xcb: {  	[tilespmem:s19], [sflag:$0x5] =	stream.linear.gather [hbm4b:s8+s12], $0x4000, $0x38;
	[tilespmem:$0x1E800] =	vst v63  }
0xcc: {  	_ =	swait.ge [sflag:s16], $0x4000  }
0xcd: {  	[sflag:s16] =	ssyncset.done $0x0  }
0xce: {  	[sflag:s16] =	ssyncadd.s32 $0xFFFFC000  }
0xcf: {  	[bflag:$0x0] =	sbarrier.arrive $0xFFFF  }
0xd0: {  	[tilespmem:s17], [sflag:$0x5] =	stream.linear.gather [hbm4b:s9+s12], $0x1400, $0x38;
	[tilespmem:$0x1E800] =	vst v63  }
0xd1: {  	_ =	swait.ge [sflag:s16], $0x1400  }
0xd2: {  	[sflag:s16] =	ssyncset.done $0x0  }
0xd3: {  	s10 =	simm.s32 $0x1400;
	[sflag:s16] =	ssyncadd.s32 $0xFFFFEC00  }
0xd4: {  	[spmem:s2] =	stream.indirect.scatter.add.f32 [tilespmem:s19], [sflag:$0x3], $0x80, s10, s18, $0xb8;
	[tilespmem:$0x1E800] =	vst v63  }
0xd5: {  	s12 =	simm.s32 $0x1480  }
0xd6: {  	[spmem:s2] =	stream.indirect.scatter.add.f32 [tilespmem:s19], [sflag:$0x4], $0x80, s12, s18, $0xb8;
	[tilespmem:$0x1E800] =	vst v63  }
0xd7: {  	_ =	swait.ge [sflag:s23], $0x4000  }
0xd8: {  	[sflag:s23] =	ssyncset.done $0x0  }
0xd9: {  	[sflag:s23] =	ssyncadd.s32 $0xFFFFC000  }
0xda: {  	_ =	swait.ge [sflag:s24], $0x4000  }
0xdb: {  	s5 =	simm.s32 $0x800;
	s1 =	simm.s32 $0x100;
	[sflag:s24] =	ssyncset.done $0x0  }
.LBB2_6:
0xdc: {  	s8 =	sadd.s32 $0x1400, s1  }
0xdd: {  	[sflag:s24] =	ssyncadd.s32 $0xFFFFC000;
	s10 =	smov.u32 s5;
	s12 =	sadd.s32 $0x400, s5  }
0xde: {  	[spmem:s2] =	stream.indirect.scatter.add.f32 [tilespmem:s19], [sflag:$0x3], $0x80, s8, s18, $0xb8;
	[tilespmem:$0x1E800] =	vst v63  }
0xdf: {  	p0 =	sne.s32 s5, $0x4C00;
	s1 =	sadd.s32 $0x1480, s1  }
0xe0: {  	[spmem:s2] =	stream.indirect.scatter.add.f32 [tilespmem:s19], [sflag:$0x4], $0x80, s1, s18, $0xb8;
	[tilespmem:$0x1E800] =	vst v63  }
.Ltmp2:
0xe1: {  	_ =	swait.ge [sflag:s23], $0x4000;
	(pc) =	sbr.rel @p0 .LBB2_6-.Ltmp2, $4  }
0xe2: {  	[sflag:s23] =	ssyncset.done $0x0  }
0xe3: {  	[sflag:s23] =	ssyncadd.s32 $0xFFFFC000  }
0xe4: {  	_ =	swait.ge [sflag:s24], $0x4000  }
0xe5: {  	s5 =	smov.u32 s12;
	s1 =	sshra.s32 s10, $0x2;
	[sflag:s24] =	ssyncset.done $0x0  }
0xe6: {  	s5 =	sadd.s32 $0x1400, s1;
	[sflag:s24] =	ssyncadd.s32 $0xFFFFC000  }
0xe7: {  	[spmem:s2] =	stream.indirect.scatter.add.f32 [tilespmem:s19], [sflag:$0x3], $0x80, s5, s18, $0xb8;
	[tilespmem:$0x1E800] =	vst v63  }
0xe8: {  	s5 =	sadd.s32 $0x1480, s1  }
0xe9: {  	[spmem:s2] =	stream.indirect.scatter.add.f32 [tilespmem:s19], [sflag:$0x4], $0x80, s5, s18, $0xb8;
	[tilespmem:$0x1E800] =	vst v63  }
0xea: {  	_ =	swait.ge [sflag:s23], $0x4000  }
0xeb: {  	[sflag:s23] =	ssyncset.done $0x0  }
0xec: {  	[sflag:s23] =	ssyncadd.s32 $0xFFFFC000  }
0xed: {  	_ =	swait.ge [sflag:s24], $0x4000  }
0xee: {  	[sflag:s24] =	ssyncset.done $0x0  }
0xef: {  	s8 =	simm.s32 $0x0;
	[sflag:s24] =	ssyncadd.s32 $0xFFFFC000  }
0xf0: {  	[tilespmem:s17], [sflag:$0x5] =	stream.linear.gather [hbm4b:s11+s8], $0x1400, $0x38;
	[tilespmem:$0x1E800] =	vst v63  }
0xf1: {  	_ =	swait.ge [sflag:s16], $0x1400  }
0xf2: {  	[sflag:s16] =	ssyncset.done $0x0  }
0xf3: {  	s10 =	simm.s32 $0x1400;
	[sflag:s16] =	ssyncadd.s32 $0xFFFFEC00  }
0xf4: {  	[spmem:s2] =	stream.indirect.scatter.add.f32 [tilespmem:s19], [sflag:$0x3], $0x80, s10, s18, $0xb8;
	[tilespmem:$0x1E800] =	vst v63  }
0xf5: {  	s12 =	simm.s32 $0x1480  }
0xf6: {  	[spmem:s2] =	stream.indirect.scatter.add.f32 [tilespmem:s19], [sflag:$0x4], $0x80, s12, s18, $0xb8;
	[tilespmem:$0x1E800] =	vst v63  }
0xf7: {  	_ =	swait.ge [sflag:s23], $0x4000  }
0xf8: {  	[sflag:s23] =	ssyncset.done $0x0  }
0xf9: {  	[sflag:s23] =	ssyncadd.s32 $0xFFFFC000  }
0xfa: {  	_ =	swait.ge [sflag:s24], $0x4000  }
0xfb: {  	s1 =	simm.s32 $0x100;
	s5 =	simm.s32 $0x800;
	[sflag:s24] =	ssyncset.done $0x0  }
.LBB2_8:
0xfc: {  	s8 =	sadd.s32 $0x1400, s1  }
0xfd: {  	[sflag:s24] =	ssyncadd.s32 $0xFFFFC000;
	s10 =	smov.u32 s5;
	s12 =	sadd.s32 $0x400, s5  }
0xfe: {  	[spmem:s2] =	stream.indirect.scatter.add.f32 [tilespmem:s19], [sflag:$0x3], $0x80, s8, s18, $0xb8;
	[tilespmem:$0x1E800] =	vst v63  }
0xff: {  	p0 =	sne.s32 s5, $0x4C00;
	s1 =	sadd.s32 $0x1480, s1  }
0x100: {  	[spmem:s2] =	stream.indirect.scatter.add.f32 [tilespmem:s19], [sflag:$0x4], $0x80, s1, s18, $0xb8;
	[tilespmem:$0x1E800] =	vst v63  }
.Ltmp3:
0x101: {  	_ =	swait.ge [sflag:s23], $0x4000;
	(pc) =	sbr.rel @p0 .LBB2_8-.Ltmp3, $4  }
0x102: {  	[sflag:s23] =	ssyncset.done $0x0  }
0x103: {  	[sflag:s23] =	ssyncadd.s32 $0xFFFFC000  }
0x104: {  	_ =	swait.ge [sflag:s24], $0x4000  }
0x105: {  	s5 =	smov.u32 s12;
	s1 =	sshra.s32 s10, $0x2;
	[sflag:s24] =	ssyncset.done $0x0  }
0x106: {  	s5 =	sadd.s32 $0x1400, s1;
	[sflag:s24] =	ssyncadd.s32 $0xFFFFC000  }
0x107: {  	[spmem:s2] =	stream.indirect.scatter.add.f32 [tilespmem:s19], [sflag:$0x3], $0x80, s5, s18, $0xb8;
	[tilespmem:$0x1E800] =	vst v63  }
0x108: {  	s12 =	sadd.s32 $0x1480, s1  }
0x109: {  	[spmem:s2] =	stream.indirect.scatter.add.f32 [tilespmem:s19], [sflag:$0x4], $0x80, s12, s18, $0xb8;
	[tilespmem:$0x1E800] =	vst v63  }
0x10a: {  	_ =	swait.ge [sflag:s23], $0x4000  }
0x10b: {  	[sflag:s23] =	ssyncset.done $0x0  }
0x10c: {  	[sflag:s23] =	ssyncadd.s32 $0xFFFFC000  }
0x10d: {  	_ =	swait.ge [sflag:s24], $0x4000  }
0x10e: {  	s0 =	sadd.s32 $0x1, s0;
	[sflag:s24] =	ssyncset.done $0x0  }
0x10f: {  	p0 =	sne.s32 s0, s14;
	[sflag:s24] =	ssyncadd.s32 $0xFFFFC000  }
.Ltmp4:
0x110: {  	[bflag:$0x0] =	sbarrier.arrive $0xFFFF;
	(pc) =	sbr.rel @p0 .LBB2_1-.Ltmp4, $4  }
0x111: {  	[hbm:s13], [sflag:s7] =	dma.local [spmem:s15], $0x2800  }
0x112: {  	_ =	swait.ge [sflag:s16], $0x2800  }
0x113: {  	[sflag:s16] =	ssyncset.done $0x0  }
0x114: {  	[sflag:s16] =	ssyncadd.s32 $0xFFFFD800  }
0x115: {  	_ =	sfence.sel $0x180000  }
0x116: {  	[bflag:$0x0] =	sbarrier.arrive $0xFFFF  }
0x117: {  	_ =	strace $0x90000047  }
0x118: {  	s0 =	stileid.u32;
	[bflag:$0x2] =	sbarrier.arrive $0xFFFF  }
0x119: {  	p0 =	sne.s32 s0, $0x0;
	s0 =	rddreg [dreg:$0x3]  }
0x11a: {  	s0 =	sadd.s32 @!p0 $0x100000, s0  }
0x11b: {  	[sflag:s0] =	ssyncadd.tile.s32 @!p0 $0x1;
	_ =	shalt  }
.Lfunc_end2:
_tile_overlayer_lowered:
.L_overlay_start_2:
0x11c: {  	(tag) =	ssettag $0x2  }
0x11d: {  	s0 =	rddreg [dreg:$0x0];
	s2 =	stileid.u32  }
0x11e: {  	s1 =	rddreg [dreg:$0x1];
	p0 =	sne.s32 s2, $0x0  }
0x11f: {  	s3 =	rddreg [dreg:$0x2];
	[bflag:$0x3] =	sbarrier.arrive $0xFFFF;
	s2 =	simm.s32 @!p0 $0x1C05  }
0x120: {  	[timem:s3], [sflag:s2] =	dma.local @!p0 [hbm:s0], s1  }
0x121: {  	s0 =	simm.s32 @!p0 $0x5  }
0x122: {  	_ =	swait.ge @!p0 [sflag:s0], s1  }
0x123: {  	s1 =	ssub.s32 @!p0 $0x0, s1;
	[sflag:s0] =	ssyncset.done @!p0 $0x0  }
0x124: {  	[sflag:s0] =	ssyncadd.s32 @!p0 s1  }
0x125: {  	[bflag:$0x3] =	sbarrier.arrive $0xFFFF  }
0x126: {  	_ =	shalt  }

// kernel: kernel.14.cloned.1.call-start
scs
__scs_entry_jumppad:
0x0: {  	(pc) =	sbr.rel $0x88, $3  }
0x1: {  	(tag) =	ssettag $0x0;
	lr =	simm.s32 $0x1  }
0x2: {  	[smem:$0x3F97] =	sst lr;
	_ =	strace $0xD0000000  }
0x3: {  	_ = 	snop  }
0x4: {  	_ = 	snop  }
0x5: {  	_ = 	snop  }
0x6: {  	_ = 	snop  }
0x7: {  	_ = 	snop  }
__scs_overlays_trampoline_lowered:
0x8: {  	[smem:$0x3FA6] =	sst s0  }
0x9: {  	[smem:$0x3FA7] =	sst s1  }
0xa: {  	[smem:$0x3FA8] =	sst s2  }
0xb: {  	[smem:$0x3FA9] =	sst s3  }
0xc: {  	[smem:$0x3FAA] =	sst s4  }
0xd: {  	[smem:$0x3FAB] =	sst s5  }
0xe: {  	[smem:$0x3FAC] =	sst s6  }
0xf: {  	[smem:$0x3FAD] =	sst s7  }
0x10: {  	[smem:$0x3FAE] =	sst s8  }
0x11: {  	[smem:$0x3FAF] =	sst s9;
	s0 =	simm.s32 @!p0 $0x0  }
0x12: {  	s1 =	sld [smem:$0x3F95];
	s0 =	simm.s32 @p0 $0x1  }
0x13: {  	[smem:$0x3FB0] =	sst s0;
	s0 =	simm.s32 @!p1 $0x0  }
0x14: {  	s2 =	sld [smem:$0x3F94];
	s0 =	simm.s32 @p1 $0x1  }
0x15: {  	[smem:$0x3FB1] =	sst s0;
	s0 =	simm.s32 @!p2 $0x0  }
0x16: {  	s3 =	sld [smem:$0x3FDB];
	s0 =	simm.s32 @p2 $0x1  }
0x17: {  	s4 =	simm.s32 $0x1BF5;
	[smem:$0x3FB3] =	sst s0  }
0x18: {  	s0 =	sld [smem:$0x3F96];
	_ =	swait.ge [sflag:s4], $0x0  }
0x19: {  	s7 =	sld [smem:$0x3F97]  }
0x1a: {  	s8 =	sadd.s32 $0xFFFFE003, lr  }
0x1b: {  	s9 =	sadd.s32 $0xFFFFFEF7, lr;
	s5 =	simm.s32 $0xFFFFFFFF;
	p2 =	slt.u32 s8, $0xFFFFF086  }
0x1c: {  	p1 =	slt.u32 s9, $0xF7A;
	s5 =	simm.s32 @!p2 $0x0  }
0x1d: {  	s5 =	simm.s32 @p1 $0x1;
	p0 =	seq.s32 s7, s2  }
0x1e: {  	s7 =	smul.u32 @!p0 $0xF7A, s2;
	p2 =	seq.s32 @!p0 s5, $0x0  }
0x1f: {  	s9 =	smul.u32 $0xF7A, s1;
	s8 =	simm.s32 @!p0 $0x1BF5;
	p2 =	por !p2, p0  }
0x20: {  	[sflag:s8] =	ssyncset.s32 @!p0 $0xFFFFF086;
	s6 =	sadd.s32 @!p0 s3, s7;
	s7 =	simm.s32 @!p0 $0x108  }
0x21: {  	s3 =	sadd.s32 s3, s9;
	s6 =	sadd.s32 @!p0 $0x88, s6;
	s7 =	simm.s32 @p2 $0x1082  }
0x22: {  	[simem:s7], [sflag:s8] =	dma.local @!p0 [hbm:s6], $0xF7A  }
0x23: {  	s9 =	sor.u32 $0xD0000000, s2;
	s6 =	simm.s32 $0x108;
	_ =	swait.ge @!p0 [sflag:s8], $0x0  }
0x24: {  	s3 =	sadd.s32 $0x88, s3;
	s6 =	simm.s32 @!p1 $0x1082;
	[sflag:s4] =	ssyncset.s32 $0xFFFFF086  }
0x25: {  	[simem:s6], [sflag:s4] =	dma.local [hbm:s3], $0xF7A  }
0x26: {  	[smem:$0x3F97] =	sst s1;
	(tag) =	ssettag s2;
	_ =	strace s9  }
0x27: {  	s1 =	sld [smem:$0x3FA7]  }
0x28: {  	s2 =	sld [smem:$0x3FA8]  }
0x29: {  	s4 =	sld [smem:$0x3FAA]  }
0x2a: {  	p0 =	seq.s32 s5, $0x0;
	s5 =	sld [smem:$0x3FAB]  }
0x2b: {  	s6 =	sld [smem:$0x3FAC]  }
0x2c: {  	s7 =	sld [smem:$0x3FAD]  }
0x2d: {  	s3 =	simm.s32 $0x108;
	s8 =	sld [smem:$0x3FAE]  }
0x2e: {  	s3 =	simm.s32 @!p0 $0x1082;
	s9 =	sld [smem:$0x3FAF]  }
0x2f: {  	lr =	sadd.s32 s0, s3;
	s0 =	sld [smem:$0x3FA6]  }
0x30: {  	s3 =	sld [smem:$0x3FA9]  }
0x31: {  	[smem:$0x3FB2] =	sst s10  }
0x32: {  	s10 =	sld [smem:$0x3FB0];
	_ =	sdelay $0x3  }
0x33: {  	p0 =	seq.s32 s10, $0x1;
	s10 =	sld [smem:$0x3FB2];
	_ =	sdelay $0x3  }
0x34: {  	[smem:$0x3FB2] =	sst s10  }
0x35: {  	s10 =	sld [smem:$0x3FB1];
	_ =	sdelay $0x3  }
0x36: {  	p1 =	seq.s32 s10, $0x1;
	s10 =	sld [smem:$0x3FB2];
	_ =	sdelay $0x3  }
0x37: {  	[smem:$0x3FB2] =	sst s10  }
0x38: {  	s10 =	sld [smem:$0x3FB3]  }
0x39: {  	_ = 	snop;
	(pc) =	sbr.ind lr, $3  }
0x3a: {  	_ = 	snop  }
0x3b: {  	_ = 	snop  }
0x3c: {  	p2 =	seq.s32 s10, $0x1;
	s10 =	sld [smem:$0x3FB2]  }
0x3d: {  	_ =	shalt  }
0x3e: {  	_ =	shalt  }
0x3f: {  	_ =	shalt  }
0x40: {  	_ =	shalt  }
0x41: {  	_ =	shalt  }
0x42: {  	_ =	shalt  }
0x43: {  	_ =	shalt  }
0x44: {  	_ =	shalt  }
0x45: {  	_ =	shalt  }
0x46: {  	_ =	shalt  }
0x47: {  	_ =	shalt  }
0x48: {  	_ =	shalt  }
0x49: {  	_ =	shalt  }
0x4a: {  	_ =	shalt  }
0x4b: {  	_ =	shalt  }
0x4c: {  	_ =	shalt  }
0x4d: {  	_ =	shalt  }
0x4e: {  	_ =	shalt  }
0x4f: {  	_ =	shalt  }
0x50: {  	_ =	shalt  }
0x51: {  	_ =	shalt  }
0x52: {  	_ =	shalt  }
0x53: {  	_ =	shalt  }
0x54: {  	_ =	shalt  }
0x55: {  	_ =	shalt  }
0x56: {  	_ =	shalt  }
0x57: {  	_ =	shalt  }
0x58: {  	_ =	shalt  }
0x59: {  	_ =	shalt  }
0x5a: {  	_ =	shalt  }
0x5b: {  	_ =	shalt  }
0x5c: {  	_ =	shalt  }
0x5d: {  	_ =	shalt  }
0x5e: {  	_ =	shalt  }
0x5f: {  	_ =	shalt  }
0x60: {  	_ =	shalt  }
0x61: {  	_ =	shalt  }
0x62: {  	_ =	shalt  }
0x63: {  	_ =	shalt  }
0x64: {  	_ =	shalt  }
0x65: {  	_ =	shalt  }
0x66: {  	_ =	shalt  }
0x67: {  	_ =	shalt  }
0x68: {  	_ =	shalt  }
0x69: {  	_ =	shalt  }
0x6a: {  	_ =	shalt  }
0x6b: {  	_ =	shalt  }
0x6c: {  	_ =	shalt  }
0x6d: {  	_ =	shalt  }
0x6e: {  	_ =	shalt  }
0x6f: {  	_ =	shalt  }
0x70: {  	_ =	shalt  }
0x71: {  	_ =	shalt  }
0x72: {  	_ =	shalt  }
0x73: {  	_ =	shalt  }
0x74: {  	_ =	shalt  }
0x75: {  	_ =	shalt  }
0x76: {  	_ =	shalt  }
0x77: {  	_ =	shalt  }
0x78: {  	_ =	shalt  }
0x79: {  	_ =	shalt  }
0x7a: {  	_ =	shalt  }
0x7b: {  	_ =	shalt  }
0x7c: {  	_ =	shalt  }
0x7d: {  	_ =	shalt  }
0x7e: {  	_ =	shalt  }
0x7f: {  	_ =	shalt  }
0x80: {  	_ =	shalt  }
0x81: {  	_ =	shalt  }
0x82: {  	_ =	shalt  }
0x83: {  	_ =	shalt  }
0x84: {  	_ =	shalt  }
0x85: {  	_ =	shalt  }
0x86: {  	_ =	shalt  }
0x87: {  	_ =	shalt  }
.Lfunc_end0:
.L_simem_size_0:
called_computation.1_lowered:
.L_overlay_start_0:
0x88: {  	s2 =	sld [smem:$0x3FD9]  }
0x89: {  	s3 =	sld [smem:$0x3FFE];
	_ =	sdelay $0x1  }
0x8a: {  	s1 =	srdreg.scid  }
0x8b: {  	s0 =	sand.u32 $0x1, s1  }
0x8c: {  	s17 =	sshll.u32 s0, $0xA;
	s2 =	sadd.s32 s3, s2  }
0x8d: {  	s2 =	sadd.s32 s2, s17  }
0x8e: {  	[smem:$0x3FBE] =	sst s2  }
0x8f: {  	_ = 	snop  }
0x90: {  	s2 =	sld [smem:$0x3FD0];
	(tm) =	ssettm $0x1  }
0x91: {  	s18 =	sld [smem:$0x3FFB];
	_ =	sdelay $0x3  }
0x92: {  	_ =	strace s18  }
0x93: {  	s3 =	sld [smem:$0x3FFC];
	_ =	sdelay $0x3  }
0x94: {  	_ =	strace s3  }
0x95: {  	s3 =	sld [smem:$0x3FFD];
	_ =	sdelay $0x3  }
0x96: {  	_ =	strace s3  }
0x97: {  	_ =	strace $0x8FFFFFFF  }
0x98: {  	s19 =	sld [smem:$0x3FDB];
	_ =	sdelay $0x1  }
0x99: {  	s4 =	simm.s32 $_scs_section_size  }
0x9a: {  	s5 =	simm.s32 $_size__tile_overlayer_lowered;
	s6 =	simm.s32 $_tile_overlayer_lowered  }
0x9b: {  	s22 =	simm.s32 $0x1BFF;
	s21 =	sshll.u32 s6, $0x1;
	s3 =	sadd.s32 s4, s19  }
0x9c: {  	s7 =	simm.s32 $0x0;
	s20 =	sshll.u32 s5, $0x1;
	s5 =	sadd.s32 s21, s3  }
0x9d: {  	[timem:s7], [sflag:s22] =	dma.local [hbm:s5], s20  }
0x9e: {  	_ =	swait.ge [sflag:s22], s20  }
0x9f: {  	s4 =	ssub.s32 $0x0, s20;
	[sflag:s22] =	ssyncset.done $0x0  }
0xa0: {  	[sflag:s22] =	ssyncadd.s32 s4;
	_ =	sdelay $0x1  }
0xa1: {  	s23 =	simm.s32 $0x1B8B  }
0xa2: {  	_ =	swait.ge [sflag:s23], $0x1  }
0xa3: {  	[sflag:s23] =	ssyncset.done $0x0  }
0xa4: {  	s25 =	simm.s32 $0x1B8E;
	s24 =	sld [smem:$0x3FFE];
	[sflag:s23] =	ssyncadd.s32 $0xFFFFFFFF  }
0xa5: {  	s26 =	simm.s32 $execute0_lowered;
	[smem:$0x3FD2] =	sst s25  }
0xa6: {  	s5 =	sshll.u32 s26, $0x1;
	_ =	strace $0x80000049;
	[dreg:$0x1] =	wrdreg $0xFFFFFFFF  }
0xa7: {  	s28 =	simm.s32 $_size_execute0_lowered;
	s3 =	sadd.s32 s3, s5;
	[dreg:$0x0] =	wrdreg $0x0  }
0xa8: {  	s5 =	sshll.u32 s28, $0x1;
	[dreg:$0x2] =	wrdreg s3  }
0xa9: {  	[dreg:$0x3] =	wrdreg s5  }
0xaa: {  	[dreg:$0x4] =	wrdreg $0xC0  }
0xab: {  	_ =	task [dreg:s7], $0x5FFFF  }
0xac: {  	[dreg:$0x1] =	wrdreg $0xFFFFFFFF  }
0xad: {  	[dreg:$0x0] =	wrdreg $0x60  }
0xae: {  	[dreg:$0x2] =	wrdreg s24  }
0xaf: {  	[dreg:$0x3] =	wrdreg s2  }
0xb0: {  	[dreg:$0x4] =	wrdreg $0xA8000  }
0xb1: {  	[dreg:$0x5] =	wrdreg $0x9  }
0xb2: {  	_ =	task.clear_ibuf [dreg:s7], $0x6FFFF;
	_ =	strace $0x90000049  }
0xb3: {  	s29 =	simm.s32 $0x9;
	_ =	strace $0x8000004B  }
0xb4: {  	_ =	swait.ge [sflag:s29], $0x1  }
0xb5: {  	[sflag:s29] =	ssyncadd.s32 $0xFFFFFFFF  }
0xb6: {  	_ =	strace $0x9000004B  }
0xb7: {  	_ =	sfence  }
0xb8: {  	s30 =	sld [smem:$0x0];
	_ =	sdelay $0x2  }
0xb9: {  	s31 =	sshll.u32 s1, $0xD;
	s1 =	sshrl.u32 s1, $0x2  }
0xba: {  	s3 =	sand.u32 $0x4000, s31;
	s1 =	sadd.s32 s1, s30  }
0xbb: {  	s0 =	sor.u32 s3, s0;
	s1 =	sshll.u32 s1, $0x11  }
0xbc: {  	s0 =	sor.u32 s1, s0  }
0xbd: {  	s0 =	sadd.s32 $0x8F2B, s0  }
0xbe: {  	[sflag:s0] =	ssyncadd.remote.s32 $0x1  }
0xbf: {  	_ =	sfence.sel $0xFFFF  }
0xc0: {  	[dreg:$0x0] =	wrdreg $0xFFFFFFFF;
	(pc) =	sbr.abs _section_cstart, $3  }
0xc1: {  	[dreg:$0x1] =	wrdreg $0xFFFFFFFF  }
0xc2: {  	_ =	task.clear_ibuf [dreg:s7], $0x2FFFF;
	_ =	strace $0x9FFFFFFF  }
0xc3: {  	(tm) =	ssettm $0x7FFFFFFF  }
tec
execute0_lowered:
.L_overlay_start_1:
0x0: {  	(tag) =	ssettag $0x1  }
0x1: {  	s0 =	rddreg [dreg:$0x0]  }
0x2: {  	s9 =	rddreg [dreg:$0x1]  }
0x3: {  	s2 =	rddreg [dreg:$0x2];
	s1 =	stileid.u32  }
0x4: {  	s4 =	srdreg.scid;
	s3 =	simm.s32 $0x0;
	s15 =	simm.s32 $0x1400  }
0x5: {  	s16 =	simm.s32 $0x80;
	s17 =	simm.s32 $0x2800;
	s18 =	simm.s32 $0x6800  }
0x6: {  	s19 =	simm.s32 $0x1;
	s20 =	simm.s32 $0x2;
	s21 =	simm.s32 $0x3  }
0x7: {  	s22 =	simm.s32 $0x4;
	s28 =	simm.s32 $0x2700;
	s29 =	simm.s32 $0x2780  }
0x8: {  	s30 =	simm.s32 $0x0;
	s5 =	smul.u32 $0x14000, s1;
	s6 =	sand.u32 $0x1, s4  }
0x9: {  	[smem:$0x7FF] =	sst s3;
	s4 =	sadd.s32 $0x3C00, s0;
	s10 =	sadd.s32 $0x2BC00, s0  }
0xa: {  	s23 =	smul.u32 $0x50000, s1;
	s11 =	sshll.u32 s1, $0x1;
	s26 =	sshll.u32 s1, $0x6  }
0xb: {  	s7 =	smul.u32 $0x140000, s6;
	_ =	strace $0x8000004A;
	s24 =	ssub.s32 $0x2, s6  }
0xc: {  	s6 =	sor.u32 s6, s11;
	s8 =	sshrl.u32 s5, $0x3;
	s25 =	sshrl.u32 s24, $0x1  }
0xd: {  	s12 =	smul.u32 $0x2800, s6;
	s6 =	sor.u32 $0x1C05, s26;
	s26 =	simm.s32 $0x1380  }
0xe: {  	s8 =	sadd.s32 s8, s0;
	s5 =	sadd.s32 s5, s7;
	s7 =	sshrl.u32 s23, $0x2  }
0xf: {  	s13 =	ssub.s32 s24, s25;
	s23 =	simm.s32 $0x2600;
	s24 =	simm.s32 $0x2680  }
0x10: {  	s25 =	simm.s32 $0x1300;
	s5 =	sshrl.u32 s5, $0x3;
	s14 =	sadd.s32 s7, s2  }
0x11: {  	s31 =	sshrl.u32 s12, $0x3;
	s12 =	smax.u32 s13, $0x1;
	s0 =	sadd.s32 s5, s0  }
0x12: {  	s5 =	sadd.s32 $0x35C00, s8;
	s7 =	sadd.s32 s9, s31;
	s8 =	sadd.s32 s10, s31  }
0x13: {  	s11 =	sadd.s32 $0x280, s31;
	s13 =	sshrl.u32 s14, $0x3;
	s14 =	simm.s32 $0x5  }
0x14: {  	s9 =	sadd.s32 s9, s11;
	s10 =	sadd.s32 s10, s11;
	s11 =	sadd.s32 $0x5DC00, s0  }
.LBB2_1:
0x15: {  	[spmem:s13], [sflag:s6] =	dma.local [hbm:s5], $0x2800  }
0x16: {  	_ =	swait.ge [sflag:s14], $0x2800  }
0x17: {  	[sflag:s14] =	ssyncset.done $0x0  }
0x18: {  	[sflag:s14] =	ssyncadd.s32 $0xFFFFD800  }
0x19: {  	[bflag:$0x0] =	sbarrier.arrive $0xFFFF  }
0x1a: {  	[tilespmem:s3], [sflag:$0x5] =	stream.linear.gather [hbm4b:s7+s3], $0x1400, $0x38;
	[tilespmem:$0x1E800] =	vst v63  }
0x1b: {  	_ =	swait.ge [sflag:s14], $0x1400  }
0x1c: {  	[sflag:s14] =	ssyncset.done $0x0  }
0x1d: {  	[sflag:s14] =	ssyncadd.s32 $0xFFFFEC00  }
0x1e: {  	[tilespmem:s15], [sflag:$0x5] =	stream.linear.gather [hbm4b:s8+s3], $0x1400, $0x38;
	[tilespmem:$0x1E800] =	vst v63  }
0x1f: {  	_ =	swait.ge [sflag:s14], $0x1400  }
0x20: {  	[sflag:s14] =	ssyncset.done $0x0  }
0x21: {  	[sflag:s14] =	ssyncadd.s32 $0xFFFFEC00  }
0x22: {  	[tilespmem:s17], [sflag:$0x1] =	stream.indirect.gather [hbm4b:s4+s16], $0x80, s3, s16, $0xb8;
	[tilespmem:$0x1E800] =	vst v63  }
0x23: {  	_ = 	snop  }
0x24: {  	[tilespmem:s18], [sflag:$0x2] =	stream.indirect.gather [hbm4b:s4+s16], $0x80, s16, s16, $0xb8;
	[tilespmem:$0x1E800] =	vst v63  }
0x25: {  	_ =	swait.ge [sflag:s19], $0x4000  }
0x26: {  	[sflag:s19] =	ssyncset.done $0x0  }
0x27: {  	s0 =	simm.s32 $0x1400;
	[sflag:s19] =	ssyncadd.s32 $0xFFFFC000  }
0x28: {  	[spmem:s2] =	stream.indirect.scatter.add.f32 [tilespmem:s17], [sflag:$0x3], $0x80, s0, s16, $0xb8;
	[tilespmem:$0x1E800] =	vst v63  }
0x29: {  	_ =	swait.ge [sflag:s20], $0x4000  }
0x2a: {  	[sflag:s20] =	ssyncset.done $0x0  }
0x2b: {  	s1 =	simm.s32 $0x1480;
	[sflag:s20] =	ssyncadd.s32 $0xFFFFC000  }
0x2c: {  	[spmem:s2] =	stream.indirect.scatter.add.f32 [tilespmem:s18], [sflag:$0x4], $0x80, s1, s16, $0xb8;
	[tilespmem:$0x1E800] =	vst v63  }
0x2d: {  	_ =	swait.ge [sflag:s21], $0x4000  }
0x2e: {  	[sflag:s21] =	ssyncset.done $0x0  }
0x2f: {  	s1 =	simm.s32 $0x100;
	[sflag:s21] =	ssyncadd.s32 $0xFFFFC000  }
0x30: {  	[tilespmem:s17], [sflag:$0x1] =	stream.indirect.gather [hbm4b:s4+s16], $0x80, s1, s16, $0xb8;
	[tilespmem:$0x1E800] =	vst v63  }
0x31: {  	_ =	swait.ge [sflag:s22], $0x4000  }
0x32: {  	[sflag:s22] =	ssyncset.done $0x0  }
0x33: {  	s31 =	simm.s32 $0x400;
	s0 =	simm.s32 $0x180;
	[sflag:s22] =	ssyncadd.s32 $0xFFFFC000  }
.LBB2_2:
0x34: {  	[tilespmem:s18], [sflag:$0x2] =	stream.indirect.gather [hbm4b:s4+s16], $0x80, s0, s16, $0xb8;
	[tilespmem:$0x1E800] =	vst v63  }
0x35: {  	s0 =	smov.u32 s31  }
0x36: {  	p0 =	sne.s32 s31, $0x4400;
	s31 =	sadd.s32 $0x400, s31;
	_ =	swait.ge [sflag:s19], $0x4000  }
0x37: {  	s0 =	sshra.s32 s0, $0x2;
	[sflag:s19] =	ssyncset.done $0x0  }
0x38: {  	s1 =	sadd.s32 $0x1400, s0;
	[sflag:s19] =	ssyncadd.s32 $0xFFFFC000  }
0x39: {  	[spmem:s2] =	stream.indirect.scatter.add.f32 [tilespmem:s17], [sflag:$0x3], $0x80, s1, s16, $0xb8;
	[tilespmem:$0x1E800] =	vst v63  }
0x3a: {  	_ =	swait.ge [sflag:s20], $0x4000  }
0x3b: {  	[sflag:s20] =	ssyncset.done $0x0  }
0x3c: {  	s1 =	sadd.s32 $0x1480, s0;
	[sflag:s20] =	ssyncadd.s32 $0xFFFFC000  }
0x3d: {  	[spmem:s2] =	stream.indirect.scatter.add.f32 [tilespmem:s18], [sflag:$0x4], $0x80, s1, s16, $0xb8;
	[tilespmem:$0x1E800] =	vst v63  }
0x3e: {  	_ =	swait.ge [sflag:s21], $0x4000  }
0x3f: {  	[sflag:s21] =	ssyncset.done $0x0  }
.Ltmp0:
0x40: {  	s1 =	sadd.s32 $0x100, s0;
	[sflag:s21] =	ssyncadd.s32 $0xFFFFC000;
	(pc) =	sbr.rel @p0 .LBB2_2-.Ltmp0, $4  }
0x41: {  	[tilespmem:s17], [sflag:$0x1] =	stream.indirect.gather [hbm4b:s4+s16], $0x80, s1, s16, $0xb8;
	[tilespmem:$0x1E800] =	vst v63  }
0x42: {  	_ =	swait.ge [sflag:s22], $0x4000  }
0x43: {  	[sflag:s22] =	ssyncset.done $0x0  }
0x44: {  	s0 =	sadd.s32 $0x180, s0;
	[sflag:s22] =	ssyncadd.s32 $0xFFFFC000  }
0x45: {  	[tilespmem:s18], [sflag:$0x2] =	stream.indirect.gather [hbm4b:s4+s16], $0x80, s0, s16, $0xb8;
	[tilespmem:$0x1E800] =	vst v63  }
0x46: {  	_ =	swait.ge [sflag:s19], $0x4000  }
0x47: {  	[sflag:s19] =	ssyncset.done $0x0  }
0x48: {  	[sflag:s19] =	ssyncadd.s32 $0xFFFFC000  }
0x49: {  	[spmem:s2] =	stream.indirect.scatter.add.f32 [tilespmem:s17], [sflag:$0x3], $0x80, s23, s16, $0xb8;
	[tilespmem:$0x1E800] =	vst v63  }
0x4a: {  	_ =	swait.ge [sflag:s20], $0x4000  }
0x4b: {  	[sflag:s20] =	ssyncset.done $0x0  }
0x4c: {  	[sflag:s20] =	ssyncadd.s32 $0xFFFFC000  }
0x4d: {  	[spmem:s2] =	stream.indirect.scatter.add.f32 [tilespmem:s18], [sflag:$0x4], $0x80, s24, s16, $0xb8;
	[tilespmem:$0x1E800] =	vst v63  }
0x4e: {  	_ =	swait.ge [sflag:s21], $0x4000  }
0x4f: {  	[sflag:s21] =	ssyncset.done $0x0  }
0x50: {  	[sflag:s21] =	ssyncadd.s32 $0xFFFFC000  }
0x51: {  	[tilespmem:s17], [sflag:$0x1] =	stream.indirect.gather [hbm4b:s4+s16], $0x80, s25, s16, $0xb8;
	[tilespmem:$0x1E800] =	vst v63  }
0x52: {  	_ =	swait.ge [sflag:s22], $0x4000  }
0x53: {  	[sflag:s22] =	ssyncset.done $0x0  }
0x54: {  	[sflag:s22] =	ssyncadd.s32 $0xFFFFC000  }
0x55: {  	[tilespmem:s18], [sflag:$0x2] =	stream.indirect.gather [hbm4b:s4+s16], $0x80, s26, s16, $0xb8;
	[tilespmem:$0x1E800] =	vst v63  }
0x56: {  	_ =	swait.ge [sflag:s19], $0x4000  }
0x57: {  	[sflag:s19] =	ssyncset.done $0x0  }
0x58: {  	[sflag:s19] =	ssyncadd.s32 $0xFFFFC000  }
0x59: {  	[spmem:s2] =	stream.indirect.scatter.add.f32 [tilespmem:s17], [sflag:$0x3], $0x80, s28, s16, $0xb8;
	[tilespmem:$0x1E800] =	vst v63  }
0x5a: {  	_ =	swait.ge [sflag:s20], $0x4000  }
0x5b: {  	[sflag:s20] =	ssyncset.done $0x0  }
0x5c: {  	[sflag:s20] =	ssyncadd.s32 $0xFFFFC000  }
0x5d: {  	[spmem:s2] =	stream.indirect.scatter.add.f32 [tilespmem:s18], [sflag:$0x4], $0x80, s29, s16, $0xb8;
	[tilespmem:$0x1E800] =	vst v63  }
0x5e: {  	_ =	swait.ge [sflag:s21], $0x4000  }
0x5f: {  	[sflag:s21] =	ssyncset.done $0x0  }
0x60: {  	[sflag:s21] =	ssyncadd.s32 $0xFFFFC000  }
0x61: {  	[tilespmem:s17], [sflag:$0x1] =	stream.indirect.gather [hbm4b:s4+s16], $0x80, s26, s16, $0xb8;
	[tilespmem:$0x1E800] =	vst v63  }
0x62: {  	_ =	swait.ge [sflag:s22], $0x4000  }
0x63: {  	[sflag:s22] =	ssyncset.done $0x0  }
0x64: {  	[sflag:s22] =	ssyncadd.s32 $0xFFFFC000  }
0x65: {  	[tilespmem:s18], [sflag:$0x2] =	stream.indirect.gather [hbm4b:s4+s16], $0x80, s26, s16, $0xb8;
	[tilespmem:$0x1E800] =	vst v63  }
0x66: {  	_ =	swait.ge [sflag:s19], $0x4000  }
0x67: {  	[sflag:s19] =	ssyncset.done $0x0  }
0x68: {  	[sflag:s19] =	ssyncadd.s32 $0xFFFFC000  }
0x69: {  	_ =	swait.ge [sflag:s20], $0x4000  }
0x6a: {  	[sflag:s20] =	ssyncset.done $0x0  }
0x6b: {  	s1 =	simm.s32 $0x0;
	[sflag:s20] =	ssyncadd.s32 $0xFFFFC000  }
0x6c: {  	[tilespmem:s1], [sflag:$0x5] =	stream.linear.gather [hbm4b:s9+s1], $0x1400, $0x38;
	[tilespmem:$0x1E800] =	vst v63  }
0x6d: {  	_ =	swait.ge [sflag:s14], $0x1400  }
0x6e: {  	[sflag:s14] =	ssyncset.done $0x0  }
0x6f: {  	[sflag:s14] =	ssyncadd.s32 $0xFFFFEC00  }
0x70: {  	[tilespmem:s15], [sflag:$0x5] =	stream.linear.gather [hbm4b:s10+s1], $0x1400, $0x38;
	[tilespmem:$0x1E800] =	vst v63  }
0x71: {  	_ =	swait.ge [sflag:s14], $0x1400  }
0x72: {  	[sflag:s14] =	ssyncset.done $0x0  }
0x73: {  	[sflag:s14] =	ssyncadd.s32 $0xFFFFEC00  }
0x74: {  	[tilespmem:s17], [sflag:$0x1] =	stream.indirect.gather [hbm4b:s4+s16], $0x80, s1, s16, $0xb8;
	[tilespmem:$0x1E800] =	vst v63  }
0x75: {  	_ = 	snop  }
0x76: {  	[tilespmem:s18], [sflag:$0x2] =	stream.indirect.gather [hbm4b:s4+s16], $0x80, s16, s16, $0xb8;
	[tilespmem:$0x1E800] =	vst v63  }
0x77: {  	_ =	swait.ge [sflag:s19], $0x4000  }
0x78: {  	[sflag:s19] =	ssyncset.done $0x0  }
0x79: {  	s1 =	simm.s32 $0x1400;
	[sflag:s19] =	ssyncadd.s32 $0xFFFFC000  }
0x7a: {  	[spmem:s2] =	stream.indirect.scatter.add.f32 [tilespmem:s17], [sflag:$0x3], $0x80, s1, s16, $0xb8;
	[tilespmem:$0x1E800] =	vst v63  }
0x7b: {  	_ =	swait.ge [sflag:s20], $0x4000  }
0x7c: {  	[sflag:s20] =	ssyncset.done $0x0  }
0x7d: {  	s1 =	simm.s32 $0x1480;
	[sflag:s20] =	ssyncadd.s32 $0xFFFFC000  }
0x7e: {  	[spmem:s2] =	stream.indirect.scatter.add.f32 [tilespmem:s18], [sflag:$0x4], $0x80, s1, s16, $0xb8;
	[tilespmem:$0x1E800] =	vst v63  }
0x7f: {  	_ =	swait.ge [sflag:s21], $0x4000  }
0x80: {  	[sflag:s21] =	ssyncset.done $0x0  }
0x81: {  	s1 =	simm.s32 $0x100;
	[sflag:s21] =	ssyncadd.s32 $0xFFFFC000  }
0x82: {  	[tilespmem:s17], [sflag:$0x1] =	stream.indirect.gather [hbm4b:s4+s16], $0x80, s1, s16, $0xb8;
	[tilespmem:$0x1E800] =	vst v63  }
0x83: {  	_ =	swait.ge [sflag:s22], $0x4000  }
0x84: {  	[sflag:s22] =	ssyncset.done $0x0  }
0x85: {  	s31 =	simm.s32 $0x400;
	s0 =	simm.s32 $0x180;
	[sflag:s22] =	ssyncadd.s32 $0xFFFFC000  }
.LBB2_4:
0x86: {  	[tilespmem:s18], [sflag:$0x2] =	stream.indirect.gather [hbm4b:s4+s16], $0x80, s0, s16, $0xb8;
	[tilespmem:$0x1E800] =	vst v63  }
0x87: {  	s0 =	smov.u32 s31  }
0x88: {  	p0 =	sne.s32 s31, $0x4400;
	s31 =	sadd.s32 $0x400, s31;
	_ =	swait.ge [sflag:s19], $0x4000  }
0x89: {  	s0 =	sshra.s32 s0, $0x2;
	[sflag:s19] =	ssyncset.done $0x0  }
0x8a: {  	s1 =	sadd.s32 $0x1400, s0;
	[sflag:s19] =	ssyncadd.s32 $0xFFFFC000  }
0x8b: {  	[spmem:s2] =	stream.indirect.scatter.add.f32 [tilespmem:s17], [sflag:$0x3], $0x80, s1, s16, $0xb8;
	[tilespmem:$0x1E800] =	vst v63  }
0x8c: {  	_ =	swait.ge [sflag:s20], $0x4000  }
0x8d: {  	[sflag:s20] =	ssyncset.done $0x0  }
0x8e: {  	s1 =	sadd.s32 $0x1480, s0;
	[sflag:s20] =	ssyncadd.s32 $0xFFFFC000  }
0x8f: {  	[spmem:s2] =	stream.indirect.scatter.add.f32 [tilespmem:s18], [sflag:$0x4], $0x80, s1, s16, $0xb8;
	[tilespmem:$0x1E800] =	vst v63  }
0x90: {  	_ =	swait.ge [sflag:s21], $0x4000  }
0x91: {  	[sflag:s21] =	ssyncset.done $0x0  }
.Ltmp1:
0x92: {  	s1 =	sadd.s32 $0x100, s0;
	[sflag:s21] =	ssyncadd.s32 $0xFFFFC000;
	(pc) =	sbr.rel @p0 .LBB2_4-.Ltmp1, $4  }
0x93: {  	[tilespmem:s17], [sflag:$0x1] =	stream.indirect.gather [hbm4b:s4+s16], $0x80, s1, s16, $0xb8;
	[tilespmem:$0x1E800] =	vst v63  }
0x94: {  	_ =	swait.ge [sflag:s22], $0x4000  }
0x95: {  	[sflag:s22] =	ssyncset.done $0x0  }
0x96: {  	s0 =	sadd.s32 $0x180, s0;
	[sflag:s22] =	ssyncadd.s32 $0xFFFFC000  }
0x97: {  	[tilespmem:s18], [sflag:$0x2] =	stream.indirect.gather [hbm4b:s4+s16], $0x80, s0, s16, $0xb8;
	[tilespmem:$0x1E800] =	vst v63  }
0x98: {  	_ =	swait.ge [sflag:s19], $0x4000  }
0x99: {  	[sflag:s19] =	ssyncset.done $0x0  }
0x9a: {  	[sflag:s19] =	ssyncadd.s32 $0xFFFFC000  }
0x9b: {  	[spmem:s2] =	stream.indirect.scatter.add.f32 [tilespmem:s17], [sflag:$0x3], $0x80, s23, s16, $0xb8;
	[tilespmem:$0x1E800] =	vst v63  }
0x9c: {  	_ =	swait.ge [sflag:s20], $0x4000  }
0x9d: {  	[sflag:s20] =	ssyncset.done $0x0  }
0x9e: {  	[sflag:s20] =	ssyncadd.s32 $0xFFFFC000  }
0x9f: {  	[spmem:s2] =	stream.indirect.scatter.add.f32 [tilespmem:s18], [sflag:$0x4], $0x80, s24, s16, $0xb8;
	[tilespmem:$0x1E800] =	vst v63  }
0xa0: {  	_ =	swait.ge [sflag:s21], $0x4000  }
0xa1: {  	[sflag:s21] =	ssyncset.done $0x0  }
0xa2: {  	[sflag:s21] =	ssyncadd.s32 $0xFFFFC000  }
0xa3: {  	[tilespmem:s17], [sflag:$0x1] =	stream.indirect.gather [hbm4b:s4+s16], $0x80, s25, s16, $0xb8;
	[tilespmem:$0x1E800] =	vst v63  }
0xa4: {  	_ =	swait.ge [sflag:s22], $0x4000  }
0xa5: {  	[sflag:s22] =	ssyncset.done $0x0  }
0xa6: {  	[sflag:s22] =	ssyncadd.s32 $0xFFFFC000  }
0xa7: {  	[tilespmem:s18], [sflag:$0x2] =	stream.indirect.gather [hbm4b:s4+s16], $0x80, s26, s16, $0xb8;
	[tilespmem:$0x1E800] =	vst v63  }
0xa8: {  	_ =	swait.ge [sflag:s19], $0x4000  }
0xa9: {  	[sflag:s19] =	ssyncset.done $0x0  }
0xaa: {  	[sflag:s19] =	ssyncadd.s32 $0xFFFFC000  }
0xab: {  	[spmem:s2] =	stream.indirect.scatter.add.f32 [tilespmem:s17], [sflag:$0x3], $0x80, s28, s16, $0xb8;
	[tilespmem:$0x1E800] =	vst v63  }
0xac: {  	_ =	swait.ge [sflag:s20], $0x4000  }
0xad: {  	[sflag:s20] =	ssyncset.done $0x0  }
0xae: {  	[sflag:s20] =	ssyncadd.s32 $0xFFFFC000  }
0xaf: {  	[spmem:s2] =	stream.indirect.scatter.add.f32 [tilespmem:s18], [sflag:$0x4], $0x80, s29, s16, $0xb8;
	[tilespmem:$0x1E800] =	vst v63  }
0xb0: {  	_ =	swait.ge [sflag:s21], $0x4000  }
0xb1: {  	[sflag:s21] =	ssyncset.done $0x0  }
0xb2: {  	[sflag:s21] =	ssyncadd.s32 $0xFFFFC000  }
0xb3: {  	[tilespmem:s17], [sflag:$0x1] =	stream.indirect.gather [hbm4b:s4+s16], $0x80, s26, s16, $0xb8;
	[tilespmem:$0x1E800] =	vst v63  }
0xb4: {  	_ =	swait.ge [sflag:s22], $0x4000  }
0xb5: {  	[sflag:s22] =	ssyncset.done $0x0  }
0xb6: {  	[sflag:s22] =	ssyncadd.s32 $0xFFFFC000  }
0xb7: {  	[tilespmem:s18], [sflag:$0x2] =	stream.indirect.gather [hbm4b:s4+s16], $0x80, s26, s16, $0xb8;
	[tilespmem:$0x1E800] =	vst v63  }
0xb8: {  	_ =	swait.ge [sflag:s19], $0x4000  }
0xb9: {  	[sflag:s19] =	ssyncset.done $0x0  }
0xba: {  	[sflag:s19] =	ssyncadd.s32 $0xFFFFC000  }
0xbb: {  	_ =	swait.ge [sflag:s20], $0x4000  }
0xbc: {  	s30 =	sadd.s32 $0x1, s30;
	[sflag:s20] =	ssyncset.done $0x0  }
0xbd: {  	p0 =	sne.s32 s30, s12;
	[sflag:s20] =	ssyncadd.s32 $0xFFFFC000  }
.Ltmp2:
0xbe: {  	[bflag:$0x0] =	sbarrier.arrive $0xFFFF;
	(pc) =	sbr.rel @p0 .LBB2_1-.Ltmp2, $4  }
0xbf: {  	[hbm:s11], [sflag:s6] =	dma.local [spmem:s13], $0x2800  }
0xc0: {  	_ =	swait.ge [sflag:s14], $0x2800  }
0xc1: {  	[sflag:s14] =	ssyncset.done $0x0  }
0xc2: {  	[sflag:s14] =	ssyncadd.s32 $0xFFFFD800  }
0xc3: {  	_ =	sfence.sel $0x180000  }
0xc4: {  	[bflag:$0x0] =	sbarrier.arrive $0xFFFF  }
0xc5: {  	_ =	strace $0x9000004A  }
0xc6: {  	s0 =	stileid.u32;
	[bflag:$0x2] =	sbarrier.arrive $0xFFFF  }
0xc7: {  	p0 =	sne.s32 s0, $0x0;
	s0 =	rddreg [dreg:$0x3]  }
0xc8: {  	s0 =	sadd.s32 @!p0 $0x100000, s0  }
0xc9: {  	[sflag:s0] =	ssyncadd.tile.s32 @!p0 $0x1;
	_ =	shalt  }
.Lfunc_end2:
_tile_overlayer_lowered:
.L_overlay_start_2:
0xca: {  	(tag) =	ssettag $0x2  }
0xcb: {  	s0 =	rddreg [dreg:$0x0];
	s2 =	stileid.u32  }
0xcc: {  	s1 =	rddreg [dreg:$0x1];
	p0 =	sne.s32 s2, $0x0  }
0xcd: {  	s3 =	rddreg [dreg:$0x2];
	[bflag:$0x3] =	sbarrier.arrive $0xFFFF;
	s2 =	simm.s32 @!p0 $0x1C05  }
0xce: {  	[timem:s3], [sflag:s2] =	dma.local @!p0 [hbm:s0], s1  }
0xcf: {  	s0 =	simm.s32 @!p0 $0x5  }
0xd0: {  	_ =	swait.ge @!p0 [sflag:s0], s1  }
0xd1: {  	s1 =	ssub.s32 @!p0 $0x0, s1;
	[sflag:s0] =	ssyncset.done @!p0 $0x0  }
0xd2: {  	[sflag:s0] =	ssyncadd.s32 @!p0 s1  }
0xd3: {  	[bflag:$0x3] =	sbarrier.arrive $0xFFFF  }
0xd4: {  	_ =	shalt  }

// kernel: kernel.17.cloned.1.call-start
scs
__scs_entry_jumppad:
0x0: {  	(pc) =	sbr.rel $0x88, $3  }
0x1: {  	(tag) =	ssettag $0x0;
	lr =	simm.s32 $0x1  }
0x2: {  	[smem:$0x3F97] =	sst lr;
	_ =	strace $0xD0000000  }
0x3: {  	_ = 	snop  }
0x4: {  	_ = 	snop  }
0x5: {  	_ = 	snop  }
0x6: {  	_ = 	snop  }
0x7: {  	_ = 	snop  }
__scs_overlays_trampoline_lowered:
0x8: {  	[smem:$0x3FA6] =	sst s0  }
0x9: {  	[smem:$0x3FA7] =	sst s1  }
0xa: {  	[smem:$0x3FA8] =	sst s2  }
0xb: {  	[smem:$0x3FA9] =	sst s3  }
0xc: {  	[smem:$0x3FAA] =	sst s4  }
0xd: {  	[smem:$0x3FAB] =	sst s5  }
0xe: {  	[smem:$0x3FAC] =	sst s6  }
0xf: {  	[smem:$0x3FAD] =	sst s7  }
0x10: {  	[smem:$0x3FAE] =	sst s8  }
0x11: {  	[smem:$0x3FAF] =	sst s9;
	s0 =	simm.s32 @!p0 $0x0  }
0x12: {  	s1 =	sld [smem:$0x3F95];
	s0 =	simm.s32 @p0 $0x1  }
0x13: {  	[smem:$0x3FB0] =	sst s0;
	s0 =	simm.s32 @!p1 $0x0  }
0x14: {  	s2 =	sld [smem:$0x3F94];
	s0 =	simm.s32 @p1 $0x1  }
0x15: {  	[smem:$0x3FB1] =	sst s0;
	s0 =	simm.s32 @!p2 $0x0  }
0x16: {  	s3 =	sld [smem:$0x3FDB];
	s0 =	simm.s32 @p2 $0x1  }
0x17: {  	s4 =	simm.s32 $0x1BF5;
	[smem:$0x3FB3] =	sst s0  }
0x18: {  	s0 =	sld [smem:$0x3F96];
	_ =	swait.ge [sflag:s4], $0x0  }
0x19: {  	s7 =	sld [smem:$0x3F97]  }
0x1a: {  	s8 =	sadd.s32 $0xFFFFE003, lr  }
0x1b: {  	s9 =	sadd.s32 $0xFFFFFEF7, lr;
	s5 =	simm.s32 $0xFFFFFFFF;
	p2 =	slt.u32 s8, $0xFFFFF086  }
0x1c: {  	p1 =	slt.u32 s9, $0xF7A;
	s5 =	simm.s32 @!p2 $0x0  }
0x1d: {  	s5 =	simm.s32 @p1 $0x1;
	p0 =	seq.s32 s7, s2  }
0x1e: {  	s7 =	smul.u32 @!p0 $0xF7A, s2;
	p2 =	seq.s32 @!p0 s5, $0x0  }
0x1f: {  	s9 =	smul.u32 $0xF7A, s1;
	s8 =	simm.s32 @!p0 $0x1BF5;
	p2 =	por !p2, p0  }
0x20: {  	[sflag:s8] =	ssyncset.s32 @!p0 $0xFFFFF086;
	s6 =	sadd.s32 @!p0 s3, s7;
	s7 =	simm.s32 @!p0 $0x108  }
0x21: {  	s3 =	sadd.s32 s3, s9;
	s6 =	sadd.s32 @!p0 $0x88, s6;
	s7 =	simm.s32 @p2 $0x1082  }
0x22: {  	[simem:s7], [sflag:s8] =	dma.local @!p0 [hbm:s6], $0xF7A  }
0x23: {  	s9 =	sor.u32 $0xD0000000, s2;
	s6 =	simm.s32 $0x108;
	_ =	swait.ge @!p0 [sflag:s8], $0x0  }
0x24: {  	s3 =	sadd.s32 $0x88, s3;
	s6 =	simm.s32 @!p1 $0x1082;
	[sflag:s4] =	ssyncset.s32 $0xFFFFF086  }
0x25: {  	[simem:s6], [sflag:s4] =	dma.local [hbm:s3], $0xF7A  }
0x26: {  	[smem:$0x3F97] =	sst s1;
	(tag) =	ssettag s2;
	_ =	strace s9  }
0x27: {  	s1 =	sld [smem:$0x3FA7]  }
0x28: {  	s2 =	sld [smem:$0x3FA8]  }
0x29: {  	s4 =	sld [smem:$0x3FAA]  }
0x2a: {  	p0 =	seq.s32 s5, $0x0;
	s5 =	sld [smem:$0x3FAB]  }
0x2b: {  	s6 =	sld [smem:$0x3FAC]  }
0x2c: {  	s7 =	sld [smem:$0x3FAD]  }
0x2d: {  	s3 =	simm.s32 $0x108;
	s8 =	sld [smem:$0x3FAE]  }
0x2e: {  	s3 =	simm.s32 @!p0 $0x1082;
	s9 =	sld [smem:$0x3FAF]  }
0x2f: {  	lr =	sadd.s32 s0, s3;
	s0 =	sld [smem:$0x3FA6]  }
0x30: {  	s3 =	sld [smem:$0x3FA9]  }
0x31: {  	[smem:$0x3FB2] =	sst s10  }
0x32: {  	s10 =	sld [smem:$0x3FB0];
	_ =	sdelay $0x3  }
0x33: {  	p0 =	seq.s32 s10, $0x1;
	s10 =	sld [smem:$0x3FB2];
	_ =	sdelay $0x3  }
0x34: {  	[smem:$0x3FB2] =	sst s10  }
0x35: {  	s10 =	sld [smem:$0x3FB1];
	_ =	sdelay $0x3  }
0x36: {  	p1 =	seq.s32 s10, $0x1;
	s10 =	sld [smem:$0x3FB2];
	_ =	sdelay $0x3  }
0x37: {  	[smem:$0x3FB2] =	sst s10  }
0x38: {  	s10 =	sld [smem:$0x3FB3]  }
0x39: {  	_ = 	snop;
	(pc) =	sbr.ind lr, $3  }
0x3a: {  	_ = 	snop  }
0x3b: {  	_ = 	snop  }
0x3c: {  	p2 =	seq.s32 s10, $0x1;
	s10 =	sld [smem:$0x3FB2]  }
0x3d: {  	_ =	shalt  }
0x3e: {  	_ =	shalt  }
0x3f: {  	_ =	shalt  }
0x40: {  	_ =	shalt  }
0x41: {  	_ =	shalt  }
0x42: {  	_ =	shalt  }
0x43: {  	_ =	shalt  }
0x44: {  	_ =	shalt  }
0x45: {  	_ =	shalt  }
0x46: {  	_ =	shalt  }
0x47: {  	_ =	shalt  }
0x48: {  	_ =	shalt  }
0x49: {  	_ =	shalt  }
0x4a: {  	_ =	shalt  }
0x4b: {  	_ =	shalt  }
0x4c: {  	_ =	shalt  }
0x4d: {  	_ =	shalt  }
0x4e: {  	_ =	shalt  }
0x4f: {  	_ =	shalt  }
0x50: {  	_ =	shalt  }
0x51: {  	_ =	shalt  }
0x52: {  	_ =	shalt  }
0x53: {  	_ =	shalt  }
0x54: {  	_ =	shalt  }
0x55: {  	_ =	shalt  }
0x56: {  	_ =	shalt  }
0x57: {  	_ =	shalt  }
0x58: {  	_ =	shalt  }
0x59: {  	_ =	shalt  }
0x5a: {  	_ =	shalt  }
0x5b: {  	_ =	shalt  }
0x5c: {  	_ =	shalt  }
0x5d: {  	_ =	shalt  }
0x5e: {  	_ =	shalt  }
0x5f: {  	_ =	shalt  }
0x60: {  	_ =	shalt  }
0x61: {  	_ =	shalt  }
0x62: {  	_ =	shalt  }
0x63: {  	_ =	shalt  }
0x64: {  	_ =	shalt  }
0x65: {  	_ =	shalt  }
0x66: {  	_ =	shalt  }
0x67: {  	_ =	shalt  }
0x68: {  	_ =	shalt  }
0x69: {  	_ =	shalt  }
0x6a: {  	_ =	shalt  }
0x6b: {  	_ =	shalt  }
0x6c: {  	_ =	shalt  }
0x6d: {  	_ =	shalt  }
0x6e: {  	_ =	shalt  }
0x6f: {  	_ =	shalt  }
0x70: {  	_ =	shalt  }
0x71: {  	_ =	shalt  }
0x72: {  	_ =	shalt  }
0x73: {  	_ =	shalt  }
0x74: {  	_ =	shalt  }
0x75: {  	_ =	shalt  }
0x76: {  	_ =	shalt  }
0x77: {  	_ =	shalt  }
0x78: {  	_ =	shalt  }
0x79: {  	_ =	shalt  }
0x7a: {  	_ =	shalt  }
0x7b: {  	_ =	shalt  }
0x7c: {  	_ =	shalt  }
0x7d: {  	_ =	shalt  }
0x7e: {  	_ =	shalt  }
0x7f: {  	_ =	shalt  }
0x80: {  	_ =	shalt  }
0x81: {  	_ =	shalt  }
0x82: {  	_ =	shalt  }
0x83: {  	_ =	shalt  }
0x84: {  	_ =	shalt  }
0x85: {  	_ =	shalt  }
0x86: {  	_ =	shalt  }
0x87: {  	_ =	shalt  }
.Lfunc_end0:
.L_simem_size_0:
called_computation.2_lowered:
.L_overlay_start_0:
0x88: {  	s2 =	sld [smem:$0x3FD9]  }
0x89: {  	s3 =	sld [smem:$0x3FFE];
	_ =	sdelay $0x1  }
0x8a: {  	s1 =	srdreg.scid  }
0x8b: {  	s0 =	sand.u32 $0x1, s1  }
0x8c: {  	s17 =	sshll.u32 s0, $0xA;
	s2 =	sadd.s32 s3, s2  }
0x8d: {  	s2 =	sadd.s32 s2, s17  }
0x8e: {  	[smem:$0x3FBE] =	sst s2  }
0x8f: {  	_ = 	snop  }
0x90: {  	s2 =	sld [smem:$0x3FD0];
	(tm) =	ssettm $0x1  }
0x91: {  	s18 =	sld [smem:$0x3FFB];
	_ =	sdelay $0x3  }
0x92: {  	_ =	strace s18  }
0x93: {  	s3 =	sld [smem:$0x3FFC];
	_ =	sdelay $0x3  }
0x94: {  	_ =	strace s3  }
0x95: {  	s3 =	sld [smem:$0x3FFD];
	_ =	sdelay $0x3  }
0x96: {  	_ =	strace s3  }
0x97: {  	_ =	strace $0x8FFFFFFF  }
0x98: {  	s19 =	sld [smem:$0x3FDB];
	_ =	sdelay $0x1  }
0x99: {  	s4 =	simm.s32 $_scs_section_size  }
0x9a: {  	s5 =	simm.s32 $_size__tile_overlayer_lowered;
	s6 =	simm.s32 $_tile_overlayer_lowered  }
0x9b: {  	s22 =	simm.s32 $0x1BFF;
	s21 =	sshll.u32 s6, $0x1;
	s3 =	sadd.s32 s4, s19  }
0x9c: {  	s7 =	simm.s32 $0x0;
	s20 =	sshll.u32 s5, $0x1;
	s5 =	sadd.s32 s21, s3  }
0x9d: {  	[timem:s7], [sflag:s22] =	dma.local [hbm:s5], s20  }
0x9e: {  	_ =	swait.ge [sflag:s22], s20  }
0x9f: {  	s4 =	ssub.s32 $0x0, s20;
	[sflag:s22] =	ssyncset.done $0x0  }
0xa0: {  	[sflag:s22] =	ssyncadd.s32 s4;
	_ =	sdelay $0x1  }
0xa1: {  	s23 =	simm.s32 $0x1B8B  }
0xa2: {  	_ =	swait.ge [sflag:s23], $0x1  }
0xa3: {  	[sflag:s23] =	ssyncset.done $0x0  }
0xa4: {  	s25 =	simm.s32 $0x1B8E;
	s24 =	sld [smem:$0x3FFE];
	[sflag:s23] =	ssyncadd.s32 $0xFFFFFFFF  }
0xa5: {  	s26 =	simm.s32 $execute0_lowered;
	[smem:$0x3FD2] =	sst s25  }
0xa6: {  	s5 =	sshll.u32 s26, $0x1;
	_ =	strace $0x8000004C;
	[dreg:$0x1] =	wrdreg $0xFFFFFFFF  }
0xa7: {  	s28 =	simm.s32 $_size_execute0_lowered;
	s3 =	sadd.s32 s3, s5;
	[dreg:$0x0] =	wrdreg $0x0  }
0xa8: {  	s5 =	sshll.u32 s28, $0x1;
	[dreg:$0x2] =	wrdreg s3  }
0xa9: {  	[dreg:$0x3] =	wrdreg s5  }
0xaa: {  	[dreg:$0x4] =	wrdreg $0xC0  }
0xab: {  	_ =	task [dreg:s7], $0x5FFFF  }
0xac: {  	[dreg:$0x1] =	wrdreg $0xFFFFFFFF  }
0xad: {  	[dreg:$0x0] =	wrdreg $0x60  }
0xae: {  	[dreg:$0x2] =	wrdreg s24  }
0xaf: {  	[dreg:$0x3] =	wrdreg s2  }
0xb0: {  	[dreg:$0x4] =	wrdreg $0xA8000  }
0xb1: {  	[dreg:$0x5] =	wrdreg $0x9  }
0xb2: {  	_ =	task.clear_ibuf [dreg:s7], $0x6FFFF;
	_ =	strace $0x9000004C  }
0xb3: {  	s29 =	simm.s32 $0x9;
	_ =	strace $0x8000004E  }
0xb4: {  	_ =	swait.ge [sflag:s29], $0x1  }
0xb5: {  	[sflag:s29] =	ssyncadd.s32 $0xFFFFFFFF  }
0xb6: {  	_ =	strace $0x9000004E  }
0xb7: {  	_ =	sfence  }
0xb8: {  	s30 =	sld [smem:$0x0];
	_ =	sdelay $0x2  }
0xb9: {  	s31 =	sshll.u32 s1, $0xD;
	s1 =	sshrl.u32 s1, $0x2  }
0xba: {  	s3 =	sand.u32 $0x4000, s31;
	s1 =	sadd.s32 s1, s30  }
0xbb: {  	s0 =	sor.u32 s3, s0;
	s1 =	sshll.u32 s1, $0x11  }
0xbc: {  	s0 =	sor.u32 s1, s0  }
0xbd: {  	s0 =	sadd.s32 $0x8F2B, s0  }
0xbe: {  	[sflag:s0] =	ssyncadd.remote.s32 $0x1  }
0xbf: {  	_ =	sfence.sel $0xFFFF  }
0xc0: {  	[dreg:$0x0] =	wrdreg $0xFFFFFFFF;
	(pc) =	sbr.abs _section_cstart, $3  }
0xc1: {  	[dreg:$0x1] =	wrdreg $0xFFFFFFFF  }
0xc2: {  	_ =	task.clear_ibuf [dreg:s7], $0x2FFFF;
	_ =	strace $0x9FFFFFFF  }
0xc3: {  	(tm) =	ssettm $0x7FFFFFFF  }
tec
execute0_lowered:
.L_overlay_start_1:
0x0: {  	(tag) =	ssettag $0x1  }
0x1: {  	s0 =	rddreg [dreg:$0x0]  }
0x2: {  	s9 =	rddreg [dreg:$0x1]  }
0x3: {  	s2 =	rddreg [dreg:$0x2];
	s1 =	stileid.u32  }
0x4: {  	s4 =	srdreg.scid;
	s3 =	simm.s32 $0x0;
	s15 =	simm.s32 $0x1400  }
0x5: {  	s16 =	simm.s32 $0x80;
	s17 =	simm.s32 $0x2800;
	s18 =	simm.s32 $0x6800  }
0x6: {  	s19 =	simm.s32 $0x1;
	s20 =	simm.s32 $0x2;
	s21 =	simm.s32 $0x3  }
0x7: {  	s22 =	simm.s32 $0x4;
	s28 =	simm.s32 $0x2700;
	s29 =	simm.s32 $0x2780  }
0x8: {  	s30 =	simm.s32 $0x0;
	s5 =	smul.u32 $0x14000, s1;
	s6 =	sand.u32 $0x1, s4  }
0x9: {  	[smem:$0x7FF] =	sst s3;
	s4 =	sadd.s32 $0x3C00, s0;
	s10 =	sadd.s32 $0x2BC00, s0  }
0xa: {  	s23 =	smul.u32 $0x50000, s1;
	s11 =	sshll.u32 s1, $0x1;
	s26 =	sshll.u32 s1, $0x6  }
0xb: {  	s7 =	smul.u32 $0x140000, s6;
	_ =	strace $0x8000004D;
	s24 =	ssub.s32 $0x2, s6  }
0xc: {  	s6 =	sor.u32 s6, s11;
	s8 =	sshrl.u32 s5, $0x3;
	s25 =	sshrl.u32 s24, $0x1  }
0xd: {  	s12 =	smul.u32 $0x2800, s6;
	s6 =	sor.u32 $0x1C05, s26;
	s26 =	simm.s32 $0x1380  }
0xe: {  	s8 =	sadd.s32 s8, s0;
	s5 =	sadd.s32 s5, s7;
	s7 =	sshrl.u32 s23, $0x2  }
0xf: {  	s13 =	ssub.s32 s24, s25;
	s23 =	simm.s32 $0x2600;
	s24 =	simm.s32 $0x2680  }
0x10: {  	s25 =	simm.s32 $0x1300;
	s5 =	sshrl.u32 s5, $0x3;
	s14 =	sadd.s32 s7, s2  }
0x11: {  	s31 =	sshrl.u32 s12, $0x3;
	s12 =	smax.u32 s13, $0x1;
	s0 =	sadd.s32 s5, s0  }
0x12: {  	s5 =	sadd.s32 $0x35C00, s8;
	s7 =	sadd.s32 s9, s31;
	s8 =	sadd.s32 s10, s31  }
0x13: {  	s11 =	sadd.s32 $0x280, s31;
	s13 =	sshrl.u32 s14, $0x3;
	s14 =	simm.s32 $0x5  }
0x14: {  	s9 =	sadd.s32 s9, s11;
	s10 =	sadd.s32 s10, s11;
	s11 =	sadd.s32 $0x5DC00, s0  }
.LBB2_1:
0x15: {  	[spmem:s13], [sflag:s6] =	dma.local [hbm:s5], $0x2800  }
0x16: {  	_ =	swait.ge [sflag:s14], $0x2800  }
0x17: {  	[sflag:s14] =	ssyncset.done $0x0  }
0x18: {  	[sflag:s14] =	ssyncadd.s32 $0xFFFFD800  }
0x19: {  	[bflag:$0x0] =	sbarrier.arrive $0xFFFF  }
0x1a: {  	[tilespmem:s3], [sflag:$0x5] =	stream.linear.gather [hbm4b:s7+s3], $0x1400, $0x38;
	[tilespmem:$0x1E800] =	vst v63  }
0x1b: {  	_ =	swait.ge [sflag:s14], $0x1400  }
0x1c: {  	[sflag:s14] =	ssyncset.done $0x0  }
0x1d: {  	[sflag:s14] =	ssyncadd.s32 $0xFFFFEC00  }
0x1e: {  	[tilespmem:s15], [sflag:$0x5] =	stream.linear.gather [hbm4b:s8+s3], $0x1400, $0x38;
	[tilespmem:$0x1E800] =	vst v63  }
0x1f: {  	_ =	swait.ge [sflag:s14], $0x1400  }
0x20: {  	[sflag:s14] =	ssyncset.done $0x0  }
0x21: {  	[sflag:s14] =	ssyncadd.s32 $0xFFFFEC00  }
0x22: {  	[tilespmem:s17], [sflag:$0x1] =	stream.indirect.gather [hbm4b:s4+s16], $0x80, s3, s16, $0xb8;
	[tilespmem:$0x1E800] =	vst v63  }
0x23: {  	_ = 	snop  }
0x24: {  	[tilespmem:s18], [sflag:$0x2] =	stream.indirect.gather [hbm4b:s4+s16], $0x80, s16, s16, $0xb8;
	[tilespmem:$0x1E800] =	vst v63  }
0x25: {  	_ =	swait.ge [sflag:s19], $0x4000  }
0x26: {  	[sflag:s19] =	ssyncset.done $0x0  }
0x27: {  	s0 =	simm.s32 $0x1400;
	[sflag:s19] =	ssyncadd.s32 $0xFFFFC000  }
0x28: {  	[spmem:s2] =	stream.indirect.scatter.add.f32 [tilespmem:s17], [sflag:$0x3], $0x80, s0, s16, $0xb8;
	[tilespmem:$0x1E800] =	vst v63  }
0x29: {  	_ =	swait.ge [sflag:s20], $0x4000  }
0x2a: {  	[sflag:s20] =	ssyncset.done $0x0  }
0x2b: {  	s1 =	simm.s32 $0x1480;
	[sflag:s20] =	ssyncadd.s32 $0xFFFFC000  }
0x2c: {  	[spmem:s2] =	stream.indirect.scatter.add.f32 [tilespmem:s18], [sflag:$0x4], $0x80, s1, s16, $0xb8;
	[tilespmem:$0x1E800] =	vst v63  }
0x2d: {  	_ =	swait.ge [sflag:s21], $0x4000  }
0x2e: {  	[sflag:s21] =	ssyncset.done $0x0  }
0x2f: {  	s1 =	simm.s32 $0x100;
	[sflag:s21] =	ssyncadd.s32 $0xFFFFC000  }
0x30: {  	[tilespmem:s17], [sflag:$0x1] =	stream.indirect.gather [hbm4b:s4+s16], $0x80, s1, s16, $0xb8;
	[tilespmem:$0x1E800] =	vst v63  }
0x31: {  	_ =	swait.ge [sflag:s22], $0x4000  }
0x32: {  	[sflag:s22] =	ssyncset.done $0x0  }
0x33: {  	s31 =	simm.s32 $0x400;
	s0 =	simm.s32 $0x180;
	[sflag:s22] =	ssyncadd.s32 $0xFFFFC000  }
.LBB2_2:
0x34: {  	[tilespmem:s18], [sflag:$0x2] =	stream.indirect.gather [hbm4b:s4+s16], $0x80, s0, s16, $0xb8;
	[tilespmem:$0x1E800] =	vst v63  }
0x35: {  	s0 =	smov.u32 s31  }
0x36: {  	p0 =	sne.s32 s31, $0x4400;
	s31 =	sadd.s32 $0x400, s31;
	_ =	swait.ge [sflag:s19], $0x4000  }
0x37: {  	s0 =	sshra.s32 s0, $0x2;
	[sflag:s19] =	ssyncset.done $0x0  }
0x38: {  	s1 =	sadd.s32 $0x1400, s0;
	[sflag:s19] =	ssyncadd.s32 $0xFFFFC000  }
0x39: {  	[spmem:s2] =	stream.indirect.scatter.add.f32 [tilespmem:s17], [sflag:$0x3], $0x80, s1, s16, $0xb8;
	[tilespmem:$0x1E800] =	vst v63  }
0x3a: {  	_ =	swait.ge [sflag:s20], $0x4000  }
0x3b: {  	[sflag:s20] =	ssyncset.done $0x0  }
0x3c: {  	s1 =	sadd.s32 $0x1480, s0;
	[sflag:s20] =	ssyncadd.s32 $0xFFFFC000  }
0x3d: {  	[spmem:s2] =	stream.indirect.scatter.add.f32 [tilespmem:s18], [sflag:$0x4], $0x80, s1, s16, $0xb8;
	[tilespmem:$0x1E800] =	vst v63  }
0x3e: {  	_ =	swait.ge [sflag:s21], $0x4000  }
0x3f: {  	[sflag:s21] =	ssyncset.done $0x0  }
.Ltmp0:
0x40: {  	s1 =	sadd.s32 $0x100, s0;
	[sflag:s21] =	ssyncadd.s32 $0xFFFFC000;
	(pc) =	sbr.rel @p0 .LBB2_2-.Ltmp0, $4  }
0x41: {  	[tilespmem:s17], [sflag:$0x1] =	stream.indirect.gather [hbm4b:s4+s16], $0x80, s1, s16, $0xb8;
	[tilespmem:$0x1E800] =	vst v63  }
0x42: {  	_ =	swait.ge [sflag:s22], $0x4000  }
0x43: {  	[sflag:s22] =	ssyncset.done $0x0  }
0x44: {  	s0 =	sadd.s32 $0x180, s0;
	[sflag:s22] =	ssyncadd.s32 $0xFFFFC000  }
0x45: {  	[tilespmem:s18], [sflag:$0x2] =	stream.indirect.gather [hbm4b:s4+s16], $0x80, s0, s16, $0xb8;
	[tilespmem:$0x1E800] =	vst v63  }
0x46: {  	_ =	swait.ge [sflag:s19], $0x4000  }
0x47: {  	[sflag:s19] =	ssyncset.done $0x0  }
0x48: {  	[sflag:s19] =	ssyncadd.s32 $0xFFFFC000  }
0x49: {  	[spmem:s2] =	stream.indirect.scatter.add.f32 [tilespmem:s17], [sflag:$0x3], $0x80, s23, s16, $0xb8;
	[tilespmem:$0x1E800] =	vst v63  }
0x4a: {  	_ =	swait.ge [sflag:s20], $0x4000  }
0x4b: {  	[sflag:s20] =	ssyncset.done $0x0  }
0x4c: {  	[sflag:s20] =	ssyncadd.s32 $0xFFFFC000  }
0x4d: {  	[spmem:s2] =	stream.indirect.scatter.add.f32 [tilespmem:s18], [sflag:$0x4], $0x80, s24, s16, $0xb8;
	[tilespmem:$0x1E800] =	vst v63  }
0x4e: {  	_ =	swait.ge [sflag:s21], $0x4000  }
0x4f: {  	[sflag:s21] =	ssyncset.done $0x0  }
0x50: {  	[sflag:s21] =	ssyncadd.s32 $0xFFFFC000  }
0x51: {  	[tilespmem:s17], [sflag:$0x1] =	stream.indirect.gather [hbm4b:s4+s16], $0x80, s25, s16, $0xb8;
	[tilespmem:$0x1E800] =	vst v63  }
0x52: {  	_ =	swait.ge [sflag:s22], $0x4000  }
0x53: {  	[sflag:s22] =	ssyncset.done $0x0  }
0x54: {  	[sflag:s22] =	ssyncadd.s32 $0xFFFFC000  }
0x55: {  	[tilespmem:s18], [sflag:$0x2] =	stream.indirect.gather [hbm4b:s4+s16], $0x80, s26, s16, $0xb8;
	[tilespmem:$0x1E800] =	vst v63  }
0x56: {  	_ =	swait.ge [sflag:s19], $0x4000  }
0x57: {  	[sflag:s19] =	ssyncset.done $0x0  }
0x58: {  	[sflag:s19] =	ssyncadd.s32 $0xFFFFC000  }
0x59: {  	[spmem:s2] =	stream.indirect.scatter.add.f32 [tilespmem:s17], [sflag:$0x3], $0x80, s28, s16, $0xb8;
	[tilespmem:$0x1E800] =	vst v63  }
0x5a: {  	_ =	swait.ge [sflag:s20], $0x4000  }
0x5b: {  	[sflag:s20] =	ssyncset.done $0x0  }
0x5c: {  	[sflag:s20] =	ssyncadd.s32 $0xFFFFC000  }
0x5d: {  	[spmem:s2] =	stream.indirect.scatter.add.f32 [tilespmem:s18], [sflag:$0x4], $0x80, s29, s16, $0xb8;
	[tilespmem:$0x1E800] =	vst v63  }
0x5e: {  	_ =	swait.ge [sflag:s21], $0x4000  }
0x5f: {  	[sflag:s21] =	ssyncset.done $0x0  }
0x60: {  	[sflag:s21] =	ssyncadd.s32 $0xFFFFC000  }
0x61: {  	[tilespmem:s17], [sflag:$0x1] =	stream.indirect.gather [hbm4b:s4+s16], $0x80, s26, s16, $0xb8;
	[tilespmem:$0x1E800] =	vst v63  }
0x62: {  	_ =	swait.ge [sflag:s22], $0x4000  }
0x63: {  	[sflag:s22] =	ssyncset.done $0x0  }
0x64: {  	[sflag:s22] =	ssyncadd.s32 $0xFFFFC000  }
0x65: {  	[tilespmem:s18], [sflag:$0x2] =	stream.indirect.gather [hbm4b:s4+s16], $0x80, s26, s16, $0xb8;
	[tilespmem:$0x1E800] =	vst v63  }
0x66: {  	_ =	swait.ge [sflag:s19], $0x4000  }
0x67: {  	[sflag:s19] =	ssyncset.done $0x0  }
0x68: {  	[sflag:s19] =	ssyncadd.s32 $0xFFFFC000  }
0x69: {  	_ =	swait.ge [sflag:s20], $0x4000  }
0x6a: {  	[sflag:s20] =	ssyncset.done $0x0  }
0x6b: {  	s1 =	simm.s32 $0x0;
	[sflag:s20] =	ssyncadd.s32 $0xFFFFC000  }
0x6c: {  	[tilespmem:s1], [sflag:$0x5] =	stream.linear.gather [hbm4b:s9+s1], $0x1400, $0x38;
	[tilespmem:$0x1E800] =	vst v63  }
0x6d: {  	_ =	swait.ge [sflag:s14], $0x1400  }
0x6e: {  	[sflag:s14] =	ssyncset.done $0x0  }
0x6f: {  	[sflag:s14] =	ssyncadd.s32 $0xFFFFEC00  }
0x70: {  	[tilespmem:s15], [sflag:$0x5] =	stream.linear.gather [hbm4b:s10+s1], $0x1400, $0x38;
	[tilespmem:$0x1E800] =	vst v63  }
0x71: {  	_ =	swait.ge [sflag:s14], $0x1400  }
0x72: {  	[sflag:s14] =	ssyncset.done $0x0  }
0x73: {  	[sflag:s14] =	ssyncadd.s32 $0xFFFFEC00  }
0x74: {  	[tilespmem:s17], [sflag:$0x1] =	stream.indirect.gather [hbm4b:s4+s16], $0x80, s1, s16, $0xb8;
	[tilespmem:$0x1E800] =	vst v63  }
0x75: {  	_ = 	snop  }
0x76: {  	[tilespmem:s18], [sflag:$0x2] =	stream.indirect.gather [hbm4b:s4+s16], $0x80, s16, s16, $0xb8;
	[tilespmem:$0x1E800] =	vst v63  }
0x77: {  	_ =	swait.ge [sflag:s19], $0x4000  }
0x78: {  	[sflag:s19] =	ssyncset.done $0x0  }
0x79: {  	s1 =	simm.s32 $0x1400;
	[sflag:s19] =	ssyncadd.s32 $0xFFFFC000  }
0x7a: {  	[spmem:s2] =	stream.indirect.scatter.add.f32 [tilespmem:s17], [sflag:$0x3], $0x80, s1, s16, $0xb8;
	[tilespmem:$0x1E800] =	vst v63  }
0x7b: {  	_ =	swait.ge [sflag:s20], $0x4000  }
0x7c: {  	[sflag:s20] =	ssyncset.done $0x0  }
0x7d: {  	s1 =	simm.s32 $0x1480;
	[sflag:s20] =	ssyncadd.s32 $0xFFFFC000  }
0x7e: {  	[spmem:s2] =	stream.indirect.scatter.add.f32 [tilespmem:s18], [sflag:$0x4], $0x80, s1, s16, $0xb8;
	[tilespmem:$0x1E800] =	vst v63  }
0x7f: {  	_ =	swait.ge [sflag:s21], $0x4000  }
0x80: {  	[sflag:s21] =	ssyncset.done $0x0  }
0x81: {  	s1 =	simm.s32 $0x100;
	[sflag:s21] =	ssyncadd.s32 $0xFFFFC000  }
0x82: {  	[tilespmem:s17], [sflag:$0x1] =	stream.indirect.gather [hbm4b:s4+s16], $0x80, s1, s16, $0xb8;
	[tilespmem:$0x1E800] =	vst v63  }
0x83: {  	_ =	swait.ge [sflag:s22], $0x4000  }
0x84: {  	[sflag:s22] =	ssyncset.done $0x0  }
0x85: {  	s31 =	simm.s32 $0x400;
	s0 =	simm.s32 $0x180;
	[sflag:s22] =	ssyncadd.s32 $0xFFFFC000  }
.LBB2_4:
0x86: {  	[tilespmem:s18], [sflag:$0x2] =	stream.indirect.gather [hbm4b:s4+s16], $0x80, s0, s16, $0xb8;
	[tilespmem:$0x1E800] =	vst v63  }
0x87: {  	s0 =	smov.u32 s31  }
0x88: {  	p0 =	sne.s32 s31, $0x4400;
	s31 =	sadd.s32 $0x400, s31;
	_ =	swait.ge [sflag:s19], $0x4000  }
0x89: {  	s0 =	sshra.s32 s0, $0x2;
	[sflag:s19] =	ssyncset.done $0x0  }
0x8a: {  	s1 =	sadd.s32 $0x1400, s0;
	[sflag:s19] =	ssyncadd.s32 $0xFFFFC000  }
0x8b: {  	[spmem:s2] =	stream.indirect.scatter.add.f32 [tilespmem:s17], [sflag:$0x3], $0x80, s1, s16, $0xb8;
	[tilespmem:$0x1E800] =	vst v63  }
0x8c: {  	_ =	swait.ge [sflag:s20], $0x4000  }
0x8d: {  	[sflag:s20] =	ssyncset.done $0x0  }
0x8e: {  	s1 =	sadd.s32 $0x1480, s0;
	[sflag:s20] =	ssyncadd.s32 $0xFFFFC000  }
0x8f: {  	[spmem:s2] =	stream.indirect.scatter.add.f32 [tilespmem:s18], [sflag:$0x4], $0x80, s1, s16, $0xb8;
	[tilespmem:$0x1E800] =	vst v63  }
0x90: {  	_ =	swait.ge [sflag:s21], $0x4000  }
0x91: {  	[sflag:s21] =	ssyncset.done $0x0  }
.Ltmp1:
0x92: {  	s1 =	sadd.s32 $0x100, s0;
	[sflag:s21] =	ssyncadd.s32 $0xFFFFC000;
	(pc) =	sbr.rel @p0 .LBB2_4-.Ltmp1, $4  }
0x93: {  	[tilespmem:s17], [sflag:$0x1] =	stream.indirect.gather [hbm4b:s4+s16], $0x80, s1, s16, $0xb8;
	[tilespmem:$0x1E800] =	vst v63  }
0x94: {  	_ =	swait.ge [sflag:s22], $0x4000  }
0x95: {  	[sflag:s22] =	ssyncset.done $0x0  }
0x96: {  	s0 =	sadd.s32 $0x180, s0;
	[sflag:s22] =	ssyncadd.s32 $0xFFFFC000  }
0x97: {  	[tilespmem:s18], [sflag:$0x2] =	stream.indirect.gather [hbm4b:s4+s16], $0x80, s0, s16, $0xb8;
	[tilespmem:$0x1E800] =	vst v63  }
0x98: {  	_ =	swait.ge [sflag:s19], $0x4000  }
0x99: {  	[sflag:s19] =	ssyncset.done $0x0  }
0x9a: {  	[sflag:s19] =	ssyncadd.s32 $0xFFFFC000  }
0x9b: {  	[spmem:s2] =	stream.indirect.scatter.add.f32 [tilespmem:s17], [sflag:$0x3], $0x80, s23, s16, $0xb8;
	[tilespmem:$0x1E800] =	vst v63  }
0x9c: {  	_ =	swait.ge [sflag:s20], $0x4000  }
0x9d: {  	[sflag:s20] =	ssyncset.done $0x0  }
0x9e: {  	[sflag:s20] =	ssyncadd.s32 $0xFFFFC000  }
0x9f: {  	[spmem:s2] =	stream.indirect.scatter.add.f32 [tilespmem:s18], [sflag:$0x4], $0x80, s24, s16, $0xb8;
	[tilespmem:$0x1E800] =	vst v63  }
0xa0: {  	_ =	swait.ge [sflag:s21], $0x4000  }
0xa1: {  	[sflag:s21] =	ssyncset.done $0x0  }
0xa2: {  	[sflag:s21] =	ssyncadd.s32 $0xFFFFC000  }
0xa3: {  	[tilespmem:s17], [sflag:$0x1] =	stream.indirect.gather [hbm4b:s4+s16], $0x80, s25, s16, $0xb8;
	[tilespmem:$0x1E800] =	vst v63  }
0xa4: {  	_ =	swait.ge [sflag:s22], $0x4000  }
0xa5: {  	[sflag:s22] =	ssyncset.done $0x0  }
0xa6: {  	[sflag:s22] =	ssyncadd.s32 $0xFFFFC000  }
0xa7: {  	[tilespmem:s18], [sflag:$0x2] =	stream.indirect.gather [hbm4b:s4+s16], $0x80, s26, s16, $0xb8;
	[tilespmem:$0x1E800] =	vst v63  }
0xa8: {  	_ =	swait.ge [sflag:s19], $0x4000  }
0xa9: {  	[sflag:s19] =	ssyncset.done $0x0  }
0xaa: {  	[sflag:s19] =	ssyncadd.s32 $0xFFFFC000  }
0xab: {  	[spmem:s2] =	stream.indirect.scatter.add.f32 [tilespmem:s17], [sflag:$0x3], $0x80, s28, s16, $0xb8;
	[tilespmem:$0x1E800] =	vst v63  }
0xac: {  	_ =	swait.ge [sflag:s20], $0x4000  }
0xad: {  	[sflag:s20] =	ssyncset.done $0x0  }
0xae: {  	[sflag:s20] =	ssyncadd.s32 $0xFFFFC000  }
0xaf: {  	[spmem:s2] =	stream.indirect.scatter.add.f32 [tilespmem:s18], [sflag:$0x4], $0x80, s29, s16, $0xb8;
	[tilespmem:$0x1E800] =	vst v63  }
0xb0: {  	_ =	swait.ge [sflag:s21], $0x4000  }
0xb1: {  	[sflag:s21] =	ssyncset.done $0x0  }
0xb2: {  	[sflag:s21] =	ssyncadd.s32 $0xFFFFC000  }
0xb3: {  	[tilespmem:s17], [sflag:$0x1] =	stream.indirect.gather [hbm4b:s4+s16], $0x80, s26, s16, $0xb8;
	[tilespmem:$0x1E800] =	vst v63  }
0xb4: {  	_ =	swait.ge [sflag:s22], $0x4000  }
0xb5: {  	[sflag:s22] =	ssyncset.done $0x0  }
0xb6: {  	[sflag:s22] =	ssyncadd.s32 $0xFFFFC000  }
0xb7: {  	[tilespmem:s18], [sflag:$0x2] =	stream.indirect.gather [hbm4b:s4+s16], $0x80, s26, s16, $0xb8;
	[tilespmem:$0x1E800] =	vst v63  }
0xb8: {  	_ =	swait.ge [sflag:s19], $0x4000  }
0xb9: {  	[sflag:s19] =	ssyncset.done $0x0  }
0xba: {  	[sflag:s19] =	ssyncadd.s32 $0xFFFFC000  }
0xbb: {  	_ =	swait.ge [sflag:s20], $0x4000  }
0xbc: {  	s30 =	sadd.s32 $0x1, s30;
	[sflag:s20] =	ssyncset.done $0x0  }
0xbd: {  	p0 =	sne.s32 s30, s12;
	[sflag:s20] =	ssyncadd.s32 $0xFFFFC000  }
.Ltmp2:
0xbe: {  	[bflag:$0x0] =	sbarrier.arrive $0xFFFF;
	(pc) =	sbr.rel @p0 .LBB2_1-.Ltmp2, $4  }
0xbf: {  	[hbm:s11], [sflag:s6] =	dma.local [spmem:s13], $0x2800  }
0xc0: {  	_ =	swait.ge [sflag:s14], $0x2800  }
0xc1: {  	[sflag:s14] =	ssyncset.done $0x0  }
0xc2: {  	[sflag:s14] =	ssyncadd.s32 $0xFFFFD800  }
0xc3: {  	_ =	sfence.sel $0x180000  }
0xc4: {  	[bflag:$0x0] =	sbarrier.arrive $0xFFFF  }
0xc5: {  	_ =	strace $0x9000004D  }
0xc6: {  	s0 =	stileid.u32;
	[bflag:$0x2] =	sbarrier.arrive $0xFFFF  }
0xc7: {  	p0 =	sne.s32 s0, $0x0;
	s0 =	rddreg [dreg:$0x3]  }
0xc8: {  	s0 =	sadd.s32 @!p0 $0x100000, s0  }
0xc9: {  	[sflag:s0] =	ssyncadd.tile.s32 @!p0 $0x1;
	_ =	shalt  }
.Lfunc_end2:
_tile_overlayer_lowered:
.L_overlay_start_2:
0xca: {  	(tag) =	ssettag $0x2  }
0xcb: {  	s0 =	rddreg [dreg:$0x0];
	s2 =	stileid.u32  }
0xcc: {  	s1 =	rddreg [dreg:$0x1];
	p0 =	sne.s32 s2, $0x0  }
0xcd: {  	s3 =	rddreg [dreg:$0x2];
	[bflag:$0x3] =	sbarrier.arrive $0xFFFF;
	s2 =	simm.s32 @!p0 $0x1C05  }
0xce: {  	[timem:s3], [sflag:s2] =	dma.local @!p0 [hbm:s0], s1  }
0xcf: {  	s0 =	simm.s32 @!p0 $0x5  }
0xd0: {  	_ =	swait.ge @!p0 [sflag:s0], s1  }
0xd1: {  	s1 =	ssub.s32 @!p0 $0x0, s1;
	[sflag:s0] =	ssyncset.done @!p0 $0x0  }
0xd2: {  	[sflag:s0] =	ssyncadd.s32 @!p0 s1  }
0xd3: {  	[bflag:$0x3] =	sbarrier.arrive $0xFFFF  }
0xd4: {  	_ =	shalt  }

// kernel: kernel.20.cloned.1.call-start
scs
__scs_entry_jumppad:
0x0: {  	(pc) =	sbr.rel $0x88, $3  }
0x1: {  	(tag) =	ssettag $0x0;
	lr =	simm.s32 $0x1  }
0x2: {  	[smem:$0x3F97] =	sst lr;
	_ =	strace $0xD0000000  }
0x3: {  	_ = 	snop  }
0x4: {  	_ = 	snop  }
0x5: {  	_ = 	snop  }
0x6: {  	_ = 	snop  }
0x7: {  	_ = 	snop  }
__scs_overlays_trampoline_lowered:
0x8: {  	[smem:$0x3FA6] =	sst s0  }
0x9: {  	[smem:$0x3FA7] =	sst s1  }
0xa: {  	[smem:$0x3FA8] =	sst s2  }
0xb: {  	[smem:$0x3FA9] =	sst s3  }
0xc: {  	[smem:$0x3FAA] =	sst s4  }
0xd: {  	[smem:$0x3FAB] =	sst s5  }
0xe: {  	[smem:$0x3FAC] =	sst s6  }
0xf: {  	[smem:$0x3FAD] =	sst s7  }
0x10: {  	[smem:$0x3FAE] =	sst s8  }
0x11: {  	[smem:$0x3FAF] =	sst s9;
	s0 =	simm.s32 @!p0 $0x0  }
0x12: {  	s1 =	sld [smem:$0x3F95];
	s0 =	simm.s32 @p0 $0x1  }
0x13: {  	[smem:$0x3FB0] =	sst s0;
	s0 =	simm.s32 @!p1 $0x0  }
0x14: {  	s2 =	sld [smem:$0x3F94];
	s0 =	simm.s32 @p1 $0x1  }
0x15: {  	[smem:$0x3FB1] =	sst s0;
	s0 =	simm.s32 @!p2 $0x0  }
0x16: {  	s3 =	sld [smem:$0x3FDB];
	s0 =	simm.s32 @p2 $0x1  }
0x17: {  	s4 =	simm.s32 $0x1BF5;
	[smem:$0x3FB3] =	sst s0  }
0x18: {  	s0 =	sld [smem:$0x3F96];
	_ =	swait.ge [sflag:s4], $0x0  }
0x19: {  	s7 =	sld [smem:$0x3F97]  }
0x1a: {  	s8 =	sadd.s32 $0xFFFFE003, lr  }
0x1b: {  	s9 =	sadd.s32 $0xFFFFFEF7, lr;
	s5 =	simm.s32 $0xFFFFFFFF;
	p2 =	slt.u32 s8, $0xFFFFF086  }
0x1c: {  	p1 =	slt.u32 s9, $0xF7A;
	s5 =	simm.s32 @!p2 $0x0  }
0x1d: {  	s5 =	simm.s32 @p1 $0x1;
	p0 =	seq.s32 s7, s2  }
0x1e: {  	s7 =	smul.u32 @!p0 $0xF7A, s2;
	p2 =	seq.s32 @!p0 s5, $0x0  }
0x1f: {  	s9 =	smul.u32 $0xF7A, s1;
	s8 =	simm.s32 @!p0 $0x1BF5;
	p2 =	por !p2, p0  }
0x20: {  	[sflag:s8] =	ssyncset.s32 @!p0 $0xFFFFF086;
	s6 =	sadd.s32 @!p0 s3, s7;
	s7 =	simm.s32 @!p0 $0x108  }
0x21: {  	s3 =	sadd.s32 s3, s9;
	s6 =	sadd.s32 @!p0 $0x88, s6;
	s7 =	simm.s32 @p2 $0x1082  }
0x22: {  	[simem:s7], [sflag:s8] =	dma.local @!p0 [hbm:s6], $0xF7A  }
0x23: {  	s9 =	sor.u32 $0xD0000000, s2;
	s6 =	simm.s32 $0x108;
	_ =	swait.ge @!p0 [sflag:s8], $0x0  }
0x24: {  	s3 =	sadd.s32 $0x88, s3;
	s6 =	simm.s32 @!p1 $0x1082;
	[sflag:s4] =	ssyncset.s32 $0xFFFFF086  }
0x25: {  	[simem:s6], [sflag:s4] =	dma.local [hbm:s3], $0xF7A  }
0x26: {  	[smem:$0x3F97] =	sst s1;
	(tag) =	ssettag s2;
	_ =	strace s9  }
0x27: {  	s1 =	sld [smem:$0x3FA7]  }
0x28: {  	s2 =	sld [smem:$0x3FA8]  }
0x29: {  	s4 =	sld [smem:$0x3FAA]  }
0x2a: {  	p0 =	seq.s32 s5, $0x0;
	s5 =	sld [smem:$0x3FAB]  }
0x2b: {  	s6 =	sld [smem:$0x3FAC]  }
0x2c: {  	s7 =	sld [smem:$0x3FAD]  }
0x2d: {  	s3 =	simm.s32 $0x108;
	s8 =	sld [smem:$0x3FAE]  }
0x2e: {  	s3 =	simm.s32 @!p0 $0x1082;
	s9 =	sld [smem:$0x3FAF]  }
0x2f: {  	lr =	sadd.s32 s0, s3;
	s0 =	sld [smem:$0x3FA6]  }
0x30: {  	s3 =	sld [smem:$0x3FA9]  }
0x31: {  	[smem:$0x3FB2] =	sst s10  }
0x32: {  	s10 =	sld [smem:$0x3FB0];
	_ =	sdelay $0x3  }
0x33: {  	p0 =	seq.s32 s10, $0x1;
	s10 =	sld [smem:$0x3FB2];
	_ =	sdelay $0x3  }
0x34: {  	[smem:$0x3FB2] =	sst s10  }
0x35: {  	s10 =	sld [smem:$0x3FB1];
	_ =	sdelay $0x3  }
0x36: {  	p1 =	seq.s32 s10, $0x1;
	s10 =	sld [smem:$0x3FB2];
	_ =	sdelay $0x3  }
0x37: {  	[smem:$0x3FB2] =	sst s10  }
0x38: {  	s10 =	sld [smem:$0x3FB3]  }
0x39: {  	_ = 	snop;
	(pc) =	sbr.ind lr, $3  }
0x3a: {  	_ = 	snop  }
0x3b: {  	_ = 	snop  }
0x3c: {  	p2 =	seq.s32 s10, $0x1;
	s10 =	sld [smem:$0x3FB2]  }
0x3d: {  	_ =	shalt  }
0x3e: {  	_ =	shalt  }
0x3f: {  	_ =	shalt  }
0x40: {  	_ =	shalt  }
0x41: {  	_ =	shalt  }
0x42: {  	_ =	shalt  }
0x43: {  	_ =	shalt  }
0x44: {  	_ =	shalt  }
0x45: {  	_ =	shalt  }
0x46: {  	_ =	shalt  }
0x47: {  	_ =	shalt  }
0x48: {  	_ =	shalt  }
0x49: {  	_ =	shalt  }
0x4a: {  	_ =	shalt  }
0x4b: {  	_ =	shalt  }
0x4c: {  	_ =	shalt  }
0x4d: {  	_ =	shalt  }
0x4e: {  	_ =	shalt  }
0x4f: {  	_ =	shalt  }
0x50: {  	_ =	shalt  }
0x51: {  	_ =	shalt  }
0x52: {  	_ =	shalt  }
0x53: {  	_ =	shalt  }
0x54: {  	_ =	shalt  }
0x55: {  	_ =	shalt  }
0x56: {  	_ =	shalt  }
0x57: {  	_ =	shalt  }
0x58: {  	_ =	shalt  }
0x59: {  	_ =	shalt  }
0x5a: {  	_ =	shalt  }
0x5b: {  	_ =	shalt  }
0x5c: {  	_ =	shalt  }
0x5d: {  	_ =	shalt  }
0x5e: {  	_ =	shalt  }
0x5f: {  	_ =	shalt  }
0x60: {  	_ =	shalt  }
0x61: {  	_ =	shalt  }
0x62: {  	_ =	shalt  }
0x63: {  	_ =	shalt  }
0x64: {  	_ =	shalt  }
0x65: {  	_ =	shalt  }
0x66: {  	_ =	shalt  }
0x67: {  	_ =	shalt  }
0x68: {  	_ =	shalt  }
0x69: {  	_ =	shalt  }
0x6a: {  	_ =	shalt  }
0x6b: {  	_ =	shalt  }
0x6c: {  	_ =	shalt  }
0x6d: {  	_ =	shalt  }
0x6e: {  	_ =	shalt  }
0x6f: {  	_ =	shalt  }
0x70: {  	_ =	shalt  }
0x71: {  	_ =	shalt  }
0x72: {  	_ =	shalt  }
0x73: {  	_ =	shalt  }
0x74: {  	_ =	shalt  }
0x75: {  	_ =	shalt  }
0x76: {  	_ =	shalt  }
0x77: {  	_ =	shalt  }
0x78: {  	_ =	shalt  }
0x79: {  	_ =	shalt  }
0x7a: {  	_ =	shalt  }
0x7b: {  	_ =	shalt  }
0x7c: {  	_ =	shalt  }
0x7d: {  	_ =	shalt  }
0x7e: {  	_ =	shalt  }
0x7f: {  	_ =	shalt  }
0x80: {  	_ =	shalt  }
0x81: {  	_ =	shalt  }
0x82: {  	_ =	shalt  }
0x83: {  	_ =	shalt  }
0x84: {  	_ =	shalt  }
0x85: {  	_ =	shalt  }
0x86: {  	_ =	shalt  }
0x87: {  	_ =	shalt  }
.Lfunc_end0:
.L_simem_size_0:
called_computation.3_lowered:
.L_overlay_start_0:
0x88: {  	s2 =	sld [smem:$0x3FD9]  }
0x89: {  	s3 =	sld [smem:$0x3FFE];
	_ =	sdelay $0x1  }
0x8a: {  	s1 =	srdreg.scid  }
0x8b: {  	s0 =	sand.u32 $0x1, s1  }
0x8c: {  	s17 =	sshll.u32 s0, $0xA;
	s2 =	sadd.s32 s3, s2  }
0x8d: {  	s2 =	sadd.s32 s2, s17  }
0x8e: {  	[smem:$0x3FBE] =	sst s2  }
0x8f: {  	_ = 	snop  }
0x90: {  	s2 =	sld [smem:$0x3FD0];
	(tm) =	ssettm $0x1  }
0x91: {  	s18 =	sld [smem:$0x3FFB];
	_ =	sdelay $0x3  }
0x92: {  	_ =	strace s18  }
0x93: {  	s3 =	sld [smem:$0x3FFC];
	_ =	sdelay $0x3  }
0x94: {  	_ =	strace s3  }
0x95: {  	s3 =	sld [smem:$0x3FFD];
	_ =	sdelay $0x3  }
0x96: {  	_ =	strace s3  }
0x97: {  	_ =	strace $0x8FFFFFFF  }
0x98: {  	s19 =	sld [smem:$0x3FDB];
	_ =	sdelay $0x1  }
0x99: {  	s4 =	simm.s32 $_scs_section_size  }
0x9a: {  	s5 =	simm.s32 $_size__tile_overlayer_lowered;
	s6 =	simm.s32 $_tile_overlayer_lowered  }
0x9b: {  	s22 =	simm.s32 $0x1BFF;
	s21 =	sshll.u32 s6, $0x1;
	s3 =	sadd.s32 s4, s19  }
0x9c: {  	s7 =	simm.s32 $0x0;
	s20 =	sshll.u32 s5, $0x1;
	s5 =	sadd.s32 s21, s3  }
0x9d: {  	[timem:s7], [sflag:s22] =	dma.local [hbm:s5], s20  }
0x9e: {  	_ =	swait.ge [sflag:s22], s20  }
0x9f: {  	s4 =	ssub.s32 $0x0, s20;
	[sflag:s22] =	ssyncset.done $0x0  }
0xa0: {  	[sflag:s22] =	ssyncadd.s32 s4;
	_ =	sdelay $0x1  }
0xa1: {  	s23 =	simm.s32 $0x1B8B  }
0xa2: {  	_ =	swait.ge [sflag:s23], $0x1  }
0xa3: {  	[sflag:s23] =	ssyncset.done $0x0  }
0xa4: {  	s25 =	simm.s32 $0x1B8E;
	s24 =	sld [smem:$0x3FFE];
	[sflag:s23] =	ssyncadd.s32 $0xFFFFFFFF  }
0xa5: {  	s26 =	simm.s32 $execute0_lowered;
	[smem:$0x3FD2] =	sst s25  }
0xa6: {  	s5 =	sshll.u32 s26, $0x1;
	_ =	strace $0x8000004F;
	[dreg:$0x1] =	wrdreg $0xFFFFFFFF  }
0xa7: {  	s28 =	simm.s32 $_size_execute0_lowered;
	s3 =	sadd.s32 s3, s5;
	[dreg:$0x0] =	wrdreg $0x0  }
0xa8: {  	s5 =	sshll.u32 s28, $0x1;
	[dreg:$0x2] =	wrdreg s3  }
0xa9: {  	[dreg:$0x3] =	wrdreg s5  }
0xaa: {  	[dreg:$0x4] =	wrdreg $0xC0  }
0xab: {  	_ =	task [dreg:s7], $0x5FFFF  }
0xac: {  	[dreg:$0x1] =	wrdreg $0xFFFFFFFF  }
0xad: {  	[dreg:$0x0] =	wrdreg $0x60  }
0xae: {  	[dreg:$0x2] =	wrdreg s24  }
0xaf: {  	[dreg:$0x3] =	wrdreg s2  }
0xb0: {  	[dreg:$0x4] =	wrdreg $0xA8000  }
0xb1: {  	[dreg:$0x5] =	wrdreg $0x9  }
0xb2: {  	_ =	task.clear_ibuf [dreg:s7], $0x6FFFF;
	_ =	strace $0x9000004F  }
0xb3: {  	s29 =	simm.s32 $0x9;
	_ =	strace $0x80000051  }
0xb4: {  	_ =	swait.ge [sflag:s29], $0x1  }
0xb5: {  	[sflag:s29] =	ssyncadd.s32 $0xFFFFFFFF  }
0xb6: {  	_ =	strace $0x90000051  }
0xb7: {  	_ =	sfence  }
0xb8: {  	s30 =	sld [smem:$0x0];
	_ =	sdelay $0x2  }
0xb9: {  	s31 =	sshll.u32 s1, $0xD;
	s1 =	sshrl.u32 s1, $0x2  }
0xba: {  	s3 =	sand.u32 $0x4000, s31;
	s1 =	sadd.s32 s1, s30  }
0xbb: {  	s0 =	sor.u32 s3, s0;
	s1 =	sshll.u32 s1, $0x11  }
0xbc: {  	s0 =	sor.u32 s1, s0  }
0xbd: {  	s0 =	sadd.s32 $0x8F2B, s0  }
0xbe: {  	[sflag:s0] =	ssyncadd.remote.s32 $0x1  }
0xbf: {  	_ =	sfence.sel $0xFFFF  }
0xc0: {  	[dreg:$0x0] =	wrdreg $0xFFFFFFFF;
	(pc) =	sbr.abs _section_cstart, $3  }
0xc1: {  	[dreg:$0x1] =	wrdreg $0xFFFFFFFF  }
0xc2: {  	_ =	task.clear_ibuf [dreg:s7], $0x2FFFF;
	_ =	strace $0x9FFFFFFF  }
0xc3: {  	(tm) =	ssettm $0x7FFFFFFF  }
tec
execute0_lowered:
.L_overlay_start_1:
0x0: {  	(tag) =	ssettag $0x1  }
0x1: {  	s0 =	rddreg [dreg:$0x0]  }
0x2: {  	s9 =	rddreg [dreg:$0x1]  }
0x3: {  	s2 =	rddreg [dreg:$0x2];
	s1 =	stileid.u32  }
0x4: {  	s4 =	srdreg.scid;
	s3 =	simm.s32 $0x0;
	s15 =	simm.s32 $0x1400  }
0x5: {  	s16 =	simm.s32 $0x80;
	s17 =	simm.s32 $0x2800;
	s18 =	simm.s32 $0x6800  }
0x6: {  	s19 =	simm.s32 $0x1;
	s20 =	simm.s32 $0x2;
	s21 =	simm.s32 $0x3  }
0x7: {  	s22 =	simm.s32 $0x4;
	s28 =	simm.s32 $0x2700;
	s29 =	simm.s32 $0x2780  }
0x8: {  	s30 =	simm.s32 $0x0;
	s5 =	smul.u32 $0x14000, s1;
	s6 =	sand.u32 $0x1, s4  }
0x9: {  	[smem:$0x7FF] =	sst s3;
	s4 =	sadd.s32 $0x3C00, s0;
	s10 =	sadd.s32 $0x2BC00, s0  }
0xa: {  	s23 =	smul.u32 $0x50000, s1;
	s11 =	sshll.u32 s1, $0x1;
	s26 =	sshll.u32 s1, $0x6  }
0xb: {  	s7 =	smul.u32 $0x140000, s6;
	_ =	strace $0x80000050;
	s24 =	ssub.s32 $0x2, s6  }
0xc: {  	s6 =	sor.u32 s6, s11;
	s8 =	sshrl.u32 s5, $0x3;
	s25 =	sshrl.u32 s24, $0x1  }
0xd: {  	s12 =	smul.u32 $0x2800, s6;
	s6 =	sor.u32 $0x1C05, s26;
	s26 =	simm.s32 $0x1380  }
0xe: {  	s8 =	sadd.s32 s8, s0;
	s5 =	sadd.s32 s5, s7;
	s7 =	sshrl.u32 s23, $0x2  }
0xf: {  	s13 =	ssub.s32 s24, s25;
	s23 =	simm.s32 $0x2600;
	s24 =	simm.s32 $0x2680  }
0x10: {  	s25 =	simm.s32 $0x1300;
	s5 =	sshrl.u32 s5, $0x3;
	s14 =	sadd.s32 s7, s2  }
0x11: {  	s31 =	sshrl.u32 s12, $0x3;
	s12 =	smax.u32 s13, $0x1;
	s0 =	sadd.s32 s5, s0  }
0x12: {  	s5 =	sadd.s32 $0x35C00, s8;
	s7 =	sadd.s32 s9, s31;
	s8 =	sadd.s32 s10, s31  }
0x13: {  	s11 =	sadd.s32 $0x280, s31;
	s13 =	sshrl.u32 s14, $0x3;
	s14 =	simm.s32 $0x5  }
0x14: {  	s9 =	sadd.s32 s9, s11;
	s10 =	sadd.s32 s10, s11;
	s11 =	sadd.s32 $0x5DC00, s0  }
.LBB2_1:
0x15: {  	[spmem:s13], [sflag:s6] =	dma.local [hbm:s5], $0x2800  }
0x16: {  	_ =	swait.ge [sflag:s14], $0x2800  }
0x17: {  	[sflag:s14] =	ssyncset.done $0x0  }
0x18: {  	[sflag:s14] =	ssyncadd.s32 $0xFFFFD800  }
0x19: {  	[bflag:$0x0] =	sbarrier.arrive $0xFFFF  }
0x1a: {  	[tilespmem:s3], [sflag:$0x5] =	stream.linear.gather [hbm4b:s7+s3], $0x1400, $0x38;
	[tilespmem:$0x1E800] =	vst v63  }
0x1b: {  	_ =	swait.ge [sflag:s14], $0x1400  }
0x1c: {  	[sflag:s14] =	ssyncset.done $0x0  }
0x1d: {  	[sflag:s14] =	ssyncadd.s32 $0xFFFFEC00  }
0x1e: {  	[tilespmem:s15], [sflag:$0x5] =	stream.linear.gather [hbm4b:s8+s3], $0x1400, $0x38;
	[tilespmem:$0x1E800] =	vst v63  }
0x1f: {  	_ =	swait.ge [sflag:s14], $0x1400  }
0x20: {  	[sflag:s14] =	ssyncset.done $0x0  }
0x21: {  	[sflag:s14] =	ssyncadd.s32 $0xFFFFEC00  }
0x22: {  	[tilespmem:s17], [sflag:$0x1] =	stream.indirect.gather [hbm4b:s4+s16], $0x80, s3, s16, $0xb8;
	[tilespmem:$0x1E800] =	vst v63  }
0x23: {  	_ = 	snop  }
0x24: {  	[tilespmem:s18], [sflag:$0x2] =	stream.indirect.gather [hbm4b:s4+s16], $0x80, s16, s16, $0xb8;
	[tilespmem:$0x1E800] =	vst v63  }
0x25: {  	_ =	swait.ge [sflag:s19], $0x4000  }
0x26: {  	[sflag:s19] =	ssyncset.done $0x0  }
0x27: {  	s0 =	simm.s32 $0x1400;
	[sflag:s19] =	ssyncadd.s32 $0xFFFFC000  }
0x28: {  	[spmem:s2] =	stream.indirect.scatter.add.f32 [tilespmem:s17], [sflag:$0x3], $0x80, s0, s16, $0xb8;
	[tilespmem:$0x1E800] =	vst v63  }
0x29: {  	_ =	swait.ge [sflag:s20], $0x4000  }
0x2a: {  	[sflag:s20] =	ssyncset.done $0x0  }
0x2b: {  	s1 =	simm.s32 $0x1480;
	[sflag:s20] =	ssyncadd.s32 $0xFFFFC000  }
0x2c: {  	[spmem:s2] =	stream.indirect.scatter.add.f32 [tilespmem:s18], [sflag:$0x4], $0x80, s1, s16, $0xb8;
	[tilespmem:$0x1E800] =	vst v63  }
0x2d: {  	_ =	swait.ge [sflag:s21], $0x4000  }
0x2e: {  	[sflag:s21] =	ssyncset.done $0x0  }
0x2f: {  	s1 =	simm.s32 $0x100;
	[sflag:s21] =	ssyncadd.s32 $0xFFFFC000  }
0x30: {  	[tilespmem:s17], [sflag:$0x1] =	stream.indirect.gather [hbm4b:s4+s16], $0x80, s1, s16, $0xb8;
	[tilespmem:$0x1E800] =	vst v63  }
0x31: {  	_ =	swait.ge [sflag:s22], $0x4000  }
0x32: {  	[sflag:s22] =	ssyncset.done $0x0  }
0x33: {  	s31 =	simm.s32 $0x400;
	s0 =	simm.s32 $0x180;
	[sflag:s22] =	ssyncadd.s32 $0xFFFFC000  }
.LBB2_2:
0x34: {  	[tilespmem:s18], [sflag:$0x2] =	stream.indirect.gather [hbm4b:s4+s16], $0x80, s0, s16, $0xb8;
	[tilespmem:$0x1E800] =	vst v63  }
0x35: {  	s0 =	smov.u32 s31  }
0x36: {  	p0 =	sne.s32 s31, $0x4400;
	s31 =	sadd.s32 $0x400, s31;
	_ =	swait.ge [sflag:s19], $0x4000  }
0x37: {  	s0 =	sshra.s32 s0, $0x2;
	[sflag:s19] =	ssyncset.done $0x0  }
0x38: {  	s1 =	sadd.s32 $0x1400, s0;
	[sflag:s19] =	ssyncadd.s32 $0xFFFFC000  }
0x39: {  	[spmem:s2] =	stream.indirect.scatter.add.f32 [tilespmem:s17], [sflag:$0x3], $0x80, s1, s16, $0xb8;
	[tilespmem:$0x1E800] =	vst v63  }
0x3a: {  	_ =	swait.ge [sflag:s20], $0x4000  }
0x3b: {  	[sflag:s20] =	ssyncset.done $0x0  }
0x3c: {  	s1 =	sadd.s32 $0x1480, s0;
	[sflag:s20] =	ssyncadd.s32 $0xFFFFC000  }
0x3d: {  	[spmem:s2] =	stream.indirect.scatter.add.f32 [tilespmem:s18], [sflag:$0x4], $0x80, s1, s16, $0xb8;
	[tilespmem:$0x1E800] =	vst v63  }
0x3e: {  	_ =	swait.ge [sflag:s21], $0x4000  }
0x3f: {  	[sflag:s21] =	ssyncset.done $0x0  }
.Ltmp0:
0x40: {  	s1 =	sadd.s32 $0x100, s0;
	[sflag:s21] =	ssyncadd.s32 $0xFFFFC000;
	(pc) =	sbr.rel @p0 .LBB2_2-.Ltmp0, $4  }
0x41: {  	[tilespmem:s17], [sflag:$0x1] =	stream.indirect.gather [hbm4b:s4+s16], $0x80, s1, s16, $0xb8;
	[tilespmem:$0x1E800] =	vst v63  }
0x42: {  	_ =	swait.ge [sflag:s22], $0x4000  }
0x43: {  	[sflag:s22] =	ssyncset.done $0x0  }
0x44: {  	s0 =	sadd.s32 $0x180, s0;
	[sflag:s22] =	ssyncadd.s32 $0xFFFFC000  }
0x45: {  	[tilespmem:s18], [sflag:$0x2] =	stream.indirect.gather [hbm4b:s4+s16], $0x80, s0, s16, $0xb8;
	[tilespmem:$0x1E800] =	vst v63  }
0x46: {  	_ =	swait.ge [sflag:s19], $0x4000  }
0x47: {  	[sflag:s19] =	ssyncset.done $0x0  }
0x48: {  	[sflag:s19] =	ssyncadd.s32 $0xFFFFC000  }
0x49: {  	[spmem:s2] =	stream.indirect.scatter.add.f32 [tilespmem:s17], [sflag:$0x3], $0x80, s23, s16, $0xb8;
	[tilespmem:$0x1E800] =	vst v63  }
0x4a: {  	_ =	swait.ge [sflag:s20], $0x4000  }
0x4b: {  	[sflag:s20] =	ssyncset.done $0x0  }
0x4c: {  	[sflag:s20] =	ssyncadd.s32 $0xFFFFC000  }
0x4d: {  	[spmem:s2] =	stream.indirect.scatter.add.f32 [tilespmem:s18], [sflag:$0x4], $0x80, s24, s16, $0xb8;
	[tilespmem:$0x1E800] =	vst v63  }
0x4e: {  	_ =	swait.ge [sflag:s21], $0x4000  }
0x4f: {  	[sflag:s21] =	ssyncset.done $0x0  }
0x50: {  	[sflag:s21] =	ssyncadd.s32 $0xFFFFC000  }
0x51: {  	[tilespmem:s17], [sflag:$0x1] =	stream.indirect.gather [hbm4b:s4+s16], $0x80, s25, s16, $0xb8;
	[tilespmem:$0x1E800] =	vst v63  }
0x52: {  	_ =	swait.ge [sflag:s22], $0x4000  }
0x53: {  	[sflag:s22] =	ssyncset.done $0x0  }
0x54: {  	[sflag:s22] =	ssyncadd.s32 $0xFFFFC000  }
0x55: {  	[tilespmem:s18], [sflag:$0x2] =	stream.indirect.gather [hbm4b:s4+s16], $0x80, s26, s16, $0xb8;
	[tilespmem:$0x1E800] =	vst v63  }
0x56: {  	_ =	swait.ge [sflag:s19], $0x4000  }
0x57: {  	[sflag:s19] =	ssyncset.done $0x0  }
0x58: {  	[sflag:s19] =	ssyncadd.s32 $0xFFFFC000  }
0x59: {  	[spmem:s2] =	stream.indirect.scatter.add.f32 [tilespmem:s17], [sflag:$0x3], $0x80, s28, s16, $0xb8;
	[tilespmem:$0x1E800] =	vst v63  }
0x5a: {  	_ =	swait.ge [sflag:s20], $0x4000  }
0x5b: {  	[sflag:s20] =	ssyncset.done $0x0  }
0x5c: {  	[sflag:s20] =	ssyncadd.s32 $0xFFFFC000  }
0x5d: {  	[spmem:s2] =	stream.indirect.scatter.add.f32 [tilespmem:s18], [sflag:$0x4], $0x80, s29, s16, $0xb8;
	[tilespmem:$0x1E800] =	vst v63  }
0x5e: {  	_ =	swait.ge [sflag:s21], $0x4000  }
0x5f: {  	[sflag:s21] =	ssyncset.done $0x0  }
0x60: {  	[sflag:s21] =	ssyncadd.s32 $0xFFFFC000  }
0x61: {  	[tilespmem:s17], [sflag:$0x1] =	stream.indirect.gather [hbm4b:s4+s16], $0x80, s26, s16, $0xb8;
	[tilespmem:$0x1E800] =	vst v63  }
0x62: {  	_ =	swait.ge [sflag:s22], $0x4000  }
0x63: {  	[sflag:s22] =	ssyncset.done $0x0  }
0x64: {  	[sflag:s22] =	ssyncadd.s32 $0xFFFFC000  }
0x65: {  	[tilespmem:s18], [sflag:$0x2] =	stream.indirect.gather [hbm4b:s4+s16], $0x80, s26, s16, $0xb8;
	[tilespmem:$0x1E800] =	vst v63  }
0x66: {  	_ =	swait.ge [sflag:s19], $0x4000  }
0x67: {  	[sflag:s19] =	ssyncset.done $0x0  }
0x68: {  	[sflag:s19] =	ssyncadd.s32 $0xFFFFC000  }
0x69: {  	_ =	swait.ge [sflag:s20], $0x4000  }
0x6a: {  	[sflag:s20] =	ssyncset.done $0x0  }
0x6b: {  	s1 =	simm.s32 $0x0;
	[sflag:s20] =	ssyncadd.s32 $0xFFFFC000  }
0x6c: {  	[tilespmem:s1], [sflag:$0x5] =	stream.linear.gather [hbm4b:s9+s1], $0x1400, $0x38;
	[tilespmem:$0x1E800] =	vst v63  }
0x6d: {  	_ =	swait.ge [sflag:s14], $0x1400  }
0x6e: {  	[sflag:s14] =	ssyncset.done $0x0  }
0x6f: {  	[sflag:s14] =	ssyncadd.s32 $0xFFFFEC00  }
0x70: {  	[tilespmem:s15], [sflag:$0x5] =	stream.linear.gather [hbm4b:s10+s1], $0x1400, $0x38;
	[tilespmem:$0x1E800] =	vst v63  }
0x71: {  	_ =	swait.ge [sflag:s14], $0x1400  }
0x72: {  	[sflag:s14] =	ssyncset.done $0x0  }
0x73: {  	[sflag:s14] =	ssyncadd.s32 $0xFFFFEC00  }
0x74: {  	[tilespmem:s17], [sflag:$0x1] =	stream.indirect.gather [hbm4b:s4+s16], $0x80, s1, s16, $0xb8;
	[tilespmem:$0x1E800] =	vst v63  }
0x75: {  	_ = 	snop  }
0x76: {  	[tilespmem:s18], [sflag:$0x2] =	stream.indirect.gather [hbm4b:s4+s16], $0x80, s16, s16, $0xb8;
	[tilespmem:$0x1E800] =	vst v63  }
0x77: {  	_ =	swait.ge [sflag:s19], $0x4000  }
0x78: {  	[sflag:s19] =	ssyncset.done $0x0  }
0x79: {  	s1 =	simm.s32 $0x1400;
	[sflag:s19] =	ssyncadd.s32 $0xFFFFC000  }
0x7a: {  	[spmem:s2] =	stream.indirect.scatter.add.f32 [tilespmem:s17], [sflag:$0x3], $0x80, s1, s16, $0xb8;
	[tilespmem:$0x1E800] =	vst v63  }
0x7b: {  	_ =	swait.ge [sflag:s20], $0x4000  }
0x7c: {  	[sflag:s20] =	ssyncset.done $0x0  }
0x7d: {  	s1 =	simm.s32 $0x1480;
	[sflag:s20] =	ssyncadd.s32 $0xFFFFC000  }
0x7e: {  	[spmem:s2] =	stream.indirect.scatter.add.f32 [tilespmem:s18], [sflag:$0x4], $0x80, s1, s16, $0xb8;
	[tilespmem:$0x1E800] =	vst v63  }
0x7f: {  	_ =	swait.ge [sflag:s21], $0x4000  }
0x80: {  	[sflag:s21] =	ssyncset.done $0x0  }
0x81: {  	s1 =	simm.s32 $0x100;
	[sflag:s21] =	ssyncadd.s32 $0xFFFFC000  }
0x82: {  	[tilespmem:s17], [sflag:$0x1] =	stream.indirect.gather [hbm4b:s4+s16], $0x80, s1, s16, $0xb8;
	[tilespmem:$0x1E800] =	vst v63  }
0x83: {  	_ =	swait.ge [sflag:s22], $0x4000  }
0x84: {  	[sflag:s22] =	ssyncset.done $0x0  }
0x85: {  	s31 =	simm.s32 $0x400;
	s0 =	simm.s32 $0x180;
	[sflag:s22] =	ssyncadd.s32 $0xFFFFC000  }
.LBB2_4:
0x86: {  	[tilespmem:s18], [sflag:$0x2] =	stream.indirect.gather [hbm4b:s4+s16], $0x80, s0, s16, $0xb8;
	[tilespmem:$0x1E800] =	vst v63  }
0x87: {  	s0 =	smov.u32 s31  }
0x88: {  	p0 =	sne.s32 s31, $0x4400;
	s31 =	sadd.s32 $0x400, s31;
	_ =	swait.ge [sflag:s19], $0x4000  }
0x89: {  	s0 =	sshra.s32 s0, $0x2;
	[sflag:s19] =	ssyncset.done $0x0  }
0x8a: {  	s1 =	sadd.s32 $0x1400, s0;
	[sflag:s19] =	ssyncadd.s32 $0xFFFFC000  }
0x8b: {  	[spmem:s2] =	stream.indirect.scatter.add.f32 [tilespmem:s17], [sflag:$0x3], $0x80, s1, s16, $0xb8;
	[tilespmem:$0x1E800] =	vst v63  }
0x8c: {  	_ =	swait.ge [sflag:s20], $0x4000  }
0x8d: {  	[sflag:s20] =	ssyncset.done $0x0  }
0x8e: {  	s1 =	sadd.s32 $0x1480, s0;
	[sflag:s20] =	ssyncadd.s32 $0xFFFFC000  }
0x8f: {  	[spmem:s2] =	stream.indirect.scatter.add.f32 [tilespmem:s18], [sflag:$0x4], $0x80, s1, s16, $0xb8;
	[tilespmem:$0x1E800] =	vst v63  }
0x90: {  	_ =	swait.ge [sflag:s21], $0x4000  }
0x91: {  	[sflag:s21] =	ssyncset.done $0x0  }
.Ltmp1:
0x92: {  	s1 =	sadd.s32 $0x100, s0;
	[sflag:s21] =	ssyncadd.s32 $0xFFFFC000;
	(pc) =	sbr.rel @p0 .LBB2_4-.Ltmp1, $4  }
0x93: {  	[tilespmem:s17], [sflag:$0x1] =	stream.indirect.gather [hbm4b:s4+s16], $0x80, s1, s16, $0xb8;
	[tilespmem:$0x1E800] =	vst v63  }
0x94: {  	_ =	swait.ge [sflag:s22], $0x4000  }
0x95: {  	[sflag:s22] =	ssyncset.done $0x0  }
0x96: {  	s0 =	sadd.s32 $0x180, s0;
	[sflag:s22] =	ssyncadd.s32 $0xFFFFC000  }
0x97: {  	[tilespmem:s18], [sflag:$0x2] =	stream.indirect.gather [hbm4b:s4+s16], $0x80, s0, s16, $0xb8;
	[tilespmem:$0x1E800] =	vst v63  }
0x98: {  	_ =	swait.ge [sflag:s19], $0x4000  }
0x99: {  	[sflag:s19] =	ssyncset.done $0x0  }
0x9a: {  	[sflag:s19] =	ssyncadd.s32 $0xFFFFC000  }
0x9b: {  	[spmem:s2] =	stream.indirect.scatter.add.f32 [tilespmem:s17], [sflag:$0x3], $0x80, s23, s16, $0xb8;
	[tilespmem:$0x1E800] =	vst v63  }
0x9c: {  	_ =	swait.ge [sflag:s20], $0x4000  }
0x9d: {  	[sflag:s20] =	ssyncset.done $0x0  }
0x9e: {  	[sflag:s20] =	ssyncadd.s32 $0xFFFFC000  }
0x9f: {  	[spmem:s2] =	stream.indirect.scatter.add.f32 [tilespmem:s18], [sflag:$0x4], $0x80, s24, s16, $0xb8;
	[tilespmem:$0x1E800] =	vst v63  }
0xa0: {  	_ =	swait.ge [sflag:s21], $0x4000  }
0xa1: {  	[sflag:s21] =	ssyncset.done $0x0  }
0xa2: {  	[sflag:s21] =	ssyncadd.s32 $0xFFFFC000  }
0xa3: {  	[tilespmem:s17], [sflag:$0x1] =	stream.indirect.gather [hbm4b:s4+s16], $0x80, s25, s16, $0xb8;
	[tilespmem:$0x1E800] =	vst v63  }
0xa4: {  	_ =	swait.ge [sflag:s22], $0x4000  }
0xa5: {  	[sflag:s22] =	ssyncset.done $0x0  }
0xa6: {  	[sflag:s22] =	ssyncadd.s32 $0xFFFFC000  }
0xa7: {  	[tilespmem:s18], [sflag:$0x2] =	stream.indirect.gather [hbm4b:s4+s16], $0x80, s26, s16, $0xb8;
	[tilespmem:$0x1E800] =	vst v63  }
0xa8: {  	_ =	swait.ge [sflag:s19], $0x4000  }
0xa9: {  	[sflag:s19] =	ssyncset.done $0x0  }
0xaa: {  	[sflag:s19] =	ssyncadd.s32 $0xFFFFC000  }
0xab: {  	[spmem:s2] =	stream.indirect.scatter.add.f32 [tilespmem:s17], [sflag:$0x3], $0x80, s28, s16, $0xb8;
	[tilespmem:$0x1E800] =	vst v63  }
0xac: {  	_ =	swait.ge [sflag:s20], $0x4000  }
0xad: {  	[sflag:s20] =	ssyncset.done $0x0  }
0xae: {  	[sflag:s20] =	ssyncadd.s32 $0xFFFFC000  }
0xaf: {  	[spmem:s2] =	stream.indirect.scatter.add.f32 [tilespmem:s18], [sflag:$0x4], $0x80, s29, s16, $0xb8;
	[tilespmem:$0x1E800] =	vst v63  }
0xb0: {  	_ =	swait.ge [sflag:s21], $0x4000  }
0xb1: {  	[sflag:s21] =	ssyncset.done $0x0  }
0xb2: {  	[sflag:s21] =	ssyncadd.s32 $0xFFFFC000  }
0xb3: {  	[tilespmem:s17], [sflag:$0x1] =	stream.indirect.gather [hbm4b:s4+s16], $0x80, s26, s16, $0xb8;
	[tilespmem:$0x1E800] =	vst v63  }
0xb4: {  	_ =	swait.ge [sflag:s22], $0x4000  }
0xb5: {  	[sflag:s22] =	ssyncset.done $0x0  }
0xb6: {  	[sflag:s22] =	ssyncadd.s32 $0xFFFFC000  }
0xb7: {  	[tilespmem:s18], [sflag:$0x2] =	stream.indirect.gather [hbm4b:s4+s16], $0x80, s26, s16, $0xb8;
	[tilespmem:$0x1E800] =	vst v63  }
0xb8: {  	_ =	swait.ge [sflag:s19], $0x4000  }
0xb9: {  	[sflag:s19] =	ssyncset.done $0x0  }
0xba: {  	[sflag:s19] =	ssyncadd.s32 $0xFFFFC000  }
0xbb: {  	_ =	swait.ge [sflag:s20], $0x4000  }
0xbc: {  	s30 =	sadd.s32 $0x1, s30;
	[sflag:s20] =	ssyncset.done $0x0  }
0xbd: {  	p0 =	sne.s32 s30, s12;
	[sflag:s20] =	ssyncadd.s32 $0xFFFFC000  }
.Ltmp2:
0xbe: {  	[bflag:$0x0] =	sbarrier.arrive $0xFFFF;
	(pc) =	sbr.rel @p0 .LBB2_1-.Ltmp2, $4  }
0xbf: {  	[hbm:s11], [sflag:s6] =	dma.local [spmem:s13], $0x2800  }
0xc0: {  	_ =	swait.ge [sflag:s14], $0x2800  }
0xc1: {  	[sflag:s14] =	ssyncset.done $0x0  }
0xc2: {  	[sflag:s14] =	ssyncadd.s32 $0xFFFFD800  }
0xc3: {  	_ =	sfence.sel $0x180000  }
0xc4: {  	[bflag:$0x0] =	sbarrier.arrive $0xFFFF  }
0xc5: {  	_ =	strace $0x90000050  }
0xc6: {  	s0 =	stileid.u32;
	[bflag:$0x2] =	sbarrier.arrive $0xFFFF  }
0xc7: {  	p0 =	sne.s32 s0, $0x0;
	s0 =	rddreg [dreg:$0x3]  }
0xc8: {  	s0 =	sadd.s32 @!p0 $0x100000, s0  }
0xc9: {  	[sflag:s0] =	ssyncadd.tile.s32 @!p0 $0x1;
	_ =	shalt  }
.Lfunc_end2:
_tile_overlayer_lowered:
.L_overlay_start_2:
0xca: {  	(tag) =	ssettag $0x2  }
0xcb: {  	s0 =	rddreg [dreg:$0x0];
	s2 =	stileid.u32  }
0xcc: {  	s1 =	rddreg [dreg:$0x1];
	p0 =	sne.s32 s2, $0x0  }
0xcd: {  	s3 =	rddreg [dreg:$0x2];
	[bflag:$0x3] =	sbarrier.arrive $0xFFFF;
	s2 =	simm.s32 @!p0 $0x1C05  }
0xce: {  	[timem:s3], [sflag:s2] =	dma.local @!p0 [hbm:s0], s1  }
0xcf: {  	s0 =	simm.s32 @!p0 $0x5  }
0xd0: {  	_ =	swait.ge @!p0 [sflag:s0], s1  }
0xd1: {  	s1 =	ssub.s32 @!p0 $0x0, s1;
	[sflag:s0] =	ssyncset.done @!p0 $0x0  }
0xd2: {  	[sflag:s0] =	ssyncadd.s32 @!p0 s1  }
0xd3: {  	[bflag:$0x3] =	sbarrier.arrive $0xFFFF  }
0xd4: {  	_ =	shalt  }

</sc_bundles>
